<compile_context>
chip_gen: v7x
topology: tpu7x:2x2x1
jax: 0.10.2.dev20260603
libtpu: 0.0.44.dev20260713+nightly
codegen_flags: <defaults>
</compile_context>

<pallas_src>
import functools

import jax
import jax.numpy as jnp
from jax import lax
from jax.experimental import pallas as pl
from jax.experimental.pallas import tpu as pltpu
from jax.experimental.pallas import tpu_sc as plsc

N_NODES = 10000
N_EDGES = 640000

NC, NS = 2, 16
NW = NC * NS
EPW = N_EDGES // NW
EB1, NBLK1 = 80, 250
EB2, NBLK2 = 128, 158
N_ACC = 10240
RPT = N_NODES // NS
RPTA = N_ACC // NS
ZR = 64

_sc_mesh = functools.partial(plsc.VectorSubcoreMesh, core_axis_name="c",
                             subcore_axis_name="s", num_cores=NC,
                             num_subcores=NS)



def _vgather(v, idx):
    dn = lax.GatherDimensionNumbers(offset_dims=(), collapsed_slice_dims=(0,),
                                    start_index_map=(0,))
    return lax.gather(v, idx[:, None], dn, (1,),
                      mode=lax.GatherScatterMode.PROMISE_IN_BOUNDS)


def _zero_acc(acc, zbuf, sid, row_w, sem):
    @plsc.parallel_loop(0, ZR, unroll=4)
    def zrow(i):
        for j in range(row_w // 16):
            zbuf[i, pl.ds(16 * j, 16)] = jnp.zeros((16,), jnp.float32)
    for j in range(RPTA // ZR):
        pltpu.async_copy(zbuf, acc.at[pl.ds(sid * RPTA + j * ZR, ZR)], sem)
    for j in range(RPTA // ZR):
        pltpu.make_async_copy(zbuf, acc.at[pl.ds(sid * RPTA, ZR)], sem).wait()


def _edge_pass1(tsrc, tad, src3, dst3):
    row_w = 80
    nfeat = 64

    EB, NBLK = EB1, NBLK1

    def body(tsrc_hbm, tad_hbm, src_hbm, dst_hbm, out_hbm,
             acc, sidx, didx, gsrc0, gsrc1, gad0, gad1, obuf0, obuf1, zbuf,
             sem_s0, sem_d0, sem_s1, sem_d1, sem_o0, sem_o1):
        cid = lax.axis_index("c")
        sid = lax.axis_index("s")
        wid = cid * NS + sid
        gsrc = (gsrc0, gsrc1)
        gad = (gad0, gad1)
        obuf = (obuf0, obuf1)
        sems = ((sem_s0, sem_d0), (sem_s1, sem_d1))
        sems_o = (sem_o0, sem_o1)

        pltpu.sync_copy(src_hbm.at[wid], sidx)
        pltpu.sync_copy(dst_hbm.at[wid], didx)
        _zero_acc(acc, zbuf, sid, row_w, sem_o0)
        plsc.subcore_barrier()

        def start(b, p):
            pltpu.async_copy(tsrc_hbm.at[sidx.at[b]], gsrc[p], sems[p][0])
            pltpu.async_copy(tad_hbm.at[didx.at[b]], gad[p], sems[p][1])

        def wait(p):
            pltpu.make_async_copy(tsrc_hbm.at[sidx.at[0]], gsrc[p],
                                  sems[p][0]).wait()
            pltpu.make_async_copy(tad_hbm.at[didx.at[0]], gad[p],
                                  sems[p][1]).wait()

        def drain_scatter(p):
            pltpu.make_async_copy(obuf[p], acc.at[didx.at[0]],
                                  sems_o[p]).wait()

        def process(b, p):
            wait(p)
            g = gsrc[p]
            ga = gad[p]
            ob = obuf[p]

            @pl.when(b >= 2)
            def _():
                drain_scatter(p)

            @plsc.parallel_loop(0, EB, unroll=8)
            def edge(e):
                a = g[e, pl.ds(nfeat, 16)]
                d = ga[e, :]
                s = a + d
                w = jnp.exp(jnp.maximum(s, 0.2 * s))
                ob[e, pl.ds(nfeat, 16)] = w
                for k in range(nfeat // 16):
                    ob[e, pl.ds(16 * k, 16)] = g[e, pl.ds(16 * k, 16)] * w

            pltpu.async_copy(ob, acc.at[didx.at[b]], sems_o[p], add=True)

        start(0, 0)

        def gloop(t, _):
            b0 = 2 * t
            start(b0 + 1, 1)
            process(b0, 0)

            @pl.when(b0 + 2 < NBLK)
            def _():
                start(b0 + 2, 0)

            process(b0 + 1, 1)
            return 0
        lax.fori_loop(0, NBLK // 2, gloop, 0)
        drain_scatter(0)
        drain_scatter(1)

        plsc.subcore_barrier()
        pltpu.sync_copy(acc.at[pl.ds(sid * RPT, RPT)], out_hbm.at[cid, sid])

    run = pl.kernel(
        body,
        out_type=jax.ShapeDtypeStruct((NC, NS, RPT, row_w), jnp.float32),
        mesh=_sc_mesh(),
        compiler_params=pltpu.CompilerParams(use_tc_tiling_on_sc=False),
        scratch_types=[
            pltpu.VMEM_SHARED((N_ACC, row_w), jnp.float32),
            pltpu.VMEM((NBLK, EB), jnp.int32),
            pltpu.VMEM((NBLK, EB), jnp.int32),
            pltpu.VMEM((EB, row_w), jnp.float32),
            pltpu.VMEM((EB, row_w), jnp.float32),
            pltpu.VMEM((EB, 16), jnp.float32),
            pltpu.VMEM((EB, 16), jnp.float32),
            pltpu.VMEM((EB, row_w), jnp.float32),
            pltpu.VMEM((EB, row_w), jnp.float32),
            pltpu.VMEM((ZR, row_w), jnp.float32),
        ] + [pltpu.SemaphoreType.DMA] * 6,
    )
    return run(tsrc, tad, src3, dst3).reshape(NC, N_NODES, row_w)


def _edge_pass2(h2, asv, adv, src3, dst3):
    row_w = 32

    EB, NBLK = EB2, NBLK2

    def body(h2_hbm, as_hbm, ad_hbm, src_hbm, dst_hbm, out_hbm,
             acc, as_t, ad_t, sidx, didx, gsrc0, gsrc1,
             obuf0, obuf1, zbuf,
             sem_s0, sem_s1, sem_o0, sem_o1):
        cid = lax.axis_index("c")
        sid = lax.axis_index("s")
        wid = cid * NS + sid
        gsrc = (gsrc0, gsrc1)
        obuf = (obuf0, obuf1)
        sems = (sem_s0, sem_s1)
        sems_o = (sem_o0, sem_o1)

        pltpu.sync_copy(src_hbm.at[wid], sidx)
        pltpu.sync_copy(dst_hbm.at[wid], didx)
        pltpu.sync_copy(as_hbm, as_t.at[pl.ds(0, N_NODES)])
        pltpu.sync_copy(ad_hbm, ad_t.at[pl.ds(0, N_NODES)])
        _zero_acc(acc, zbuf, sid, row_w, sem_o0)
        plsc.subcore_barrier()

        def start(b, p):
            pltpu.async_copy(h2_hbm.at[sidx.at[b]], gsrc[p], sems[p])

        def wait(p):
            pltpu.make_async_copy(h2_hbm.at[sidx.at[0]], gsrc[p],
                                  sems[p]).wait()

        def drain_scatter(p):
            pltpu.make_async_copy(obuf[p], acc.at[didx.at[0]],
                                  sems_o[p]).wait()

        def process(b, p):
            wait(p)
            g = gsrc[p]
            ob = obuf[p]

            @pl.when(b >= 2)
            def _():
                drain_scatter(p)

            @plsc.parallel_loop(0, EB // 16, unroll=2)
            def egrp(q):
                si = sidx[b, pl.ds(16 * q, 16)]
                di = didx[b, pl.ds(16 * q, 16)]
                sv = plsc.load_gather(as_t, [si])
                dv = plsc.load_gather(ad_t, [di])
                s = sv + dv
                w = jnp.exp(jnp.maximum(s, 0.2 * s))
                base = 16 * q
                for r in range(16):
                    wv = _vgather(w, jnp.full((16,), r, jnp.int32))
                    ob[base + r, pl.ds(0, 16)] = g[base + r, :] * wv
                    ob[base + r, pl.ds(16, 16)] = wv

            pltpu.async_copy(ob, acc.at[didx.at[b]], sems_o[p], add=True)

        start(0, 0)

        def gloop(t, _):
            b0 = 2 * t
            start(b0 + 1, 1)
            process(b0, 0)

            @pl.when(b0 + 2 < NBLK)
            def _():
                start(b0 + 2, 0)

            process(b0 + 1, 1)
            return 0
        lax.fori_loop(0, NBLK // 2, gloop, 0)
        drain_scatter(0)
        drain_scatter(1)

        plsc.subcore_barrier()
        pltpu.sync_copy(acc.at[pl.ds(sid * RPT, RPT)], out_hbm.at[cid, sid])

    run = pl.kernel(
        body,
        out_type=jax.ShapeDtypeStruct((NC, NS, RPT, row_w), jnp.float32),
        mesh=_sc_mesh(),
        compiler_params=pltpu.CompilerParams(use_tc_tiling_on_sc=False,
                                             needs_layout_passes=False),
        scratch_types=[
            pltpu.VMEM_SHARED((N_ACC, row_w), jnp.float32),
            pltpu.VMEM((N_ACC,), jnp.float32),
            pltpu.VMEM((N_ACC,), jnp.float32),
            pltpu.VMEM((NBLK, EB), jnp.int32),
            pltpu.VMEM((NBLK, EB), jnp.int32),
            pltpu.VMEM((EB, 16), jnp.float32),
            pltpu.VMEM((EB, 16), jnp.float32),
            pltpu.VMEM((EB, row_w), jnp.float32),
            pltpu.VMEM((EB, row_w), jnp.float32),
            pltpu.VMEM((ZR, row_w), jnp.float32),
        ] + [pltpu.SemaphoreType.DMA] * 4,
    )
    return run(h2, asv, adv, src3, dst3).reshape(NC, N_NODES, row_w)



_BR = 2000


def _mm2_kernel(x_ref, wa_ref, wb_ref, oa_ref, ob_ref):
    xv = x_ref[...]
    oa_ref[...] = jnp.dot(xv, wa_ref[...], preferred_element_type=jnp.float32)
    ob_ref[...] = jnp.dot(xv, wb_ref[...], preferred_element_type=jnp.float32)


def _mm2(x, wa, wb):
    n, k = x.shape
    return pl.pallas_call(
        _mm2_kernel,
        grid=(n // _BR,),
        in_specs=[
            pl.BlockSpec((_BR, k), lambda i: (i, 0)),
            pl.BlockSpec((k, wa.shape[1]), lambda i: (0, 0)),
            pl.BlockSpec((k, wb.shape[1]), lambda i: (0, 0)),
        ],
        out_specs=[
            pl.BlockSpec((_BR, wa.shape[1]), lambda i: (i, 0)),
            pl.BlockSpec((_BR, wb.shape[1]), lambda i: (i, 0)),
        ],
        out_shape=[
            jax.ShapeDtypeStruct((n, wa.shape[1]), jnp.float32),
            jax.ShapeDtypeStruct((n, wb.shape[1]), jnp.float32),
        ],
    )(x, wa, wb)


def _mid_kernel(p_ref, b1_ref, dmat_ref, wa_ref, wb_ref, oa_ref, ob_ref):
    s = p_ref[0] + p_ref[1]
    den_e = jnp.dot(s, dmat_ref[...], preferred_element_type=jnp.float32)
    t = s[:, :64] / (den_e + 1e-16) + b1_ref[...]
    h = jnp.where(t > 0, t, jnp.exp(t) - 1.0)
    oa_ref[...] = jnp.dot(h, wa_ref[...], preferred_element_type=jnp.float32)
    ob_ref[...] = jnp.dot(h, wb_ref[...], preferred_element_type=jnp.float32)


def _mid(p, b1p, dmat, wa, wb):
    return pl.pallas_call(
        _mid_kernel,
        grid=(N_NODES // _BR,),
        in_specs=[
            pl.BlockSpec((2, _BR, 80), lambda i: (0, i, 0)),
            pl.BlockSpec((1, 64), lambda i: (0, 0)),
            pl.BlockSpec((80, 64), lambda i: (0, 0)),
            pl.BlockSpec((64, wa.shape[1]), lambda i: (0, 0)),
            pl.BlockSpec((64, wb.shape[1]), lambda i: (0, 0)),
        ],
        out_specs=[
            pl.BlockSpec((_BR, wa.shape[1]), lambda i: (i, 0)),
            pl.BlockSpec((_BR, wb.shape[1]), lambda i: (i, 0)),
        ],
        out_shape=[
            jax.ShapeDtypeStruct((N_NODES, wa.shape[1]), jnp.float32),
            jax.ShapeDtypeStruct((N_NODES, wb.shape[1]), jnp.float32),
        ],
    )(p, b1p, dmat, wa, wb)


def _out_kernel(p_ref, b2_ref, o_ref):
    num = p_ref[0, :, :16] + p_ref[1, :, :16]
    den = p_ref[0, :, 16:] + p_ref[1, :, 16:]
    lg = num / (den + 1e-16) + b2_ref[...]
    m = jnp.max(lg, axis=-1, keepdims=True)
    s = lg - m
    o_ref[...] = s - jnp.log(jnp.sum(jnp.exp(s), axis=-1, keepdims=True))


def _out(p, b2r):
    return pl.pallas_call(
        _out_kernel,
        grid=(N_NODES // _BR,),
        in_specs=[
            pl.BlockSpec((2, _BR, 32), lambda i: (0, i, 0)),
            pl.BlockSpec((1, 16), lambda i: (0, 0)),
        ],
        out_specs=pl.BlockSpec((_BR, 16), lambda i: (i, 0)),
        out_shape=jax.ShapeDtypeStruct((N_NODES, 16), jnp.float32),
    )(p, b2r)



def kernel(x, edge_index, W1, a_src1, a_dst1, b1, W2, a_src2, a_dst2, b2):
    srcw = edge_index[0].reshape(NW, EPW)
    dstw = edge_index[1].reshape(NW, EPW)

    def padded(eb, nblk):
        npad = nblk * eb - EPW
        ps = jnp.zeros((NW, npad), jnp.int32)
        pd = jnp.full((NW, npad), N_NODES, jnp.int32)
        return (jnp.concatenate([srcw, ps], axis=1).reshape(NW, nblk, eb),
                jnp.concatenate([dstw, pd], axis=1).reshape(NW, nblk, eb))

    src31, dst31 = padded(EB1, NBLK1)
    src32, dst32 = padded(EB2, NBLK2)

    j = jnp.arange(64)
    perm = (j % 8) * 8 + j // 8
    W1p = W1[:, perm]
    W1r = W1.reshape(128, 8, 8)
    Wa1s = jnp.einsum("khc,hc->kh", W1r, a_src1)
    Wa1d = jnp.einsum("khc,hc->kh", W1r, a_dst1)
    big1a = jnp.concatenate([W1p, Wa1s, Wa1s], axis=1)
    big1b = jnp.concatenate([Wa1d, Wa1d], axis=1)
    b1p = b1[perm][None]

    cols = jnp.arange(64)
    rows = jnp.arange(80)
    dmat = jnp.where(
        (rows[:, None] >= 64) & ((rows[:, None] - 64) % 8 == cols[None] % 8),
        0.5, 0.0).astype(jnp.float32)

    W2p = W2[perm, :]
    wa2s = W2p @ a_src2[0]
    wa2d = W2p @ a_dst2[0]
    big2b = jnp.stack([wa2s, wa2d], axis=1)

    t1s, t1a = _mm2(x, big1a, big1b)
    p1 = _edge_pass1(t1s, t1a, src31, dst31)
    h2, aux = _mid(p1, b1p, dmat, W2p, big2b)
    asv = aux[:, 0]
    adv = aux[:, 1]
    p2 = _edge_pass2(h2, asv, adv, src32, dst32)
    return _out(p2, b2[None])

# --- scband reference (transcript-rebuilt; emitter-appended) ---
"""Pipeline reference for scband-gat-47107201302624 (READ-ONLY COPY).

The authoritative reference and input builder live on the scoring server;
editing this copy changes nothing except your own understanding.
"""

import jax, jax.numpy as jnp
import numpy as np

N_NODES = 10000
N_EDGES = 640000
IN_CH = 128
OUT_CH = 16
H1, C1 = 8, 8
H2, C2 = 1, 16


def _segment_softmax(logits, seg, num_segments):
    m = jax.ops.segment_max(logits, seg, num_segments=num_segments)
    ex = jnp.exp(logits - m[seg])
    denom = jax.ops.segment_sum(ex, seg, num_segments=num_segments)
    return ex / (denom[seg] + 1e-16)


def _gat_conv(x, edge_index, W, a_src, a_dst, bias, heads, out_ch, num_nodes):
    src = edge_index[0]
    dst = edge_index[1]
    h = (x @ W).reshape(num_nodes, heads, out_ch)
    alpha_s = jnp.sum(h * a_src[None], axis=-1)
    alpha_d = jnp.sum(h * a_dst[None], axis=-1)
    e = jax.nn.leaky_relu(alpha_s[src] + alpha_d[dst], negative_slope=0.2)
    alpha = _segment_softmax(e, dst, num_nodes)
    msg = h[src] * alpha[:, :, None]
    out = jax.ops.segment_sum(msg, dst, num_segments=num_nodes)
    return out.reshape(num_nodes, heads * out_ch) + bias


def setup_inputs(seed: int = 0):
    key = jax.random.key(seed)
    ks = jax.random.split(key, 10)
    x = jax.random.normal(ks[0], (N_NODES, IN_CH), dtype=jnp.float32)
    edge_index = jax.random.randint(ks[1], (2, N_EDGES), 0, N_NODES, dtype=jnp.int32)
    W1 = jax.random.normal(ks[2], (IN_CH, H1 * C1), dtype=jnp.float32) / np.sqrt(IN_CH)
    a_src1 = jax.random.normal(ks[3], (H1, C1), dtype=jnp.float32) * 0.1
    a_dst1 = jax.random.normal(ks[4], (H1, C1), dtype=jnp.float32) * 0.1
    b1 = jnp.zeros((H1 * C1,), dtype=jnp.float32)
    W2 = jax.random.normal(ks[5], (H1 * C1, H2 * C2), dtype=jnp.float32) / np.sqrt(H1 * C1)
    a_src2 = jax.random.normal(ks[6], (H2, C2), dtype=jnp.float32) * 0.1
    a_dst2 = jax.random.normal(ks[7], (H2, C2), dtype=jnp.float32) * 0.1
    b2 = jnp.zeros((H2 * C2,), dtype=jnp.float32)
    return {"x": x, "edge_index": edge_index, "W1": W1, "a_src1": a_src1, "a_dst1": a_dst1, "b1": b1, "W2": W2, "a_src2": a_src2, "a_dst2": a_dst2, "b2": b2}


def reference(x, edge_index, W1, a_src1, a_dst1, b1, W2, a_src2, a_dst2, b2):
    # dropout layers are identity in eval mode
    h = _gat_conv(x, edge_index, W1, a_src1, a_dst1, b1, H1, C1, N_NODES)
    h = jax.nn.elu(h)
    h = _gat_conv(h, edge_index, W2, a_src2, a_dst2, b2, H2, C2, N_NODES)
    return jax.nn.log_softmax(h, axis=1)

if __name__ == "__main__":
    import jax
    _d = setup_inputs()
    print(jax.jit(kernel)(*tuple(_d.values())))

</pallas_src>

<mosaic_0001>
#map = affine_map<(d0, d1) -> (0, 0)>
#map1 = affine_map<(d0, d1) -> (0)>
#map2 = affine_map<(d0, d1) -> (0, 0, 0)>
#map3 = affine_map<(d0, d1) -> (0, 0, 0, 0)>
module attributes {stable_mosaic.version = 14 : i64} {
  func.func @body(%arg0: i32, %arg1: i32, %arg2: memref<10000x16xf32, #tpu.memory_space<hbm>>, %arg3: memref<10000xf32, #tpu.memory_space<hbm>>, %arg4: memref<10000xf32, #tpu.memory_space<hbm>>, %arg5: memref<32x158x128xi32, #tpu.memory_space<hbm>>, %arg6: memref<32x158x128xi32, #tpu.memory_space<hbm>>, %arg7: memref<2x16x625x32xf32, #tpu.memory_space<hbm>>, %arg8: memref<10240x32xf32, #tpu.memory_space<vmem_shared>>, %arg9: memref<10240xf32, #tpu.memory_space<vmem>>, %arg10: memref<10240xf32, #tpu.memory_space<vmem>>, %arg11: memref<158x128xi32, #tpu.memory_space<vmem>>, %arg12: memref<158x128xi32, #tpu.memory_space<vmem>>, %arg13: memref<128x16xf32, #tpu.memory_space<vmem>>, %arg14: memref<128x16xf32, #tpu.memory_space<vmem>>, %arg15: memref<128x32xf32, #tpu.memory_space<vmem>>, %arg16: memref<128x32xf32, #tpu.memory_space<vmem>>, %arg17: memref<64x32xf32, #tpu.memory_space<vmem>>, %arg18: memref<!tpu.dma_semaphore, #tpu.memory_space<semaphore_mem>>, %arg19: memref<!tpu.dma_semaphore, #tpu.memory_space<semaphore_mem>>, %arg20: memref<!tpu.dma_semaphore, #tpu.memory_space<semaphore_mem>>, %arg21: memref<!tpu.dma_semaphore, #tpu.memory_space<semaphore_mem>>) attributes {dimension_semantics = [#tpu.dimension_semantics<core_parallel>, #tpu.dimension_semantics<subcore_parallel>], iteration_bounds = array<i64: 2, 16>, scalar_prefetch = 0 : i64, scratch_operands = 14 : i64, tpu.core_type = #tpu.core_type<sc_vector_subcore>, window_params = [{transform_indices = #map}, {transform_indices = #map1}, {transform_indices = #map1}, {transform_indices = #map2}, {transform_indices = #map2}, {transform_indices = #map3}]} {
    %mul3A = arith.constant 16 : i32
    %mul3A_0 = arith.muli %arg0, %mul3A : i32
    %add3A = arith.addi %mul3A_0, %arg1 : i32
    "tpu.region"() ({
      %run_scoped3A = tpu.sem_alloc : memref<!tpu.dma_semaphore, #tpu.memory_space<semaphore_mem>>
      %dma_start3A_171 = arith.constant 0 : i32
      %dma_start3A_172 = arith.constant 0 : i32
      %dma_start3A_173 = tpu.memref_slice %arg5[%add3A, %dma_start3A_171, %dma_start3A_172] : memref<32x158x128xi32, #tpu.memory_space<hbm>> -> memref<1x158x128xi32, #tpu.memory_space<hbm>>
      %dma_start3A_174 = tpu.memref_squeeze %dma_start3A_173 : memref<1x158x128xi32, #tpu.memory_space<hbm>> -> memref<158x128xi32, #tpu.memory_space<hbm>>
      %dma_start3A_175 = arith.constant 0 : i32
      %dma_start3A_176 = arith.constant 0 : i32
      %dma_start3A_177 = tpu.memref_slice %arg5[%add3A, %dma_start3A_175, %dma_start3A_176] : memref<32x158x128xi32, #tpu.memory_space<hbm>> -> memref<1x158x128xi32, #tpu.memory_space<hbm>>
      %dma_start3A_178 = tpu.memref_squeeze %dma_start3A_177 : memref<1x158x128xi32, #tpu.memory_space<hbm>> -> memref<158x128xi32, #tpu.memory_space<hbm>>
      tpu.enqueue_dma source(%dma_start3A_178 : memref<158x128xi32, #tpu.memory_space<hbm>>) target(%arg11 : memref<158x128xi32, #tpu.memory_space<vmem>>) target_semaphore(%run_scoped3A : memref<!tpu.dma_semaphore, #tpu.memory_space<semaphore_mem>>)
      %dma_wait3A_179 = arith.constant 0 : i32
      %dma_wait3A_180 = arith.constant 0 : i32
      %dma_wait3A_181 = tpu.memref_slice %arg5[%add3A, %dma_wait3A_179, %dma_wait3A_180] : memref<32x158x128xi32, #tpu.memory_space<hbm>> -> memref<1x158x128xi32, #tpu.memory_space<hbm>>
      %dma_wait3A_182 = tpu.memref_squeeze %dma_wait3A_181 : memref<1x158x128xi32, #tpu.memory_space<hbm>> -> memref<158x128xi32, #tpu.memory_space<hbm>>
      %dma_wait3A_183 = arith.constant 0 : i32
      %dma_wait3A_184 = arith.constant 0 : i32
      %dma_wait3A_185 = tpu.memref_slice %arg5[%add3A, %dma_wait3A_183, %dma_wait3A_184] : memref<32x158x128xi32, #tpu.memory_space<hbm>> -> memref<1x158x128xi32, #tpu.memory_space<hbm>>
      %dma_wait3A_186 = tpu.memref_squeeze %dma_wait3A_185 : memref<1x158x128xi32, #tpu.memory_space<hbm>> -> memref<158x128xi32, #tpu.memory_space<hbm>>
      tpu.wait_dma2 semaphore(%run_scoped3A : memref<!tpu.dma_semaphore, #tpu.memory_space<semaphore_mem>>) src(%dma_wait3A_186 : memref<158x128xi32, #tpu.memory_space<hbm>>) dst(%arg11 : memref<158x128xi32, #tpu.memory_space<vmem>>)
      tpu.yield
    }) : () -> ()
    "tpu.region"() ({
      %run_scoped3A = tpu.sem_alloc : memref<!tpu.dma_semaphore, #tpu.memory_space<semaphore_mem>>
      %dma_start3A_171 = arith.constant 0 : i32
      %dma_start3A_172 = arith.constant 0 : i32
      %dma_start3A_173 = tpu.memref_slice %arg6[%add3A, %dma_start3A_171, %dma_start3A_172] : memref<32x158x128xi32, #tpu.memory_space<hbm>> -> memref<1x158x128xi32, #tpu.memory_space<hbm>>
      %dma_start3A_174 = tpu.memref_squeeze %dma_start3A_173 : memref<1x158x128xi32, #tpu.memory_space<hbm>> -> memref<158x128xi32, #tpu.memory_space<hbm>>
      %dma_start3A_175 = arith.constant 0 : i32
      %dma_start3A_176 = arith.constant 0 : i32
      %dma_start3A_177 = tpu.memref_slice %arg6[%add3A, %dma_start3A_175, %dma_start3A_176] : memref<32x158x128xi32, #tpu.memory_space<hbm>> -> memref<1x158x128xi32, #tpu.memory_space<hbm>>
      %dma_start3A_178 = tpu.memref_squeeze %dma_start3A_177 : memref<1x158x128xi32, #tpu.memory_space<hbm>> -> memref<158x128xi32, #tpu.memory_space<hbm>>
      tpu.enqueue_dma source(%dma_start3A_178 : memref<158x128xi32, #tpu.memory_space<hbm>>) target(%arg12 : memref<158x128xi32, #tpu.memory_space<vmem>>) target_semaphore(%run_scoped3A : memref<!tpu.dma_semaphore, #tpu.memory_space<semaphore_mem>>)
      %dma_wait3A_179 = arith.constant 0 : i32
      %dma_wait3A_180 = arith.constant 0 : i32
      %dma_wait3A_181 = tpu.memref_slice %arg6[%add3A, %dma_wait3A_179, %dma_wait3A_180] : memref<32x158x128xi32, #tpu.memory_space<hbm>> -> memref<1x158x128xi32, #tpu.memory_space<hbm>>
      %dma_wait3A_182 = tpu.memref_squeeze %dma_wait3A_181 : memref<1x158x128xi32, #tpu.memory_space<hbm>> -> memref<158x128xi32, #tpu.memory_space<hbm>>
      %dma_wait3A_183 = arith.constant 0 : i32
      %dma_wait3A_184 = arith.constant 0 : i32
      %dma_wait3A_185 = tpu.memref_slice %arg6[%add3A, %dma_wait3A_183, %dma_wait3A_184] : memref<32x158x128xi32, #tpu.memory_space<hbm>> -> memref<1x158x128xi32, #tpu.memory_space<hbm>>
      %dma_wait3A_186 = tpu.memref_squeeze %dma_wait3A_185 : memref<1x158x128xi32, #tpu.memory_space<hbm>> -> memref<158x128xi32, #tpu.memory_space<hbm>>
      tpu.wait_dma2 semaphore(%run_scoped3A : memref<!tpu.dma_semaphore, #tpu.memory_space<semaphore_mem>>) src(%dma_wait3A_186 : memref<158x128xi32, #tpu.memory_space<hbm>>) dst(%arg12 : memref<158x128xi32, #tpu.memory_space<vmem>>)
      tpu.yield
    }) : () -> ()
    "tpu.region"() ({
      %run_scoped3A = tpu.sem_alloc : memref<!tpu.dma_semaphore, #tpu.memory_space<semaphore_mem>>
      %dma_start3A_171 = arith.constant 0 : i32
      %dma_start3A_172 = tpu.memref_slice %arg9[%dma_start3A_171] : memref<10240xf32, #tpu.memory_space<vmem>> -> memref<10000xf32, #tpu.memory_space<vmem>>
      %dma_start3A_173 = arith.constant 0 : i32
      %dma_start3A_174 = tpu.memref_slice %arg9[%dma_start3A_173] : memref<10240xf32, #tpu.memory_space<vmem>> -> memref<10000xf32, #tpu.memory_space<vmem>>
      tpu.enqueue_dma source(%arg3 : memref<10000xf32, #tpu.memory_space<hbm>>) target(%dma_start3A_174 : memref<10000xf32, #tpu.memory_space<vmem>>) target_semaphore(%run_scoped3A : memref<!tpu.dma_semaphore, #tpu.memory_space<semaphore_mem>>)
      %dma_wait3A_175 = arith.constant 0 : i32
      %dma_wait3A_176 = tpu.memref_slice %arg9[%dma_wait3A_175] : memref<10240xf32, #tpu.memory_space<vmem>> -> memref<10000xf32, #tpu.memory_space<vmem>>
      %dma_wait3A_177 = arith.constant 0 : i32
      %dma_wait3A_178 = tpu.memref_slice %arg9[%dma_wait3A_177] : memref<10240xf32, #tpu.memory_space<vmem>> -> memref<10000xf32, #tpu.memory_space<vmem>>
      tpu.wait_dma2 semaphore(%run_scoped3A : memref<!tpu.dma_semaphore, #tpu.memory_space<semaphore_mem>>) src(%arg3 : memref<10000xf32, #tpu.memory_space<hbm>>) dst(%dma_wait3A_178 : memref<10000xf32, #tpu.memory_space<vmem>>)
      tpu.yield
    }) : () -> ()
    "tpu.region"() ({
      %run_scoped3A = tpu.sem_alloc : memref<!tpu.dma_semaphore, #tpu.memory_space<semaphore_mem>>
      %dma_start3A_171 = arith.constant 0 : i32
      %dma_start3A_172 = tpu.memref_slice %arg10[%dma_start3A_171] : memref<10240xf32, #tpu.memory_space<vmem>> -> memref<10000xf32, #tpu.memory_space<vmem>>
      %dma_start3A_173 = arith.constant 0 : i32
      %dma_start3A_174 = tpu.memref_slice %arg10[%dma_start3A_173] : memref<10240xf32, #tpu.memory_space<vmem>> -> memref<10000xf32, #tpu.memory_space<vmem>>
      tpu.enqueue_dma source(%arg4 : memref<10000xf32, #tpu.memory_space<hbm>>) target(%dma_start3A_174 : memref<10000xf32, #tpu.memory_space<vmem>>) target_semaphore(%run_scoped3A : memref<!tpu.dma_semaphore, #tpu.memory_space<semaphore_mem>>)
      %dma_wait3A_175 = arith.constant 0 : i32
      %dma_wait3A_176 = tpu.memref_slice %arg10[%dma_wait3A_175] : memref<10240xf32, #tpu.memory_space<vmem>> -> memref<10000xf32, #tpu.memory_space<vmem>>
      %dma_wait3A_177 = arith.constant 0 : i32
      %dma_wait3A_178 = tpu.memref_slice %arg10[%dma_wait3A_177] : memref<10240xf32, #tpu.memory_space<vmem>> -> memref<10000xf32, #tpu.memory_space<vmem>>
      tpu.wait_dma2 semaphore(%run_scoped3A : memref<!tpu.dma_semaphore, #tpu.memory_space<semaphore_mem>>) src(%arg4 : memref<10000xf32, #tpu.memory_space<hbm>>) dst(%dma_wait3A_178 : memref<10000xf32, #tpu.memory_space<vmem>>)
      tpu.yield
    }) : () -> ()
    %parallel_loop3A = arith.constant 0 : i32
    %parallel_loop3A_1 = arith.constant 64 : i32
    %parallel_loop3A_2 = arith.constant 1 : i32
    scf.for %parallel_loop3A_171 = %parallel_loop3A to %parallel_loop3A_1 step %parallel_loop3A_2  : i32 {
      %parallel_loop3A_172 = arith.constant 0.000000e+00 : f32
      %parallel_loop3A_173 = vector.broadcast %parallel_loop3A_172 : f32 to vector<16xf32>
      %parallel_loop3A_174 = arith.index_cast %parallel_loop3A_171 : i32 to index
      %parallel_loop3A_175 = arith.constant 0 : index
      %parallel_loop3A_176 = tpu.vector_load %arg17[%parallel_loop3A_174, %parallel_loop3A_175] {strides = array<i32>} : memref<64x32xf32, #tpu.memory_space<vmem>>, vector<16xf32>,
      tpu.vector_store %arg17[%parallel_loop3A_174, %parallel_loop3A_175], %parallel_loop3A_173 {strides = array<i32>} : memref<64x32xf32, #tpu.memory_space<vmem>>, vector<16xf32>,
      %parallel_loop3A_177 = arith.constant 0.000000e+00 : f32
      %parallel_loop3A_178 = vector.broadcast %parallel_loop3A_177 : f32 to vector<16xf32>
      %parallel_loop3A_179 = arith.index_cast %parallel_loop3A_171 : i32 to index
      %parallel_loop3A_180 = arith.constant 16 : index
      %parallel_loop3A_181 = tpu.vector_load %arg17[%parallel_loop3A_179, %parallel_loop3A_180] {strides = array<i32>} : memref<64x32xf32, #tpu.memory_space<vmem>>, vector<16xf32>,
      tpu.vector_store %arg17[%parallel_loop3A_179, %parallel_loop3A_180], %parallel_loop3A_178 {strides = array<i32>} : memref<64x32xf32, #tpu.memory_space<vmem>>, vector<16xf32>,
    } {sc.loop_unroll_factor = 4 : i64, sc.parallel_access}
    %mul3A_3 = arith.constant 640 : i32
    %mul3A_4 = arith.muli %arg1, %mul3A_3 : i32
    %add3A_5 = arith.constant 0 : i32
    %add3A_6 = arith.addi %mul3A_4, %add3A_5 : i32
    %dma_start3A = arith.constant 0 : i32
    %dma_start3A_7 = tpu.memref_slice %arg8[%add3A_6, %dma_start3A] : memref<10240x32xf32, #tpu.memory_space<vmem_shared>> -> memref<64x32xf32, #tpu.memory_space<vmem_shared>>
    %dma_start3A_8 = arith.constant 0 : i32
    %dma_start3A_9 = tpu.memref_slice %arg8[%add3A_6, %dma_start3A_8] : memref<10240x32xf32, #tpu.memory_space<vmem_shared>> -> memref<64x32xf32, #tpu.memory_space<vmem_shared>>
    tpu.enqueue_dma source(%arg17 : memref<64x32xf32, #tpu.memory_space<vmem>>) target(%dma_start3A_9 : memref<64x32xf32, #tpu.memory_space<vmem_shared>>) target_semaphore(%arg20 : memref<!tpu.dma_semaphore, #tpu.memory_space<semaphore_mem>>)
    %mul3A_10 = arith.constant 640 : i32
    %mul3A_11 = arith.muli %arg1, %mul3A_10 : i32
    %add3A_12 = arith.constant 64 : i32
    %add3A_13 = arith.addi %mul3A_11, %add3A_12 : i32
    %dma_start3A_14 = arith.constant 0 : i32
    %dma_start3A_15 = tpu.memref_slice %arg8[%add3A_13, %dma_start3A_14] : memref<10240x32xf32, #tpu.memory_space<vmem_shared>> -> memref<64x32xf32, #tpu.memory_space<vmem_shared>>
    %dma_start3A_16 = arith.constant 0 : i32
    %dma_start3A_17 = tpu.memref_slice %arg8[%add3A_13, %dma_start3A_16] : memref<10240x32xf32, #tpu.memory_space<vmem_shared>> -> memref<64x32xf32, #tpu.memory_space<vmem_shared>>
    tpu.enqueue_dma source(%arg17 : memref<64x32xf32, #tpu.memory_space<vmem>>) target(%dma_start3A_17 : memref<64x32xf32, #tpu.memory_space<vmem_shared>>) target_semaphore(%arg20 : memref<!tpu.dma_semaphore, #tpu.memory_space<semaphore_mem>>)
    %mul3A_18 = arith.constant 640 : i32
    %mul3A_19 = arith.muli %arg1, %mul3A_18 : i32
    %add3A_20 = arith.constant 128 : i32
    %add3A_21 = arith.addi %mul3A_19, %add3A_20 : i32
    %dma_start3A_22 = arith.constant 0 : i32
    %dma_start3A_23 = tpu.memref_slice %arg8[%add3A_21, %dma_start3A_22] : memref<10240x32xf32, #tpu.memory_space<vmem_shared>> -> memref<64x32xf32, #tpu.memory_space<vmem_shared>>
    %dma_start3A_24 = arith.constant 0 : i32
    %dma_start3A_25 = tpu.memref_slice %arg8[%add3A_21, %dma_start3A_24] : memref<10240x32xf32, #tpu.memory_space<vmem_shared>> -> memref<64x32xf32, #tpu.memory_space<vmem_shared>>
    tpu.enqueue_dma source(%arg17 : memref<64x32xf32, #tpu.memory_space<vmem>>) target(%dma_start3A_25 : memref<64x32xf32, #tpu.memory_space<vmem_shared>>) target_semaphore(%arg20 : memref<!tpu.dma_semaphore, #tpu.memory_space<semaphore_mem>>)
    %mul3A_26 = arith.constant 640 : i32
    %mul3A_27 = arith.muli %arg1, %mul3A_26 : i32
    %add3A_28 = arith.constant 192 : i32
    %add3A_29 = arith.addi %mul3A_27, %add3A_28 : i32
    %dma_start3A_30 = arith.constant 0 : i32
    %dma_start3A_31 = tpu.memref_slice %arg8[%add3A_29, %dma_start3A_30] : memref<10240x32xf32, #tpu.memory_space<vmem_shared>> -> memref<64x32xf32, #tpu.memory_space<vmem_shared>>
    %dma_start3A_32 = arith.constant 0 : i32
    %dma_start3A_33 = tpu.memref_slice %arg8[%add3A_29, %dma_start3A_32] : memref<10240x32xf32, #tpu.memory_space<vmem_shared>> -> memref<64x32xf32, #tpu.memory_space<vmem_shared>>
    tpu.enqueue_dma source(%arg17 : memref<64x32xf32, #tpu.memory_space<vmem>>) target(%dma_start3A_33 : memref<64x32xf32, #tpu.memory_space<vmem_shared>>) target_semaphore(%arg20 : memref<!tpu.dma_semaphore, #tpu.memory_space<semaphore_mem>>)
    %mul3A_34 = arith.constant 640 : i32
    %mul3A_35 = arith.muli %arg1, %mul3A_34 : i32
    %add3A_36 = arith.constant 256 : i32
    %add3A_37 = arith.addi %mul3A_35, %add3A_36 : i32
    %dma_start3A_38 = arith.constant 0 : i32
    %dma_start3A_39 = tpu.memref_slice %arg8[%add3A_37, %dma_start3A_38] : memref<10240x32xf32, #tpu.memory_space<vmem_shared>> -> memref<64x32xf32, #tpu.memory_space<vmem_shared>>
    %dma_start3A_40 = arith.constant 0 : i32
    %dma_start3A_41 = tpu.memref_slice %arg8[%add3A_37, %dma_start3A_40] : memref<10240x32xf32, #tpu.memory_space<vmem_shared>> -> memref<64x32xf32, #tpu.memory_space<vmem_shared>>
    tpu.enqueue_dma source(%arg17 : memref<64x32xf32, #tpu.memory_space<vmem>>) target(%dma_start3A_41 : memref<64x32xf32, #tpu.memory_space<vmem_shared>>) target_semaphore(%arg20 : memref<!tpu.dma_semaphore, #tpu.memory_space<semaphore_mem>>)
    %mul3A_42 = arith.constant 640 : i32
    %mul3A_43 = arith.muli %arg1, %mul3A_42 : i32
    %add3A_44 = arith.constant 320 : i32
    %add3A_45 = arith.addi %mul3A_43, %add3A_44 : i32
    %dma_start3A_46 = arith.constant 0 : i32
    %dma_start3A_47 = tpu.memref_slice %arg8[%add3A_45, %dma_start3A_46] : memref<10240x32xf32, #tpu.memory_space<vmem_shared>> -> memref<64x32xf32, #tpu.memory_space<vmem_shared>>
    %dma_start3A_48 = arith.constant 0 : i32
    %dma_start3A_49 = tpu.memref_slice %arg8[%add3A_45, %dma_start3A_48] : memref<10240x32xf32, #tpu.memory_space<vmem_shared>> -> memref<64x32xf32, #tpu.memory_space<vmem_shared>>
    tpu.enqueue_dma source(%arg17 : memref<64x32xf32, #tpu.memory_space<vmem>>) target(%dma_start3A_49 : memref<64x32xf32, #tpu.memory_space<vmem_shared>>) target_semaphore(%arg20 : memref<!tpu.dma_semaphore, #tpu.memory_space<semaphore_mem>>)
    %mul3A_50 = arith.constant 640 : i32
    %mul3A_51 = arith.muli %arg1, %mul3A_50 : i32
    %add3A_52 = arith.constant 384 : i32
    %add3A_53 = arith.addi %mul3A_51, %add3A_52 : i32
    %dma_start3A_54 = arith.constant 0 : i32
    %dma_start3A_55 = tpu.memref_slice %arg8[%add3A_53, %dma_start3A_54] : memref<10240x32xf32, #tpu.memory_space<vmem_shared>> -> memref<64x32xf32, #tpu.memory_space<vmem_shared>>
    %dma_start3A_56 = arith.constant 0 : i32
    %dma_start3A_57 = tpu.memref_slice %arg8[%add3A_53, %dma_start3A_56] : memref<10240x32xf32, #tpu.memory_space<vmem_shared>> -> memref<64x32xf32, #tpu.memory_space<vmem_shared>>
    tpu.enqueue_dma source(%arg17 : memref<64x32xf32, #tpu.memory_space<vmem>>) target(%dma_start3A_57 : memref<64x32xf32, #tpu.memory_space<vmem_shared>>) target_semaphore(%arg20 : memref<!tpu.dma_semaphore, #tpu.memory_space<semaphore_mem>>)
    %mul3A_58 = arith.constant 640 : i32
    %mul3A_59 = arith.muli %arg1, %mul3A_58 : i32
    %add3A_60 = arith.constant 448 : i32
    %add3A_61 = arith.addi %mul3A_59, %add3A_60 : i32
    %dma_start3A_62 = arith.constant 0 : i32
    %dma_start3A_63 = tpu.memref_slice %arg8[%add3A_61, %dma_start3A_62] : memref<10240x32xf32, #tpu.memory_space<vmem_shared>> -> memref<64x32xf32, #tpu.memory_space<vmem_shared>>
    %dma_start3A_64 = arith.constant 0 : i32
    %dma_start3A_65 = tpu.memref_slice %arg8[%add3A_61, %dma_start3A_64] : memref<10240x32xf32, #tpu.memory_space<vmem_shared>> -> memref<64x32xf32, #tpu.memory_space<vmem_shared>>
    tpu.enqueue_dma source(%arg17 : memref<64x32xf32, #tpu.memory_space<vmem>>) target(%dma_start3A_65 : memref<64x32xf32, #tpu.memory_space<vmem_shared>>) target_semaphore(%arg20 : memref<!tpu.dma_semaphore, #tpu.memory_space<semaphore_mem>>)
    %mul3A_66 = arith.constant 640 : i32
    %mul3A_67 = arith.muli %arg1, %mul3A_66 : i32
    %add3A_68 = arith.constant 512 : i32
    %add3A_69 = arith.addi %mul3A_67, %add3A_68 : i32
    %dma_start3A_70 = arith.constant 0 : i32
    %dma_start3A_71 = tpu.memref_slice %arg8[%add3A_69, %dma_start3A_70] : memref<10240x32xf32, #tpu.memory_space<vmem_shared>> -> memref<64x32xf32, #tpu.memory_space<vmem_shared>>
    %dma_start3A_72 = arith.constant 0 : i32
    %dma_start3A_73 = tpu.memref_slice %arg8[%add3A_69, %dma_start3A_72] : memref<10240x32xf32, #tpu.memory_space<vmem_shared>> -> memref<64x32xf32, #tpu.memory_space<vmem_shared>>
    tpu.enqueue_dma source(%arg17 : memref<64x32xf32, #tpu.memory_space<vmem>>) target(%dma_start3A_73 : memref<64x32xf32, #tpu.memory_space<vmem_shared>>) target_semaphore(%arg20 : memref<!tpu.dma_semaphore, #tpu.memory_space<semaphore_mem>>)
    %mul3A_74 = arith.constant 640 : i32
    %mul3A_75 = arith.muli %arg1, %mul3A_74 : i32
    %add3A_76 = arith.constant 576 : i32
    %add3A_77 = arith.addi %mul3A_75, %add3A_76 : i32
    %dma_start3A_78 = arith.constant 0 : i32
    %dma_start3A_79 = tpu.memref_slice %arg8[%add3A_77, %dma_start3A_78] : memref<10240x32xf32, #tpu.memory_space<vmem_shared>> -> memref<64x32xf32, #tpu.memory_space<vmem_shared>>
    %dma_start3A_80 = arith.constant 0 : i32
    %dma_start3A_81 = tpu.memref_slice %arg8[%add3A_77, %dma_start3A_80] : memref<10240x32xf32, #tpu.memory_space<vmem_shared>> -> memref<64x32xf32, #tpu.memory_space<vmem_shared>>
    tpu.enqueue_dma source(%arg17 : memref<64x32xf32, #tpu.memory_space<vmem>>) target(%dma_start3A_81 : memref<64x32xf32, #tpu.memory_space<vmem_shared>>) target_semaphore(%arg20 : memref<!tpu.dma_semaphore, #tpu.memory_space<semaphore_mem>>)
    %mul3A_82 = arith.constant 640 : i32
    %mul3A_83 = arith.muli %arg1, %mul3A_82 : i32
    %dma_wait3A = arith.constant 0 : i32
    %dma_wait3A_84 = tpu.memref_slice %arg8[%mul3A_83, %dma_wait3A] : memref<10240x32xf32, #tpu.memory_space<vmem_shared>> -> memref<64x32xf32, #tpu.memory_space<vmem_shared>>
    %dma_wait3A_85 = arith.constant 0 : i32
    %dma_wait3A_86 = tpu.memref_slice %arg8[%mul3A_83, %dma_wait3A_85] : memref<10240x32xf32, #tpu.memory_space<vmem_shared>> -> memref<64x32xf32, #tpu.memory_space<vmem_shared>>
    tpu.wait_dma2 semaphore(%arg20 : memref<!tpu.dma_semaphore, #tpu.memory_space<semaphore_mem>>) src(%arg17 : memref<64x32xf32, #tpu.memory_space<vmem>>) dst(%dma_wait3A_86 : memref<64x32xf32, #tpu.memory_space<vmem_shared>>)
    %mul3A_87 = arith.constant 640 : i32
    %mul3A_88 = arith.muli %arg1, %mul3A_87 : i32
    %dma_wait3A_89 = arith.constant 0 : i32
    %dma_wait3A_90 = tpu.memref_slice %arg8[%mul3A_88, %dma_wait3A_89] : memref<10240x32xf32, #tpu.memory_space<vmem_shared>> -> memref<64x32xf32, #tpu.memory_space<vmem_shared>>
    %dma_wait3A_91 = arith.constant 0 : i32
    %dma_wait3A_92 = tpu.memref_slice %arg8[%mul3A_88, %dma_wait3A_91] : memref<10240x32xf32, #tpu.memory_space<vmem_shared>> -> memref<64x32xf32, #tpu.memory_space<vmem_shared>>
    tpu.wait_dma2 semaphore(%arg20 : memref<!tpu.dma_semaphore, #tpu.memory_space<semaphore_mem>>) src(%arg17 : memref<64x32xf32, #tpu.memory_space<vmem>>) dst(%dma_wait3A_92 : memref<64x32xf32, #tpu.memory_space<vmem_shared>>)
    %mul3A_93 = arith.constant 640 : i32
    %mul3A_94 = arith.muli %arg1, %mul3A_93 : i32
    %dma_wait3A_95 = arith.constant 0 : i32
    %dma_wait3A_96 = tpu.memref_slice %arg8[%mul3A_94, %dma_wait3A_95] : memref<10240x32xf32, #tpu.memory_space<vmem_shared>> -> memref<64x32xf32, #tpu.memory_space<vmem_shared>>
    %dma_wait3A_97 = arith.constant 0 : i32
    %dma_wait3A_98 = tpu.memref_slice %arg8[%mul3A_94, %dma_wait3A_97] : memref<10240x32xf32, #tpu.memory_space<vmem_shared>> -> memref<64x32xf32, #tpu.memory_space<vmem_shared>>
    tpu.wait_dma2 semaphore(%arg20 : memref<!tpu.dma_semaphore, #tpu.memory_space<semaphore_mem>>) src(%arg17 : memref<64x32xf32, #tpu.memory_space<vmem>>) dst(%dma_wait3A_98 : memref<64x32xf32, #tpu.memory_space<vmem_shared>>)
    %mul3A_99 = arith.constant 640 : i32
    %mul3A_100 = arith.muli %arg1, %mul3A_99 : i32
    %dma_wait3A_101 = arith.constant 0 : i32
    %dma_wait3A_102 = tpu.memref_slice %arg8[%mul3A_100, %dma_wait3A_101] : memref<10240x32xf32, #tpu.memory_space<vmem_shared>> -> memref<64x32xf32, #tpu.memory_space<vmem_shared>>
    %dma_wait3A_103 = arith.constant 0 : i32
    %dma_wait3A_104 = tpu.memref_slice %arg8[%mul3A_100, %dma_wait3A_103] : memref<10240x32xf32, #tpu.memory_space<vmem_shared>> -> memref<64x32xf32, #tpu.memory_space<vmem_shared>>
    tpu.wait_dma2 semaphore(%arg20 : memref<!tpu.dma_semaphore, #tpu.memory_space<semaphore_mem>>) src(%arg17 : memref<64x32xf32, #tpu.memory_space<vmem>>) dst(%dma_wait3A_104 : memref<64x32xf32, #tpu.memory_space<vmem_shared>>)
    %mul3A_105 = arith.constant 640 : i32
    %mul3A_106 = arith.muli %arg1, %mul3A_105 : i32
    %dma_wait3A_107 = arith.constant 0 : i32
    %dma_wait3A_108 = tpu.memref_slice %arg8[%mul3A_106, %dma_wait3A_107] : memref<10240x32xf32, #tpu.memory_space<vmem_shared>> -> memref<64x32xf32, #tpu.memory_space<vmem_shared>>
    %dma_wait3A_109 = arith.constant 0 : i32
    %dma_wait3A_110 = tpu.memref_slice %arg8[%mul3A_106, %dma_wait3A_109] : memref<10240x32xf32, #tpu.memory_space<vmem_shared>> -> memref<64x32xf32, #tpu.memory_space<vmem_shared>>
    tpu.wait_dma2 semaphore(%arg20 : memref<!tpu.dma_semaphore, #tpu.memory_space<semaphore_mem>>) src(%arg17 : memref<64x32xf32, #tpu.memory_space<vmem>>) dst(%dma_wait3A_110 : memref<64x32xf32, #tpu.memory_space<vmem_shared>>)
    %mul3A_111 = arith.constant 640 : i32
    %mul3A_112 = arith.muli %arg1, %mul3A_111 : i32
    %dma_wait3A_113 = arith.constant 0 : i32
    %dma_wait3A_114 = tpu.memref_slice %arg8[%mul3A_112, %dma_wait3A_113] : memref<10240x32xf32, #tpu.memory_space<vmem_shared>> -> memref<64x32xf32, #tpu.memory_space<vmem_shared>>
    %dma_wait3A_115 = arith.constant 0 : i32
    %dma_wait3A_116 = tpu.memref_slice %arg8[%mul3A_112, %dma_wait3A_115] : memref<10240x32xf32, #tpu.memory_space<vmem_shared>> -> memref<64x32xf32, #tpu.memory_space<vmem_shared>>
    tpu.wait_dma2 semaphore(%arg20 : memref<!tpu.dma_semaphore, #tpu.memory_space<semaphore_mem>>) src(%arg17 : memref<64x32xf32, #tpu.memory_space<vmem>>) dst(%dma_wait3A_116 : memref<64x32xf32, #tpu.memory_space<vmem_shared>>)
    %mul3A_117 = arith.constant 640 : i32
    %mul3A_118 = arith.muli %arg1, %mul3A_117 : i32
    %dma_wait3A_119 = arith.constant 0 : i32
    %dma_wait3A_120 = tpu.memref_slice %arg8[%mul3A_118, %dma_wait3A_119] : memref<10240x32xf32, #tpu.memory_space<vmem_shared>> -> memref<64x32xf32, #tpu.memory_space<vmem_shared>>
    %dma_wait3A_121 = arith.constant 0 : i32
    %dma_wait3A_122 = tpu.memref_slice %arg8[%mul3A_118, %dma_wait3A_121] : memref<10240x32xf32, #tpu.memory_space<vmem_shared>> -> memref<64x32xf32, #tpu.memory_space<vmem_shared>>
    tpu.wait_dma2 semaphore(%arg20 : memref<!tpu.dma_semaphore, #tpu.memory_space<semaphore_mem>>) src(%arg17 : memref<64x32xf32, #tpu.memory_space<vmem>>) dst(%dma_wait3A_122 : memref<64x32xf32, #tpu.memory_space<vmem_shared>>)
    %mul3A_123 = arith.constant 640 : i32
    %mul3A_124 = arith.muli %arg1, %mul3A_123 : i32
    %dma_wait3A_125 = arith.constant 0 : i32
    %dma_wait3A_126 = tpu.memref_slice %arg8[%mul3A_124, %dma_wait3A_125] : memref<10240x32xf32, #tpu.memory_space<vmem_shared>> -> memref<64x32xf32, #tpu.memory_space<vmem_shared>>
    %dma_wait3A_127 = arith.constant 0 : i32
    %dma_wait3A_128 = tpu.memref_slice %arg8[%mul3A_124, %dma_wait3A_127] : memref<10240x32xf32, #tpu.memory_space<vmem_shared>> -> memref<64x32xf32, #tpu.memory_space<vmem_shared>>
    tpu.wait_dma2 semaphore(%arg20 : memref<!tpu.dma_semaphore, #tpu.memory_space<semaphore_mem>>) src(%arg17 : memref<64x32xf32, #tpu.memory_space<vmem>>) dst(%dma_wait3A_128 : memref<64x32xf32, #tpu.memory_space<vmem_shared>>)
    %mul3A_129 = arith.constant 640 : i32
    %mul3A_130 = arith.muli %arg1, %mul3A_129 : i32
    %dma_wait3A_131 = arith.constant 0 : i32
    %dma_wait3A_132 = tpu.memref_slice %arg8[%mul3A_130, %dma_wait3A_131] : memref<10240x32xf32, #tpu.memory_space<vmem_shared>> -> memref<64x32xf32, #tpu.memory_space<vmem_shared>>
    %dma_wait3A_133 = arith.constant 0 : i32
    %dma_wait3A_134 = tpu.memref_slice %arg8[%mul3A_130, %dma_wait3A_133] : memref<10240x32xf32, #tpu.memory_space<vmem_shared>> -> memref<64x32xf32, #tpu.memory_space<vmem_shared>>
    tpu.wait_dma2 semaphore(%arg20 : memref<!tpu.dma_semaphore, #tpu.memory_space<semaphore_mem>>) src(%arg17 : memref<64x32xf32, #tpu.memory_space<vmem>>) dst(%dma_wait3A_134 : memref<64x32xf32, #tpu.memory_space<vmem_shared>>)
    %mul3A_135 = arith.constant 640 : i32
    %mul3A_136 = arith.muli %arg1, %mul3A_135 : i32
    %dma_wait3A_137 = arith.constant 0 : i32
    %dma_wait3A_138 = tpu.memref_slice %arg8[%mul3A_136, %dma_wait3A_137] : memref<10240x32xf32, #tpu.memory_space<vmem_shared>> -> memref<64x32xf32, #tpu.memory_space<vmem_shared>>
    %dma_wait3A_139 = arith.constant 0 : i32
    %dma_wait3A_140 = tpu.memref_slice %arg8[%mul3A_136, %dma_wait3A_139] : memref<10240x32xf32, #tpu.memory_space<vmem_shared>> -> memref<64x32xf32, #tpu.memory_space<vmem_shared>>
    tpu.wait_dma2 semaphore(%arg20 : memref<!tpu.dma_semaphore, #tpu.memory_space<semaphore_mem>>) src(%arg17 : memref<64x32xf32, #tpu.memory_space<vmem>>) dst(%dma_wait3A_140 : memref<64x32xf32, #tpu.memory_space<vmem_shared>>)
    %barrier3A = arith.constant 0 : index
    tpu.barrier barrier_id(%barrier3A)
    %dma_start3A_141 = arith.constant 0 : i32
    %dma_start3A_142 = arith.constant 0 : i32
    %dma_start3A_143 = tpu.memref_slice %arg11[%dma_start3A_141, %dma_start3A_142] : memref<158x128xi32, #tpu.memory_space<vmem>> -> memref<1x128xi32, #tpu.memory_space<vmem>>
    %dma_start3A_144 = tpu.memref_squeeze %dma_start3A_143 : memref<1x128xi32, #tpu.memory_space<vmem>> -> memref<128xi32, #tpu.memory_space<vmem>>
    %dma_start3A_145 = arith.constant 0 : i32
    %dma_start3A_146 = arith.constant 0 : i32
    %dma_start3A_147 = tpu.memref_slice %arg2[%dma_start3A_145, %dma_start3A_146] : memref<10000x16xf32, #tpu.memory_space<hbm>> -> memref<10000x16xf32, #tpu.memory_space<hbm>>
    tpu.enqueue_indirect_dma source(%dma_start3A_147 : memref<10000x16xf32, #tpu.memory_space<hbm>>) target(%arg13 : memref<128x16xf32, #tpu.memory_space<vmem>>) offsets(%dma_start3A_144 : memref<128xi32, #tpu.memory_space<vmem>>) semaphore(%arg18 : memref<!tpu.dma_semaphore, #tpu.memory_space<semaphore_mem>>)
    %scan3A = arith.constant 0 : i32
    %scan3A_148 = arith.constant 0 : i32
    %scan3A_149 = arith.constant 79 : i32
    %scan3A_150 = arith.addi %scan3A_148, %scan3A_149 : i32
    %scan3A_151 = arith.constant 1 : i32
    %scan3A_152 = scf.for %scan3A_171 = %scan3A_148 to %scan3A_150 step %scan3A_151 iter_args(%scan3A_172 = %scan3A) -> (i32)  : i32 {
      %mul3A_173 = arith.constant 2 : i32
      %mul3A_174 = arith.muli %mul3A_173, %scan3A_171 : i32
      %add3A_175 = arith.constant 1 : i32
      %add3A_176 = arith.addi %mul3A_174, %add3A_175 : i32
      %dma_start3A_177 = arith.constant 0 : i32
      %dma_start3A_178 = tpu.memref_slice %arg11[%add3A_176, %dma_start3A_177] : memref<158x128xi32, #tpu.memory_space<vmem>> -> memref<1x128xi32, #tpu.memory_space<vmem>>
      %dma_start3A_179 = tpu.memref_squeeze %dma_start3A_178 : memref<1x128xi32, #tpu.memory_space<vmem>> -> memref<128xi32, #tpu.memory_space<vmem>>
      %dma_start3A_180 = arith.constant 0 : i32
      %dma_start3A_181 = arith.constant 0 : i32
      %dma_start3A_182 = tpu.memref_slice %arg2[%dma_start3A_180, %dma_start3A_181] : memref<10000x16xf32, #tpu.memory_space<hbm>> -> memref<10000x16xf32, #tpu.memory_space<hbm>>
      tpu.enqueue_indirect_dma source(%dma_start3A_182 : memref<10000x16xf32, #tpu.memory_space<hbm>>) target(%arg14 : memref<128x16xf32, #tpu.memory_space<vmem>>) offsets(%dma_start3A_179 : memref<128xi32, #tpu.memory_space<vmem>>) semaphore(%arg19 : memref<!tpu.dma_semaphore, #tpu.memory_space<semaphore_mem>>)
      %dma_wait3A_183 = arith.constant 0 : i32
      %dma_wait3A_184 = arith.constant 0 : i32
      %dma_wait3A_185 = tpu.memref_slice %arg11[%dma_wait3A_183, %dma_wait3A_184] : memref<158x128xi32, #tpu.memory_space<vmem>> -> memref<1x128xi32, #tpu.memory_space<vmem>>
      %dma_wait3A_186 = tpu.memref_squeeze %dma_wait3A_185 : memref<1x128xi32, #tpu.memory_space<vmem>> -> memref<128xi32, #tpu.memory_space<vmem>>
      %dma_wait3A_187 = arith.constant 0 : i32
      %dma_wait3A_188 = arith.constant 0 : i32
      %dma_wait3A_189 = tpu.memref_slice %arg2[%dma_wait3A_187, %dma_wait3A_188] : memref<10000x16xf32, #tpu.memory_space<hbm>> -> memref<10000x16xf32, #tpu.memory_space<hbm>>
      tpu.wait_indirect_dma semaphore(%arg18 : memref<!tpu.dma_semaphore, #tpu.memory_space<semaphore_mem>>) src(%dma_wait3A_189 : memref<10000x16xf32, #tpu.memory_space<hbm>>) dst(%arg13 : memref<128x16xf32, #tpu.memory_space<vmem>>)
      %ge3A = arith.constant 2 : i32
      %ge3A_190 = arith.cmpi sge, %mul3A_174, %ge3A : i32
      %convert_element_type3A = arith.extui %ge3A_190 : i1 to i32
      %cond3A = arith.constant 0 : i32
      %cond3A_191 = arith.cmpi ne, %convert_element_type3A, %cond3A : i32
      scf.if %cond3A_191 {
        %dma_wait3A_231 = arith.constant 0 : i32
        %dma_wait3A_232 = arith.constant 0 : i32
        %dma_wait3A_233 = tpu.memref_slice %arg12[%dma_wait3A_231, %dma_wait3A_232] : memref<158x128xi32, #tpu.memory_space<vmem>> -> memref<1x128xi32, #tpu.memory_space<vmem>>
        %dma_wait3A_234 = tpu.memref_squeeze %dma_wait3A_233 : memref<1x128xi32, #tpu.memory_space<vmem>> -> memref<128xi32, #tpu.memory_space<vmem>>
        %dma_wait3A_235 = arith.constant 0 : i32
        %dma_wait3A_236 = arith.constant 0 : i32
        %dma_wait3A_237 = tpu.memref_slice %arg8[%dma_wait3A_235, %dma_wait3A_236] : memref<10240x32xf32, #tpu.memory_space<vmem_shared>> -> memref<10240x32xf32, #tpu.memory_space<vmem_shared>>
        tpu.wait_indirect_dma semaphore(%arg20 : memref<!tpu.dma_semaphore, #tpu.memory_space<semaphore_mem>>) src(%arg15 : memref<128x32xf32, #tpu.memory_space<vmem>>) dst(%dma_wait3A_237 : memref<10240x32xf32, #tpu.memory_space<vmem_shared>>)
      } else {
      }
      %parallel_loop3A_192 = arith.constant 0 : i32
      %parallel_loop3A_193 = arith.constant 8 : i32
      %parallel_loop3A_194 = arith.constant 1 : i32
      scf.for %parallel_loop3A_231 = %parallel_loop3A_192 to %parallel_loop3A_193 step %parallel_loop3A_194  : i32 {
        %parallel_loop3A_232 = arith.constant 16 : i32
        %parallel_loop3A_233 = arith.muli %parallel_loop3A_232, %parallel_loop3A_231 : i32
        %parallel_loop3A_234 = arith.index_cast %mul3A_174 : i32 to index
        %parallel_loop3A_235 = arith.index_cast %parallel_loop3A_233 : i32 to index
        %parallel_loop3A_236 = tpu.vector_load %arg11[%parallel_loop3A_234, %parallel_loop3A_235] {strides = array<i32>} : memref<158x128xi32, #tpu.memory_space<vmem>>, vector<16xi32>,
        %parallel_loop3A_237 = arith.constant 16 : i32
        %parallel_loop3A_238 = arith.muli %parallel_loop3A_237, %parallel_loop3A_231 : i32
        %parallel_loop3A_239 = arith.index_cast %mul3A_174 : i32 to index
        %parallel_loop3A_240 = arith.index_cast %parallel_loop3A_238 : i32 to index
        %parallel_loop3A_241 = tpu.vector_load %arg12[%parallel_loop3A_239, %parallel_loop3A_240] {strides = array<i32>} : memref<158x128xi32, #tpu.memory_space<vmem>>, vector<16xi32>,
        %parallel_loop3A_242 = tpu.vector_load_idx %arg9[%parallel_loop3A_236] : memref<10240xf32, #tpu.memory_space<vmem>>[vector<16xi32>], vector<16xf32>,
        %parallel_loop3A_243 = tpu.vector_load_idx %arg10[%parallel_loop3A_241] : memref<10240xf32, #tpu.memory_space<vmem>>[vector<16xi32>], vector<16xf32>,
        %parallel_loop3A_244 = arith.addf %parallel_loop3A_242, %parallel_loop3A_243 : vector<16xf32>
        %parallel_loop3A_245 = arith.constant 2.000000e-01 : f32
        %parallel_loop3A_246 = vector.broadcast %parallel_loop3A_245 : f32 to vector<16xf32>
        %parallel_loop3A_247 = arith.mulf %parallel_loop3A_246, %parallel_loop3A_244 : vector<16xf32>
        %parallel_loop3A_248 = arith.maximumf %parallel_loop3A_244, %parallel_loop3A_247 : vector<16xf32>
        %parallel_loop3A_249 = math.exp %parallel_loop3A_248 : vector<16xf32>
        %parallel_loop3A_250 = arith.constant 16 : i32
        %parallel_loop3A_251 = arith.muli %parallel_loop3A_250, %parallel_loop3A_231 : i32
        %parallel_loop3A_252 = arith.constant 0 : i32
        %parallel_loop3A_253 = vector.broadcast %parallel_loop3A_252 : i32 to vector<16xi32>
        %parallel_loop3A_254 = vector.shape_cast %parallel_loop3A_253 : vector<16xi32> to vector<16x1xi32>
        %parallel_loop3A_255 = vector.shape_cast %parallel_loop3A_254 : vector<16x1xi32> to vector<16xi32>
        %parallel_loop3A_256 = tpu.dynamic_gather %parallel_loop3A_249[%parallel_loop3A_255] in [0] : vector<16xf32>, vector<16xi32> -> vector<16xf32>
        %parallel_loop3A_257 = arith.constant 0 : i32
        %parallel_loop3A_258 = arith.addi %parallel_loop3A_251, %parallel_loop3A_257 : i32
        %parallel_loop3A_259 = arith.index_cast %parallel_loop3A_258 : i32 to index
        %parallel_loop3A_260 = arith.constant 0 : index
        %parallel_loop3A_261 = tpu.vector_load %arg13[%parallel_loop3A_259, %parallel_loop3A_260] {strides = array<i32>} : memref<128x16xf32, #tpu.memory_space<vmem>>, vector<16xf32>,
        %parallel_loop3A_262 = arith.mulf %parallel_loop3A_261, %parallel_loop3A_256 : vector<16xf32>
        %parallel_loop3A_263 = arith.constant 0 : i32
        %parallel_loop3A_264 = arith.addi %parallel_loop3A_251, %parallel_loop3A_263 : i32
        %parallel_loop3A_265 = arith.index_cast %parallel_loop3A_264 : i32 to index
        %parallel_loop3A_266 = arith.constant 0 : index
        %parallel_loop3A_267 = tpu.vector_load %arg15[%parallel_loop3A_265, %parallel_loop3A_266] {strides = array<i32>} : memref<128x32xf32, #tpu.memory_space<vmem>>, vector<16xf32>,
        tpu.vector_store %arg15[%parallel_loop3A_265, %parallel_loop3A_266], %parallel_loop3A_262 {strides = array<i32>} : memref<128x32xf32, #tpu.memory_space<vmem>>, vector<16xf32>,
        %parallel_loop3A_268 = arith.constant 0 : i32
        %parallel_loop3A_269 = arith.addi %parallel_loop3A_251, %parallel_loop3A_268 : i32
        %parallel_loop3A_270 = arith.index_cast %parallel_loop3A_269 : i32 to index
        %parallel_loop3A_271 = arith.constant 16 : index
        %parallel_loop3A_272 = tpu.vector_load %arg15[%parallel_loop3A_270, %parallel_loop3A_271] {strides = array<i32>} : memref<128x32xf32, #tpu.memory_space<vmem>>, vector<16xf32>,
        tpu.vector_store %arg15[%parallel_loop3A_270, %parallel_loop3A_271], %parallel_loop3A_256 {strides = array<i32>} : memref<128x32xf32, #tpu.memory_space<vmem>>, vector<16xf32>,
        %parallel_loop3A_273 = arith.constant 1 : i32
        %parallel_loop3A_274 = vector.broadcast %parallel_loop3A_273 : i32 to vector<16xi32>
        %parallel_loop3A_275 = vector.shape_cast %parallel_loop3A_274 : vector<16xi32> to vector<16x1xi32>
        %parallel_loop3A_276 = vector.shape_cast %parallel_loop3A_275 : vector<16x1xi32> to vector<16xi32>
        %parallel_loop3A_277 = tpu.dynamic_gather %parallel_loop3A_249[%parallel_loop3A_276] in [0] : vector<16xf32>, vector<16xi32> -> vector<16xf32>
        %parallel_loop3A_278 = arith.constant 1 : i32
        %parallel_loop3A_279 = arith.addi %parallel_loop3A_251, %parallel_loop3A_278 : i32
        %parallel_loop3A_280 = arith.index_cast %parallel_loop3A_279 : i32 to index
        %parallel_loop3A_281 = arith.constant 0 : index
        %parallel_loop3A_282 = tpu.vector_load %arg13[%parallel_loop3A_280, %parallel_loop3A_281] {strides = array<i32>} : memref<128x16xf32, #tpu.memory_space<vmem>>, vector<16xf32>,
        %parallel_loop3A_283 = arith.mulf %parallel_loop3A_282, %parallel_loop3A_277 : vector<16xf32>
        %parallel_loop3A_284 = arith.constant 1 : i32
        %parallel_loop3A_285 = arith.addi %parallel_loop3A_251, %parallel_loop3A_284 : i32
        %parallel_loop3A_286 = arith.index_cast %parallel_loop3A_285 : i32 to index
        %parallel_loop3A_287 = arith.constant 0 : index
        %parallel_loop3A_288 = tpu.vector_load %arg15[%parallel_loop3A_286, %parallel_loop3A_287] {strides = array<i32>} : memref<128x32xf32, #tpu.memory_space<vmem>>, vector<16xf32>,
        tpu.vector_store %arg15[%parallel_loop3A_286, %parallel_loop3A_287], %parallel_loop3A_283 {strides = array<i32>} : memref<128x32xf32, #tpu.memory_space<vmem>>, vector<16xf32>,
        %parallel_loop3A_289 = arith.constant 1 : i32
        %parallel_loop3A_290 = arith.addi %parallel_loop3A_251, %parallel_loop3A_289 : i32
        %parallel_loop3A_291 = arith.index_cast %parallel_loop3A_290 : i32 to index
        %parallel_loop3A_292 = arith.constant 16 : index
        %parallel_loop3A_293 = tpu.vector_load %arg15[%parallel_loop3A_291, %parallel_loop3A_292] {strides = array<i32>} : memref<128x32xf32, #tpu.memory_space<vmem>>, vector<16xf32>,
        tpu.vector_store %arg15[%parallel_loop3A_291, %parallel_loop3A_292], %parallel_loop3A_277 {strides = array<i32>} : memref<128x32xf32, #tpu.memory_space<vmem>>, vector<16xf32>,
        %parallel_loop3A_294 = arith.constant 2 : i32
        %parallel_loop3A_295 = vector.broadcast %parallel_loop3A_294 : i32 to vector<16xi32>
        %parallel_loop3A_296 = vector.shape_cast %parallel_loop3A_295 : vector<16xi32> to vector<16x1xi32>
        %parallel_loop3A_297 = vector.shape_cast %parallel_loop3A_296 : vector<16x1xi32> to vector<16xi32>
        %parallel_loop3A_298 = tpu.dynamic_gather %parallel_loop3A_249[%parallel_loop3A_297] in [0] : vector<16xf32>, vector<16xi32> -> vector<16xf32>
        %parallel_loop3A_299 = arith.constant 2 : i32
        %parallel_loop3A_300 = arith.addi %parallel_loop3A_251, %parallel_loop3A_299 : i32
        %parallel_loop3A_301 = arith.index_cast %parallel_loop3A_300 : i32 to index
        %parallel_loop3A_302 = arith.constant 0 : index
        %parallel_loop3A_303 = tpu.vector_load %arg13[%parallel_loop3A_301, %parallel_loop3A_302] {strides = array<i32>} : memref<128x16xf32, #tpu.memory_space<vmem>>, vector<16xf32>,
        %parallel_loop3A_304 = arith.mulf %parallel_loop3A_303, %parallel_loop3A_298 : vector<16xf32>
        %parallel_loop3A_305 = arith.constant 2 : i32
        %parallel_loop3A_306 = arith.addi %parallel_loop3A_251, %parallel_loop3A_305 : i32
        %parallel_loop3A_307 = arith.index_cast %parallel_loop3A_306 : i32 to index
        %parallel_loop3A_308 = arith.constant 0 : index
        %parallel_loop3A_309 = tpu.vector_load %arg15[%parallel_loop3A_307, %parallel_loop3A_308] {strides = array<i32>} : memref<128x32xf32, #tpu.memory_space<vmem>>, vector<16xf32>,
        tpu.vector_store %arg15[%parallel_loop3A_307, %parallel_loop3A_308], %parallel_loop3A_304 {strides = array<i32>} : memref<128x32xf32, #tpu.memory_space<vmem>>, vector<16xf32>,
        %parallel_loop3A_310 = arith.constant 2 : i32
        %parallel_loop3A_311 = arith.addi %parallel_loop3A_251, %parallel_loop3A_310 : i32
        %parallel_loop3A_312 = arith.index_cast %parallel_loop3A_311 : i32 to index
        %parallel_loop3A_313 = arith.constant 16 : index
        %parallel_loop3A_314 = tpu.vector_load %arg15[%parallel_loop3A_312, %parallel_loop3A_313] {strides = array<i32>} : memref<128x32xf32, #tpu.memory_space<vmem>>, vector<16xf32>,
        tpu.vector_store %arg15[%parallel_loop3A_312, %parallel_loop3A_313], %parallel_loop3A_298 {strides = array<i32>} : memref<128x32xf32, #tpu.memory_space<vmem>>, vector<16xf32>,
        %parallel_loop3A_315 = arith.constant 3 : i32
        %parallel_loop3A_316 = vector.broadcast %parallel_loop3A_315 : i32 to vector<16xi32>
        %parallel_loop3A_317 = vector.shape_cast %parallel_loop3A_316 : vector<16xi32> to vector<16x1xi32>
        %parallel_loop3A_318 = vector.shape_cast %parallel_loop3A_317 : vector<16x1xi32> to vector<16xi32>
        %parallel_loop3A_319 = tpu.dynamic_gather %parallel_loop3A_249[%parallel_loop3A_318] in [0] : vector<16xf32>, vector<16xi32> -> vector<16xf32>
        %parallel_loop3A_320 = arith.constant 3 : i32
        %parallel_loop3A_321 = arith.addi %parallel_loop3A_251, %parallel_loop3A_320 : i32
        %parallel_loop3A_322 = arith.index_cast %parallel_loop3A_321 : i32 to index
        %parallel_loop3A_323 = arith.constant 0 : index
        %parallel_loop3A_324 = tpu.vector_load %arg13[%parallel_loop3A_322, %parallel_loop3A_323] {strides = array<i32>} : memref<128x16xf32, #tpu.memory_space<vmem>>, vector<16xf32>,
        %parallel_loop3A_325 = arith.mulf %parallel_loop3A_324, %parallel_loop3A_319 : vector<16xf32>
        %parallel_loop3A_326 = arith.constant 3 : i32
        %parallel_loop3A_327 = arith.addi %parallel_loop3A_251, %parallel_loop3A_326 : i32
        %parallel_loop3A_328 = arith.index_cast %parallel_loop3A_327 : i32 to index
        %parallel_loop3A_329 = arith.constant 0 : index
        %parallel_loop3A_330 = tpu.vector_load %arg15[%parallel_loop3A_328, %parallel_loop3A_329] {strides = array<i32>} : memref<128x32xf32, #tpu.memory_space<vmem>>, vector<16xf32>,
        tpu.vector_store %arg15[%parallel_loop3A_328, %parallel_loop3A_329], %parallel_loop3A_325 {strides = array<i32>} : memref<128x32xf32, #tpu.memory_space<vmem>>, vector<16xf32>,
        %parallel_loop3A_331 = arith.constant 3 : i32
        %parallel_loop3A_332 = arith.addi %parallel_loop3A_251, %parallel_loop3A_331 : i32
        %parallel_loop3A_333 = arith.index_cast %parallel_loop3A_332 : i32 to index
        %parallel_loop3A_334 = arith.constant 16 : index
        %parallel_loop3A_335 = tpu.vector_load %arg15[%parallel_loop3A_333, %parallel_loop3A_334] {strides = array<i32>} : memref<128x32xf32, #tpu.memory_space<vmem>>, vector<16xf32>,
        tpu.vector_store %arg15[%parallel_loop3A_333, %parallel_loop3A_334], %parallel_loop3A_319 {strides = array<i32>} : memref<128x32xf32, #tpu.memory_space<vmem>>, vector<16xf32>,
        %parallel_loop3A_336 = arith.constant 4 : i32
        %parallel_loop3A_337 = vector.broadcast %parallel_loop3A_336 : i32 to vector<16xi32>
        %parallel_loop3A_338 = vector.shape_cast %parallel_loop3A_337 : vector<16xi32> to vector<16x1xi32>
        %parallel_loop3A_339 = vector.shape_cast %parallel_loop3A_338 : vector<16x1xi32> to vector<16xi32>
        %parallel_loop3A_340 = tpu.dynamic_gather %parallel_loop3A_249[%parallel_loop3A_339] in [0] : vector<16xf32>, vector<16xi32> -> vector<16xf32>
        %parallel_loop3A_341 = arith.constant 4 : i32
        %parallel_loop3A_342 = arith.addi %parallel_loop3A_251, %parallel_loop3A_341 : i32
        %parallel_loop3A_343 = arith.index_cast %parallel_loop3A_342 : i32 to index
        %parallel_loop3A_344 = arith.constant 0 : index
        %parallel_loop3A_345 = tpu.vector_load %arg13[%parallel_loop3A_343, %parallel_loop3A_344] {strides = array<i32>} : memref<128x16xf32, #tpu.memory_space<vmem>>, vector<16xf32>,
        %parallel_loop3A_346 = arith.mulf %parallel_loop3A_345, %parallel_loop3A_340 : vector<16xf32>
        %parallel_loop3A_347 = arith.constant 4 : i32
        %parallel_loop3A_348 = arith.addi %parallel_loop3A_251, %parallel_loop3A_347 : i32
        %parallel_loop3A_349 = arith.index_cast %parallel_loop3A_348 : i32 to index
        %parallel_loop3A_350 = arith.constant 0 : index
        %parallel_loop3A_351 = tpu.vector_load %arg15[%parallel_loop3A_349, %parallel_loop3A_350] {strides = array<i32>} : memref<128x32xf32, #tpu.memory_space<vmem>>, vector<16xf32>,
        tpu.vector_store %arg15[%parallel_loop3A_349, %parallel_loop3A_350], %parallel_loop3A_346 {strides = array<i32>} : memref<128x32xf32, #tpu.memory_space<vmem>>, vector<16xf32>,
        %parallel_loop3A_352 = arith.constant 4 : i32
        %parallel_loop3A_353 = arith.addi %parallel_loop3A_251, %parallel_loop3A_352 : i32
        %parallel_loop3A_354 = arith.index_cast %parallel_loop3A_353 : i32 to index
        %parallel_loop3A_355 = arith.constant 16 : index
        %parallel_loop3A_356 = tpu.vector_load %arg15[%parallel_loop3A_354, %parallel_loop3A_355] {strides = array<i32>} : memref<128x32xf32, #tpu.memory_space<vmem>>, vector<16xf32>,
        tpu.vector_store %arg15[%parallel_loop3A_354, %parallel_loop3A_355], %parallel_loop3A_340 {strides = array<i32>} : memref<128x32xf32, #tpu.memory_space<vmem>>, vector<16xf32>,
        %parallel_loop3A_357 = arith.constant 5 : i32
        %parallel_loop3A_358 = vector.broadcast %parallel_loop3A_357 : i32 to vector<16xi32>
        %parallel_loop3A_359 = vector.shape_cast %parallel_loop3A_358 : vector<16xi32> to vector<16x1xi32>
        %parallel_loop3A_360 = vector.shape_cast %parallel_loop3A_359 : vector<16x1xi32> to vector<16xi32>
        %parallel_loop3A_361 = tpu.dynamic_gather %parallel_loop3A_249[%parallel_loop3A_360] in [0] : vector<16xf32>, vector<16xi32> -> vector<16xf32>
        %parallel_loop3A_362 = arith.constant 5 : i32
        %parallel_loop3A_363 = arith.addi %parallel_loop3A_251, %parallel_loop3A_362 : i32
        %parallel_loop3A_364 = arith.index_cast %parallel_loop3A_363 : i32 to index
        %parallel_loop3A_365 = arith.constant 0 : index
        %parallel_loop3A_366 = tpu.vector_load %arg13[%parallel_loop3A_364, %parallel_loop3A_365] {strides = array<i32>} : memref<128x16xf32, #tpu.memory_space<vmem>>, vector<16xf32>,
        %parallel_loop3A_367 = arith.mulf %parallel_loop3A_366, %parallel_loop3A_361 : vector<16xf32>
        %parallel_loop3A_368 = arith.constant 5 : i32
        %parallel_loop3A_369 = arith.addi %parallel_loop3A_251, %parallel_loop3A_368 : i32
        %parallel_loop3A_370 = arith.index_cast %parallel_loop3A_369 : i32 to index
        %parallel_loop3A_371 = arith.constant 0 : index
        %parallel_loop3A_372 = tpu.vector_load %arg15[%parallel_loop3A_370, %parallel_loop3A_371] {strides = array<i32>} : memref<128x32xf32, #tpu.memory_space<vmem>>, vector<16xf32>,
        tpu.vector_store %arg15[%parallel_loop3A_370, %parallel_loop3A_371], %parallel_loop3A_367 {strides = array<i32>} : memref<128x32xf32, #tpu.memory_space<vmem>>, vector<16xf32>,
        %parallel_loop3A_373 = arith.constant 5 : i32
        %parallel_loop3A_374 = arith.addi %parallel_loop3A_251, %parallel_loop3A_373 : i32
        %parallel_loop3A_375 = arith.index_cast %parallel_loop3A_374 : i32 to index
        %parallel_loop3A_376 = arith.constant 16 : index
        %parallel_loop3A_377 = tpu.vector_load %arg15[%parallel_loop3A_375, %parallel_loop3A_376] {strides = array<i32>} : memref<128x32xf32, #tpu.memory_space<vmem>>, vector<16xf32>,
        tpu.vector_store %arg15[%parallel_loop3A_375, %parallel_loop3A_376], %parallel_loop3A_361 {strides = array<i32>} : memref<128x32xf32, #tpu.memory_space<vmem>>, vector<16xf32>,
        %parallel_loop3A_378 = arith.constant 6 : i32
        %parallel_loop3A_379 = vector.broadcast %parallel_loop3A_378 : i32 to vector<16xi32>
        %parallel_loop3A_380 = vector.shape_cast %parallel_loop3A_379 : vector<16xi32> to vector<16x1xi32>
        %parallel_loop3A_381 = vector.shape_cast %parallel_loop3A_380 : vector<16x1xi32> to vector<16xi32>
        %parallel_loop3A_382 = tpu.dynamic_gather %parallel_loop3A_249[%parallel_loop3A_381] in [0] : vector<16xf32>, vector<16xi32> -> vector<16xf32>
        %parallel_loop3A_383 = arith.constant 6 : i32
        %parallel_loop3A_384 = arith.addi %parallel_loop3A_251, %parallel_loop3A_383 : i32
        %parallel_loop3A_385 = arith.index_cast %parallel_loop3A_384 : i32 to index
        %parallel_loop3A_386 = arith.constant 0 : index
        %parallel_loop3A_387 = tpu.vector_load %arg13[%parallel_loop3A_385, %parallel_loop3A_386] {strides = array<i32>} : memref<128x16xf32, #tpu.memory_space<vmem>>, vector<16xf32>,
        %parallel_loop3A_388 = arith.mulf %parallel_loop3A_387, %parallel_loop3A_382 : vector<16xf32>
        %parallel_loop3A_389 = arith.constant 6 : i32
        %parallel_loop3A_390 = arith.addi %parallel_loop3A_251, %parallel_loop3A_389 : i32
        %parallel_loop3A_391 = arith.index_cast %parallel_loop3A_390 : i32 to index
        %parallel_loop3A_392 = arith.constant 0 : index
        %parallel_loop3A_393 = tpu.vector_load %arg15[%parallel_loop3A_391, %parallel_loop3A_392] {strides = array<i32>} : memref<128x32xf32, #tpu.memory_space<vmem>>, vector<16xf32>,
        tpu.vector_store %arg15[%parallel_loop3A_391, %parallel_loop3A_392], %parallel_loop3A_388 {strides = array<i32>} : memref<128x32xf32, #tpu.memory_space<vmem>>, vector<16xf32>,
        %parallel_loop3A_394 = arith.constant 6 : i32
        %parallel_loop3A_395 = arith.addi %parallel_loop3A_251, %parallel_loop3A_394 : i32
        %parallel_loop3A_396 = arith.index_cast %parallel_loop3A_395 : i32 to index
        %parallel_loop3A_397 = arith.constant 16 : index
        %parallel_loop3A_398 = tpu.vector_load %arg15[%parallel_loop3A_396, %parallel_loop3A_397] {strides = array<i32>} : memref<128x32xf32, #tpu.memory_space<vmem>>, vector<16xf32>,
        tpu.vector_store %arg15[%parallel_loop3A_396, %parallel_loop3A_397], %parallel_loop3A_382 {strides = array<i32>} : memref<128x32xf32, #tpu.memory_space<vmem>>, vector<16xf32>,
        %parallel_loop3A_399 = arith.constant 7 : i32
        %parallel_loop3A_400 = vector.broadcast %parallel_loop3A_399 : i32 to vector<16xi32>
        %parallel_loop3A_401 = vector.shape_cast %parallel_loop3A_400 : vector<16xi32> to vector<16x1xi32>
        %parallel_loop3A_402 = vector.shape_cast %parallel_loop3A_401 : vector<16x1xi32> to vector<16xi32>
        %parallel_loop3A_403 = tpu.dynamic_gather %parallel_loop3A_249[%parallel_loop3A_402] in [0] : vector<16xf32>, vector<16xi32> -> vector<16xf32>
        %parallel_loop3A_404 = arith.constant 7 : i32
        %parallel_loop3A_405 = arith.addi %parallel_loop3A_251, %parallel_loop3A_404 : i32
        %parallel_loop3A_406 = arith.index_cast %parallel_loop3A_405 : i32 to index
        %parallel_loop3A_407 = arith.constant 0 : index
        %parallel_loop3A_408 = tpu.vector_load %arg13[%parallel_loop3A_406, %parallel_loop3A_407] {strides = array<i32>} : memref<128x16xf32, #tpu.memory_space<vmem>>, vector<16xf32>,
        %parallel_loop3A_409 = arith.mulf %parallel_loop3A_408, %parallel_loop3A_403 : vector<16xf32>
        %parallel_loop3A_410 = arith.constant 7 : i32
        %parallel_loop3A_411 = arith.addi %parallel_loop3A_251, %parallel_loop3A_410 : i32
        %parallel_loop3A_412 = arith.index_cast %parallel_loop3A_411 : i32 to index
        %parallel_loop3A_413 = arith.constant 0 : index
        %parallel_loop3A_414 = tpu.vector_load %arg15[%parallel_loop3A_412, %parallel_loop3A_413] {strides = array<i32>} : memref<128x32xf32, #tpu.memory_space<vmem>>, vector<16xf32>,
        tpu.vector_store %arg15[%parallel_loop3A_412, %parallel_loop3A_413], %parallel_loop3A_409 {strides = array<i32>} : memref<128x32xf32, #tpu.memory_space<vmem>>, vector<16xf32>,
        %parallel_loop3A_415 = arith.constant 7 : i32
        %parallel_loop3A_416 = arith.addi %parallel_loop3A_251, %parallel_loop3A_415 : i32
        %parallel_loop3A_417 = arith.index_cast %parallel_loop3A_416 : i32 to index
        %parallel_loop3A_418 = arith.constant 16 : index
        %parallel_loop3A_419 = tpu.vector_load %arg15[%parallel_loop3A_417, %parallel_loop3A_418] {strides = array<i32>} : memref<128x32xf32, #tpu.memory_space<vmem>>, vector<16xf32>,
        tpu.vector_store %arg15[%parallel_loop3A_417, %parallel_loop3A_418], %parallel_loop3A_403 {strides = array<i32>} : memref<128x32xf32, #tpu.memory_space<vmem>>, vector<16xf32>,
        %parallel_loop3A_420 = arith.constant 8 : i32
        %parallel_loop3A_421 = vector.broadcast %parallel_loop3A_420 : i32 to vector<16xi32>
        %parallel_loop3A_422 = vector.shape_cast %parallel_loop3A_421 : vector<16xi32> to vector<16x1xi32>
        %parallel_loop3A_423 = vector.shape_cast %parallel_loop3A_422 : vector<16x1xi32> to vector<16xi32>
        %parallel_loop3A_424 = tpu.dynamic_gather %parallel_loop3A_249[%parallel_loop3A_423] in [0] : vector<16xf32>, vector<16xi32> -> vector<16xf32>
        %parallel_loop3A_425 = arith.constant 8 : i32
        %parallel_loop3A_426 = arith.addi %parallel_loop3A_251, %parallel_loop3A_425 : i32
        %parallel_loop3A_427 = arith.index_cast %parallel_loop3A_426 : i32 to index
        %parallel_loop3A_428 = arith.constant 0 : index
        %parallel_loop3A_429 = tpu.vector_load %arg13[%parallel_loop3A_427, %parallel_loop3A_428] {strides = array<i32>} : memref<128x16xf32, #tpu.memory_space<vmem>>, vector<16xf32>,
        %parallel_loop3A_430 = arith.mulf %parallel_loop3A_429, %parallel_loop3A_424 : vector<16xf32>
        %parallel_loop3A_431 = arith.constant 8 : i32
        %parallel_loop3A_432 = arith.addi %parallel_loop3A_251, %parallel_loop3A_431 : i32
        %parallel_loop3A_433 = arith.index_cast %parallel_loop3A_432 : i32 to index
        %parallel_loop3A_434 = arith.constant 0 : index
        %parallel_loop3A_435 = tpu.vector_load %arg15[%parallel_loop3A_433, %parallel_loop3A_434] {strides = array<i32>} : memref<128x32xf32, #tpu.memory_space<vmem>>, vector<16xf32>,
        tpu.vector_store %arg15[%parallel_loop3A_433, %parallel_loop3A_434], %parallel_loop3A_430 {strides = array<i32>} : memref<128x32xf32, #tpu.memory_space<vmem>>, vector<16xf32>,
        %parallel_loop3A_436 = arith.constant 8 : i32
        %parallel_loop3A_437 = arith.addi %parallel_loop3A_251, %parallel_loop3A_436 : i32
        %parallel_loop3A_438 = arith.index_cast %parallel_loop3A_437 : i32 to index
        %parallel_loop3A_439 = arith.constant 16 : index
        %parallel_loop3A_440 = tpu.vector_load %arg15[%parallel_loop3A_438, %parallel_loop3A_439] {strides = array<i32>} : memref<128x32xf32, #tpu.memory_space<vmem>>, vector<16xf32>,
        tpu.vector_store %arg15[%parallel_loop3A_438, %parallel_loop3A_439], %parallel_loop3A_424 {strides = array<i32>} : memref<128x32xf32, #tpu.memory_space<vmem>>, vector<16xf32>,
        %parallel_loop3A_441 = arith.constant 9 : i32
        %parallel_loop3A_442 = vector.broadcast %parallel_loop3A_441 : i32 to vector<16xi32>
        %parallel_loop3A_443 = vector.shape_cast %parallel_loop3A_442 : vector<16xi32> to vector<16x1xi32>
        %parallel_loop3A_444 = vector.shape_cast %parallel_loop3A_443 : vector<16x1xi32> to vector<16xi32>
        %parallel_loop3A_445 = tpu.dynamic_gather %parallel_loop3A_249[%parallel_loop3A_444] in [0] : vector<16xf32>, vector<16xi32> -> vector<16xf32>
        %parallel_loop3A_446 = arith.constant 9 : i32
        %parallel_loop3A_447 = arith.addi %parallel_loop3A_251, %parallel_loop3A_446 : i32
        %parallel_loop3A_448 = arith.index_cast %parallel_loop3A_447 : i32 to index
        %parallel_loop3A_449 = arith.constant 0 : index
        %parallel_loop3A_450 = tpu.vector_load %arg13[%parallel_loop3A_448, %parallel_loop3A_449] {strides = array<i32>} : memref<128x16xf32, #tpu.memory_space<vmem>>, vector<16xf32>,
        %parallel_loop3A_451 = arith.mulf %parallel_loop3A_450, %parallel_loop3A_445 : vector<16xf32>
        %parallel_loop3A_452 = arith.constant 9 : i32
        %parallel_loop3A_453 = arith.addi %parallel_loop3A_251, %parallel_loop3A_452 : i32
        %parallel_loop3A_454 = arith.index_cast %parallel_loop3A_453 : i32 to index
        %parallel_loop3A_455 = arith.constant 0 : index
        %parallel_loop3A_456 = tpu.vector_load %arg15[%parallel_loop3A_454, %parallel_loop3A_455] {strides = array<i32>} : memref<128x32xf32, #tpu.memory_space<vmem>>, vector<16xf32>,
        tpu.vector_store %arg15[%parallel_loop3A_454, %parallel_loop3A_455], %parallel_loop3A_451 {strides = array<i32>} : memref<128x32xf32, #tpu.memory_space<vmem>>, vector<16xf32>,
        %parallel_loop3A_457 = arith.constant 9 : i32
        %parallel_loop3A_458 = arith.addi %parallel_loop3A_251, %parallel_loop3A_457 : i32
        %parallel_loop3A_459 = arith.index_cast %parallel_loop3A_458 : i32 to index
        %parallel_loop3A_460 = arith.constant 16 : index
        %parallel_loop3A_461 = tpu.vector_load %arg15[%parallel_loop3A_459, %parallel_loop3A_460] {strides = array<i32>} : memref<128x32xf32, #tpu.memory_space<vmem>>, vector<16xf32>,
        tpu.vector_store %arg15[%parallel_loop3A_459, %parallel_loop3A_460], %parallel_loop3A_445 {strides = array<i32>} : memref<128x32xf32, #tpu.memory_space<vmem>>, vector<16xf32>,
        %parallel_loop3A_462 = arith.constant 10 : i32
        %parallel_loop3A_463 = vector.broadcast %parallel_loop3A_462 : i32 to vector<16xi32>
        %parallel_loop3A_464 = vector.shape_cast %parallel_loop3A_463 : vector<16xi32> to vector<16x1xi32>
        %parallel_loop3A_465 = vector.shape_cast %parallel_loop3A_464 : vector<16x1xi32> to vector<16xi32>
        %parallel_loop3A_466 = tpu.dynamic_gather %parallel_loop3A_249[%parallel_loop3A_465] in [0] : vector<16xf32>, vector<16xi32> -> vector<16xf32>
        %parallel_loop3A_467 = arith.constant 10 : i32
        %parallel_loop3A_468 = arith.addi %parallel_loop3A_251, %parallel_loop3A_467 : i32
        %parallel_loop3A_469 = arith.index_cast %parallel_loop3A_468 : i32 to index
        %parallel_loop3A_470 = arith.constant 0 : index
        %parallel_loop3A_471 = tpu.vector_load %arg13[%parallel_loop3A_469, %parallel_loop3A_470] {strides = array<i32>} : memref<128x16xf32, #tpu.memory_space<vmem>>, vector<16xf32>,
        %parallel_loop3A_472 = arith.mulf %parallel_loop3A_471, %parallel_loop3A_466 : vector<16xf32>
        %parallel_loop3A_473 = arith.constant 10 : i32
        %parallel_loop3A_474 = arith.addi %parallel_loop3A_251, %parallel_loop3A_473 : i32
        %parallel_loop3A_475 = arith.index_cast %parallel_loop3A_474 : i32 to index
        %parallel_loop3A_476 = arith.constant 0 : index
        %parallel_loop3A_477 = tpu.vector_load %arg15[%parallel_loop3A_475, %parallel_loop3A_476] {strides = array<i32>} : memref<128x32xf32, #tpu.memory_space<vmem>>, vector<16xf32>,
        tpu.vector_store %arg15[%parallel_loop3A_475, %parallel_loop3A_476], %parallel_loop3A_472 {strides = array<i32>} : memref<128x32xf32, #tpu.memory_space<vmem>>, vector<16xf32>,
        %parallel_loop3A_478 = arith.constant 10 : i32
        %parallel_loop3A_479 = arith.addi %parallel_loop3A_251, %parallel_loop3A_478 : i32
        %parallel_loop3A_480 = arith.index_cast %parallel_loop3A_479 : i32 to index
        %parallel_loop3A_481 = arith.constant 16 : index
        %parallel_loop3A_482 = tpu.vector_load %arg15[%parallel_loop3A_480, %parallel_loop3A_481] {strides = array<i32>} : memref<128x32xf32, #tpu.memory_space<vmem>>, vector<16xf32>,
        tpu.vector_store %arg15[%parallel_loop3A_480, %parallel_loop3A_481], %parallel_loop3A_466 {strides = array<i32>} : memref<128x32xf32, #tpu.memory_space<vmem>>, vector<16xf32>,
        %parallel_loop3A_483 = arith.constant 11 : i32
        %parallel_loop3A_484 = vector.broadcast %parallel_loop3A_483 : i32 to vector<16xi32>
        %parallel_loop3A_485 = vector.shape_cast %parallel_loop3A_484 : vector<16xi32> to vector<16x1xi32>
        %parallel_loop3A_486 = vector.shape_cast %parallel_loop3A_485 : vector<16x1xi32> to vector<16xi32>
        %parallel_loop3A_487 = tpu.dynamic_gather %parallel_loop3A_249[%parallel_loop3A_486] in [0] : vector<16xf32>, vector<16xi32> -> vector<16xf32>
        %parallel_loop3A_488 = arith.constant 11 : i32
        %parallel_loop3A_489 = arith.addi %parallel_loop3A_251, %parallel_loop3A_488 : i32
        %parallel_loop3A_490 = arith.index_cast %parallel_loop3A_489 : i32 to index
        %parallel_loop3A_491 = arith.constant 0 : index
        %parallel_loop3A_492 = tpu.vector_load %arg13[%parallel_loop3A_490, %parallel_loop3A_491] {strides = array<i32>} : memref<128x16xf32, #tpu.memory_space<vmem>>, vector<16xf32>,
        %parallel_loop3A_493 = arith.mulf %parallel_loop3A_492, %parallel_loop3A_487 : vector<16xf32>
        %parallel_loop3A_494 = arith.constant 11 : i32
        %parallel_loop3A_495 = arith.addi %parallel_loop3A_251, %parallel_loop3A_494 : i32
        %parallel_loop3A_496 = arith.index_cast %parallel_loop3A_495 : i32 to index
        %parallel_loop3A_497 = arith.constant 0 : index
        %parallel_loop3A_498 = tpu.vector_load %arg15[%parallel_loop3A_496, %parallel_loop3A_497] {strides = array<i32>} : memref<128x32xf32, #tpu.memory_space<vmem>>, vector<16xf32>,
        tpu.vector_store %arg15[%parallel_loop3A_496, %parallel_loop3A_497], %parallel_loop3A_493 {strides = array<i32>} : memref<128x32xf32, #tpu.memory_space<vmem>>, vector<16xf32>,
        %parallel_loop3A_499 = arith.constant 11 : i32
        %parallel_loop3A_500 = arith.addi %parallel_loop3A_251, %parallel_loop3A_499 : i32
        %parallel_loop3A_501 = arith.index_cast %parallel_loop3A_500 : i32 to index
        %parallel_loop3A_502 = arith.constant 16 : index
        %parallel_loop3A_503 = tpu.vector_load %arg15[%parallel_loop3A_501, %parallel_loop3A_502] {strides = array<i32>} : memref<128x32xf32, #tpu.memory_space<vmem>>, vector<16xf32>,
        tpu.vector_store %arg15[%parallel_loop3A_501, %parallel_loop3A_502], %parallel_loop3A_487 {strides = array<i32>} : memref<128x32xf32, #tpu.memory_space<vmem>>, vector<16xf32>,
        %parallel_loop3A_504 = arith.constant 12 : i32
        %parallel_loop3A_505 = vector.broadcast %parallel_loop3A_504 : i32 to vector<16xi32>
        %parallel_loop3A_506 = vector.shape_cast %parallel_loop3A_505 : vector<16xi32> to vector<16x1xi32>
        %parallel_loop3A_507 = vector.shape_cast %parallel_loop3A_506 : vector<16x1xi32> to vector<16xi32>
        %parallel_loop3A_508 = tpu.dynamic_gather %parallel_loop3A_249[%parallel_loop3A_507] in [0] : vector<16xf32>, vector<16xi32> -> vector<16xf32>
        %parallel_loop3A_509 = arith.constant 12 : i32
        %parallel_loop3A_510 = arith.addi %parallel_loop3A_251, %parallel_loop3A_509 : i32
        %parallel_loop3A_511 = arith.index_cast %parallel_loop3A_510 : i32 to index
        %parallel_loop3A_512 = arith.constant 0 : index
        %parallel_loop3A_513 = tpu.vector_load %arg13[%parallel_loop3A_511, %parallel_loop3A_512] {strides = array<i32>} : memref<128x16xf32, #tpu.memory_space<vmem>>, vector<16xf32>,
        %parallel_loop3A_514 = arith.mulf %parallel_loop3A_513, %parallel_loop3A_508 : vector<16xf32>
        %parallel_loop3A_515 = arith.constant 12 : i32
        %parallel_loop3A_516 = arith.addi %parallel_loop3A_251, %parallel_loop3A_515 : i32
        %parallel_loop3A_517 = arith.index_cast %parallel_loop3A_516 : i32 to index
        %parallel_loop3A_518 = arith.constant 0 : index
        %parallel_loop3A_519 = tpu.vector_load %arg15[%parallel_loop3A_517, %parallel_loop3A_518] {strides = array<i32>} : memref<128x32xf32, #tpu.memory_space<vmem>>, vector<16xf32>,
        tpu.vector_store %arg15[%parallel_loop3A_517, %parallel_loop3A_518], %parallel_loop3A_514 {strides = array<i32>} : memref<128x32xf32, #tpu.memory_space<vmem>>, vector<16xf32>,
        %parallel_loop3A_520 = arith.constant 12 : i32
        %parallel_loop3A_521 = arith.addi %parallel_loop3A_251, %parallel_loop3A_520 : i32
        %parallel_loop3A_522 = arith.index_cast %parallel_loop3A_521 : i32 to index
        %parallel_loop3A_523 = arith.constant 16 : index
        %parallel_loop3A_524 = tpu.vector_load %arg15[%parallel_loop3A_522, %parallel_loop3A_523] {strides = array<i32>} : memref<128x32xf32, #tpu.memory_space<vmem>>, vector<16xf32>,
        tpu.vector_store %arg15[%parallel_loop3A_522, %parallel_loop3A_523], %parallel_loop3A_508 {strides = array<i32>} : memref<128x32xf32, #tpu.memory_space<vmem>>, vector<16xf32>,
        %parallel_loop3A_525 = arith.constant 13 : i32
        %parallel_loop3A_526 = vector.broadcast %parallel_loop3A_525 : i32 to vector<16xi32>
        %parallel_loop3A_527 = vector.shape_cast %parallel_loop3A_526 : vector<16xi32> to vector<16x1xi32>
        %parallel_loop3A_528 = vector.shape_cast %parallel_loop3A_527 : vector<16x1xi32> to vector<16xi32>
        %parallel_loop3A_529 = tpu.dynamic_gather %parallel_loop3A_249[%parallel_loop3A_528] in [0] : vector<16xf32>, vector<16xi32> -> vector<16xf32>
        %parallel_loop3A_530 = arith.constant 13 : i32
        %parallel_loop3A_531 = arith.addi %parallel_loop3A_251, %parallel_loop3A_530 : i32
        %parallel_loop3A_532 = arith.index_cast %parallel_loop3A_531 : i32 to index
        %parallel_loop3A_533 = arith.constant 0 : index
        %parallel_loop3A_534 = tpu.vector_load %arg13[%parallel_loop3A_532, %parallel_loop3A_533] {strides = array<i32>} : memref<128x16xf32, #tpu.memory_space<vmem>>, vector<16xf32>,
        %parallel_loop3A_535 = arith.mulf %parallel_loop3A_534, %parallel_loop3A_529 : vector<16xf32>
        %parallel_loop3A_536 = arith.constant 13 : i32
        %parallel_loop3A_537 = arith.addi %parallel_loop3A_251, %parallel_loop3A_536 : i32
        %parallel_loop3A_538 = arith.index_cast %parallel_loop3A_537 : i32 to index
        %parallel_loop3A_539 = arith.constant 0 : index
        %parallel_loop3A_540 = tpu.vector_load %arg15[%parallel_loop3A_538, %parallel_loop3A_539] {strides = array<i32>} : memref<128x32xf32, #tpu.memory_space<vmem>>, vector<16xf32>,
        tpu.vector_store %arg15[%parallel_loop3A_538, %parallel_loop3A_539], %parallel_loop3A_535 {strides = array<i32>} : memref<128x32xf32, #tpu.memory_space<vmem>>, vector<16xf32>,
        %parallel_loop3A_541 = arith.constant 13 : i32
        %parallel_loop3A_542 = arith.addi %parallel_loop3A_251, %parallel_loop3A_541 : i32
        %parallel_loop3A_543 = arith.index_cast %parallel_loop3A_542 : i32 to index
        %parallel_loop3A_544 = arith.constant 16 : index
        %parallel_loop3A_545 = tpu.vector_load %arg15[%parallel_loop3A_543, %parallel_loop3A_544] {strides = array<i32>} : memref<128x32xf32, #tpu.memory_space<vmem>>, vector<16xf32>,
        tpu.vector_store %arg15[%parallel_loop3A_543, %parallel_loop3A_544], %parallel_loop3A_529 {strides = array<i32>} : memref<128x32xf32, #tpu.memory_space<vmem>>, vector<16xf32>,
        %parallel_loop3A_546 = arith.constant 14 : i32
        %parallel_loop3A_547 = vector.broadcast %parallel_loop3A_546 : i32 to vector<16xi32>
        %parallel_loop3A_548 = vector.shape_cast %parallel_loop3A_547 : vector<16xi32> to vector<16x1xi32>
        %parallel_loop3A_549 = vector.shape_cast %parallel_loop3A_548 : vector<16x1xi32> to vector<16xi32>
        %parallel_loop3A_550 = tpu.dynamic_gather %parallel_loop3A_249[%parallel_loop3A_549] in [0] : vector<16xf32>, vector<16xi32> -> vector<16xf32>
        %parallel_loop3A_551 = arith.constant 14 : i32
        %parallel_loop3A_552 = arith.addi %parallel_loop3A_251, %parallel_loop3A_551 : i32
        %parallel_loop3A_553 = arith.index_cast %parallel_loop3A_552 : i32 to index
        %parallel_loop3A_554 = arith.constant 0 : index
        %parallel_loop3A_555 = tpu.vector_load %arg13[%parallel_loop3A_553, %parallel_loop3A_554] {strides = array<i32>} : memref<128x16xf32, #tpu.memory_space<vmem>>, vector<16xf32>,
        %parallel_loop3A_556 = arith.mulf %parallel_loop3A_555, %parallel_loop3A_550 : vector<16xf32>
        %parallel_loop3A_557 = arith.constant 14 : i32
        %parallel_loop3A_558 = arith.addi %parallel_loop3A_251, %parallel_loop3A_557 : i32
        %parallel_loop3A_559 = arith.index_cast %parallel_loop3A_558 : i32 to index
        %parallel_loop3A_560 = arith.constant 0 : index
        %parallel_loop3A_561 = tpu.vector_load %arg15[%parallel_loop3A_559, %parallel_loop3A_560] {strides = array<i32>} : memref<128x32xf32, #tpu.memory_space<vmem>>, vector<16xf32>,
        tpu.vector_store %arg15[%parallel_loop3A_559, %parallel_loop3A_560], %parallel_loop3A_556 {strides = array<i32>} : memref<128x32xf32, #tpu.memory_space<vmem>>, vector<16xf32>,
        %parallel_loop3A_562 = arith.constant 14 : i32
        %parallel_loop3A_563 = arith.addi %parallel_loop3A_251, %parallel_loop3A_562 : i32
        %parallel_loop3A_564 = arith.index_cast %parallel_loop3A_563 : i32 to index
        %parallel_loop3A_565 = arith.constant 16 : index
        %parallel_loop3A_566 = tpu.vector_load %arg15[%parallel_loop3A_564, %parallel_loop3A_565] {strides = array<i32>} : memref<128x32xf32, #tpu.memory_space<vmem>>, vector<16xf32>,
        tpu.vector_store %arg15[%parallel_loop3A_564, %parallel_loop3A_565], %parallel_loop3A_550 {strides = array<i32>} : memref<128x32xf32, #tpu.memory_space<vmem>>, vector<16xf32>,
        %parallel_loop3A_567 = arith.constant 15 : i32
        %parallel_loop3A_568 = vector.broadcast %parallel_loop3A_567 : i32 to vector<16xi32>
        %parallel_loop3A_569 = vector.shape_cast %parallel_loop3A_568 : vector<16xi32> to vector<16x1xi32>
        %parallel_loop3A_570 = vector.shape_cast %parallel_loop3A_569 : vector<16x1xi32> to vector<16xi32>
        %parallel_loop3A_571 = tpu.dynamic_gather %parallel_loop3A_249[%parallel_loop3A_570] in [0] : vector<16xf32>, vector<16xi32> -> vector<16xf32>
        %parallel_loop3A_572 = arith.constant 15 : i32
        %parallel_loop3A_573 = arith.addi %parallel_loop3A_251, %parallel_loop3A_572 : i32
        %parallel_loop3A_574 = arith.index_cast %parallel_loop3A_573 : i32 to index
        %parallel_loop3A_575 = arith.constant 0 : index
        %parallel_loop3A_576 = tpu.vector_load %arg13[%parallel_loop3A_574, %parallel_loop3A_575] {strides = array<i32>} : memref<128x16xf32, #tpu.memory_space<vmem>>, vector<16xf32>,
        %parallel_loop3A_577 = arith.mulf %parallel_loop3A_576, %parallel_loop3A_571 : vector<16xf32>
        %parallel_loop3A_578 = arith.constant 15 : i32
        %parallel_loop3A_579 = arith.addi %parallel_loop3A_251, %parallel_loop3A_578 : i32
        %parallel_loop3A_580 = arith.index_cast %parallel_loop3A_579 : i32 to index
        %parallel_loop3A_581 = arith.constant 0 : index
        %parallel_loop3A_582 = tpu.vector_load %arg15[%parallel_loop3A_580, %parallel_loop3A_581] {strides = array<i32>} : memref<128x32xf32, #tpu.memory_space<vmem>>, vector<16xf32>,
        tpu.vector_store %arg15[%parallel_loop3A_580, %parallel_loop3A_581], %parallel_loop3A_577 {strides = array<i32>} : memref<128x32xf32, #tpu.memory_space<vmem>>, vector<16xf32>,
        %parallel_loop3A_583 = arith.constant 15 : i32
        %parallel_loop3A_584 = arith.addi %parallel_loop3A_251, %parallel_loop3A_583 : i32
        %parallel_loop3A_585 = arith.index_cast %parallel_loop3A_584 : i32 to index
        %parallel_loop3A_586 = arith.constant 16 : index
        %parallel_loop3A_587 = tpu.vector_load %arg15[%parallel_loop3A_585, %parallel_loop3A_586] {strides = array<i32>} : memref<128x32xf32, #tpu.memory_space<vmem>>, vector<16xf32>,
        tpu.vector_store %arg15[%parallel_loop3A_585, %parallel_loop3A_586], %parallel_loop3A_571 {strides = array<i32>} : memref<128x32xf32, #tpu.memory_space<vmem>>, vector<16xf32>,
      } {sc.loop_unroll_factor = 2 : i64, sc.parallel_access}
      %dma_start3A_195 = arith.constant 0 : i32
      %dma_start3A_196 = tpu.memref_slice %arg12[%mul3A_174, %dma_start3A_195] : memref<158x128xi32, #tpu.memory_space<vmem>> -> memref<1x128xi32, #tpu.memory_space<vmem>>
      %dma_start3A_197 = tpu.memref_squeeze %dma_start3A_196 : memref<1x128xi32, #tpu.memory_space<vmem>> -> memref<128xi32, #tpu.memory_space<vmem>>
      %dma_start3A_198 = arith.constant 0 : i32
      %dma_start3A_199 = arith.constant 0 : i32
      %dma_start3A_200 = tpu.memref_slice %arg8[%dma_start3A_198, %dma_start3A_199] : memref<10240x32xf32, #tpu.memory_space<vmem_shared>> -> memref<10240x32xf32, #tpu.memory_space<vmem_shared>>
      tpu.enqueue_indirect_dma source(%arg15 : memref<128x32xf32, #tpu.memory_space<vmem>>) target(%dma_start3A_200 : memref<10240x32xf32, #tpu.memory_space<vmem_shared>>) offsets(%dma_start3A_197 : memref<128xi32, #tpu.memory_space<vmem>>) semaphore(%arg20 : memref<!tpu.dma_semaphore, #tpu.memory_space<semaphore_mem>>) {add = true}
      %add3A_201 = arith.constant 2 : i32
      %add3A_202 = arith.addi %mul3A_174, %add3A_201 : i32
      %lt3A = arith.constant 158 : i32
      %lt3A_203 = arith.cmpi slt, %add3A_202, %lt3A : i32
      %convert_element_type3A_204 = arith.extui %lt3A_203 : i1 to i32
      %cond3A_205 = arith.constant 0 : i32
      %cond3A_206 = arith.cmpi ne, %convert_element_type3A_204, %cond3A_205 : i32
      scf.if %cond3A_206 {
        %add3A_231 = arith.constant 2 : i32
        %add3A_232 = arith.addi %mul3A_174, %add3A_231 : i32
        %dma_start3A_233 = arith.constant 0 : i32
        %dma_start3A_234 = tpu.memref_slice %arg11[%add3A_232, %dma_start3A_233] : memref<158x128xi32, #tpu.memory_space<vmem>> -> memref<1x128xi32, #tpu.memory_space<vmem>>
        %dma_start3A_235 = tpu.memref_squeeze %dma_start3A_234 : memref<1x128xi32, #tpu.memory_space<vmem>> -> memref<128xi32, #tpu.memory_space<vmem>>
        %dma_start3A_236 = arith.constant 0 : i32
        %dma_start3A_237 = arith.constant 0 : i32
        %dma_start3A_238 = tpu.memref_slice %arg2[%dma_start3A_236, %dma_start3A_237] : memref<10000x16xf32, #tpu.memory_space<hbm>> -> memref<10000x16xf32, #tpu.memory_space<hbm>>
        tpu.enqueue_indirect_dma source(%dma_start3A_238 : memref<10000x16xf32, #tpu.memory_space<hbm>>) target(%arg13 : memref<128x16xf32, #tpu.memory_space<vmem>>) offsets(%dma_start3A_235 : memref<128xi32, #tpu.memory_space<vmem>>) semaphore(%arg18 : memref<!tpu.dma_semaphore, #tpu.memory_space<semaphore_mem>>)
      } else {
      }
      %add3A_207 = arith.constant 1 : i32
      %add3A_208 = arith.addi %mul3A_174, %add3A_207 : i32
      %dma_wait3A_209 = arith.constant 0 : i32
      %dma_wait3A_210 = arith.constant 0 : i32
      %dma_wait3A_211 = tpu.memref_slice %arg11[%dma_wait3A_209, %dma_wait3A_210] : memref<158x128xi32, #tpu.memory_space<vmem>> -> memref<1x128xi32, #tpu.memory_space<vmem>>
      %dma_wait3A_212 = tpu.memref_squeeze %dma_wait3A_211 : memref<1x128xi32, #tpu.memory_space<vmem>> -> memref<128xi32, #tpu.memory_space<vmem>>
      %dma_wait3A_213 = arith.constant 0 : i32
      %dma_wait3A_214 = arith.constant 0 : i32
      %dma_wait3A_215 = tpu.memref_slice %arg2[%dma_wait3A_213, %dma_wait3A_214] : memref<10000x16xf32, #tpu.memory_space<hbm>> -> memref<10000x16xf32, #tpu.memory_space<hbm>>
      tpu.wait_indirect_dma semaphore(%arg19 : memref<!tpu.dma_semaphore, #tpu.memory_space<semaphore_mem>>) src(%dma_wait3A_215 : memref<10000x16xf32, #tpu.memory_space<hbm>>) dst(%arg14 : memref<128x16xf32, #tpu.memory_space<vmem>>)
      %ge3A_216 = arith.constant 2 : i32
      %ge3A_217 = arith.cmpi sge, %add3A_208, %ge3A_216 : i32
      %convert_element_type3A_218 = arith.extui %ge3A_217 : i1 to i32
      %cond3A_219 = arith.constant 0 : i32
      %cond3A_220 = arith.cmpi ne, %convert_element_type3A_218, %cond3A_219 : i32
      scf.if %cond3A_220 {
        %dma_wait3A_231 = arith.constant 0 : i32
        %dma_wait3A_232 = arith.constant 0 : i32
        %dma_wait3A_233 = tpu.memref_slice %arg12[%dma_wait3A_231, %dma_wait3A_232] : memref<158x128xi32, #tpu.memory_space<vmem>> -> memref<1x128xi32, #tpu.memory_space<vmem>>
        %dma_wait3A_234 = tpu.memref_squeeze %dma_wait3A_233 : memref<1x128xi32, #tpu.memory_space<vmem>> -> memref<128xi32, #tpu.memory_space<vmem>>
        %dma_wait3A_235 = arith.constant 0 : i32
        %dma_wait3A_236 = arith.constant 0 : i32
        %dma_wait3A_237 = tpu.memref_slice %arg8[%dma_wait3A_235, %dma_wait3A_236] : memref<10240x32xf32, #tpu.memory_space<vmem_shared>> -> memref<10240x32xf32, #tpu.memory_space<vmem_shared>>
        tpu.wait_indirect_dma semaphore(%arg21 : memref<!tpu.dma_semaphore, #tpu.memory_space<semaphore_mem>>) src(%arg16 : memref<128x32xf32, #tpu.memory_space<vmem>>) dst(%dma_wait3A_237 : memref<10240x32xf32, #tpu.memory_space<vmem_shared>>)
      } else {
      }
      %parallel_loop3A_221 = arith.constant 0 : i32
      %parallel_loop3A_222 = arith.constant 8 : i32
      %parallel_loop3A_223 = arith.constant 1 : i32
      scf.for %parallel_loop3A_231 = %parallel_loop3A_221 to %parallel_loop3A_222 step %parallel_loop3A_223  : i32 {
        %parallel_loop3A_232 = arith.constant 16 : i32
        %parallel_loop3A_233 = arith.muli %parallel_loop3A_232, %parallel_loop3A_231 : i32
        %parallel_loop3A_234 = arith.index_cast %add3A_208 : i32 to index
        %parallel_loop3A_235 = arith.index_cast %parallel_loop3A_233 : i32 to index
        %parallel_loop3A_236 = tpu.vector_load %arg11[%parallel_loop3A_234, %parallel_loop3A_235] {strides = array<i32>} : memref<158x128xi32, #tpu.memory_space<vmem>>, vector<16xi32>,
        %parallel_loop3A_237 = arith.constant 16 : i32
        %parallel_loop3A_238 = arith.muli %parallel_loop3A_237, %parallel_loop3A_231 : i32
        %parallel_loop3A_239 = arith.index_cast %add3A_208 : i32 to index
        %parallel_loop3A_240 = arith.index_cast %parallel_loop3A_238 : i32 to index
        %parallel_loop3A_241 = tpu.vector_load %arg12[%parallel_loop3A_239, %parallel_loop3A_240] {strides = array<i32>} : memref<158x128xi32, #tpu.memory_space<vmem>>, vector<16xi32>,
        %parallel_loop3A_242 = tpu.vector_load_idx %arg9[%parallel_loop3A_236] : memref<10240xf32, #tpu.memory_space<vmem>>[vector<16xi32>], vector<16xf32>,
        %parallel_loop3A_243 = tpu.vector_load_idx %arg10[%parallel_loop3A_241] : memref<10240xf32, #tpu.memory_space<vmem>>[vector<16xi32>], vector<16xf32>,
        %parallel_loop3A_244 = arith.addf %parallel_loop3A_242, %parallel_loop3A_243 : vector<16xf32>
        %parallel_loop3A_245 = arith.constant 2.000000e-01 : f32
        %parallel_loop3A_246 = vector.broadcast %parallel_loop3A_245 : f32 to vector<16xf32>
        %parallel_loop3A_247 = arith.mulf %parallel_loop3A_246, %parallel_loop3A_244 : vector<16xf32>
        %parallel_loop3A_248 = arith.maximumf %parallel_loop3A_244, %parallel_loop3A_247 : vector<16xf32>
        %parallel_loop3A_249 = math.exp %parallel_loop3A_248 : vector<16xf32>
        %parallel_loop3A_250 = arith.constant 16 : i32
        %parallel_loop3A_251 = arith.muli %parallel_loop3A_250, %parallel_loop3A_231 : i32
        %parallel_loop3A_252 = arith.constant 0 : i32
        %parallel_loop3A_253 = vector.broadcast %parallel_loop3A_252 : i32 to vector<16xi32>
        %parallel_loop3A_254 = vector.shape_cast %parallel_loop3A_253 : vector<16xi32> to vector<16x1xi32>
        %parallel_loop3A_255 = vector.shape_cast %parallel_loop3A_254 : vector<16x1xi32> to vector<16xi32>
        %parallel_loop3A_256 = tpu.dynamic_gather %parallel_loop3A_249[%parallel_loop3A_255] in [0] : vector<16xf32>, vector<16xi32> -> vector<16xf32>
        %parallel_loop3A_257 = arith.constant 0 : i32
        %parallel_loop3A_258 = arith.addi %parallel_loop3A_251, %parallel_loop3A_257 : i32
        %parallel_loop3A_259 = arith.index_cast %parallel_loop3A_258 : i32 to index
        %parallel_loop3A_260 = arith.constant 0 : index
        %parallel_loop3A_261 = tpu.vector_load %arg14[%parallel_loop3A_259, %parallel_loop3A_260] {strides = array<i32>} : memref<128x16xf32, #tpu.memory_space<vmem>>, vector<16xf32>,
        %parallel_loop3A_262 = arith.mulf %parallel_loop3A_261, %parallel_loop3A_256 : vector<16xf32>
        %parallel_loop3A_263 = arith.constant 0 : i32
        %parallel_loop3A_264 = arith.addi %parallel_loop3A_251, %parallel_loop3A_263 : i32
        %parallel_loop3A_265 = arith.index_cast %parallel_loop3A_264 : i32 to index
        %parallel_loop3A_266 = arith.constant 0 : index
        %parallel_loop3A_267 = tpu.vector_load %arg16[%parallel_loop3A_265, %parallel_loop3A_266] {strides = array<i32>} : memref<128x32xf32, #tpu.memory_space<vmem>>, vector<16xf32>,
        tpu.vector_store %arg16[%parallel_loop3A_265, %parallel_loop3A_266], %parallel_loop3A_262 {strides = array<i32>} : memref<128x32xf32, #tpu.memory_space<vmem>>, vector<16xf32>,
        %parallel_loop3A_268 = arith.constant 0 : i32
        %parallel_loop3A_269 = arith.addi %parallel_loop3A_251, %parallel_loop3A_268 : i32
        %parallel_loop3A_270 = arith.index_cast %parallel_loop3A_269 : i32 to index
        %parallel_loop3A_271 = arith.constant 16 : index
        %parallel_loop3A_272 = tpu.vector_load %arg16[%parallel_loop3A_270, %parallel_loop3A_271] {strides = array<i32>} : memref<128x32xf32, #tpu.memory_space<vmem>>, vector<16xf32>,
        tpu.vector_store %arg16[%parallel_loop3A_270, %parallel_loop3A_271], %parallel_loop3A_256 {strides = array<i32>} : memref<128x32xf32, #tpu.memory_space<vmem>>, vector<16xf32>,
        %parallel_loop3A_273 = arith.constant 1 : i32
        %parallel_loop3A_274 = vector.broadcast %parallel_loop3A_273 : i32 to vector<16xi32>
        %parallel_loop3A_275 = vector.shape_cast %parallel_loop3A_274 : vector<16xi32> to vector<16x1xi32>
        %parallel_loop3A_276 = vector.shape_cast %parallel_loop3A_275 : vector<16x1xi32> to vector<16xi32>
        %parallel_loop3A_277 = tpu.dynamic_gather %parallel_loop3A_249[%parallel_loop3A_276] in [0] : vector<16xf32>, vector<16xi32> -> vector<16xf32>
        %parallel_loop3A_278 = arith.constant 1 : i32
        %parallel_loop3A_279 = arith.addi %parallel_loop3A_251, %parallel_loop3A_278 : i32
        %parallel_loop3A_280 = arith.index_cast %parallel_loop3A_279 : i32 to index
        %parallel_loop3A_281 = arith.constant 0 : index
        %parallel_loop3A_282 = tpu.vector_load %arg14[%parallel_loop3A_280, %parallel_loop3A_281] {strides = array<i32>} : memref<128x16xf32, #tpu.memory_space<vmem>>, vector<16xf32>,
        %parallel_loop3A_283 = arith.mulf %parallel_loop3A_282, %parallel_loop3A_277 : vector<16xf32>
        %parallel_loop3A_284 = arith.constant 1 : i32
        %parallel_loop3A_285 = arith.addi %parallel_loop3A_251, %parallel_loop3A_284 : i32
        %parallel_loop3A_286 = arith.index_cast %parallel_loop3A_285 : i32 to index
        %parallel_loop3A_287 = arith.constant 0 : index
        %parallel_loop3A_288 = tpu.vector_load %arg16[%parallel_loop3A_286, %parallel_loop3A_287] {strides = array<i32>} : memref<128x32xf32, #tpu.memory_space<vmem>>, vector<16xf32>,
        tpu.vector_store %arg16[%parallel_loop3A_286, %parallel_loop3A_287], %parallel_loop3A_283 {strides = array<i32>} : memref<128x32xf32, #tpu.memory_space<vmem>>, vector<16xf32>,
        %parallel_loop3A_289 = arith.constant 1 : i32
        %parallel_loop3A_290 = arith.addi %parallel_loop3A_251, %parallel_loop3A_289 : i32
        %parallel_loop3A_291 = arith.index_cast %parallel_loop3A_290 : i32 to index
        %parallel_loop3A_292 = arith.constant 16 : index
        %parallel_loop3A_293 = tpu.vector_load %arg16[%parallel_loop3A_291, %parallel_loop3A_292] {strides = array<i32>} : memref<128x32xf32, #tpu.memory_space<vmem>>, vector<16xf32>,
        tpu.vector_store %arg16[%parallel_loop3A_291, %parallel_loop3A_292], %parallel_loop3A_277 {strides = array<i32>} : memref<128x32xf32, #tpu.memory_space<vmem>>, vector<16xf32>,
        %parallel_loop3A_294 = arith.constant 2 : i32
        %parallel_loop3A_295 = vector.broadcast %parallel_loop3A_294 : i32 to vector<16xi32>
        %parallel_loop3A_296 = vector.shape_cast %parallel_loop3A_295 : vector<16xi32> to vector<16x1xi32>
        %parallel_loop3A_297 = vector.shape_cast %parallel_loop3A_296 : vector<16x1xi32> to vector<16xi32>
        %parallel_loop3A_298 = tpu.dynamic_gather %parallel_loop3A_249[%parallel_loop3A_297] in [0] : vector<16xf32>, vector<16xi32> -> vector<16xf32>
        %parallel_loop3A_299 = arith.constant 2 : i32
        %parallel_loop3A_300 = arith.addi %parallel_loop3A_251, %parallel_loop3A_299 : i32
        %parallel_loop3A_301 = arith.index_cast %parallel_loop3A_300 : i32 to index
        %parallel_loop3A_302 = arith.constant 0 : index
        %parallel_loop3A_303 = tpu.vector_load %arg14[%parallel_loop3A_301, %parallel_loop3A_302] {strides = array<i32>} : memref<128x16xf32, #tpu.memory_space<vmem>>, vector<16xf32>,
        %parallel_loop3A_304 = arith.mulf %parallel_loop3A_303, %parallel_loop3A_298 : vector<16xf32>
        %parallel_loop3A_305 = arith.constant 2 : i32
        %parallel_loop3A_306 = arith.addi %parallel_loop3A_251, %parallel_loop3A_305 : i32
        %parallel_loop3A_307 = arith.index_cast %parallel_loop3A_306 : i32 to index
        %parallel_loop3A_308 = arith.constant 0 : index
        %parallel_loop3A_309 = tpu.vector_load %arg16[%parallel_loop3A_307, %parallel_loop3A_308] {strides = array<i32>} : memref<128x32xf32, #tpu.memory_space<vmem>>, vector<16xf32>,
        tpu.vector_store %arg16[%parallel_loop3A_307, %parallel_loop3A_308], %parallel_loop3A_304 {strides = array<i32>} : memref<128x32xf32, #tpu.memory_space<vmem>>, vector<16xf32>,
        %parallel_loop3A_310 = arith.constant 2 : i32
        %parallel_loop3A_311 = arith.addi %parallel_loop3A_251, %parallel_loop3A_310 : i32
        %parallel_loop3A_312 = arith.index_cast %parallel_loop3A_311 : i32 to index
        %parallel_loop3A_313 = arith.constant 16 : index
        %parallel_loop3A_314 = tpu.vector_load %arg16[%parallel_loop3A_312, %parallel_loop3A_313] {strides = array<i32>} : memref<128x32xf32, #tpu.memory_space<vmem>>, vector<16xf32>,
        tpu.vector_store %arg16[%parallel_loop3A_312, %parallel_loop3A_313], %parallel_loop3A_298 {strides = array<i32>} : memref<128x32xf32, #tpu.memory_space<vmem>>, vector<16xf32>,
        %parallel_loop3A_315 = arith.constant 3 : i32
        %parallel_loop3A_316 = vector.broadcast %parallel_loop3A_315 : i32 to vector<16xi32>
        %parallel_loop3A_317 = vector.shape_cast %parallel_loop3A_316 : vector<16xi32> to vector<16x1xi32>
        %parallel_loop3A_318 = vector.shape_cast %parallel_loop3A_317 : vector<16x1xi32> to vector<16xi32>
        %parallel_loop3A_319 = tpu.dynamic_gather %parallel_loop3A_249[%parallel_loop3A_318] in [0] : vector<16xf32>, vector<16xi32> -> vector<16xf32>
        %parallel_loop3A_320 = arith.constant 3 : i32
        %parallel_loop3A_321 = arith.addi %parallel_loop3A_251, %parallel_loop3A_320 : i32
        %parallel_loop3A_322 = arith.index_cast %parallel_loop3A_321 : i32 to index
        %parallel_loop3A_323 = arith.constant 0 : index
        %parallel_loop3A_324 = tpu.vector_load %arg14[%parallel_loop3A_322, %parallel_loop3A_323] {strides = array<i32>} : memref<128x16xf32, #tpu.memory_space<vmem>>, vector<16xf32>,
        %parallel_loop3A_325 = arith.mulf %parallel_loop3A_324, %parallel_loop3A_319 : vector<16xf32>
        %parallel_loop3A_326 = arith.constant 3 : i32
        %parallel_loop3A_327 = arith.addi %parallel_loop3A_251, %parallel_loop3A_326 : i32
        %parallel_loop3A_328 = arith.index_cast %parallel_loop3A_327 : i32 to index
        %parallel_loop3A_329 = arith.constant 0 : index
        %parallel_loop3A_330 = tpu.vector_load %arg16[%parallel_loop3A_328, %parallel_loop3A_329] {strides = array<i32>} : memref<128x32xf32, #tpu.memory_space<vmem>>, vector<16xf32>,
        tpu.vector_store %arg16[%parallel_loop3A_328, %parallel_loop3A_329], %parallel_loop3A_325 {strides = array<i32>} : memref<128x32xf32, #tpu.memory_space<vmem>>, vector<16xf32>,
        %parallel_loop3A_331 = arith.constant 3 : i32
        %parallel_loop3A_332 = arith.addi %parallel_loop3A_251, %parallel_loop3A_331 : i32
        %parallel_loop3A_333 = arith.index_cast %parallel_loop3A_332 : i32 to index
        %parallel_loop3A_334 = arith.constant 16 : index
        %parallel_loop3A_335 = tpu.vector_load %arg16[%parallel_loop3A_333, %parallel_loop3A_334] {strides = array<i32>} : memref<128x32xf32, #tpu.memory_space<vmem>>, vector<16xf32>,
        tpu.vector_store %arg16[%parallel_loop3A_333, %parallel_loop3A_334], %parallel_loop3A_319 {strides = array<i32>} : memref<128x32xf32, #tpu.memory_space<vmem>>, vector<16xf32>,
        %parallel_loop3A_336 = arith.constant 4 : i32
        %parallel_loop3A_337 = vector.broadcast %parallel_loop3A_336 : i32 to vector<16xi32>
        %parallel_loop3A_338 = vector.shape_cast %parallel_loop3A_337 : vector<16xi32> to vector<16x1xi32>
        %parallel_loop3A_339 = vector.shape_cast %parallel_loop3A_338 : vector<16x1xi32> to vector<16xi32>
        %parallel_loop3A_340 = tpu.dynamic_gather %parallel_loop3A_249[%parallel_loop3A_339] in [0] : vector<16xf32>, vector<16xi32> -> vector<16xf32>
        %parallel_loop3A_341 = arith.constant 4 : i32
        %parallel_loop3A_342 = arith.addi %parallel_loop3A_251, %parallel_loop3A_341 : i32
        %parallel_loop3A_343 = arith.index_cast %parallel_loop3A_342 : i32 to index
        %parallel_loop3A_344 = arith.constant 0 : index
        %parallel_loop3A_345 = tpu.vector_load %arg14[%parallel_loop3A_343, %parallel_loop3A_344] {strides = array<i32>} : memref<128x16xf32, #tpu.memory_space<vmem>>, vector<16xf32>,
        %parallel_loop3A_346 = arith.mulf %parallel_loop3A_345, %parallel_loop3A_340 : vector<16xf32>
        %parallel_loop3A_347 = arith.constant 4 : i32
        %parallel_loop3A_348 = arith.addi %parallel_loop3A_251, %parallel_loop3A_347 : i32
        %parallel_loop3A_349 = arith.index_cast %parallel_loop3A_348 : i32 to index
        %parallel_loop3A_350 = arith.constant 0 : index
        %parallel_loop3A_351 = tpu.vector_load %arg16[%parallel_loop3A_349, %parallel_loop3A_350] {strides = array<i32>} : memref<128x32xf32, #tpu.memory_space<vmem>>, vector<16xf32>,
        tpu.vector_store %arg16[%parallel_loop3A_349, %parallel_loop3A_350], %parallel_loop3A_346 {strides = array<i32>} : memref<128x32xf32, #tpu.memory_space<vmem>>, vector<16xf32>,
        %parallel_loop3A_352 = arith.constant 4 : i32
        %parallel_loop3A_353 = arith.addi %parallel_loop3A_251, %parallel_loop3A_352 : i32
        %parallel_loop3A_354 = arith.index_cast %parallel_loop3A_353 : i32 to index
        %parallel_loop3A_355 = arith.constant 16 : index
        %parallel_loop3A_356 = tpu.vector_load %arg16[%parallel_loop3A_354, %parallel_loop3A_355] {strides = array<i32>} : memref<128x32xf32, #tpu.memory_space<vmem>>, vector<16xf32>,
        tpu.vector_store %arg16[%parallel_loop3A_354, %parallel_loop3A_355], %parallel_loop3A_340 {strides = array<i32>} : memref<128x32xf32, #tpu.memory_space<vmem>>, vector<16xf32>,
        %parallel_loop3A_357 = arith.constant 5 : i32
        %parallel_loop3A_358 = vector.broadcast %parallel_loop3A_357 : i32 to vector<16xi32>
        %parallel_loop3A_359 = vector.shape_cast %parallel_loop3A_358 : vector<16xi32> to vector<16x1xi32>
        %parallel_loop3A_360 = vector.shape_cast %parallel_loop3A_359 : vector<16x1xi32> to vector<16xi32>
        %parallel_loop3A_361 = tpu.dynamic_gather %parallel_loop3A_249[%parallel_loop3A_360] in [0] : vector<16xf32>, vector<16xi32> -> vector<16xf32>
        %parallel_loop3A_362 = arith.constant 5 : i32
        %parallel_loop3A_363 = arith.addi %parallel_loop3A_251, %parallel_loop3A_362 : i32
        %parallel_loop3A_364 = arith.index_cast %parallel_loop3A_363 : i32 to index
        %parallel_loop3A_365 = arith.constant 0 : index
        %parallel_loop3A_366 = tpu.vector_load %arg14[%parallel_loop3A_364, %parallel_loop3A_365] {strides = array<i32>} : memref<128x16xf32, #tpu.memory_space<vmem>>, vector<16xf32>,
        %parallel_loop3A_367 = arith.mulf %parallel_loop3A_366, %parallel_loop3A_361 : vector<16xf32>
        %parallel_loop3A_368 = arith.constant 5 : i32
        %parallel_loop3A_369 = arith.addi %parallel_loop3A_251, %parallel_loop3A_368 : i32
        %parallel_loop3A_370 = arith.index_cast %parallel_loop3A_369 : i32 to index
        %parallel_loop3A_371 = arith.constant 0 : index
        %parallel_loop3A_372 = tpu.vector_load %arg16[%parallel_loop3A_370, %parallel_loop3A_371] {strides = array<i32>} : memref<128x32xf32, #tpu.memory_space<vmem>>, vector<16xf32>,
        tpu.vector_store %arg16[%parallel_loop3A_370, %parallel_loop3A_371], %parallel_loop3A_367 {strides = array<i32>} : memref<128x32xf32, #tpu.memory_space<vmem>>, vector<16xf32>,
        %parallel_loop3A_373 = arith.constant 5 : i32
        %parallel_loop3A_374 = arith.addi %parallel_loop3A_251, %parallel_loop3A_373 : i32
        %parallel_loop3A_375 = arith.index_cast %parallel_loop3A_374 : i32 to index
        %parallel_loop3A_376 = arith.constant 16 : index
        %parallel_loop3A_377 = tpu.vector_load %arg16[%parallel_loop3A_375, %parallel_loop3A_376] {strides = array<i32>} : memref<128x32xf32, #tpu.memory_space<vmem>>, vector<16xf32>,
        tpu.vector_store %arg16[%parallel_loop3A_375, %parallel_loop3A_376], %parallel_loop3A_361 {strides = array<i32>} : memref<128x32xf32, #tpu.memory_space<vmem>>, vector<16xf32>,
        %parallel_loop3A_378 = arith.constant 6 : i32
        %parallel_loop3A_379 = vector.broadcast %parallel_loop3A_378 : i32 to vector<16xi32>
        %parallel_loop3A_380 = vector.shape_cast %parallel_loop3A_379 : vector<16xi32> to vector<16x1xi32>
        %parallel_loop3A_381 = vector.shape_cast %parallel_loop3A_380 : vector<16x1xi32> to vector<16xi32>
        %parallel_loop3A_382 = tpu.dynamic_gather %parallel_loop3A_249[%parallel_loop3A_381] in [0] : vector<16xf32>, vector<16xi32> -> vector<16xf32>
        %parallel_loop3A_383 = arith.constant 6 : i32
        %parallel_loop3A_384 = arith.addi %parallel_loop3A_251, %parallel_loop3A_383 : i32
        %parallel_loop3A_385 = arith.index_cast %parallel_loop3A_384 : i32 to index
        %parallel_loop3A_386 = arith.constant 0 : index
        %parallel_loop3A_387 = tpu.vector_load %arg14[%parallel_loop3A_385, %parallel_loop3A_386] {strides = array<i32>} : memref<128x16xf32, #tpu.memory_space<vmem>>, vector<16xf32>,
        %parallel_loop3A_388 = arith.mulf %parallel_loop3A_387, %parallel_loop3A_382 : vector<16xf32>
        %parallel_loop3A_389 = arith.constant 6 : i32
        %parallel_loop3A_390 = arith.addi %parallel_loop3A_251, %parallel_loop3A_389 : i32
        %parallel_loop3A_391 = arith.index_cast %parallel_loop3A_390 : i32 to index
        %parallel_loop3A_392 = arith.constant 0 : index
        %parallel_loop3A_393 = tpu.vector_load %arg16[%parallel_loop3A_391, %parallel_loop3A_392] {strides = array<i32>} : memref<128x32xf32, #tpu.memory_space<vmem>>, vector<16xf32>,
        tpu.vector_store %arg16[%parallel_loop3A_391, %parallel_loop3A_392], %parallel_loop3A_388 {strides = array<i32>} : memref<128x32xf32, #tpu.memory_space<vmem>>, vector<16xf32>,
        %parallel_loop3A_394 = arith.constant 6 : i32
        %parallel_loop3A_395 = arith.addi %parallel_loop3A_251, %parallel_loop3A_394 : i32
        %parallel_loop3A_396 = arith.index_cast %parallel_loop3A_395 : i32 to index
        %parallel_loop3A_397 = arith.constant 16 : index
        %parallel_loop3A_398 = tpu.vector_load %arg16[%parallel_loop3A_396, %parallel_loop3A_397] {strides = array<i32>} : memref<128x32xf32, #tpu.memory_space<vmem>>, vector<16xf32>,
        tpu.vector_store %arg16[%parallel_loop3A_396, %parallel_loop3A_397], %parallel_loop3A_382 {strides = array<i32>} : memref<128x32xf32, #tpu.memory_space<vmem>>, vector<16xf32>,
        %parallel_loop3A_399 = arith.constant 7 : i32
        %parallel_loop3A_400 = vector.broadcast %parallel_loop3A_399 : i32 to vector<16xi32>
        %parallel_loop3A_401 = vector.shape_cast %parallel_loop3A_400 : vector<16xi32> to vector<16x1xi32>
        %parallel_loop3A_402 = vector.shape_cast %parallel_loop3A_401 : vector<16x1xi32> to vector<16xi32>
        %parallel_loop3A_403 = tpu.dynamic_gather %parallel_loop3A_249[%parallel_loop3A_402] in [0] : vector<16xf32>, vector<16xi32> -> vector<16xf32>
        %parallel_loop3A_404 = arith.constant 7 : i32
        %parallel_loop3A_405 = arith.addi %parallel_loop3A_251, %parallel_loop3A_404 : i32
        %parallel_loop3A_406 = arith.index_cast %parallel_loop3A_405 : i32 to index
        %parallel_loop3A_407 = arith.constant 0 : index
        %parallel_loop3A_408 = tpu.vector_load %arg14[%parallel_loop3A_406, %parallel_loop3A_407] {strides = array<i32>} : memref<128x16xf32, #tpu.memory_space<vmem>>, vector<16xf32>,
        %parallel_loop3A_409 = arith.mulf %parallel_loop3A_408, %parallel_loop3A_403 : vector<16xf32>
        %parallel_loop3A_410 = arith.constant 7 : i32
        %parallel_loop3A_411 = arith.addi %parallel_loop3A_251, %parallel_loop3A_410 : i32
        %parallel_loop3A_412 = arith.index_cast %parallel_loop3A_411 : i32 to index
        %parallel_loop3A_413 = arith.constant 0 : index
        %parallel_loop3A_414 = tpu.vector_load %arg16[%parallel_loop3A_412, %parallel_loop3A_413] {strides = array<i32>} : memref<128x32xf32, #tpu.memory_space<vmem>>, vector<16xf32>,
        tpu.vector_store %arg16[%parallel_loop3A_412, %parallel_loop3A_413], %parallel_loop3A_409 {strides = array<i32>} : memref<128x32xf32, #tpu.memory_space<vmem>>, vector<16xf32>,
        %parallel_loop3A_415 = arith.constant 7 : i32
        %parallel_loop3A_416 = arith.addi %parallel_loop3A_251, %parallel_loop3A_415 : i32
        %parallel_loop3A_417 = arith.index_cast %parallel_loop3A_416 : i32 to index
        %parallel_loop3A_418 = arith.constant 16 : index
        %parallel_loop3A_419 = tpu.vector_load %arg16[%parallel_loop3A_417, %parallel_loop3A_418] {strides = array<i32>} : memref<128x32xf32, #tpu.memory_space<vmem>>, vector<16xf32>,
        tpu.vector_store %arg16[%parallel_loop3A_417, %parallel_loop3A_418], %parallel_loop3A_403 {strides = array<i32>} : memref<128x32xf32, #tpu.memory_space<vmem>>, vector<16xf32>,
        %parallel_loop3A_420 = arith.constant 8 : i32
        %parallel_loop3A_421 = vector.broadcast %parallel_loop3A_420 : i32 to vector<16xi32>
        %parallel_loop3A_422 = vector.shape_cast %parallel_loop3A_421 : vector<16xi32> to vector<16x1xi32>
        %parallel_loop3A_423 = vector.shape_cast %parallel_loop3A_422 : vector<16x1xi32> to vector<16xi32>
        %parallel_loop3A_424 = tpu.dynamic_gather %parallel_loop3A_249[%parallel_loop3A_423] in [0] : vector<16xf32>, vector<16xi32> -> vector<16xf32>
        %parallel_loop3A_425 = arith.constant 8 : i32
        %parallel_loop3A_426 = arith.addi %parallel_loop3A_251, %parallel_loop3A_425 : i32
        %parallel_loop3A_427 = arith.index_cast %parallel_loop3A_426 : i32 to index
        %parallel_loop3A_428 = arith.constant 0 : index
        %parallel_loop3A_429 = tpu.vector_load %arg14[%parallel_loop3A_427, %parallel_loop3A_428] {strides = array<i32>} : memref<128x16xf32, #tpu.memory_space<vmem>>, vector<16xf32>,
        %parallel_loop3A_430 = arith.mulf %parallel_loop3A_429, %parallel_loop3A_424 : vector<16xf32>
        %parallel_loop3A_431 = arith.constant 8 : i32
        %parallel_loop3A_432 = arith.addi %parallel_loop3A_251, %parallel_loop3A_431 : i32
        %parallel_loop3A_433 = arith.index_cast %parallel_loop3A_432 : i32 to index
        %parallel_loop3A_434 = arith.constant 0 : index
        %parallel_loop3A_435 = tpu.vector_load %arg16[%parallel_loop3A_433, %parallel_loop3A_434] {strides = array<i32>} : memref<128x32xf32, #tpu.memory_space<vmem>>, vector<16xf32>,
        tpu.vector_store %arg16[%parallel_loop3A_433, %parallel_loop3A_434], %parallel_loop3A_430 {strides = array<i32>} : memref<128x32xf32, #tpu.memory_space<vmem>>, vector<16xf32>,
        %parallel_loop3A_436 = arith.constant 8 : i32
        %parallel_loop3A_437 = arith.addi %parallel_loop3A_251, %parallel_loop3A_436 : i32
        %parallel_loop3A_438 = arith.index_cast %parallel_loop3A_437 : i32 to index
        %parallel_loop3A_439 = arith.constant 16 : index
        %parallel_loop3A_440 = tpu.vector_load %arg16[%parallel_loop3A_438, %parallel_loop3A_439] {strides = array<i32>} : memref<128x32xf32, #tpu.memory_space<vmem>>, vector<16xf32>,
        tpu.vector_store %arg16[%parallel_loop3A_438, %parallel_loop3A_439], %parallel_loop3A_424 {strides = array<i32>} : memref<128x32xf32, #tpu.memory_space<vmem>>, vector<16xf32>,
        %parallel_loop3A_441 = arith.constant 9 : i32
        %parallel_loop3A_442 = vector.broadcast %parallel_loop3A_441 : i32 to vector<16xi32>
        %parallel_loop3A_443 = vector.shape_cast %parallel_loop3A_442 : vector<16xi32> to vector<16x1xi32>
        %parallel_loop3A_444 = vector.shape_cast %parallel_loop3A_443 : vector<16x1xi32> to vector<16xi32>
        %parallel_loop3A_445 = tpu.dynamic_gather %parallel_loop3A_249[%parallel_loop3A_444] in [0] : vector<16xf32>, vector<16xi32> -> vector<16xf32>
        %parallel_loop3A_446 = arith.constant 9 : i32
        %parallel_loop3A_447 = arith.addi %parallel_loop3A_251, %parallel_loop3A_446 : i32
        %parallel_loop3A_448 = arith.index_cast %parallel_loop3A_447 : i32 to index
        %parallel_loop3A_449 = arith.constant 0 : index
        %parallel_loop3A_450 = tpu.vector_load %arg14[%parallel_loop3A_448, %parallel_loop3A_449] {strides = array<i32>} : memref<128x16xf32, #tpu.memory_space<vmem>>, vector<16xf32>,
        %parallel_loop3A_451 = arith.mulf %parallel_loop3A_450, %parallel_loop3A_445 : vector<16xf32>
        %parallel_loop3A_452 = arith.constant 9 : i32
        %parallel_loop3A_453 = arith.addi %parallel_loop3A_251, %parallel_loop3A_452 : i32
        %parallel_loop3A_454 = arith.index_cast %parallel_loop3A_453 : i32 to index
        %parallel_loop3A_455 = arith.constant 0 : index
        %parallel_loop3A_456 = tpu.vector_load %arg16[%parallel_loop3A_454, %parallel_loop3A_455] {strides = array<i32>} : memref<128x32xf32, #tpu.memory_space<vmem>>, vector<16xf32>,
        tpu.vector_store %arg16[%parallel_loop3A_454, %parallel_loop3A_455], %parallel_loop3A_451 {strides = array<i32>} : memref<128x32xf32, #tpu.memory_space<vmem>>, vector<16xf32>,
        %parallel_loop3A_457 = arith.constant 9 : i32
        %parallel_loop3A_458 = arith.addi %parallel_loop3A_251, %parallel_loop3A_457 : i32
        %parallel_loop3A_459 = arith.index_cast %parallel_loop3A_458 : i32 to index
        %parallel_loop3A_460 = arith.constant 16 : index
        %parallel_loop3A_461 = tpu.vector_load %arg16[%parallel_loop3A_459, %parallel_loop3A_460] {strides = array<i32>} : memref<128x32xf32, #tpu.memory_space<vmem>>, vector<16xf32>,
        tpu.vector_store %arg16[%parallel_loop3A_459, %parallel_loop3A_460], %parallel_loop3A_445 {strides = array<i32>} : memref<128x32xf32, #tpu.memory_space<vmem>>, vector<16xf32>,
        %parallel_loop3A_462 = arith.constant 10 : i32
        %parallel_loop3A_463 = vector.broadcast %parallel_loop3A_462 : i32 to vector<16xi32>
        %parallel_loop3A_464 = vector.shape_cast %parallel_loop3A_463 : vector<16xi32> to vector<16x1xi32>
        %parallel_loop3A_465 = vector.shape_cast %parallel_loop3A_464 : vector<16x1xi32> to vector<16xi32>
        %parallel_loop3A_466 = tpu.dynamic_gather %parallel_loop3A_249[%parallel_loop3A_465] in [0] : vector<16xf32>, vector<16xi32> -> vector<16xf32>
        %parallel_loop3A_467 = arith.constant 10 : i32
        %parallel_loop3A_468 = arith.addi %parallel_loop3A_251, %parallel_loop3A_467 : i32
        %parallel_loop3A_469 = arith.index_cast %parallel_loop3A_468 : i32 to index
        %parallel_loop3A_470 = arith.constant 0 : index
        %parallel_loop3A_471 = tpu.vector_load %arg14[%parallel_loop3A_469, %parallel_loop3A_470] {strides = array<i32>} : memref<128x16xf32, #tpu.memory_space<vmem>>, vector<16xf32>,
        %parallel_loop3A_472 = arith.mulf %parallel_loop3A_471, %parallel_loop3A_466 : vector<16xf32>
        %parallel_loop3A_473 = arith.constant 10 : i32
        %parallel_loop3A_474 = arith.addi %parallel_loop3A_251, %parallel_loop3A_473 : i32
        %parallel_loop3A_475 = arith.index_cast %parallel_loop3A_474 : i32 to index
        %parallel_loop3A_476 = arith.constant 0 : index
        %parallel_loop3A_477 = tpu.vector_load %arg16[%parallel_loop3A_475, %parallel_loop3A_476] {strides = array<i32>} : memref<128x32xf32, #tpu.memory_space<vmem>>, vector<16xf32>,
        tpu.vector_store %arg16[%parallel_loop3A_475, %parallel_loop3A_476], %parallel_loop3A_472 {strides = array<i32>} : memref<128x32xf32, #tpu.memory_space<vmem>>, vector<16xf32>,
        %parallel_loop3A_478 = arith.constant 10 : i32
        %parallel_loop3A_479 = arith.addi %parallel_loop3A_251, %parallel_loop3A_478 : i32
        %parallel_loop3A_480 = arith.index_cast %parallel_loop3A_479 : i32 to index
        %parallel_loop3A_481 = arith.constant 16 : index
        %parallel_loop3A_482 = tpu.vector_load %arg16[%parallel_loop3A_480, %parallel_loop3A_481] {strides = array<i32>} : memref<128x32xf32, #tpu.memory_space<vmem>>, vector<16xf32>,
        tpu.vector_store %arg16[%parallel_loop3A_480, %parallel_loop3A_481], %parallel_loop3A_466 {strides = array<i32>} : memref<128x32xf32, #tpu.memory_space<vmem>>, vector<16xf32>,
        %parallel_loop3A_483 = arith.constant 11 : i32
        %parallel_loop3A_484 = vector.broadcast %parallel_loop3A_483 : i32 to vector<16xi32>
        %parallel_loop3A_485 = vector.shape_cast %parallel_loop3A_484 : vector<16xi32> to vector<16x1xi32>
        %parallel_loop3A_486 = vector.shape_cast %parallel_loop3A_485 : vector<16x1xi32> to vector<16xi32>
        %parallel_loop3A_487 = tpu.dynamic_gather %parallel_loop3A_249[%parallel_loop3A_486] in [0] : vector<16xf32>, vector<16xi32> -> vector<16xf32>
        %parallel_loop3A_488 = arith.constant 11 : i32
        %parallel_loop3A_489 = arith.addi %parallel_loop3A_251, %parallel_loop3A_488 : i32
        %parallel_loop3A_490 = arith.index_cast %parallel_loop3A_489 : i32 to index
        %parallel_loop3A_491 = arith.constant 0 : index
        %parallel_loop3A_492 = tpu.vector_load %arg14[%parallel_loop3A_490, %parallel_loop3A_491] {strides = array<i32>} : memref<128x16xf32, #tpu.memory_space<vmem>>, vector<16xf32>,
        %parallel_loop3A_493 = arith.mulf %parallel_loop3A_492, %parallel_loop3A_487 : vector<16xf32>
        %parallel_loop3A_494 = arith.constant 11 : i32
        %parallel_loop3A_495 = arith.addi %parallel_loop3A_251, %parallel_loop3A_494 : i32
        %parallel_loop3A_496 = arith.index_cast %parallel_loop3A_495 : i32 to index
        %parallel_loop3A_497 = arith.constant 0 : index
        %parallel_loop3A_498 = tpu.vector_load %arg16[%parallel_loop3A_496, %parallel_loop3A_497] {strides = array<i32>} : memref<128x32xf32, #tpu.memory_space<vmem>>, vector<16xf32>,
        tpu.vector_store %arg16[%parallel_loop3A_496, %parallel_loop3A_497], %parallel_loop3A_493 {strides = array<i32>} : memref<128x32xf32, #tpu.memory_space<vmem>>, vector<16xf32>,
        %parallel_loop3A_499 = arith.constant 11 : i32
        %parallel_loop3A_500 = arith.addi %parallel_loop3A_251, %parallel_loop3A_499 : i32
        %parallel_loop3A_501 = arith.index_cast %parallel_loop3A_500 : i32 to index
        %parallel_loop3A_502 = arith.constant 16 : index
        %parallel_loop3A_503 = tpu.vector_load %arg16[%parallel_loop3A_501, %parallel_loop3A_502] {strides = array<i32>} : memref<128x32xf32, #tpu.memory_space<vmem>>, vector<16xf32>,
        tpu.vector_store %arg16[%parallel_loop3A_501, %parallel_loop3A_502], %parallel_loop3A_487 {strides = array<i32>} : memref<128x32xf32, #tpu.memory_space<vmem>>, vector<16xf32>,
        %parallel_loop3A_504 = arith.constant 12 : i32
        %parallel_loop3A_505 = vector.broadcast %parallel_loop3A_504 : i32 to vector<16xi32>
        %parallel_loop3A_506 = vector.shape_cast %parallel_loop3A_505 : vector<16xi32> to vector<16x1xi32>
        %parallel_loop3A_507 = vector.shape_cast %parallel_loop3A_506 : vector<16x1xi32> to vector<16xi32>
        %parallel_loop3A_508 = tpu.dynamic_gather %parallel_loop3A_249[%parallel_loop3A_507] in [0] : vector<16xf32>, vector<16xi32> -> vector<16xf32>
        %parallel_loop3A_509 = arith.constant 12 : i32
        %parallel_loop3A_510 = arith.addi %parallel_loop3A_251, %parallel_loop3A_509 : i32
        %parallel_loop3A_511 = arith.index_cast %parallel_loop3A_510 : i32 to index
        %parallel_loop3A_512 = arith.constant 0 : index
        %parallel_loop3A_513 = tpu.vector_load %arg14[%parallel_loop3A_511, %parallel_loop3A_512] {strides = array<i32>} : memref<128x16xf32, #tpu.memory_space<vmem>>, vector<16xf32>,
        %parallel_loop3A_514 = arith.mulf %parallel_loop3A_513, %parallel_loop3A_508 : vector<16xf32>
        %parallel_loop3A_515 = arith.constant 12 : i32
        %parallel_loop3A_516 = arith.addi %parallel_loop3A_251, %parallel_loop3A_515 : i32
        %parallel_loop3A_517 = arith.index_cast %parallel_loop3A_516 : i32 to index
        %parallel_loop3A_518 = arith.constant 0 : index
        %parallel_loop3A_519 = tpu.vector_load %arg16[%parallel_loop3A_517, %parallel_loop3A_518] {strides = array<i32>} : memref<128x32xf32, #tpu.memory_space<vmem>>, vector<16xf32>,
        tpu.vector_store %arg16[%parallel_loop3A_517, %parallel_loop3A_518], %parallel_loop3A_514 {strides = array<i32>} : memref<128x32xf32, #tpu.memory_space<vmem>>, vector<16xf32>,
        %parallel_loop3A_520 = arith.constant 12 : i32
        %parallel_loop3A_521 = arith.addi %parallel_loop3A_251, %parallel_loop3A_520 : i32
        %parallel_loop3A_522 = arith.index_cast %parallel_loop3A_521 : i32 to index
        %parallel_loop3A_523 = arith.constant 16 : index
        %parallel_loop3A_524 = tpu.vector_load %arg16[%parallel_loop3A_522, %parallel_loop3A_523] {strides = array<i32>} : memref<128x32xf32, #tpu.memory_space<vmem>>, vector<16xf32>,
        tpu.vector_store %arg16[%parallel_loop3A_522, %parallel_loop3A_523], %parallel_loop3A_508 {strides = array<i32>} : memref<128x32xf32, #tpu.memory_space<vmem>>, vector<16xf32>,
        %parallel_loop3A_525 = arith.constant 13 : i32
        %parallel_loop3A_526 = vector.broadcast %parallel_loop3A_525 : i32 to vector<16xi32>
        %parallel_loop3A_527 = vector.shape_cast %parallel_loop3A_526 : vector<16xi32> to vector<16x1xi32>
        %parallel_loop3A_528 = vector.shape_cast %parallel_loop3A_527 : vector<16x1xi32> to vector<16xi32>
        %parallel_loop3A_529 = tpu.dynamic_gather %parallel_loop3A_249[%parallel_loop3A_528] in [0] : vector<16xf32>, vector<16xi32> -> vector<16xf32>
        %parallel_loop3A_530 = arith.constant 13 : i32
        %parallel_loop3A_531 = arith.addi %parallel_loop3A_251, %parallel_loop3A_530 : i32
        %parallel_loop3A_532 = arith.index_cast %parallel_loop3A_531 : i32 to index
        %parallel_loop3A_533 = arith.constant 0 : index
        %parallel_loop3A_534 = tpu.vector_load %arg14[%parallel_loop3A_532, %parallel_loop3A_533] {strides = array<i32>} : memref<128x16xf32, #tpu.memory_space<vmem>>, vector<16xf32>,
        %parallel_loop3A_535 = arith.mulf %parallel_loop3A_534, %parallel_loop3A_529 : vector<16xf32>
        %parallel_loop3A_536 = arith.constant 13 : i32
        %parallel_loop3A_537 = arith.addi %parallel_loop3A_251, %parallel_loop3A_536 : i32
        %parallel_loop3A_538 = arith.index_cast %parallel_loop3A_537 : i32 to index
        %parallel_loop3A_539 = arith.constant 0 : index
        %parallel_loop3A_540 = tpu.vector_load %arg16[%parallel_loop3A_538, %parallel_loop3A_539] {strides = array<i32>} : memref<128x32xf32, #tpu.memory_space<vmem>>, vector<16xf32>,
        tpu.vector_store %arg16[%parallel_loop3A_538, %parallel_loop3A_539], %parallel_loop3A_535 {strides = array<i32>} : memref<128x32xf32, #tpu.memory_space<vmem>>, vector<16xf32>,
        %parallel_loop3A_541 = arith.constant 13 : i32
        %parallel_loop3A_542 = arith.addi %parallel_loop3A_251, %parallel_loop3A_541 : i32
        %parallel_loop3A_543 = arith.index_cast %parallel_loop3A_542 : i32 to index
        %parallel_loop3A_544 = arith.constant 16 : index
        %parallel_loop3A_545 = tpu.vector_load %arg16[%parallel_loop3A_543, %parallel_loop3A_544] {strides = array<i32>} : memref<128x32xf32, #tpu.memory_space<vmem>>, vector<16xf32>,
        tpu.vector_store %arg16[%parallel_loop3A_543, %parallel_loop3A_544], %parallel_loop3A_529 {strides = array<i32>} : memref<128x32xf32, #tpu.memory_space<vmem>>, vector<16xf32>,
        %parallel_loop3A_546 = arith.constant 14 : i32
        %parallel_loop3A_547 = vector.broadcast %parallel_loop3A_546 : i32 to vector<16xi32>
        %parallel_loop3A_548 = vector.shape_cast %parallel_loop3A_547 : vector<16xi32> to vector<16x1xi32>
        %parallel_loop3A_549 = vector.shape_cast %parallel_loop3A_548 : vector<16x1xi32> to vector<16xi32>
        %parallel_loop3A_550 = tpu.dynamic_gather %parallel_loop3A_249[%parallel_loop3A_549] in [0] : vector<16xf32>, vector<16xi32> -> vector<16xf32>
        %parallel_loop3A_551 = arith.constant 14 : i32
        %parallel_loop3A_552 = arith.addi %parallel_loop3A_251, %parallel_loop3A_551 : i32
        %parallel_loop3A_553 = arith.index_cast %parallel_loop3A_552 : i32 to index
        %parallel_loop3A_554 = arith.constant 0 : index
        %parallel_loop3A_555 = tpu.vector_load %arg14[%parallel_loop3A_553, %parallel_loop3A_554] {strides = array<i32>} : memref<128x16xf32, #tpu.memory_space<vmem>>, vector<16xf32>,
        %parallel_loop3A_556 = arith.mulf %parallel_loop3A_555, %parallel_loop3A_550 : vector<16xf32>
        %parallel_loop3A_557 = arith.constant 14 : i32
        %parallel_loop3A_558 = arith.addi %parallel_loop3A_251, %parallel_loop3A_557 : i32
        %parallel_loop3A_559 = arith.index_cast %parallel_loop3A_558 : i32 to index
        %parallel_loop3A_560 = arith.constant 0 : index
        %parallel_loop3A_561 = tpu.vector_load %arg16[%parallel_loop3A_559, %parallel_loop3A_560] {strides = array<i32>} : memref<128x32xf32, #tpu.memory_space<vmem>>, vector<16xf32>,
        tpu.vector_store %arg16[%parallel_loop3A_559, %parallel_loop3A_560], %parallel_loop3A_556 {strides = array<i32>} : memref<128x32xf32, #tpu.memory_space<vmem>>, vector<16xf32>,
        %parallel_loop3A_562 = arith.constant 14 : i32
        %parallel_loop3A_563 = arith.addi %parallel_loop3A_251, %parallel_loop3A_562 : i32
        %parallel_loop3A_564 = arith.index_cast %parallel_loop3A_563 : i32 to index
        %parallel_loop3A_565 = arith.constant 16 : index
        %parallel_loop3A_566 = tpu.vector_load %arg16[%parallel_loop3A_564, %parallel_loop3A_565] {strides = array<i32>} : memref<128x32xf32, #tpu.memory_space<vmem>>, vector<16xf32>,
        tpu.vector_store %arg16[%parallel_loop3A_564, %parallel_loop3A_565], %parallel_loop3A_550 {strides = array<i32>} : memref<128x32xf32, #tpu.memory_space<vmem>>, vector<16xf32>,
        %parallel_loop3A_567 = arith.constant 15 : i32
        %parallel_loop3A_568 = vector.broadcast %parallel_loop3A_567 : i32 to vector<16xi32>
        %parallel_loop3A_569 = vector.shape_cast %parallel_loop3A_568 : vector<16xi32> to vector<16x1xi32>
        %parallel_loop3A_570 = vector.shape_cast %parallel_loop3A_569 : vector<16x1xi32> to vector<16xi32>
        %parallel_loop3A_571 = tpu.dynamic_gather %parallel_loop3A_249[%parallel_loop3A_570] in [0] : vector<16xf32>, vector<16xi32> -> vector<16xf32>
        %parallel_loop3A_572 = arith.constant 15 : i32
        %parallel_loop3A_573 = arith.addi %parallel_loop3A_251, %parallel_loop3A_572 : i32
        %parallel_loop3A_574 = arith.index_cast %parallel_loop3A_573 : i32 to index
        %parallel_loop3A_575 = arith.constant 0 : index
        %parallel_loop3A_576 = tpu.vector_load %arg14[%parallel_loop3A_574, %parallel_loop3A_575] {strides = array<i32>} : memref<128x16xf32, #tpu.memory_space<vmem>>, vector<16xf32>,
        %parallel_loop3A_577 = arith.mulf %parallel_loop3A_576, %parallel_loop3A_571 : vector<16xf32>
        %parallel_loop3A_578 = arith.constant 15 : i32
        %parallel_loop3A_579 = arith.addi %parallel_loop3A_251, %parallel_loop3A_578 : i32
        %parallel_loop3A_580 = arith.index_cast %parallel_loop3A_579 : i32 to index
        %parallel_loop3A_581 = arith.constant 0 : index
        %parallel_loop3A_582 = tpu.vector_load %arg16[%parallel_loop3A_580, %parallel_loop3A_581] {strides = array<i32>} : memref<128x32xf32, #tpu.memory_space<vmem>>, vector<16xf32>,
        tpu.vector_store %arg16[%parallel_loop3A_580, %parallel_loop3A_581], %parallel_loop3A_577 {strides = array<i32>} : memref<128x32xf32, #tpu.memory_space<vmem>>, vector<16xf32>,
        %parallel_loop3A_583 = arith.constant 15 : i32
        %parallel_loop3A_584 = arith.addi %parallel_loop3A_251, %parallel_loop3A_583 : i32
        %parallel_loop3A_585 = arith.index_cast %parallel_loop3A_584 : i32 to index
        %parallel_loop3A_586 = arith.constant 16 : index
        %parallel_loop3A_587 = tpu.vector_load %arg16[%parallel_loop3A_585, %parallel_loop3A_586] {strides = array<i32>} : memref<128x32xf32, #tpu.memory_space<vmem>>, vector<16xf32>,
        tpu.vector_store %arg16[%parallel_loop3A_585, %parallel_loop3A_586], %parallel_loop3A_571 {strides = array<i32>} : memref<128x32xf32, #tpu.memory_space<vmem>>, vector<16xf32>,
      } {sc.loop_unroll_factor = 2 : i64, sc.parallel_access}
      %dma_start3A_224 = arith.constant 0 : i32
      %dma_start3A_225 = tpu.memref_slice %arg12[%add3A_208, %dma_start3A_224] : memref<158x128xi32, #tpu.memory_space<vmem>> -> memref<1x128xi32, #tpu.memory_space<vmem>>
      %dma_start3A_226 = tpu.memref_squeeze %dma_start3A_225 : memref<1x128xi32, #tpu.memory_space<vmem>> -> memref<128xi32, #tpu.memory_space<vmem>>
      %dma_start3A_227 = arith.constant 0 : i32
      %dma_start3A_228 = arith.constant 0 : i32
      %dma_start3A_229 = tpu.memref_slice %arg8[%dma_start3A_227, %dma_start3A_228] : memref<10240x32xf32, #tpu.memory_space<vmem_shared>> -> memref<10240x32xf32, #tpu.memory_space<vmem_shared>>
      tpu.enqueue_indirect_dma source(%arg16 : memref<128x32xf32, #tpu.memory_space<vmem>>) target(%dma_start3A_229 : memref<10240x32xf32, #tpu.memory_space<vmem_shared>>) offsets(%dma_start3A_226 : memref<128xi32, #tpu.memory_space<vmem>>) semaphore(%arg21 : memref<!tpu.dma_semaphore, #tpu.memory_space<semaphore_mem>>) {add = true}
      %scan3A_230 = arith.constant 0 : i32
      scf.yield %scan3A_230 : i32
    }
    %scan3A_153 = arith.constant 79 : i32
    %dma_wait3A_154 = arith.constant 0 : i32
    %dma_wait3A_155 = arith.constant 0 : i32
    %dma_wait3A_156 = tpu.memref_slice %arg12[%dma_wait3A_154, %dma_wait3A_155] : memref<158x128xi32, #tpu.memory_space<vmem>> -> memref<1x128xi32, #tpu.memory_space<vmem>>
    %dma_wait3A_157 = tpu.memref_squeeze %dma_wait3A_156 : memref<1x128xi32, #tpu.memory_space<vmem>> -> memref<128xi32, #tpu.memory_space<vmem>>
    %dma_wait3A_158 = arith.constant 0 : i32
    %dma_wait3A_159 = arith.constant 0 : i32
    %dma_wait3A_160 = tpu.memref_slice %arg8[%dma_wait3A_158, %dma_wait3A_159] : memref<10240x32xf32, #tpu.memory_space<vmem_shared>> -> memref<10240x32xf32, #tpu.memory_space<vmem_shared>>
    tpu.wait_indirect_dma semaphore(%arg20 : memref<!tpu.dma_semaphore, #tpu.memory_space<semaphore_mem>>) src(%arg15 : memref<128x32xf32, #tpu.memory_space<vmem>>) dst(%dma_wait3A_160 : memref<10240x32xf32, #tpu.memory_space<vmem_shared>>)
    %dma_wait3A_161 = arith.constant 0 : i32
    %dma_wait3A_162 = arith.constant 0 : i32
    %dma_wait3A_163 = tpu.memref_slice %arg12[%dma_wait3A_161, %dma_wait3A_162] : memref<158x128xi32, #tpu.memory_space<vmem>> -> memref<1x128xi32, #tpu.memory_space<vmem>>
    %dma_wait3A_164 = tpu.memref_squeeze %dma_wait3A_163 : memref<1x128xi32, #tpu.memory_space<vmem>> -> memref<128xi32, #tpu.memory_space<vmem>>
    %dma_wait3A_165 = arith.constant 0 : i32
    %dma_wait3A_166 = arith.constant 0 : i32
    %dma_wait3A_167 = tpu.memref_slice %arg8[%dma_wait3A_165, %dma_wait3A_166] : memref<10240x32xf32, #tpu.memory_space<vmem_shared>> -> memref<10240x32xf32, #tpu.memory_space<vmem_shared>>
    tpu.wait_indirect_dma semaphore(%arg21 : memref<!tpu.dma_semaphore, #tpu.memory_space<semaphore_mem>>) src(%arg16 : memref<128x32xf32, #tpu.memory_space<vmem>>) dst(%dma_wait3A_167 : memref<10240x32xf32, #tpu.memory_space<vmem_shared>>)
    %barrier3A_168 = arith.constant 0 : index
    tpu.barrier barrier_id(%barrier3A_168)
    %mul3A_169 = arith.constant 625 : i32
    %mul3A_170 = arith.muli %arg1, %mul3A_169 : i32
    "tpu.region"() ({
      %run_scoped3A = tpu.sem_alloc : memref<!tpu.dma_semaphore, #tpu.memory_space<semaphore_mem>>
      %dma_start3A_171 = arith.constant 0 : i32
      %dma_start3A_172 = arith.constant 0 : i32
      %dma_start3A_173 = tpu.memref_slice %arg7[%arg0, %arg1, %dma_start3A_171, %dma_start3A_172] : memref<2x16x625x32xf32, #tpu.memory_space<hbm>> -> memref<1x1x625x32xf32, #tpu.memory_space<hbm>>
      %dma_start3A_174 = tpu.memref_squeeze %dma_start3A_173 : memref<1x1x625x32xf32, #tpu.memory_space<hbm>> -> memref<625x32xf32, #tpu.memory_space<hbm>>
      %dma_start3A_175 = arith.constant 0 : i32
      %dma_start3A_176 = tpu.memref_slice %arg8[%mul3A_170, %dma_start3A_175] : memref<10240x32xf32, #tpu.memory_space<vmem_shared>> -> memref<625x32xf32, #tpu.memory_space<vmem_shared>>
      tpu.enqueue_dma source(%dma_start3A_176 : memref<625x32xf32, #tpu.memory_space<vmem_shared>>) target(%dma_start3A_174 : memref<625x32xf32, #tpu.memory_space<hbm>>) target_semaphore(%run_scoped3A : memref<!tpu.dma_semaphore, #tpu.memory_space<semaphore_mem>>)
      %dma_wait3A_177 = arith.constant 0 : i32
      %dma_wait3A_178 = arith.constant 0 : i32
      %dma_wait3A_179 = tpu.memref_slice %arg7[%arg0, %arg1, %dma_wait3A_177, %dma_wait3A_178] : memref<2x16x625x32xf32, #tpu.memory_space<hbm>> -> memref<1x1x625x32xf32, #tpu.memory_space<hbm>>
      %dma_wait3A_180 = tpu.memref_squeeze %dma_wait3A_179 : memref<1x1x625x32xf32, #tpu.memory_space<hbm>> -> memref<625x32xf32, #tpu.memory_space<hbm>>
      %dma_wait3A_181 = arith.constant 0 : i32
      %dma_wait3A_182 = tpu.memref_slice %arg8[%mul3A_170, %dma_wait3A_181] : memref<10240x32xf32, #tpu.memory_space<vmem_shared>> -> memref<625x32xf32, #tpu.memory_space<vmem_shared>>
      tpu.wait_dma2 semaphore(%run_scoped3A : memref<!tpu.dma_semaphore, #tpu.memory_space<semaphore_mem>>) src(%dma_wait3A_182 : memref<625x32xf32, #tpu.memory_space<vmem_shared>>) dst(%dma_wait3A_180 : memref<625x32xf32, #tpu.memory_space<hbm>>)
      tpu.yield
    }) : () -> ()
    return
  }
}

#map = affine_map<(d0, d1) -> (0, 0)>
#map1 = affine_map<(d0, d1) -> (0, 0, 0)>
#map2 = affine_map<(d0, d1) -> (0, 0, 0, 0)>
module attributes {stable_mosaic.version = 14 : i64} {
  func.func @body(%arg0: i32, %arg1: i32, %arg2: memref<10000x80xf32, #tpu.memory_space<hbm>>, %arg3: memref<10000x16xf32, #tpu.memory_space<hbm>>, %arg4: memref<32x250x80xi32, #tpu.memory_space<hbm>>, %arg5: memref<32x250x80xi32, #tpu.memory_space<hbm>>, %arg6: memref<2x16x625x80xf32, #tpu.memory_space<hbm>>, %arg7: memref<10240x80xf32, #tpu.memory_space<vmem_shared>>, %arg8: memref<250x80xi32, #tpu.memory_space<vmem>>, %arg9: memref<250x80xi32, #tpu.memory_space<vmem>>, %arg10: memref<80x80xf32, #tpu.memory_space<vmem>>, %arg11: memref<80x80xf32, #tpu.memory_space<vmem>>, %arg12: memref<80x16xf32, #tpu.memory_space<vmem>>, %arg13: memref<80x16xf32, #tpu.memory_space<vmem>>, %arg14: memref<80x80xf32, #tpu.memory_space<vmem>>, %arg15: memref<80x80xf32, #tpu.memory_space<vmem>>, %arg16: memref<64x80xf32, #tpu.memory_space<vmem>>, %arg17: memref<!tpu.dma_semaphore, #tpu.memory_space<semaphore_mem>>, %arg18: memref<!tpu.dma_semaphore, #tpu.memory_space<semaphore_mem>>, %arg19: memref<!tpu.dma_semaphore, #tpu.memory_space<semaphore_mem>>, %arg20: memref<!tpu.dma_semaphore, #tpu.memory_space<semaphore_mem>>, %arg21: memref<!tpu.dma_semaphore, #tpu.memory_space<semaphore_mem>>, %arg22: memref<!tpu.dma_semaphore, #tpu.memory_space<semaphore_mem>>) attributes {dimension_semantics = [#tpu.dimension_semantics<core_parallel>, #tpu.dimension_semantics<subcore_parallel>], iteration_bounds = array<i64: 2, 16>, scalar_prefetch = 0 : i64, scratch_operands = 16 : i64, tpu.core_type = #tpu.core_type<sc_vector_subcore>, window_params = [{transform_indices = #map}, {transform_indices = #map}, {transform_indices = #map1}, {transform_indices = #map1}, {transform_indices = #map2}]} {
    %mul3A = arith.constant 16 : i32
    %mul3A_0 = arith.muli %arg0, %mul3A : i32
    %add3A = arith.addi %mul3A_0, %arg1 : i32
    "tpu.region"() ({
      %run_scoped3A = tpu.sem_alloc : memref<!tpu.dma_semaphore, #tpu.memory_space<semaphore_mem>>
      %dma_start3A_178 = arith.constant 0 : i32
      %dma_start3A_179 = arith.constant 0 : i32
      %dma_start3A_180 = tpu.memref_slice %arg4[%add3A, %dma_start3A_178, %dma_start3A_179] : memref<32x250x80xi32, #tpu.memory_space<hbm>> -> memref<1x250x80xi32, #tpu.memory_space<hbm>>
      %dma_start3A_181 = tpu.memref_squeeze %dma_start3A_180 : memref<1x250x80xi32, #tpu.memory_space<hbm>> -> memref<250x80xi32, #tpu.memory_space<hbm>>
      %dma_start3A_182 = arith.constant 0 : i32
      %dma_start3A_183 = arith.constant 0 : i32
      %dma_start3A_184 = tpu.memref_slice %arg4[%add3A, %dma_start3A_182, %dma_start3A_183] : memref<32x250x80xi32, #tpu.memory_space<hbm>> -> memref<1x250x80xi32, #tpu.memory_space<hbm>>
      %dma_start3A_185 = tpu.memref_squeeze %dma_start3A_184 : memref<1x250x80xi32, #tpu.memory_space<hbm>> -> memref<250x80xi32, #tpu.memory_space<hbm>>
      tpu.enqueue_dma source(%dma_start3A_185 : memref<250x80xi32, #tpu.memory_space<hbm>>) target(%arg8 : memref<250x80xi32, #tpu.memory_space<vmem>>) target_semaphore(%run_scoped3A : memref<!tpu.dma_semaphore, #tpu.memory_space<semaphore_mem>>)
      %dma_wait3A_186 = arith.constant 0 : i32
      %dma_wait3A_187 = arith.constant 0 : i32
      %dma_wait3A_188 = tpu.memref_slice %arg4[%add3A, %dma_wait3A_186, %dma_wait3A_187] : memref<32x250x80xi32, #tpu.memory_space<hbm>> -> memref<1x250x80xi32, #tpu.memory_space<hbm>>
      %dma_wait3A_189 = tpu.memref_squeeze %dma_wait3A_188 : memref<1x250x80xi32, #tpu.memory_space<hbm>> -> memref<250x80xi32, #tpu.memory_space<hbm>>
      %dma_wait3A_190 = arith.constant 0 : i32
      %dma_wait3A_191 = arith.constant 0 : i32
      %dma_wait3A_192 = tpu.memref_slice %arg4[%add3A, %dma_wait3A_190, %dma_wait3A_191] : memref<32x250x80xi32, #tpu.memory_space<hbm>> -> memref<1x250x80xi32, #tpu.memory_space<hbm>>
      %dma_wait3A_193 = tpu.memref_squeeze %dma_wait3A_192 : memref<1x250x80xi32, #tpu.memory_space<hbm>> -> memref<250x80xi32, #tpu.memory_space<hbm>>
      tpu.wait_dma2 semaphore(%run_scoped3A : memref<!tpu.dma_semaphore, #tpu.memory_space<semaphore_mem>>) src(%dma_wait3A_193 : memref<250x80xi32, #tpu.memory_space<hbm>>) dst(%arg8 : memref<250x80xi32, #tpu.memory_space<vmem>>)
      tpu.yield
    }) : () -> ()
    "tpu.region"() ({
      %run_scoped3A = tpu.sem_alloc : memref<!tpu.dma_semaphore, #tpu.memory_space<semaphore_mem>>
      %dma_start3A_178 = arith.constant 0 : i32
      %dma_start3A_179 = arith.constant 0 : i32
      %dma_start3A_180 = tpu.memref_slice %arg5[%add3A, %dma_start3A_178, %dma_start3A_179] : memref<32x250x80xi32, #tpu.memory_space<hbm>> -> memref<1x250x80xi32, #tpu.memory_space<hbm>>
      %dma_start3A_181 = tpu.memref_squeeze %dma_start3A_180 : memref<1x250x80xi32, #tpu.memory_space<hbm>> -> memref<250x80xi32, #tpu.memory_space<hbm>>
      %dma_start3A_182 = arith.constant 0 : i32
      %dma_start3A_183 = arith.constant 0 : i32
      %dma_start3A_184 = tpu.memref_slice %arg5[%add3A, %dma_start3A_182, %dma_start3A_183] : memref<32x250x80xi32, #tpu.memory_space<hbm>> -> memref<1x250x80xi32, #tpu.memory_space<hbm>>
      %dma_start3A_185 = tpu.memref_squeeze %dma_start3A_184 : memref<1x250x80xi32, #tpu.memory_space<hbm>> -> memref<250x80xi32, #tpu.memory_space<hbm>>
      tpu.enqueue_dma source(%dma_start3A_185 : memref<250x80xi32, #tpu.memory_space<hbm>>) target(%arg9 : memref<250x80xi32, #tpu.memory_space<vmem>>) target_semaphore(%run_scoped3A : memref<!tpu.dma_semaphore, #tpu.memory_space<semaphore_mem>>)
      %dma_wait3A_186 = arith.constant 0 : i32
      %dma_wait3A_187 = arith.constant 0 : i32
      %dma_wait3A_188 = tpu.memref_slice %arg5[%add3A, %dma_wait3A_186, %dma_wait3A_187] : memref<32x250x80xi32, #tpu.memory_space<hbm>> -> memref<1x250x80xi32, #tpu.memory_space<hbm>>
      %dma_wait3A_189 = tpu.memref_squeeze %dma_wait3A_188 : memref<1x250x80xi32, #tpu.memory_space<hbm>> -> memref<250x80xi32, #tpu.memory_space<hbm>>
      %dma_wait3A_190 = arith.constant 0 : i32
      %dma_wait3A_191 = arith.constant 0 : i32
      %dma_wait3A_192 = tpu.memref_slice %arg5[%add3A, %dma_wait3A_190, %dma_wait3A_191] : memref<32x250x80xi32, #tpu.memory_space<hbm>> -> memref<1x250x80xi32, #tpu.memory_space<hbm>>
      %dma_wait3A_193 = tpu.memref_squeeze %dma_wait3A_192 : memref<1x250x80xi32, #tpu.memory_space<hbm>> -> memref<250x80xi32, #tpu.memory_space<hbm>>
      tpu.wait_dma2 semaphore(%run_scoped3A : memref<!tpu.dma_semaphore, #tpu.memory_space<semaphore_mem>>) src(%dma_wait3A_193 : memref<250x80xi32, #tpu.memory_space<hbm>>) dst(%arg9 : memref<250x80xi32, #tpu.memory_space<vmem>>)
      tpu.yield
    }) : () -> ()
    %parallel_loop3A = arith.constant 0 : i32
    %parallel_loop3A_1 = arith.constant 64 : i32
    %parallel_loop3A_2 = arith.constant 1 : i32
    scf.for %parallel_loop3A_178 = %parallel_loop3A to %parallel_loop3A_1 step %parallel_loop3A_2  : i32 {
      %parallel_loop3A_179 = arith.constant 0.000000e+00 : f32
      %parallel_loop3A_180 = vector.broadcast %parallel_loop3A_179 : f32 to vector<16xf32>
      %parallel_loop3A_181 = arith.index_cast %parallel_loop3A_178 : i32 to index
      %parallel_loop3A_182 = arith.constant 0 : index
      %parallel_loop3A_183 = tpu.vector_load %arg16[%parallel_loop3A_181, %parallel_loop3A_182] {strides = array<i32>} : memref<64x80xf32, #tpu.memory_space<vmem>>, vector<1x16xf32>,
      %parallel_loop3A_184 = vector.shape_cast %parallel_loop3A_183 : vector<1x16xf32> to vector<16xf32>
      %parallel_loop3A_185 = vector.shape_cast %parallel_loop3A_180 : vector<16xf32> to vector<1x16xf32>
      tpu.vector_store %arg16[%parallel_loop3A_181, %parallel_loop3A_182], %parallel_loop3A_185 {strides = array<i32>} : memref<64x80xf32, #tpu.memory_space<vmem>>, vector<1x16xf32>,
      %parallel_loop3A_186 = arith.constant 0.000000e+00 : f32
      %parallel_loop3A_187 = vector.broadcast %parallel_loop3A_186 : f32 to vector<16xf32>
      %parallel_loop3A_188 = arith.index_cast %parallel_loop3A_178 : i32 to index
      %parallel_loop3A_189 = arith.constant 16 : index
      %parallel_loop3A_190 = tpu.vector_load %arg16[%parallel_loop3A_188, %parallel_loop3A_189] {strides = array<i32>} : memref<64x80xf32, #tpu.memory_space<vmem>>, vector<1x16xf32>,
      %parallel_loop3A_191 = vector.shape_cast %parallel_loop3A_190 : vector<1x16xf32> to vector<16xf32>
      %parallel_loop3A_192 = vector.shape_cast %parallel_loop3A_187 : vector<16xf32> to vector<1x16xf32>
      tpu.vector_store %arg16[%parallel_loop3A_188, %parallel_loop3A_189], %parallel_loop3A_192 {strides = array<i32>} : memref<64x80xf32, #tpu.memory_space<vmem>>, vector<1x16xf32>,
      %parallel_loop3A_193 = arith.constant 0.000000e+00 : f32
      %parallel_loop3A_194 = vector.broadcast %parallel_loop3A_193 : f32 to vector<16xf32>
      %parallel_loop3A_195 = arith.index_cast %parallel_loop3A_178 : i32 to index
      %parallel_loop3A_196 = arith.constant 32 : index
      %parallel_loop3A_197 = tpu.vector_load %arg16[%parallel_loop3A_195, %parallel_loop3A_196] {strides = array<i32>} : memref<64x80xf32, #tpu.memory_space<vmem>>, vector<1x16xf32>,
      %parallel_loop3A_198 = vector.shape_cast %parallel_loop3A_197 : vector<1x16xf32> to vector<16xf32>
      %parallel_loop3A_199 = vector.shape_cast %parallel_loop3A_194 : vector<16xf32> to vector<1x16xf32>
      tpu.vector_store %arg16[%parallel_loop3A_195, %parallel_loop3A_196], %parallel_loop3A_199 {strides = array<i32>} : memref<64x80xf32, #tpu.memory_space<vmem>>, vector<1x16xf32>,
      %parallel_loop3A_200 = arith.constant 0.000000e+00 : f32
      %parallel_loop3A_201 = vector.broadcast %parallel_loop3A_200 : f32 to vector<16xf32>
      %parallel_loop3A_202 = arith.index_cast %parallel_loop3A_178 : i32 to index
      %parallel_loop3A_203 = arith.constant 48 : index
      %parallel_loop3A_204 = tpu.vector_load %arg16[%parallel_loop3A_202, %parallel_loop3A_203] {strides = array<i32>} : memref<64x80xf32, #tpu.memory_space<vmem>>, vector<1x16xf32>,
      %parallel_loop3A_205 = vector.shape_cast %parallel_loop3A_204 : vector<1x16xf32> to vector<16xf32>
      %parallel_loop3A_206 = vector.shape_cast %parallel_loop3A_201 : vector<16xf32> to vector<1x16xf32>
      tpu.vector_store %arg16[%parallel_loop3A_202, %parallel_loop3A_203], %parallel_loop3A_206 {strides = array<i32>} : memref<64x80xf32, #tpu.memory_space<vmem>>, vector<1x16xf32>,
      %parallel_loop3A_207 = arith.constant 0.000000e+00 : f32
      %parallel_loop3A_208 = vector.broadcast %parallel_loop3A_207 : f32 to vector<16xf32>
      %parallel_loop3A_209 = arith.index_cast %parallel_loop3A_178 : i32 to index
      %parallel_loop3A_210 = arith.constant 64 : index
      %parallel_loop3A_211 = tpu.vector_load %arg16[%parallel_loop3A_209, %parallel_loop3A_210] {strides = array<i32>} : memref<64x80xf32, #tpu.memory_space<vmem>>, vector<1x16xf32>,
      %parallel_loop3A_212 = vector.shape_cast %parallel_loop3A_211 : vector<1x16xf32> to vector<16xf32>
      %parallel_loop3A_213 = vector.shape_cast %parallel_loop3A_208 : vector<16xf32> to vector<1x16xf32>
      tpu.vector_store %arg16[%parallel_loop3A_209, %parallel_loop3A_210], %parallel_loop3A_213 {strides = array<i32>} : memref<64x80xf32, #tpu.memory_space<vmem>>, vector<1x16xf32>,
    } {sc.loop_unroll_factor = 4 : i64, sc.parallel_access}
    %mul3A_3 = arith.constant 640 : i32
    %mul3A_4 = arith.muli %arg1, %mul3A_3 : i32
    %add3A_5 = arith.constant 0 : i32
    %add3A_6 = arith.addi %mul3A_4, %add3A_5 : i32
    %dma_start3A = arith.constant 0 : i32
    %dma_start3A_7 = tpu.memref_slice %arg7[%add3A_6, %dma_start3A] : memref<10240x80xf32, #tpu.memory_space<vmem_shared>> -> memref<64x80xf32, #tpu.memory_space<vmem_shared>>
    %dma_start3A_8 = arith.constant 0 : i32
    %dma_start3A_9 = tpu.memref_slice %arg7[%add3A_6, %dma_start3A_8] : memref<10240x80xf32, #tpu.memory_space<vmem_shared>> -> memref<64x80xf32, #tpu.memory_space<vmem_shared>>
    tpu.enqueue_dma source(%arg16 : memref<64x80xf32, #tpu.memory_space<vmem>>) target(%dma_start3A_9 : memref<64x80xf32, #tpu.memory_space<vmem_shared>>) target_semaphore(%arg21 : memref<!tpu.dma_semaphore, #tpu.memory_space<semaphore_mem>>)
    %mul3A_10 = arith.constant 640 : i32
    %mul3A_11 = arith.muli %arg1, %mul3A_10 : i32
    %add3A_12 = arith.constant 64 : i32
    %add3A_13 = arith.addi %mul3A_11, %add3A_12 : i32
    %dma_start3A_14 = arith.constant 0 : i32
    %dma_start3A_15 = tpu.memref_slice %arg7[%add3A_13, %dma_start3A_14] : memref<10240x80xf32, #tpu.memory_space<vmem_shared>> -> memref<64x80xf32, #tpu.memory_space<vmem_shared>>
    %dma_start3A_16 = arith.constant 0 : i32
    %dma_start3A_17 = tpu.memref_slice %arg7[%add3A_13, %dma_start3A_16] : memref<10240x80xf32, #tpu.memory_space<vmem_shared>> -> memref<64x80xf32, #tpu.memory_space<vmem_shared>>
    tpu.enqueue_dma source(%arg16 : memref<64x80xf32, #tpu.memory_space<vmem>>) target(%dma_start3A_17 : memref<64x80xf32, #tpu.memory_space<vmem_shared>>) target_semaphore(%arg21 : memref<!tpu.dma_semaphore, #tpu.memory_space<semaphore_mem>>)
    %mul3A_18 = arith.constant 640 : i32
    %mul3A_19 = arith.muli %arg1, %mul3A_18 : i32
    %add3A_20 = arith.constant 128 : i32
    %add3A_21 = arith.addi %mul3A_19, %add3A_20 : i32
    %dma_start3A_22 = arith.constant 0 : i32
    %dma_start3A_23 = tpu.memref_slice %arg7[%add3A_21, %dma_start3A_22] : memref<10240x80xf32, #tpu.memory_space<vmem_shared>> -> memref<64x80xf32, #tpu.memory_space<vmem_shared>>
    %dma_start3A_24 = arith.constant 0 : i32
    %dma_start3A_25 = tpu.memref_slice %arg7[%add3A_21, %dma_start3A_24] : memref<10240x80xf32, #tpu.memory_space<vmem_shared>> -> memref<64x80xf32, #tpu.memory_space<vmem_shared>>
    tpu.enqueue_dma source(%arg16 : memref<64x80xf32, #tpu.memory_space<vmem>>) target(%dma_start3A_25 : memref<64x80xf32, #tpu.memory_space<vmem_shared>>) target_semaphore(%arg21 : memref<!tpu.dma_semaphore, #tpu.memory_space<semaphore_mem>>)
    %mul3A_26 = arith.constant 640 : i32
    %mul3A_27 = arith.muli %arg1, %mul3A_26 : i32
    %add3A_28 = arith.constant 192 : i32
    %add3A_29 = arith.addi %mul3A_27, %add3A_28 : i32
    %dma_start3A_30 = arith.constant 0 : i32
    %dma_start3A_31 = tpu.memref_slice %arg7[%add3A_29, %dma_start3A_30] : memref<10240x80xf32, #tpu.memory_space<vmem_shared>> -> memref<64x80xf32, #tpu.memory_space<vmem_shared>>
    %dma_start3A_32 = arith.constant 0 : i32
    %dma_start3A_33 = tpu.memref_slice %arg7[%add3A_29, %dma_start3A_32] : memref<10240x80xf32, #tpu.memory_space<vmem_shared>> -> memref<64x80xf32, #tpu.memory_space<vmem_shared>>
    tpu.enqueue_dma source(%arg16 : memref<64x80xf32, #tpu.memory_space<vmem>>) target(%dma_start3A_33 : memref<64x80xf32, #tpu.memory_space<vmem_shared>>) target_semaphore(%arg21 : memref<!tpu.dma_semaphore, #tpu.memory_space<semaphore_mem>>)
    %mul3A_34 = arith.constant 640 : i32
    %mul3A_35 = arith.muli %arg1, %mul3A_34 : i32
    %add3A_36 = arith.constant 256 : i32
    %add3A_37 = arith.addi %mul3A_35, %add3A_36 : i32
    %dma_start3A_38 = arith.constant 0 : i32
    %dma_start3A_39 = tpu.memref_slice %arg7[%add3A_37, %dma_start3A_38] : memref<10240x80xf32, #tpu.memory_space<vmem_shared>> -> memref<64x80xf32, #tpu.memory_space<vmem_shared>>
    %dma_start3A_40 = arith.constant 0 : i32
    %dma_start3A_41 = tpu.memref_slice %arg7[%add3A_37, %dma_start3A_40] : memref<10240x80xf32, #tpu.memory_space<vmem_shared>> -> memref<64x80xf32, #tpu.memory_space<vmem_shared>>
    tpu.enqueue_dma source(%arg16 : memref<64x80xf32, #tpu.memory_space<vmem>>) target(%dma_start3A_41 : memref<64x80xf32, #tpu.memory_space<vmem_shared>>) target_semaphore(%arg21 : memref<!tpu.dma_semaphore, #tpu.memory_space<semaphore_mem>>)
    %mul3A_42 = arith.constant 640 : i32
    %mul3A_43 = arith.muli %arg1, %mul3A_42 : i32
    %add3A_44 = arith.constant 320 : i32
    %add3A_45 = arith.addi %mul3A_43, %add3A_44 : i32
    %dma_start3A_46 = arith.constant 0 : i32
    %dma_start3A_47 = tpu.memref_slice %arg7[%add3A_45, %dma_start3A_46] : memref<10240x80xf32, #tpu.memory_space<vmem_shared>> -> memref<64x80xf32, #tpu.memory_space<vmem_shared>>
    %dma_start3A_48 = arith.constant 0 : i32
    %dma_start3A_49 = tpu.memref_slice %arg7[%add3A_45, %dma_start3A_48] : memref<10240x80xf32, #tpu.memory_space<vmem_shared>> -> memref<64x80xf32, #tpu.memory_space<vmem_shared>>
    tpu.enqueue_dma source(%arg16 : memref<64x80xf32, #tpu.memory_space<vmem>>) target(%dma_start3A_49 : memref<64x80xf32, #tpu.memory_space<vmem_shared>>) target_semaphore(%arg21 : memref<!tpu.dma_semaphore, #tpu.memory_space<semaphore_mem>>)
    %mul3A_50 = arith.constant 640 : i32
    %mul3A_51 = arith.muli %arg1, %mul3A_50 : i32
    %add3A_52 = arith.constant 384 : i32
    %add3A_53 = arith.addi %mul3A_51, %add3A_52 : i32
    %dma_start3A_54 = arith.constant 0 : i32
    %dma_start3A_55 = tpu.memref_slice %arg7[%add3A_53, %dma_start3A_54] : memref<10240x80xf32, #tpu.memory_space<vmem_shared>> -> memref<64x80xf32, #tpu.memory_space<vmem_shared>>
    %dma_start3A_56 = arith.constant 0 : i32
    %dma_start3A_57 = tpu.memref_slice %arg7[%add3A_53, %dma_start3A_56] : memref<10240x80xf32, #tpu.memory_space<vmem_shared>> -> memref<64x80xf32, #tpu.memory_space<vmem_shared>>
    tpu.enqueue_dma source(%arg16 : memref<64x80xf32, #tpu.memory_space<vmem>>) target(%dma_start3A_57 : memref<64x80xf32, #tpu.memory_space<vmem_shared>>) target_semaphore(%arg21 : memref<!tpu.dma_semaphore, #tpu.memory_space<semaphore_mem>>)
    %mul3A_58 = arith.constant 640 : i32
    %mul3A_59 = arith.muli %arg1, %mul3A_58 : i32
    %add3A_60 = arith.constant 448 : i32
    %add3A_61 = arith.addi %mul3A_59, %add3A_60 : i32
    %dma_start3A_62 = arith.constant 0 : i32
    %dma_start3A_63 = tpu.memref_slice %arg7[%add3A_61, %dma_start3A_62] : memref<10240x80xf32, #tpu.memory_space<vmem_shared>> -> memref<64x80xf32, #tpu.memory_space<vmem_shared>>
    %dma_start3A_64 = arith.constant 0 : i32
    %dma_start3A_65 = tpu.memref_slice %arg7[%add3A_61, %dma_start3A_64] : memref<10240x80xf32, #tpu.memory_space<vmem_shared>> -> memref<64x80xf32, #tpu.memory_space<vmem_shared>>
    tpu.enqueue_dma source(%arg16 : memref<64x80xf32, #tpu.memory_space<vmem>>) target(%dma_start3A_65 : memref<64x80xf32, #tpu.memory_space<vmem_shared>>) target_semaphore(%arg21 : memref<!tpu.dma_semaphore, #tpu.memory_space<semaphore_mem>>)
    %mul3A_66 = arith.constant 640 : i32
    %mul3A_67 = arith.muli %arg1, %mul3A_66 : i32
    %add3A_68 = arith.constant 512 : i32
    %add3A_69 = arith.addi %mul3A_67, %add3A_68 : i32
    %dma_start3A_70 = arith.constant 0 : i32
    %dma_start3A_71 = tpu.memref_slice %arg7[%add3A_69, %dma_start3A_70] : memref<10240x80xf32, #tpu.memory_space<vmem_shared>> -> memref<64x80xf32, #tpu.memory_space<vmem_shared>>
    %dma_start3A_72 = arith.constant 0 : i32
    %dma_start3A_73 = tpu.memref_slice %arg7[%add3A_69, %dma_start3A_72] : memref<10240x80xf32, #tpu.memory_space<vmem_shared>> -> memref<64x80xf32, #tpu.memory_space<vmem_shared>>
    tpu.enqueue_dma source(%arg16 : memref<64x80xf32, #tpu.memory_space<vmem>>) target(%dma_start3A_73 : memref<64x80xf32, #tpu.memory_space<vmem_shared>>) target_semaphore(%arg21 : memref<!tpu.dma_semaphore, #tpu.memory_space<semaphore_mem>>)
    %mul3A_74 = arith.constant 640 : i32
    %mul3A_75 = arith.muli %arg1, %mul3A_74 : i32
    %add3A_76 = arith.constant 576 : i32
    %add3A_77 = arith.addi %mul3A_75, %add3A_76 : i32
    %dma_start3A_78 = arith.constant 0 : i32
    %dma_start3A_79 = tpu.memref_slice %arg7[%add3A_77, %dma_start3A_78] : memref<10240x80xf32, #tpu.memory_space<vmem_shared>> -> memref<64x80xf32, #tpu.memory_space<vmem_shared>>
    %dma_start3A_80 = arith.constant 0 : i32
    %dma_start3A_81 = tpu.memref_slice %arg7[%add3A_77, %dma_start3A_80] : memref<10240x80xf32, #tpu.memory_space<vmem_shared>> -> memref<64x80xf32, #tpu.memory_space<vmem_shared>>
    tpu.enqueue_dma source(%arg16 : memref<64x80xf32, #tpu.memory_space<vmem>>) target(%dma_start3A_81 : memref<64x80xf32, #tpu.memory_space<vmem_shared>>) target_semaphore(%arg21 : memref<!tpu.dma_semaphore, #tpu.memory_space<semaphore_mem>>)
    %mul3A_82 = arith.constant 640 : i32
    %mul3A_83 = arith.muli %arg1, %mul3A_82 : i32
    %dma_wait3A = arith.constant 0 : i32
    %dma_wait3A_84 = tpu.memref_slice %arg7[%mul3A_83, %dma_wait3A] : memref<10240x80xf32, #tpu.memory_space<vmem_shared>> -> memref<64x80xf32, #tpu.memory_space<vmem_shared>>
    %dma_wait3A_85 = arith.constant 0 : i32
    %dma_wait3A_86 = tpu.memref_slice %arg7[%mul3A_83, %dma_wait3A_85] : memref<10240x80xf32, #tpu.memory_space<vmem_shared>> -> memref<64x80xf32, #tpu.memory_space<vmem_shared>>
    tpu.wait_dma2 semaphore(%arg21 : memref<!tpu.dma_semaphore, #tpu.memory_space<semaphore_mem>>) src(%arg16 : memref<64x80xf32, #tpu.memory_space<vmem>>) dst(%dma_wait3A_86 : memref<64x80xf32, #tpu.memory_space<vmem_shared>>)
    %mul3A_87 = arith.constant 640 : i32
    %mul3A_88 = arith.muli %arg1, %mul3A_87 : i32
    %dma_wait3A_89 = arith.constant 0 : i32
    %dma_wait3A_90 = tpu.memref_slice %arg7[%mul3A_88, %dma_wait3A_89] : memref<10240x80xf32, #tpu.memory_space<vmem_shared>> -> memref<64x80xf32, #tpu.memory_space<vmem_shared>>
    %dma_wait3A_91 = arith.constant 0 : i32
    %dma_wait3A_92 = tpu.memref_slice %arg7[%mul3A_88, %dma_wait3A_91] : memref<10240x80xf32, #tpu.memory_space<vmem_shared>> -> memref<64x80xf32, #tpu.memory_space<vmem_shared>>
    tpu.wait_dma2 semaphore(%arg21 : memref<!tpu.dma_semaphore, #tpu.memory_space<semaphore_mem>>) src(%arg16 : memref<64x80xf32, #tpu.memory_space<vmem>>) dst(%dma_wait3A_92 : memref<64x80xf32, #tpu.memory_space<vmem_shared>>)
    %mul3A_93 = arith.constant 640 : i32
    %mul3A_94 = arith.muli %arg1, %mul3A_93 : i32
    %dma_wait3A_95 = arith.constant 0 : i32
    %dma_wait3A_96 = tpu.memref_slice %arg7[%mul3A_94, %dma_wait3A_95] : memref<10240x80xf32, #tpu.memory_space<vmem_shared>> -> memref<64x80xf32, #tpu.memory_space<vmem_shared>>
    %dma_wait3A_97 = arith.constant 0 : i32
    %dma_wait3A_98 = tpu.memref_slice %arg7[%mul3A_94, %dma_wait3A_97] : memref<10240x80xf32, #tpu.memory_space<vmem_shared>> -> memref<64x80xf32, #tpu.memory_space<vmem_shared>>
    tpu.wait_dma2 semaphore(%arg21 : memref<!tpu.dma_semaphore, #tpu.memory_space<semaphore_mem>>) src(%arg16 : memref<64x80xf32, #tpu.memory_space<vmem>>) dst(%dma_wait3A_98 : memref<64x80xf32, #tpu.memory_space<vmem_shared>>)
    %mul3A_99 = arith.constant 640 : i32
    %mul3A_100 = arith.muli %arg1, %mul3A_99 : i32
    %dma_wait3A_101 = arith.constant 0 : i32
    %dma_wait3A_102 = tpu.memref_slice %arg7[%mul3A_100, %dma_wait3A_101] : memref<10240x80xf32, #tpu.memory_space<vmem_shared>> -> memref<64x80xf32, #tpu.memory_space<vmem_shared>>
    %dma_wait3A_103 = arith.constant 0 : i32
    %dma_wait3A_104 = tpu.memref_slice %arg7[%mul3A_100, %dma_wait3A_103] : memref<10240x80xf32, #tpu.memory_space<vmem_shared>> -> memref<64x80xf32, #tpu.memory_space<vmem_shared>>
    tpu.wait_dma2 semaphore(%arg21 : memref<!tpu.dma_semaphore, #tpu.memory_space<semaphore_mem>>) src(%arg16 : memref<64x80xf32, #tpu.memory_space<vmem>>) dst(%dma_wait3A_104 : memref<64x80xf32, #tpu.memory_space<vmem_shared>>)
    %mul3A_105 = arith.constant 640 : i32
    %mul3A_106 = arith.muli %arg1, %mul3A_105 : i32
    %dma_wait3A_107 = arith.constant 0 : i32
    %dma_wait3A_108 = tpu.memref_slice %arg7[%mul3A_106, %dma_wait3A_107] : memref<10240x80xf32, #tpu.memory_space<vmem_shared>> -> memref<64x80xf32, #tpu.memory_space<vmem_shared>>
    %dma_wait3A_109 = arith.constant 0 : i32
    %dma_wait3A_110 = tpu.memref_slice %arg7[%mul3A_106, %dma_wait3A_109] : memref<10240x80xf32, #tpu.memory_space<vmem_shared>> -> memref<64x80xf32, #tpu.memory_space<vmem_shared>>
    tpu.wait_dma2 semaphore(%arg21 : memref<!tpu.dma_semaphore, #tpu.memory_space<semaphore_mem>>) src(%arg16 : memref<64x80xf32, #tpu.memory_space<vmem>>) dst(%dma_wait3A_110 : memref<64x80xf32, #tpu.memory_space<vmem_shared>>)
    %mul3A_111 = arith.constant 640 : i32
    %mul3A_112 = arith.muli %arg1, %mul3A_111 : i32
    %dma_wait3A_113 = arith.constant 0 : i32
    %dma_wait3A_114 = tpu.memref_slice %arg7[%mul3A_112, %dma_wait3A_113] : memref<10240x80xf32, #tpu.memory_space<vmem_shared>> -> memref<64x80xf32, #tpu.memory_space<vmem_shared>>
    %dma_wait3A_115 = arith.constant 0 : i32
    %dma_wait3A_116 = tpu.memref_slice %arg7[%mul3A_112, %dma_wait3A_115] : memref<10240x80xf32, #tpu.memory_space<vmem_shared>> -> memref<64x80xf32, #tpu.memory_space<vmem_shared>>
    tpu.wait_dma2 semaphore(%arg21 : memref<!tpu.dma_semaphore, #tpu.memory_space<semaphore_mem>>) src(%arg16 : memref<64x80xf32, #tpu.memory_space<vmem>>) dst(%dma_wait3A_116 : memref<64x80xf32, #tpu.memory_space<vmem_shared>>)
    %mul3A_117 = arith.constant 640 : i32
    %mul3A_118 = arith.muli %arg1, %mul3A_117 : i32
    %dma_wait3A_119 = arith.constant 0 : i32
    %dma_wait3A_120 = tpu.memref_slice %arg7[%mul3A_118, %dma_wait3A_119] : memref<10240x80xf32, #tpu.memory_space<vmem_shared>> -> memref<64x80xf32, #tpu.memory_space<vmem_shared>>
    %dma_wait3A_121 = arith.constant 0 : i32
    %dma_wait3A_122 = tpu.memref_slice %arg7[%mul3A_118, %dma_wait3A_121] : memref<10240x80xf32, #tpu.memory_space<vmem_shared>> -> memref<64x80xf32, #tpu.memory_space<vmem_shared>>
    tpu.wait_dma2 semaphore(%arg21 : memref<!tpu.dma_semaphore, #tpu.memory_space<semaphore_mem>>) src(%arg16 : memref<64x80xf32, #tpu.memory_space<vmem>>) dst(%dma_wait3A_122 : memref<64x80xf32, #tpu.memory_space<vmem_shared>>)
    %mul3A_123 = arith.constant 640 : i32
    %mul3A_124 = arith.muli %arg1, %mul3A_123 : i32
    %dma_wait3A_125 = arith.constant 0 : i32
    %dma_wait3A_126 = tpu.memref_slice %arg7[%mul3A_124, %dma_wait3A_125] : memref<10240x80xf32, #tpu.memory_space<vmem_shared>> -> memref<64x80xf32, #tpu.memory_space<vmem_shared>>
    %dma_wait3A_127 = arith.constant 0 : i32
    %dma_wait3A_128 = tpu.memref_slice %arg7[%mul3A_124, %dma_wait3A_127] : memref<10240x80xf32, #tpu.memory_space<vmem_shared>> -> memref<64x80xf32, #tpu.memory_space<vmem_shared>>
    tpu.wait_dma2 semaphore(%arg21 : memref<!tpu.dma_semaphore, #tpu.memory_space<semaphore_mem>>) src(%arg16 : memref<64x80xf32, #tpu.memory_space<vmem>>) dst(%dma_wait3A_128 : memref<64x80xf32, #tpu.memory_space<vmem_shared>>)
    %mul3A_129 = arith.constant 640 : i32
    %mul3A_130 = arith.muli %arg1, %mul3A_129 : i32
    %dma_wait3A_131 = arith.constant 0 : i32
    %dma_wait3A_132 = tpu.memref_slice %arg7[%mul3A_130, %dma_wait3A_131] : memref<10240x80xf32, #tpu.memory_space<vmem_shared>> -> memref<64x80xf32, #tpu.memory_space<vmem_shared>>
    %dma_wait3A_133 = arith.constant 0 : i32
    %dma_wait3A_134 = tpu.memref_slice %arg7[%mul3A_130, %dma_wait3A_133] : memref<10240x80xf32, #tpu.memory_space<vmem_shared>> -> memref<64x80xf32, #tpu.memory_space<vmem_shared>>
    tpu.wait_dma2 semaphore(%arg21 : memref<!tpu.dma_semaphore, #tpu.memory_space<semaphore_mem>>) src(%arg16 : memref<64x80xf32, #tpu.memory_space<vmem>>) dst(%dma_wait3A_134 : memref<64x80xf32, #tpu.memory_space<vmem_shared>>)
    %mul3A_135 = arith.constant 640 : i32
    %mul3A_136 = arith.muli %arg1, %mul3A_135 : i32
    %dma_wait3A_137 = arith.constant 0 : i32
    %dma_wait3A_138 = tpu.memref_slice %arg7[%mul3A_136, %dma_wait3A_137] : memref<10240x80xf32, #tpu.memory_space<vmem_shared>> -> memref<64x80xf32, #tpu.memory_space<vmem_shared>>
    %dma_wait3A_139 = arith.constant 0 : i32
    %dma_wait3A_140 = tpu.memref_slice %arg7[%mul3A_136, %dma_wait3A_139] : memref<10240x80xf32, #tpu.memory_space<vmem_shared>> -> memref<64x80xf32, #tpu.memory_space<vmem_shared>>
    tpu.wait_dma2 semaphore(%arg21 : memref<!tpu.dma_semaphore, #tpu.memory_space<semaphore_mem>>) src(%arg16 : memref<64x80xf32, #tpu.memory_space<vmem>>) dst(%dma_wait3A_140 : memref<64x80xf32, #tpu.memory_space<vmem_shared>>)
    %barrier3A = arith.constant 0 : index
    tpu.barrier barrier_id(%barrier3A)
    %dma_start3A_141 = arith.constant 0 : i32
    %dma_start3A_142 = arith.constant 0 : i32
    %dma_start3A_143 = tpu.memref_slice %arg8[%dma_start3A_141, %dma_start3A_142] : memref<250x80xi32, #tpu.memory_space<vmem>> -> memref<1x80xi32, #tpu.memory_space<vmem>>
    %dma_start3A_144 = tpu.memref_squeeze %dma_start3A_143 : memref<1x80xi32, #tpu.memory_space<vmem>> -> memref<80xi32, #tpu.memory_space<vmem>>
    %dma_start3A_145 = arith.constant 0 : i32
    %dma_start3A_146 = arith.constant 0 : i32
    %dma_start3A_147 = tpu.memref_slice %arg2[%dma_start3A_145, %dma_start3A_146] : memref<10000x80xf32, #tpu.memory_space<hbm>> -> memref<10000x80xf32, #tpu.memory_space<hbm>>
    tpu.enqueue_indirect_dma source(%dma_start3A_147 : memref<10000x80xf32, #tpu.memory_space<hbm>>) target(%arg10 : memref<80x80xf32, #tpu.memory_space<vmem>>) offsets(%dma_start3A_144 : memref<80xi32, #tpu.memory_space<vmem>>) semaphore(%arg17 : memref<!tpu.dma_semaphore, #tpu.memory_space<semaphore_mem>>)
    %dma_start3A_148 = arith.constant 0 : i32
    %dma_start3A_149 = arith.constant 0 : i32
    %dma_start3A_150 = tpu.memref_slice %arg9[%dma_start3A_148, %dma_start3A_149] : memref<250x80xi32, #tpu.memory_space<vmem>> -> memref<1x80xi32, #tpu.memory_space<vmem>>
    %dma_start3A_151 = tpu.memref_squeeze %dma_start3A_150 : memref<1x80xi32, #tpu.memory_space<vmem>> -> memref<80xi32, #tpu.memory_space<vmem>>
    %dma_start3A_152 = arith.constant 0 : i32
    %dma_start3A_153 = arith.constant 0 : i32
    %dma_start3A_154 = tpu.memref_slice %arg3[%dma_start3A_152, %dma_start3A_153] : memref<10000x16xf32, #tpu.memory_space<hbm>> -> memref<10000x16xf32, #tpu.memory_space<hbm>>
    tpu.enqueue_indirect_dma source(%dma_start3A_154 : memref<10000x16xf32, #tpu.memory_space<hbm>>) target(%arg12 : memref<80x16xf32, #tpu.memory_space<vmem>>) offsets(%dma_start3A_151 : memref<80xi32, #tpu.memory_space<vmem>>) semaphore(%arg18 : memref<!tpu.dma_semaphore, #tpu.memory_space<semaphore_mem>>)
    %scan3A = arith.constant 0 : i32
    %scan3A_155 = arith.constant 0 : i32
    %scan3A_156 = arith.constant 125 : i32
    %scan3A_157 = arith.addi %scan3A_155, %scan3A_156 : i32
    %scan3A_158 = arith.constant 1 : i32
    %scan3A_159 = scf.for %scan3A_178 = %scan3A_155 to %scan3A_157 step %scan3A_158 iter_args(%scan3A_179 = %scan3A) -> (i32)  : i32 {
      %mul3A_180 = arith.constant 2 : i32
      %mul3A_181 = arith.muli %mul3A_180, %scan3A_178 : i32
      %add3A_182 = arith.constant 1 : i32
      %add3A_183 = arith.addi %mul3A_181, %add3A_182 : i32
      %dma_start3A_184 = arith.constant 0 : i32
      %dma_start3A_185 = tpu.memref_slice %arg8[%add3A_183, %dma_start3A_184] : memref<250x80xi32, #tpu.memory_space<vmem>> -> memref<1x80xi32, #tpu.memory_space<vmem>>
      %dma_start3A_186 = tpu.memref_squeeze %dma_start3A_185 : memref<1x80xi32, #tpu.memory_space<vmem>> -> memref<80xi32, #tpu.memory_space<vmem>>
      %dma_start3A_187 = arith.constant 0 : i32
      %dma_start3A_188 = arith.constant 0 : i32
      %dma_start3A_189 = tpu.memref_slice %arg2[%dma_start3A_187, %dma_start3A_188] : memref<10000x80xf32, #tpu.memory_space<hbm>> -> memref<10000x80xf32, #tpu.memory_space<hbm>>
      tpu.enqueue_indirect_dma source(%dma_start3A_189 : memref<10000x80xf32, #tpu.memory_space<hbm>>) target(%arg11 : memref<80x80xf32, #tpu.memory_space<vmem>>) offsets(%dma_start3A_186 : memref<80xi32, #tpu.memory_space<vmem>>) semaphore(%arg19 : memref<!tpu.dma_semaphore, #tpu.memory_space<semaphore_mem>>)
      %dma_start3A_190 = arith.constant 0 : i32
      %dma_start3A_191 = tpu.memref_slice %arg9[%add3A_183, %dma_start3A_190] : memref<250x80xi32, #tpu.memory_space<vmem>> -> memref<1x80xi32, #tpu.memory_space<vmem>>
      %dma_start3A_192 = tpu.memref_squeeze %dma_start3A_191 : memref<1x80xi32, #tpu.memory_space<vmem>> -> memref<80xi32, #tpu.memory_space<vmem>>
      %dma_start3A_193 = arith.constant 0 : i32
      %dma_start3A_194 = arith.constant 0 : i32
      %dma_start3A_195 = tpu.memref_slice %arg3[%dma_start3A_193, %dma_start3A_194] : memref<10000x16xf32, #tpu.memory_space<hbm>> -> memref<10000x16xf32, #tpu.memory_space<hbm>>
      tpu.enqueue_indirect_dma source(%dma_start3A_195 : memref<10000x16xf32, #tpu.memory_space<hbm>>) target(%arg13 : memref<80x16xf32, #tpu.memory_space<vmem>>) offsets(%dma_start3A_192 : memref<80xi32, #tpu.memory_space<vmem>>) semaphore(%arg20 : memref<!tpu.dma_semaphore, #tpu.memory_space<semaphore_mem>>)
      %dma_wait3A_196 = arith.constant 0 : i32
      %dma_wait3A_197 = arith.constant 0 : i32
      %dma_wait3A_198 = tpu.memref_slice %arg8[%dma_wait3A_196, %dma_wait3A_197] : memref<250x80xi32, #tpu.memory_space<vmem>> -> memref<1x80xi32, #tpu.memory_space<vmem>>
      %dma_wait3A_199 = tpu.memref_squeeze %dma_wait3A_198 : memref<1x80xi32, #tpu.memory_space<vmem>> -> memref<80xi32, #tpu.memory_space<vmem>>
      %dma_wait3A_200 = arith.constant 0 : i32
      %dma_wait3A_201 = arith.constant 0 : i32
      %dma_wait3A_202 = tpu.memref_slice %arg2[%dma_wait3A_200, %dma_wait3A_201] : memref<10000x80xf32, #tpu.memory_space<hbm>> -> memref<10000x80xf32, #tpu.memory_space<hbm>>
      tpu.wait_indirect_dma semaphore(%arg17 : memref<!tpu.dma_semaphore, #tpu.memory_space<semaphore_mem>>) src(%dma_wait3A_202 : memref<10000x80xf32, #tpu.memory_space<hbm>>) dst(%arg10 : memref<80x80xf32, #tpu.memory_space<vmem>>)
      %dma_wait3A_203 = arith.constant 0 : i32
      %dma_wait3A_204 = arith.constant 0 : i32
      %dma_wait3A_205 = tpu.memref_slice %arg9[%dma_wait3A_203, %dma_wait3A_204] : memref<250x80xi32, #tpu.memory_space<vmem>> -> memref<1x80xi32, #tpu.memory_space<vmem>>
      %dma_wait3A_206 = tpu.memref_squeeze %dma_wait3A_205 : memref<1x80xi32, #tpu.memory_space<vmem>> -> memref<80xi32, #tpu.memory_space<vmem>>
      %dma_wait3A_207 = arith.constant 0 : i32
      %dma_wait3A_208 = arith.constant 0 : i32
      %dma_wait3A_209 = tpu.memref_slice %arg3[%dma_wait3A_207, %dma_wait3A_208] : memref<10000x16xf32, #tpu.memory_space<hbm>> -> memref<10000x16xf32, #tpu.memory_space<hbm>>
      tpu.wait_indirect_dma semaphore(%arg18 : memref<!tpu.dma_semaphore, #tpu.memory_space<semaphore_mem>>) src(%dma_wait3A_209 : memref<10000x16xf32, #tpu.memory_space<hbm>>) dst(%arg12 : memref<80x16xf32, #tpu.memory_space<vmem>>)
      %ge3A = arith.constant 2 : i32
      %ge3A_210 = arith.cmpi sge, %mul3A_181, %ge3A : i32
      %convert_element_type3A = arith.extui %ge3A_210 : i1 to i32
      %cond3A = arith.constant 0 : i32
      %cond3A_211 = arith.cmpi ne, %convert_element_type3A, %cond3A : i32
      scf.if %cond3A_211 {
        %dma_wait3A_258 = arith.constant 0 : i32
        %dma_wait3A_259 = arith.constant 0 : i32
        %dma_wait3A_260 = tpu.memref_slice %arg9[%dma_wait3A_258, %dma_wait3A_259] : memref<250x80xi32, #tpu.memory_space<vmem>> -> memref<1x80xi32, #tpu.memory_space<vmem>>
        %dma_wait3A_261 = tpu.memref_squeeze %dma_wait3A_260 : memref<1x80xi32, #tpu.memory_space<vmem>> -> memref<80xi32, #tpu.memory_space<vmem>>
        %dma_wait3A_262 = arith.constant 0 : i32
        %dma_wait3A_263 = arith.constant 0 : i32
        %dma_wait3A_264 = tpu.memref_slice %arg7[%dma_wait3A_262, %dma_wait3A_263] : memref<10240x80xf32, #tpu.memory_space<vmem_shared>> -> memref<10240x80xf32, #tpu.memory_space<vmem_shared>>
        tpu.wait_indirect_dma semaphore(%arg21 : memref<!tpu.dma_semaphore, #tpu.memory_space<semaphore_mem>>) src(%arg14 : memref<80x80xf32, #tpu.memory_space<vmem>>) dst(%dma_wait3A_264 : memref<10240x80xf32, #tpu.memory_space<vmem_shared>>)
      } else {
      }
      %parallel_loop3A_212 = arith.constant 0 : i32
      %parallel_loop3A_213 = arith.constant 80 : i32
      %parallel_loop3A_214 = arith.constant 1 : i32
      scf.for %parallel_loop3A_258 = %parallel_loop3A_212 to %parallel_loop3A_213 step %parallel_loop3A_214  : i32 {
        %parallel_loop3A_259 = arith.index_cast %parallel_loop3A_258 : i32 to index
        %parallel_loop3A_260 = arith.constant 64 : index
        %parallel_loop3A_261 = tpu.vector_load %arg10[%parallel_loop3A_259, %parallel_loop3A_260] {strides = array<i32>} : memref<80x80xf32, #tpu.memory_space<vmem>>, vector<1x16xf32>,
        %parallel_loop3A_262 = vector.shape_cast %parallel_loop3A_261 : vector<1x16xf32> to vector<16xf32>
        %parallel_loop3A_263 = arith.index_cast %parallel_loop3A_258 : i32 to index
        %parallel_loop3A_264 = arith.constant 0 : index
        %parallel_loop3A_265 = tpu.vector_load %arg12[%parallel_loop3A_263, %parallel_loop3A_264] {strides = array<i32>} : memref<80x16xf32, #tpu.memory_space<vmem>>, vector<1x16xf32>,
        %parallel_loop3A_266 = vector.shape_cast %parallel_loop3A_265 : vector<1x16xf32> to vector<16xf32>
        %parallel_loop3A_267 = arith.addf %parallel_loop3A_262, %parallel_loop3A_266 : vector<16xf32>
        %parallel_loop3A_268 = arith.constant 2.000000e-01 : f32
        %parallel_loop3A_269 = vector.broadcast %parallel_loop3A_268 : f32 to vector<16xf32>
        %parallel_loop3A_270 = arith.mulf %parallel_loop3A_269, %parallel_loop3A_267 : vector<16xf32>
        %parallel_loop3A_271 = arith.maximumf %parallel_loop3A_267, %parallel_loop3A_270 : vector<16xf32>
        %parallel_loop3A_272 = math.exp %parallel_loop3A_271 : vector<16xf32>
        %parallel_loop3A_273 = arith.index_cast %parallel_loop3A_258 : i32 to index
        %parallel_loop3A_274 = arith.constant 64 : index
        %parallel_loop3A_275 = tpu.vector_load %arg14[%parallel_loop3A_273, %parallel_loop3A_274] {strides = array<i32>} : memref<80x80xf32, #tpu.memory_space<vmem>>, vector<1x16xf32>,
        %parallel_loop3A_276 = vector.shape_cast %parallel_loop3A_275 : vector<1x16xf32> to vector<16xf32>
        %parallel_loop3A_277 = vector.shape_cast %parallel_loop3A_272 : vector<16xf32> to vector<1x16xf32>
        tpu.vector_store %arg14[%parallel_loop3A_273, %parallel_loop3A_274], %parallel_loop3A_277 {strides = array<i32>} : memref<80x80xf32, #tpu.memory_space<vmem>>, vector<1x16xf32>,
        %parallel_loop3A_278 = arith.index_cast %parallel_loop3A_258 : i32 to index
        %parallel_loop3A_279 = arith.constant 0 : index
        %parallel_loop3A_280 = tpu.vector_load %arg10[%parallel_loop3A_278, %parallel_loop3A_279] {strides = array<i32>} : memref<80x80xf32, #tpu.memory_space<vmem>>, vector<1x16xf32>,
        %parallel_loop3A_281 = vector.shape_cast %parallel_loop3A_280 : vector<1x16xf32> to vector<16xf32>
        %parallel_loop3A_282 = arith.mulf %parallel_loop3A_281, %parallel_loop3A_272 : vector<16xf32>
        %parallel_loop3A_283 = arith.index_cast %parallel_loop3A_258 : i32 to index
        %parallel_loop3A_284 = arith.constant 0 : index
        %parallel_loop3A_285 = tpu.vector_load %arg14[%parallel_loop3A_283, %parallel_loop3A_284] {strides = array<i32>} : memref<80x80xf32, #tpu.memory_space<vmem>>, vector<1x16xf32>,
        %parallel_loop3A_286 = vector.shape_cast %parallel_loop3A_285 : vector<1x16xf32> to vector<16xf32>
        %parallel_loop3A_287 = vector.shape_cast %parallel_loop3A_282 : vector<16xf32> to vector<1x16xf32>
        tpu.vector_store %arg14[%parallel_loop3A_283, %parallel_loop3A_284], %parallel_loop3A_287 {strides = array<i32>} : memref<80x80xf32, #tpu.memory_space<vmem>>, vector<1x16xf32>,
        %parallel_loop3A_288 = arith.index_cast %parallel_loop3A_258 : i32 to index
        %parallel_loop3A_289 = arith.constant 16 : index
        %parallel_loop3A_290 = tpu.vector_load %arg10[%parallel_loop3A_288, %parallel_loop3A_289] {strides = array<i32>} : memref<80x80xf32, #tpu.memory_space<vmem>>, vector<1x16xf32>,
        %parallel_loop3A_291 = vector.shape_cast %parallel_loop3A_290 : vector<1x16xf32> to vector<16xf32>
        %parallel_loop3A_292 = arith.mulf %parallel_loop3A_291, %parallel_loop3A_272 : vector<16xf32>
        %parallel_loop3A_293 = arith.index_cast %parallel_loop3A_258 : i32 to index
        %parallel_loop3A_294 = arith.constant 16 : index
        %parallel_loop3A_295 = tpu.vector_load %arg14[%parallel_loop3A_293, %parallel_loop3A_294] {strides = array<i32>} : memref<80x80xf32, #tpu.memory_space<vmem>>, vector<1x16xf32>,
        %parallel_loop3A_296 = vector.shape_cast %parallel_loop3A_295 : vector<1x16xf32> to vector<16xf32>
        %parallel_loop3A_297 = vector.shape_cast %parallel_loop3A_292 : vector<16xf32> to vector<1x16xf32>
        tpu.vector_store %arg14[%parallel_loop3A_293, %parallel_loop3A_294], %parallel_loop3A_297 {strides = array<i32>} : memref<80x80xf32, #tpu.memory_space<vmem>>, vector<1x16xf32>,
        %parallel_loop3A_298 = arith.index_cast %parallel_loop3A_258 : i32 to index
        %parallel_loop3A_299 = arith.constant 32 : index
        %parallel_loop3A_300 = tpu.vector_load %arg10[%parallel_loop3A_298, %parallel_loop3A_299] {strides = array<i32>} : memref<80x80xf32, #tpu.memory_space<vmem>>, vector<1x16xf32>,
        %parallel_loop3A_301 = vector.shape_cast %parallel_loop3A_300 : vector<1x16xf32> to vector<16xf32>
        %parallel_loop3A_302 = arith.mulf %parallel_loop3A_301, %parallel_loop3A_272 : vector<16xf32>
        %parallel_loop3A_303 = arith.index_cast %parallel_loop3A_258 : i32 to index
        %parallel_loop3A_304 = arith.constant 32 : index
        %parallel_loop3A_305 = tpu.vector_load %arg14[%parallel_loop3A_303, %parallel_loop3A_304] {strides = array<i32>} : memref<80x80xf32, #tpu.memory_space<vmem>>, vector<1x16xf32>,
        %parallel_loop3A_306 = vector.shape_cast %parallel_loop3A_305 : vector<1x16xf32> to vector<16xf32>
        %parallel_loop3A_307 = vector.shape_cast %parallel_loop3A_302 : vector<16xf32> to vector<1x16xf32>
        tpu.vector_store %arg14[%parallel_loop3A_303, %parallel_loop3A_304], %parallel_loop3A_307 {strides = array<i32>} : memref<80x80xf32, #tpu.memory_space<vmem>>, vector<1x16xf32>,
        %parallel_loop3A_308 = arith.index_cast %parallel_loop3A_258 : i32 to index
        %parallel_loop3A_309 = arith.constant 48 : index
        %parallel_loop3A_310 = tpu.vector_load %arg10[%parallel_loop3A_308, %parallel_loop3A_309] {strides = array<i32>} : memref<80x80xf32, #tpu.memory_space<vmem>>, vector<1x16xf32>,
        %parallel_loop3A_311 = vector.shape_cast %parallel_loop3A_310 : vector<1x16xf32> to vector<16xf32>
        %parallel_loop3A_312 = arith.mulf %parallel_loop3A_311, %parallel_loop3A_272 : vector<16xf32>
        %parallel_loop3A_313 = arith.index_cast %parallel_loop3A_258 : i32 to index
        %parallel_loop3A_314 = arith.constant 48 : index
        %parallel_loop3A_315 = tpu.vector_load %arg14[%parallel_loop3A_313, %parallel_loop3A_314] {strides = array<i32>} : memref<80x80xf32, #tpu.memory_space<vmem>>, vector<1x16xf32>,
        %parallel_loop3A_316 = vector.shape_cast %parallel_loop3A_315 : vector<1x16xf32> to vector<16xf32>
        %parallel_loop3A_317 = vector.shape_cast %parallel_loop3A_312 : vector<16xf32> to vector<1x16xf32>
        tpu.vector_store %arg14[%parallel_loop3A_313, %parallel_loop3A_314], %parallel_loop3A_317 {strides = array<i32>} : memref<80x80xf32, #tpu.memory_space<vmem>>, vector<1x16xf32>,
      } {sc.loop_unroll_factor = 8 : i64, sc.parallel_access}
      %dma_start3A_215 = arith.constant 0 : i32
      %dma_start3A_216 = tpu.memref_slice %arg9[%mul3A_181, %dma_start3A_215] : memref<250x80xi32, #tpu.memory_space<vmem>> -> memref<1x80xi32, #tpu.memory_space<vmem>>
      %dma_start3A_217 = tpu.memref_squeeze %dma_start3A_216 : memref<1x80xi32, #tpu.memory_space<vmem>> -> memref<80xi32, #tpu.memory_space<vmem>>
      %dma_start3A_218 = arith.constant 0 : i32
      %dma_start3A_219 = arith.constant 0 : i32
      %dma_start3A_220 = tpu.memref_slice %arg7[%dma_start3A_218, %dma_start3A_219] : memref<10240x80xf32, #tpu.memory_space<vmem_shared>> -> memref<10240x80xf32, #tpu.memory_space<vmem_shared>>
      tpu.enqueue_indirect_dma source(%arg14 : memref<80x80xf32, #tpu.memory_space<vmem>>) target(%dma_start3A_220 : memref<10240x80xf32, #tpu.memory_space<vmem_shared>>) offsets(%dma_start3A_217 : memref<80xi32, #tpu.memory_space<vmem>>) semaphore(%arg21 : memref<!tpu.dma_semaphore, #tpu.memory_space<semaphore_mem>>) {add = true}
      %add3A_221 = arith.constant 2 : i32
      %add3A_222 = arith.addi %mul3A_181, %add3A_221 : i32
      %lt3A = arith.constant 250 : i32
      %lt3A_223 = arith.cmpi slt, %add3A_222, %lt3A : i32
      %convert_element_type3A_224 = arith.extui %lt3A_223 : i1 to i32
      %cond3A_225 = arith.constant 0 : i32
      %cond3A_226 = arith.cmpi ne, %convert_element_type3A_224, %cond3A_225 : i32
      scf.if %cond3A_226 {
        %add3A_258 = arith.constant 2 : i32
        %add3A_259 = arith.addi %mul3A_181, %add3A_258 : i32
        %dma_start3A_260 = arith.constant 0 : i32
        %dma_start3A_261 = tpu.memref_slice %arg8[%add3A_259, %dma_start3A_260] : memref<250x80xi32, #tpu.memory_space<vmem>> -> memref<1x80xi32, #tpu.memory_space<vmem>>
        %dma_start3A_262 = tpu.memref_squeeze %dma_start3A_261 : memref<1x80xi32, #tpu.memory_space<vmem>> -> memref<80xi32, #tpu.memory_space<vmem>>
        %dma_start3A_263 = arith.constant 0 : i32
        %dma_start3A_264 = arith.constant 0 : i32
        %dma_start3A_265 = tpu.memref_slice %arg2[%dma_start3A_263, %dma_start3A_264] : memref<10000x80xf32, #tpu.memory_space<hbm>> -> memref<10000x80xf32, #tpu.memory_space<hbm>>
        tpu.enqueue_indirect_dma source(%dma_start3A_265 : memref<10000x80xf32, #tpu.memory_space<hbm>>) target(%arg10 : memref<80x80xf32, #tpu.memory_space<vmem>>) offsets(%dma_start3A_262 : memref<80xi32, #tpu.memory_space<vmem>>) semaphore(%arg17 : memref<!tpu.dma_semaphore, #tpu.memory_space<semaphore_mem>>)
        %dma_start3A_266 = arith.constant 0 : i32
        %dma_start3A_267 = tpu.memref_slice %arg9[%add3A_259, %dma_start3A_266] : memref<250x80xi32, #tpu.memory_space<vmem>> -> memref<1x80xi32, #tpu.memory_space<vmem>>
        %dma_start3A_268 = tpu.memref_squeeze %dma_start3A_267 : memref<1x80xi32, #tpu.memory_space<vmem>> -> memref<80xi32, #tpu.memory_space<vmem>>
        %dma_start3A_269 = arith.constant 0 : i32
        %dma_start3A_270 = arith.constant 0 : i32
        %dma_start3A_271 = tpu.memref_slice %arg3[%dma_start3A_269, %dma_start3A_270] : memref<10000x16xf32, #tpu.memory_space<hbm>> -> memref<10000x16xf32, #tpu.memory_space<hbm>>
        tpu.enqueue_indirect_dma source(%dma_start3A_271 : memref<10000x16xf32, #tpu.memory_space<hbm>>) target(%arg12 : memref<80x16xf32, #tpu.memory_space<vmem>>) offsets(%dma_start3A_268 : memref<80xi32, #tpu.memory_space<vmem>>) semaphore(%arg18 : memref<!tpu.dma_semaphore, #tpu.memory_space<semaphore_mem>>)
      } else {
      }
      %add3A_227 = arith.constant 1 : i32
      %add3A_228 = arith.addi %mul3A_181, %add3A_227 : i32
      %dma_wait3A_229 = arith.constant 0 : i32
      %dma_wait3A_230 = arith.constant 0 : i32
      %dma_wait3A_231 = tpu.memref_slice %arg8[%dma_wait3A_229, %dma_wait3A_230] : memref<250x80xi32, #tpu.memory_space<vmem>> -> memref<1x80xi32, #tpu.memory_space<vmem>>
      %dma_wait3A_232 = tpu.memref_squeeze %dma_wait3A_231 : memref<1x80xi32, #tpu.memory_space<vmem>> -> memref<80xi32, #tpu.memory_space<vmem>>
      %dma_wait3A_233 = arith.constant 0 : i32
      %dma_wait3A_234 = arith.constant 0 : i32
      %dma_wait3A_235 = tpu.memref_slice %arg2[%dma_wait3A_233, %dma_wait3A_234] : memref<10000x80xf32, #tpu.memory_space<hbm>> -> memref<10000x80xf32, #tpu.memory_space<hbm>>
      tpu.wait_indirect_dma semaphore(%arg19 : memref<!tpu.dma_semaphore, #tpu.memory_space<semaphore_mem>>) src(%dma_wait3A_235 : memref<10000x80xf32, #tpu.memory_space<hbm>>) dst(%arg11 : memref<80x80xf32, #tpu.memory_space<vmem>>)
      %dma_wait3A_236 = arith.constant 0 : i32
      %dma_wait3A_237 = arith.constant 0 : i32
      %dma_wait3A_238 = tpu.memref_slice %arg9[%dma_wait3A_236, %dma_wait3A_237] : memref<250x80xi32, #tpu.memory_space<vmem>> -> memref<1x80xi32, #tpu.memory_space<vmem>>
      %dma_wait3A_239 = tpu.memref_squeeze %dma_wait3A_238 : memref<1x80xi32, #tpu.memory_space<vmem>> -> memref<80xi32, #tpu.memory_space<vmem>>
      %dma_wait3A_240 = arith.constant 0 : i32
      %dma_wait3A_241 = arith.constant 0 : i32
      %dma_wait3A_242 = tpu.memref_slice %arg3[%dma_wait3A_240, %dma_wait3A_241] : memref<10000x16xf32, #tpu.memory_space<hbm>> -> memref<10000x16xf32, #tpu.memory_space<hbm>>
      tpu.wait_indirect_dma semaphore(%arg20 : memref<!tpu.dma_semaphore, #tpu.memory_space<semaphore_mem>>) src(%dma_wait3A_242 : memref<10000x16xf32, #tpu.memory_space<hbm>>) dst(%arg13 : memref<80x16xf32, #tpu.memory_space<vmem>>)
      %ge3A_243 = arith.constant 2 : i32
      %ge3A_244 = arith.cmpi sge, %add3A_228, %ge3A_243 : i32
      %convert_element_type3A_245 = arith.extui %ge3A_244 : i1 to i32
      %cond3A_246 = arith.constant 0 : i32
      %cond3A_247 = arith.cmpi ne, %convert_element_type3A_245, %cond3A_246 : i32
      scf.if %cond3A_247 {
        %dma_wait3A_258 = arith.constant 0 : i32
        %dma_wait3A_259 = arith.constant 0 : i32
        %dma_wait3A_260 = tpu.memref_slice %arg9[%dma_wait3A_258, %dma_wait3A_259] : memref<250x80xi32, #tpu.memory_space<vmem>> -> memref<1x80xi32, #tpu.memory_space<vmem>>
        %dma_wait3A_261 = tpu.memref_squeeze %dma_wait3A_260 : memref<1x80xi32, #tpu.memory_space<vmem>> -> memref<80xi32, #tpu.memory_space<vmem>>
        %dma_wait3A_262 = arith.constant 0 : i32
        %dma_wait3A_263 = arith.constant 0 : i32
        %dma_wait3A_264 = tpu.memref_slice %arg7[%dma_wait3A_262, %dma_wait3A_263] : memref<10240x80xf32, #tpu.memory_space<vmem_shared>> -> memref<10240x80xf32, #tpu.memory_space<vmem_shared>>
        tpu.wait_indirect_dma semaphore(%arg22 : memref<!tpu.dma_semaphore, #tpu.memory_space<semaphore_mem>>) src(%arg15 : memref<80x80xf32, #tpu.memory_space<vmem>>) dst(%dma_wait3A_264 : memref<10240x80xf32, #tpu.memory_space<vmem_shared>>)
      } else {
      }
      %parallel_loop3A_248 = arith.constant 0 : i32
      %parallel_loop3A_249 = arith.constant 80 : i32
      %parallel_loop3A_250 = arith.constant 1 : i32
      scf.for %parallel_loop3A_258 = %parallel_loop3A_248 to %parallel_loop3A_249 step %parallel_loop3A_250  : i32 {
        %parallel_loop3A_259 = arith.index_cast %parallel_loop3A_258 : i32 to index
        %parallel_loop3A_260 = arith.constant 64 : index
        %parallel_loop3A_261 = tpu.vector_load %arg11[%parallel_loop3A_259, %parallel_loop3A_260] {strides = array<i32>} : memref<80x80xf32, #tpu.memory_space<vmem>>, vector<1x16xf32>,
        %parallel_loop3A_262 = vector.shape_cast %parallel_loop3A_261 : vector<1x16xf32> to vector<16xf32>
        %parallel_loop3A_263 = arith.index_cast %parallel_loop3A_258 : i32 to index
        %parallel_loop3A_264 = arith.constant 0 : index
        %parallel_loop3A_265 = tpu.vector_load %arg13[%parallel_loop3A_263, %parallel_loop3A_264] {strides = array<i32>} : memref<80x16xf32, #tpu.memory_space<vmem>>, vector<1x16xf32>,
        %parallel_loop3A_266 = vector.shape_cast %parallel_loop3A_265 : vector<1x16xf32> to vector<16xf32>
        %parallel_loop3A_267 = arith.addf %parallel_loop3A_262, %parallel_loop3A_266 : vector<16xf32>
        %parallel_loop3A_268 = arith.constant 2.000000e-01 : f32
        %parallel_loop3A_269 = vector.broadcast %parallel_loop3A_268 : f32 to vector<16xf32>
        %parallel_loop3A_270 = arith.mulf %parallel_loop3A_269, %parallel_loop3A_267 : vector<16xf32>
        %parallel_loop3A_271 = arith.maximumf %parallel_loop3A_267, %parallel_loop3A_270 : vector<16xf32>
        %parallel_loop3A_272 = math.exp %parallel_loop3A_271 : vector<16xf32>
        %parallel_loop3A_273 = arith.index_cast %parallel_loop3A_258 : i32 to index
        %parallel_loop3A_274 = arith.constant 64 : index
        %parallel_loop3A_275 = tpu.vector_load %arg15[%parallel_loop3A_273, %parallel_loop3A_274] {strides = array<i32>} : memref<80x80xf32, #tpu.memory_space<vmem>>, vector<1x16xf32>,
        %parallel_loop3A_276 = vector.shape_cast %parallel_loop3A_275 : vector<1x16xf32> to vector<16xf32>
        %parallel_loop3A_277 = vector.shape_cast %parallel_loop3A_272 : vector<16xf32> to vector<1x16xf32>
        tpu.vector_store %arg15[%parallel_loop3A_273, %parallel_loop3A_274], %parallel_loop3A_277 {strides = array<i32>} : memref<80x80xf32, #tpu.memory_space<vmem>>, vector<1x16xf32>,
        %parallel_loop3A_278 = arith.index_cast %parallel_loop3A_258 : i32 to index
        %parallel_loop3A_279 = arith.constant 0 : index
        %parallel_loop3A_280 = tpu.vector_load %arg11[%parallel_loop3A_278, %parallel_loop3A_279] {strides = array<i32>} : memref<80x80xf32, #tpu.memory_space<vmem>>, vector<1x16xf32>,
        %parallel_loop3A_281 = vector.shape_cast %parallel_loop3A_280 : vector<1x16xf32> to vector<16xf32>
        %parallel_loop3A_282 = arith.mulf %parallel_loop3A_281, %parallel_loop3A_272 : vector<16xf32>
        %parallel_loop3A_283 = arith.index_cast %parallel_loop3A_258 : i32 to index
        %parallel_loop3A_284 = arith.constant 0 : index
        %parallel_loop3A_285 = tpu.vector_load %arg15[%parallel_loop3A_283, %parallel_loop3A_284] {strides = array<i32>} : memref<80x80xf32, #tpu.memory_space<vmem>>, vector<1x16xf32>,
        %parallel_loop3A_286 = vector.shape_cast %parallel_loop3A_285 : vector<1x16xf32> to vector<16xf32>
        %parallel_loop3A_287 = vector.shape_cast %parallel_loop3A_282 : vector<16xf32> to vector<1x16xf32>
        tpu.vector_store %arg15[%parallel_loop3A_283, %parallel_loop3A_284], %parallel_loop3A_287 {strides = array<i32>} : memref<80x80xf32, #tpu.memory_space<vmem>>, vector<1x16xf32>,
        %parallel_loop3A_288 = arith.index_cast %parallel_loop3A_258 : i32 to index
        %parallel_loop3A_289 = arith.constant 16 : index
        %parallel_loop3A_290 = tpu.vector_load %arg11[%parallel_loop3A_288, %parallel_loop3A_289] {strides = array<i32>} : memref<80x80xf32, #tpu.memory_space<vmem>>, vector<1x16xf32>,
        %parallel_loop3A_291 = vector.shape_cast %parallel_loop3A_290 : vector<1x16xf32> to vector<16xf32>
        %parallel_loop3A_292 = arith.mulf %parallel_loop3A_291, %parallel_loop3A_272 : vector<16xf32>
        %parallel_loop3A_293 = arith.index_cast %parallel_loop3A_258 : i32 to index
        %parallel_loop3A_294 = arith.constant 16 : index
        %parallel_loop3A_295 = tpu.vector_load %arg15[%parallel_loop3A_293, %parallel_loop3A_294] {strides = array<i32>} : memref<80x80xf32, #tpu.memory_space<vmem>>, vector<1x16xf32>,
        %parallel_loop3A_296 = vector.shape_cast %parallel_loop3A_295 : vector<1x16xf32> to vector<16xf32>
        %parallel_loop3A_297 = vector.shape_cast %parallel_loop3A_292 : vector<16xf32> to vector<1x16xf32>
        tpu.vector_store %arg15[%parallel_loop3A_293, %parallel_loop3A_294], %parallel_loop3A_297 {strides = array<i32>} : memref<80x80xf32, #tpu.memory_space<vmem>>, vector<1x16xf32>,
        %parallel_loop3A_298 = arith.index_cast %parallel_loop3A_258 : i32 to index
        %parallel_loop3A_299 = arith.constant 32 : index
        %parallel_loop3A_300 = tpu.vector_load %arg11[%parallel_loop3A_298, %parallel_loop3A_299] {strides = array<i32>} : memref<80x80xf32, #tpu.memory_space<vmem>>, vector<1x16xf32>,
        %parallel_loop3A_301 = vector.shape_cast %parallel_loop3A_300 : vector<1x16xf32> to vector<16xf32>
        %parallel_loop3A_302 = arith.mulf %parallel_loop3A_301, %parallel_loop3A_272 : vector<16xf32>
        %parallel_loop3A_303 = arith.index_cast %parallel_loop3A_258 : i32 to index
        %parallel_loop3A_304 = arith.constant 32 : index
        %parallel_loop3A_305 = tpu.vector_load %arg15[%parallel_loop3A_303, %parallel_loop3A_304] {strides = array<i32>} : memref<80x80xf32, #tpu.memory_space<vmem>>, vector<1x16xf32>,
        %parallel_loop3A_306 = vector.shape_cast %parallel_loop3A_305 : vector<1x16xf32> to vector<16xf32>
        %parallel_loop3A_307 = vector.shape_cast %parallel_loop3A_302 : vector<16xf32> to vector<1x16xf32>
        tpu.vector_store %arg15[%parallel_loop3A_303, %parallel_loop3A_304], %parallel_loop3A_307 {strides = array<i32>} : memref<80x80xf32, #tpu.memory_space<vmem>>, vector<1x16xf32>,
        %parallel_loop3A_308 = arith.index_cast %parallel_loop3A_258 : i32 to index
        %parallel_loop3A_309 = arith.constant 48 : index
        %parallel_loop3A_310 = tpu.vector_load %arg11[%parallel_loop3A_308, %parallel_loop3A_309] {strides = array<i32>} : memref<80x80xf32, #tpu.memory_space<vmem>>, vector<1x16xf32>,
        %parallel_loop3A_311 = vector.shape_cast %parallel_loop3A_310 : vector<1x16xf32> to vector<16xf32>
        %parallel_loop3A_312 = arith.mulf %parallel_loop3A_311, %parallel_loop3A_272 : vector<16xf32>
        %parallel_loop3A_313 = arith.index_cast %parallel_loop3A_258 : i32 to index
        %parallel_loop3A_314 = arith.constant 48 : index
        %parallel_loop3A_315 = tpu.vector_load %arg15[%parallel_loop3A_313, %parallel_loop3A_314] {strides = array<i32>} : memref<80x80xf32, #tpu.memory_space<vmem>>, vector<1x16xf32>,
        %parallel_loop3A_316 = vector.shape_cast %parallel_loop3A_315 : vector<1x16xf32> to vector<16xf32>
        %parallel_loop3A_317 = vector.shape_cast %parallel_loop3A_312 : vector<16xf32> to vector<1x16xf32>
        tpu.vector_store %arg15[%parallel_loop3A_313, %parallel_loop3A_314], %parallel_loop3A_317 {strides = array<i32>} : memref<80x80xf32, #tpu.memory_space<vmem>>, vector<1x16xf32>,
      } {sc.loop_unroll_factor = 8 : i64, sc.parallel_access}
      %dma_start3A_251 = arith.constant 0 : i32
      %dma_start3A_252 = tpu.memref_slice %arg9[%add3A_228, %dma_start3A_251] : memref<250x80xi32, #tpu.memory_space<vmem>> -> memref<1x80xi32, #tpu.memory_space<vmem>>
      %dma_start3A_253 = tpu.memref_squeeze %dma_start3A_252 : memref<1x80xi32, #tpu.memory_space<vmem>> -> memref<80xi32, #tpu.memory_space<vmem>>
      %dma_start3A_254 = arith.constant 0 : i32
      %dma_start3A_255 = arith.constant 0 : i32
      %dma_start3A_256 = tpu.memref_slice %arg7[%dma_start3A_254, %dma_start3A_255] : memref<10240x80xf32, #tpu.memory_space<vmem_shared>> -> memref<10240x80xf32, #tpu.memory_space<vmem_shared>>
      tpu.enqueue_indirect_dma source(%arg15 : memref<80x80xf32, #tpu.memory_space<vmem>>) target(%dma_start3A_256 : memref<10240x80xf32, #tpu.memory_space<vmem_shared>>) offsets(%dma_start3A_253 : memref<80xi32, #tpu.memory_space<vmem>>) semaphore(%arg22 : memref<!tpu.dma_semaphore, #tpu.memory_space<semaphore_mem>>) {add = true}
      %scan3A_257 = arith.constant 0 : i32
      scf.yield %scan3A_257 : i32
    }
    %scan3A_160 = arith.constant 125 : i32
    %dma_wait3A_161 = arith.constant 0 : i32
    %dma_wait3A_162 = arith.constant 0 : i32
    %dma_wait3A_163 = tpu.memref_slice %arg9[%dma_wait3A_161, %dma_wait3A_162] : memref<250x80xi32, #tpu.memory_space<vmem>> -> memref<1x80xi32, #tpu.memory_space<vmem>>
    %dma_wait3A_164 = tpu.memref_squeeze %dma_wait3A_163 : memref<1x80xi32, #tpu.memory_space<vmem>> -> memref<80xi32, #tpu.memory_space<vmem>>
    %dma_wait3A_165 = arith.constant 0 : i32
    %dma_wait3A_166 = arith.constant 0 : i32
    %dma_wait3A_167 = tpu.memref_slice %arg7[%dma_wait3A_165, %dma_wait3A_166] : memref<10240x80xf32, #tpu.memory_space<vmem_shared>> -> memref<10240x80xf32, #tpu.memory_space<vmem_shared>>
    tpu.wait_indirect_dma semaphore(%arg21 : memref<!tpu.dma_semaphore, #tpu.memory_space<semaphore_mem>>) src(%arg14 : memref<80x80xf32, #tpu.memory_space<vmem>>) dst(%dma_wait3A_167 : memref<10240x80xf32, #tpu.memory_space<vmem_shared>>)
    %dma_wait3A_168 = arith.constant 0 : i32
    %dma_wait3A_169 = arith.constant 0 : i32
    %dma_wait3A_170 = tpu.memref_slice %arg9[%dma_wait3A_168, %dma_wait3A_169] : memref<250x80xi32, #tpu.memory_space<vmem>> -> memref<1x80xi32, #tpu.memory_space<vmem>>
    %dma_wait3A_171 = tpu.memref_squeeze %dma_wait3A_170 : memref<1x80xi32, #tpu.memory_space<vmem>> -> memref<80xi32, #tpu.memory_space<vmem>>
    %dma_wait3A_172 = arith.constant 0 : i32
    %dma_wait3A_173 = arith.constant 0 : i32
    %dma_wait3A_174 = tpu.memref_slice %arg7[%dma_wait3A_172, %dma_wait3A_173] : memref<10240x80xf32, #tpu.memory_space<vmem_shared>> -> memref<10240x80xf32, #tpu.memory_space<vmem_shared>>
    tpu.wait_indirect_dma semaphore(%arg22 : memref<!tpu.dma_semaphore, #tpu.memory_space<semaphore_mem>>) src(%arg15 : memref<80x80xf32, #tpu.memory_space<vmem>>) dst(%dma_wait3A_174 : memref<10240x80xf32, #tpu.memory_space<vmem_shared>>)
    %barrier3A_175 = arith.constant 0 : index
    tpu.barrier barrier_id(%barrier3A_175)
    %mul3A_176 = arith.constant 625 : i32
    %mul3A_177 = arith.muli %arg1, %mul3A_176 : i32
    "tpu.region"() ({
      %run_scoped3A = tpu.sem_alloc : memref<!tpu.dma_semaphore, #tpu.memory_space<semaphore_mem>>
      %dma_start3A_178 = arith.constant 0 : i32
      %dma_start3A_179 = arith.constant 0 : i32
      %dma_start3A_180 = tpu.memref_slice %arg6[%arg0, %arg1, %dma_start3A_178, %dma_start3A_179] : memref<2x16x625x80xf32, #tpu.memory_space<hbm>> -> memref<1x1x625x80xf32, #tpu.memory_space<hbm>>
      %dma_start3A_181 = tpu.memref_squeeze %dma_start3A_180 : memref<1x1x625x80xf32, #tpu.memory_space<hbm>> -> memref<625x80xf32, #tpu.memory_space<hbm>>
      %dma_start3A_182 = arith.constant 0 : i32
      %dma_start3A_183 = tpu.memref_slice %arg7[%mul3A_177, %dma_start3A_182] : memref<10240x80xf32, #tpu.memory_space<vmem_shared>> -> memref<625x80xf32, #tpu.memory_space<vmem_shared>>
      tpu.enqueue_dma source(%dma_start3A_183 : memref<625x80xf32, #tpu.memory_space<vmem_shared>>) target(%dma_start3A_181 : memref<625x80xf32, #tpu.memory_space<hbm>>) target_semaphore(%run_scoped3A : memref<!tpu.dma_semaphore, #tpu.memory_space<semaphore_mem>>)
      %dma_wait3A_184 = arith.constant 0 : i32
      %dma_wait3A_185 = arith.constant 0 : i32
      %dma_wait3A_186 = tpu.memref_slice %arg6[%arg0, %arg1, %dma_wait3A_184, %dma_wait3A_185] : memref<2x16x625x80xf32, #tpu.memory_space<hbm>> -> memref<1x1x625x80xf32, #tpu.memory_space<hbm>>
      %dma_wait3A_187 = tpu.memref_squeeze %dma_wait3A_186 : memref<1x1x625x80xf32, #tpu.memory_space<hbm>> -> memref<625x80xf32, #tpu.memory_space<hbm>>
      %dma_wait3A_188 = arith.constant 0 : i32
      %dma_wait3A_189 = tpu.memref_slice %arg7[%mul3A_177, %dma_wait3A_188] : memref<10240x80xf32, #tpu.memory_space<vmem_shared>> -> memref<625x80xf32, #tpu.memory_space<vmem_shared>>
      tpu.wait_dma2 semaphore(%run_scoped3A : memref<!tpu.dma_semaphore, #tpu.memory_space<semaphore_mem>>) src(%dma_wait3A_189 : memref<625x80xf32, #tpu.memory_space<vmem_shared>>) dst(%dma_wait3A_187 : memref<625x80xf32, #tpu.memory_space<hbm>>)
      tpu.yield
    }) : () -> ()
    return
  }
}

module attributes {stable_mosaic.version = 14 : i64} {
  func.func @_mm2_kernel(%arg0: i32, %arg1: memref<2000x128xf32, #tpu.memory_space<vmem>>, %arg2: memref<128x80xf32, #tpu.memory_space<vmem>>, %arg3: memref<128x16xf32, #tpu.memory_space<vmem>>, %arg4: memref<2000x80xf32, #tpu.memory_space<vmem>>, %arg5: memref<2000x16xf32, #tpu.memory_space<vmem>>) attributes {dimension_semantics = [#tpu.dimension_semantics<arbitrary>], iteration_bounds = array<i64: 5>, scalar_prefetch = 0 : i64, scratch_operands = 0 : i64, tpu.core_type = #tpu.core_type<tc>, window_params = [{transform_indices = @transform_0, window_bounds = array<i64: 2000, 128>}, {pipeline_mode = #tpu.pipeline_mode<synchronous>, transform_indices = @transform_1, window_bounds = array<i64: 128, 80>}, {pipeline_mode = #tpu.pipeline_mode<synchronous>, transform_indices = @transform_2, window_bounds = array<i64: 128, 16>}, {transform_indices = @transform_3, window_bounds = array<i64: 2000, 80>}, {transform_indices = @transform_4, window_bounds = array<i64: 2000, 16>}]} {
    %get3A = arith.constant 0 : index
    %get3A_0 = arith.constant 0 : index
    %get3A_1 = vector.load %arg1[%get3A, %get3A_0] : memref<2000x128xf32, #tpu.memory_space<vmem>>, vector<2000x128xf32>
    %get3A_2 = arith.constant 0 : index
    %get3A_3 = arith.constant 0 : index
    %get3A_4 = vector.load %arg2[%get3A_2, %get3A_3] : memref<128x80xf32, #tpu.memory_space<vmem>>, vector<128x80xf32>
    %dot_general3A = arith.constant dense<0.000000e+00> : vector<2000x80xf32>
    %dot_general3A_5 = tpu.matmul %get3A_1, %get3A_4, %dot_general3A {dimension_numbers = #tpu.dot_dimension_numbers<[1], [0], [0], [1], [0, 0, 1, 1], [], []>, transpose_lhs_hint = false} : vector<2000x128xf32>, vector<128x80xf32>, vector<2000x80xf32> -> vector<2000x80xf32>
    %swap3A = arith.constant 0 : index
    %swap3A_6 = arith.constant 0 : index
    %swap3A_7 = vector.load %arg4[%swap3A, %swap3A_6] : memref<2000x80xf32, #tpu.memory_space<vmem>>, vector<2000x80xf32>
    tpu.vector_store %arg4[%swap3A, %swap3A_6], %dot_general3A_5 {strides = array<i32>} : memref<2000x80xf32, #tpu.memory_space<vmem>>, vector<2000x80xf32>,
    %get3A_8 = arith.constant 0 : index
    %get3A_9 = arith.constant 0 : index
    %get3A_10 = vector.load %arg3[%get3A_8, %get3A_9] : memref<128x16xf32, #tpu.memory_space<vmem>>, vector<128x16xf32>
    %dot_general3A_11 = arith.constant dense<0.000000e+00> : vector<2000x16xf32>
    %dot_general3A_12 = tpu.matmul %get3A_1, %get3A_10, %dot_general3A_11 {dimension_numbers = #tpu.dot_dimension_numbers<[1], [0], [0], [1], [0, 0, 1, 1], [], []>, transpose_lhs_hint = false} : vector<2000x128xf32>, vector<128x16xf32>, vector<2000x16xf32> -> vector<2000x16xf32>
    %swap3A_13 = arith.constant 0 : index
    %swap3A_14 = arith.constant 0 : index
    %swap3A_15 = vector.load %arg5[%swap3A_13, %swap3A_14] : memref<2000x16xf32, #tpu.memory_space<vmem>>, vector<2000x16xf32>
    tpu.vector_store %arg5[%swap3A_13, %swap3A_14], %dot_general3A_12 {strides = array<i32>} : memref<2000x16xf32, #tpu.memory_space<vmem>>, vector<2000x16xf32>,
    return
  }
  func.func @transform_0(%arg0: i32) -> (i32, i32) {
    %c0_i32 = arith.constant 0 : i32
    %c0_i32_0 = arith.constant 0 : i32
    return %arg0, %c0_i32 : i32, i32
  }
  func.func @transform_1(%arg0: i32) -> (i32, i32) {
    %c0_i32 = arith.constant 0 : i32
    %c0_i32_0 = arith.constant 0 : i32
    %c0_i32_1 = arith.constant 0 : i32
    return %c0_i32, %c0_i32_0 : i32, i32
  }
  func.func @transform_2(%arg0: i32) -> (i32, i32) {
    %c0_i32 = arith.constant 0 : i32
    %c0_i32_0 = arith.constant 0 : i32
    %c0_i32_1 = arith.constant 0 : i32
    return %c0_i32, %c0_i32_0 : i32, i32
  }
  func.func @transform_3(%arg0: i32) -> (i32, i32) {
    %c0_i32 = arith.constant 0 : i32
    %c0_i32_0 = arith.constant 0 : i32
    return %arg0, %c0_i32 : i32, i32
  }
  func.func @transform_4(%arg0: i32) -> (i32, i32) {
    %c0_i32 = arith.constant 0 : i32
    %c0_i32_0 = arith.constant 0 : i32
    return %arg0, %c0_i32 : i32, i32
  }
}

module attributes {stable_mosaic.version = 14 : i64} {
  func.func @_mid_kernel(%arg0: i32, %arg1: memref<2x2000x80xf32, #tpu.memory_space<vmem>>, %arg2: memref<1x64xf32, #tpu.memory_space<vmem>>, %arg3: memref<80x64xf32, #tpu.memory_space<vmem>>, %arg4: memref<64x16xf32, #tpu.memory_space<vmem>>, %arg5: memref<64x2xf32, #tpu.memory_space<vmem>>, %arg6: memref<2000x16xf32, #tpu.memory_space<vmem>>, %arg7: memref<2000x2xf32, #tpu.memory_space<vmem>>) attributes {dimension_semantics = [#tpu.dimension_semantics<arbitrary>], iteration_bounds = array<i64: 5>, scalar_prefetch = 0 : i64, scratch_operands = 0 : i64, tpu.core_type = #tpu.core_type<tc>, window_params = [{transform_indices = @transform_0, window_bounds = array<i64: 2, 2000, 80>}, {pipeline_mode = #tpu.pipeline_mode<synchronous>, transform_indices = @transform_1, window_bounds = array<i64: 1, 64>}, {pipeline_mode = #tpu.pipeline_mode<synchronous>, transform_indices = @transform_2, window_bounds = array<i64: 80, 64>}, {pipeline_mode = #tpu.pipeline_mode<synchronous>, transform_indices = @transform_3, window_bounds = array<i64: 64, 16>}, {pipeline_mode = #tpu.pipeline_mode<synchronous>, transform_indices = @transform_4, window_bounds = array<i64: 64, 2>}, {transform_indices = @transform_5, window_bounds = array<i64: 2000, 16>}, {transform_indices = @transform_6, window_bounds = array<i64: 2000, 2>}]} {
    %get3A = arith.constant 0 : index
    %get3A_0 = arith.constant 0 : index
    %get3A_1 = arith.constant 0 : index
    %get3A_2 = vector.load %arg1[%get3A, %get3A_0, %get3A_1] : memref<2x2000x80xf32, #tpu.memory_space<vmem>>, vector<1x2000x80xf32>
    %get3A_3 = vector.shape_cast %get3A_2 : vector<1x2000x80xf32> to vector<2000x80xf32>
    %get3A_4 = arith.constant 1 : index
    %get3A_5 = arith.constant 0 : index
    %get3A_6 = arith.constant 0 : index
    %get3A_7 = vector.load %arg1[%get3A_4, %get3A_5, %get3A_6] : memref<2x2000x80xf32, #tpu.memory_space<vmem>>, vector<1x2000x80xf32>
    %get3A_8 = vector.shape_cast %get3A_7 : vector<1x2000x80xf32> to vector<2000x80xf32>
    %add3A = arith.addf %get3A_3, %get3A_8 : vector<2000x80xf32>
    %get3A_9 = arith.constant 0 : index
    %get3A_10 = arith.constant 0 : index
    %get3A_11 = vector.load %arg3[%get3A_9, %get3A_10] : memref<80x64xf32, #tpu.memory_space<vmem>>, vector<80x64xf32>
    %dot_general3A = arith.constant dense<0.000000e+00> : vector<2000x64xf32>
    %dot_general3A_12 = tpu.matmul %add3A, %get3A_11, %dot_general3A {dimension_numbers = #tpu.dot_dimension_numbers<[1], [0], [0], [1], [0, 0, 1, 1], [], []>, transpose_lhs_hint = false} : vector<2000x80xf32>, vector<80x64xf32>, vector<2000x64xf32> -> vector<2000x64xf32>
    %slice3A = vector.extract_strided_slice %add3A {offsets = [0, 0], sizes = [2000, 64], strides = [1, 1]} : vector<2000x80xf32> to vector<2000x64xf32>
    %add3A_13 = arith.constant 1.000000e-16 : f32
    %add3A_14 = vector.broadcast %add3A_13 : f32 to vector<2000x64xf32>
    %add3A_15 = arith.addf %dot_general3A_12, %add3A_14 : vector<2000x64xf32>
    %div3A = arith.divf %slice3A, %add3A_15 : vector<2000x64xf32>
    %get3A_16 = arith.constant 0 : index
    %get3A_17 = arith.constant 0 : index
    %get3A_18 = vector.load %arg2[%get3A_16, %get3A_17] : memref<1x64xf32, #tpu.memory_space<vmem>>, vector<1x64xf32>
    %add3A_19 = vector.broadcast %get3A_18 : vector<1x64xf32> to vector<2000x64xf32>
    %add3A_20 = arith.addf %div3A, %add3A_19 : vector<2000x64xf32>
    %gt3A = arith.constant 0.000000e+00 : f32
    %gt3A_21 = vector.broadcast %gt3A : f32 to vector<2000x64xf32>
    %gt3A_22 = arith.cmpf ogt, %add3A_20, %gt3A_21 : vector<2000x64xf32>
    %exp3A = math.exp %add3A_20 : vector<2000x64xf32>
    %sub3A = arith.constant 1.000000e+00 : f32
    %sub3A_23 = vector.broadcast %sub3A : f32 to vector<2000x64xf32>
    %sub3A_24 = arith.subf %exp3A, %sub3A_23 : vector<2000x64xf32>
    %select_n3A = arith.select %gt3A_22, %add3A_20, %sub3A_24 : vector<2000x64xi1>, vector<2000x64xf32>
    %get3A_25 = arith.constant 0 : index
    %get3A_26 = arith.constant 0 : index
    %get3A_27 = vector.load %arg4[%get3A_25, %get3A_26] : memref<64x16xf32, #tpu.memory_space<vmem>>, vector<64x16xf32>
    %dot_general3A_28 = arith.constant dense<0.000000e+00> : vector<2000x16xf32>
    %dot_general3A_29 = tpu.matmul %select_n3A, %get3A_27, %dot_general3A_28 {dimension_numbers = #tpu.dot_dimension_numbers<[1], [0], [0], [1], [0, 0, 1, 1], [], []>, transpose_lhs_hint = false} : vector<2000x64xf32>, vector<64x16xf32>, vector<2000x16xf32> -> vector<2000x16xf32>
    %swap3A = arith.constant 0 : index
    %swap3A_30 = arith.constant 0 : index
    %swap3A_31 = vector.load %arg6[%swap3A, %swap3A_30] : memref<2000x16xf32, #tpu.memory_space<vmem>>, vector<2000x16xf32>
    tpu.vector_store %arg6[%swap3A, %swap3A_30], %dot_general3A_29 {strides = array<i32>} : memref<2000x16xf32, #tpu.memory_space<vmem>>, vector<2000x16xf32>,
    %get3A_32 = arith.constant 0 : index
    %get3A_33 = arith.constant 0 : index
    %get3A_34 = vector.load %arg5[%get3A_32, %get3A_33] : memref<64x2xf32, #tpu.memory_space<vmem>>, vector<64x2xf32>
    %dot_general3A_35 = arith.constant dense<0.000000e+00> : vector<2000x2xf32>
    %dot_general3A_36 = tpu.matmul %select_n3A, %get3A_34, %dot_general3A_35 {dimension_numbers = #tpu.dot_dimension_numbers<[1], [0], [0], [1], [0, 0, 1, 1], [], []>, transpose_lhs_hint = false} : vector<2000x64xf32>, vector<64x2xf32>, vector<2000x2xf32> -> vector<2000x2xf32>
    %swap3A_37 = arith.constant 0 : index
    %swap3A_38 = arith.constant 0 : index
    %swap3A_39 = vector.load %arg7[%swap3A_37, %swap3A_38] : memref<2000x2xf32, #tpu.memory_space<vmem>>, vector<2000x2xf32>
    tpu.vector_store %arg7[%swap3A_37, %swap3A_38], %dot_general3A_36 {strides = array<i32>} : memref<2000x2xf32, #tpu.memory_space<vmem>>, vector<2000x2xf32>,
    return
  }
  func.func @transform_0(%arg0: i32) -> (i32, i32, i32) {
    %c0_i32 = arith.constant 0 : i32
    %c0_i32_0 = arith.constant 0 : i32
    %c0_i32_1 = arith.constant 0 : i32
    return %c0_i32, %arg0, %c0_i32_0 : i32, i32, i32
  }
  func.func @transform_1(%arg0: i32) -> (i32, i32) {
    %c0_i32 = arith.constant 0 : i32
    %c0_i32_0 = arith.constant 0 : i32
    %c0_i32_1 = arith.constant 0 : i32
    return %c0_i32, %c0_i32_0 : i32, i32
  }
  func.func @transform_2(%arg0: i32) -> (i32, i32) {
    %c0_i32 = arith.constant 0 : i32
    %c0_i32_0 = arith.constant 0 : i32
    %c0_i32_1 = arith.constant 0 : i32
    return %c0_i32, %c0_i32_0 : i32, i32
  }
  func.func @transform_3(%arg0: i32) -> (i32, i32) {
    %c0_i32 = arith.constant 0 : i32
    %c0_i32_0 = arith.constant 0 : i32
    %c0_i32_1 = arith.constant 0 : i32
    return %c0_i32, %c0_i32_0 : i32, i32
  }
  func.func @transform_4(%arg0: i32) -> (i32, i32) {
    %c0_i32 = arith.constant 0 : i32
    %c0_i32_0 = arith.constant 0 : i32
    %c0_i32_1 = arith.constant 0 : i32
    return %c0_i32, %c0_i32_0 : i32, i32
  }
  func.func @transform_5(%arg0: i32) -> (i32, i32) {
    %c0_i32 = arith.constant 0 : i32
    %c0_i32_0 = arith.constant 0 : i32
    return %arg0, %c0_i32 : i32, i32
  }
  func.func @transform_6(%arg0: i32) -> (i32, i32) {
    %c0_i32 = arith.constant 0 : i32
    %c0_i32_0 = arith.constant 0 : i32
    return %arg0, %c0_i32 : i32, i32
  }
}

module attributes {stable_mosaic.version = 14 : i64} {
  func.func @_out_kernel(%arg0: i32, %arg1: memref<2x2000x32xf32, #tpu.memory_space<vmem>>, %arg2: memref<1x16xf32, #tpu.memory_space<vmem>>, %arg3: memref<2000x16xf32, #tpu.memory_space<vmem>>) attributes {dimension_semantics = [#tpu.dimension_semantics<arbitrary>], iteration_bounds = array<i64: 5>, scalar_prefetch = 0 : i64, scratch_operands = 0 : i64, tpu.core_type = #tpu.core_type<tc>, window_params = [{transform_indices = @transform_0, window_bounds = array<i64: 2, 2000, 32>}, {pipeline_mode = #tpu.pipeline_mode<synchronous>, transform_indices = @transform_1, window_bounds = array<i64: 1, 16>}, {transform_indices = @transform_2, window_bounds = array<i64: 2000, 16>}]} {
    %get3A = arith.constant 0 : index
    %get3A_0 = arith.constant 0 : index
    %get3A_1 = arith.constant 0 : index
    %get3A_2 = vector.load %arg1[%get3A, %get3A_0, %get3A_1] : memref<2x2000x32xf32, #tpu.memory_space<vmem>>, vector<1x2000x16xf32>
    %get3A_3 = vector.shape_cast %get3A_2 : vector<1x2000x16xf32> to vector<2000x16xf32>
    %get3A_4 = arith.constant 1 : index
    %get3A_5 = arith.constant 0 : index
    %get3A_6 = arith.constant 0 : index
    %get3A_7 = vector.load %arg1[%get3A_4, %get3A_5, %get3A_6] : memref<2x2000x32xf32, #tpu.memory_space<vmem>>, vector<1x2000x16xf32>
    %get3A_8 = vector.shape_cast %get3A_7 : vector<1x2000x16xf32> to vector<2000x16xf32>
    %add3A = arith.addf %get3A_3, %get3A_8 : vector<2000x16xf32>
    %get3A_9 = arith.constant 0 : index
    %get3A_10 = arith.constant 0 : index
    %get3A_11 = arith.constant 16 : index
    %get3A_12 = vector.load %arg1[%get3A_9, %get3A_10, %get3A_11] : memref<2x2000x32xf32, #tpu.memory_space<vmem>>, vector<1x2000x16xf32>
    %get3A_13 = vector.shape_cast %get3A_12 : vector<1x2000x16xf32> to vector<2000x16xf32>
    %get3A_14 = arith.constant 1 : index
    %get3A_15 = arith.constant 0 : index
    %get3A_16 = arith.constant 16 : index
    %get3A_17 = vector.load %arg1[%get3A_14, %get3A_15, %get3A_16] : memref<2x2000x32xf32, #tpu.memory_space<vmem>>, vector<1x2000x16xf32>
    %get3A_18 = vector.shape_cast %get3A_17 : vector<1x2000x16xf32> to vector<2000x16xf32>
    %add3A_19 = arith.addf %get3A_13, %get3A_18 : vector<2000x16xf32>
    %add3A_20 = arith.constant 1.000000e-16 : f32
    %add3A_21 = vector.broadcast %add3A_20 : f32 to vector<2000x16xf32>
    %add3A_22 = arith.addf %add3A_19, %add3A_21 : vector<2000x16xf32>
    %div3A = arith.divf %add3A, %add3A_22 : vector<2000x16xf32>
    %get3A_23 = arith.constant 0 : index
    %get3A_24 = arith.constant 0 : index
    %get3A_25 = vector.load %arg2[%get3A_23, %get3A_24] : memref<1x16xf32, #tpu.memory_space<vmem>>, vector<1x16xf32>
    %add3A_26 = vector.broadcast %get3A_25 : vector<1x16xf32> to vector<2000x16xf32>
    %add3A_27 = arith.addf %div3A, %add3A_26 : vector<2000x16xf32>
    %reduce_max3A = arith.constant dense<0xFF800000> : vector<2000xf32>
    %reduce_max3A_28 = vector.multi_reduction <maximumf>, %add3A_27, %reduce_max3A [1] : vector<2000x16xf32> to vector<2000xf32>
    %broadcast_in_dim3A = vector.shape_cast %reduce_max3A_28 : vector<2000xf32> to vector<2000x1xf32>
    %sub3A = vector.broadcast %broadcast_in_dim3A : vector<2000x1xf32> to vector<2000x16xf32>
    %sub3A_29 = arith.subf %add3A_27, %sub3A : vector<2000x16xf32>
    %exp3A = math.exp %sub3A_29 : vector<2000x16xf32>
    %reduce_sum3A = arith.constant dense<0.000000e+00> : vector<2000xf32>
    %reduce_sum3A_30 = vector.multi_reduction <add>, %exp3A, %reduce_sum3A [1] : vector<2000x16xf32> to vector<2000xf32>
    %broadcast_in_dim3A_31 = vector.shape_cast %reduce_sum3A_30 : vector<2000xf32> to vector<2000x1xf32>
    %log3A = math.log %broadcast_in_dim3A_31 : vector<2000x1xf32>
    %sub3A_32 = vector.broadcast %log3A : vector<2000x1xf32> to vector<2000x16xf32>
    %sub3A_33 = arith.subf %sub3A_29, %sub3A_32 : vector<2000x16xf32>
    %swap3A = arith.constant 0 : index
    %swap3A_34 = arith.constant 0 : index
    %swap3A_35 = vector.load %arg3[%swap3A, %swap3A_34] : memref<2000x16xf32, #tpu.memory_space<vmem>>, vector<2000x16xf32>
    tpu.vector_store %arg3[%swap3A, %swap3A_34], %sub3A_33 {strides = array<i32>} : memref<2000x16xf32, #tpu.memory_space<vmem>>, vector<2000x16xf32>,
    return
  }
  func.func @transform_0(%arg0: i32) -> (i32, i32, i32) {
    %c0_i32 = arith.constant 0 : i32
    %c0_i32_0 = arith.constant 0 : i32
    %c0_i32_1 = arith.constant 0 : i32
    return %c0_i32, %arg0, %c0_i32_0 : i32, i32, i32
  }
  func.func @transform_1(%arg0: i32) -> (i32, i32) {
    %c0_i32 = arith.constant 0 : i32
    %c0_i32_0 = arith.constant 0 : i32
    %c0_i32_1 = arith.constant 0 : i32
    return %c0_i32, %c0_i32_0 : i32, i32
  }
  func.func @transform_2(%arg0: i32) -> (i32, i32) {
    %c0_i32 = arith.constant 0 : i32
    %c0_i32_0 = arith.constant 0 : i32
    return %arg0, %c0_i32 : i32, i32
  }
}

</mosaic_0001>

<sc_bundles>
// kernel: kernel.10.cloned.1.call-start
scs
__scs_entry_jumppad:
0x0: {  	(pc) =	sbr.rel $0x88, $3  }
0x1: {  	(tag) =	ssettag $0x0;
	lr =	simm.s32 $0x1  }
0x2: {  	[smem:$0x3F97] =	sst lr;
	_ =	strace $0xD0000000  }
0x3: {  	_ = 	snop  }
0x4: {  	_ = 	snop  }
0x5: {  	_ = 	snop  }
0x6: {  	_ = 	snop  }
0x7: {  	_ = 	snop  }
__scs_overlays_trampoline_lowered:
0x8: {  	[smem:$0x3FA6] =	sst s0  }
0x9: {  	[smem:$0x3FA7] =	sst s1  }
0xa: {  	[smem:$0x3FA8] =	sst s2  }
0xb: {  	[smem:$0x3FA9] =	sst s3  }
0xc: {  	[smem:$0x3FAA] =	sst s4  }
0xd: {  	[smem:$0x3FAB] =	sst s5  }
0xe: {  	[smem:$0x3FAC] =	sst s6  }
0xf: {  	[smem:$0x3FAD] =	sst s7  }
0x10: {  	[smem:$0x3FAE] =	sst s8  }
0x11: {  	[smem:$0x3FAF] =	sst s9;
	s0 =	simm.s32 @!p0 $0x0  }
0x12: {  	s1 =	sld [smem:$0x3F95];
	s0 =	simm.s32 @p0 $0x1  }
0x13: {  	[smem:$0x3FB0] =	sst s0;
	s0 =	simm.s32 @!p1 $0x0  }
0x14: {  	s2 =	sld [smem:$0x3F94];
	s0 =	simm.s32 @p1 $0x1  }
0x15: {  	[smem:$0x3FB1] =	sst s0;
	s0 =	simm.s32 @!p2 $0x0  }
0x16: {  	s3 =	sld [smem:$0x3FDB];
	s0 =	simm.s32 @p2 $0x1  }
0x17: {  	s4 =	simm.s32 $0x1BF5;
	[smem:$0x3FB3] =	sst s0  }
0x18: {  	s0 =	sld [smem:$0x3F96];
	_ =	swait.ge [sflag:s4], $0x0  }
0x19: {  	s7 =	sld [smem:$0x3F97]  }
0x1a: {  	s8 =	sadd.s32 $0xFFFFE003, lr  }
0x1b: {  	s9 =	sadd.s32 $0xFFFFFEF7, lr;
	s5 =	simm.s32 $0xFFFFFFFF;
	p2 =	slt.u32 s8, $0xFFFFF086  }
0x1c: {  	p1 =	slt.u32 s9, $0xF7A;
	s5 =	simm.s32 @!p2 $0x0  }
0x1d: {  	s5 =	simm.s32 @p1 $0x1;
	p0 =	seq.s32 s7, s2  }
0x1e: {  	s7 =	smul.u32 @!p0 $0xF7A, s2;
	p2 =	seq.s32 @!p0 s5, $0x0  }
0x1f: {  	s9 =	smul.u32 $0xF7A, s1;
	s8 =	simm.s32 @!p0 $0x1BF5;
	p2 =	por !p2, p0  }
0x20: {  	[sflag:s8] =	ssyncset.s32 @!p0 $0xFFFFF086;
	s6 =	sadd.s32 @!p0 s3, s7;
	s7 =	simm.s32 @!p0 $0x108  }
0x21: {  	s3 =	sadd.s32 s3, s9;
	s6 =	sadd.s32 @!p0 $0x88, s6;
	s7 =	simm.s32 @p2 $0x1082  }
0x22: {  	[simem:s7], [sflag:s8] =	dma.local @!p0 [hbm:s6], $0xF7A  }
0x23: {  	s9 =	sor.u32 $0xD0000000, s2;
	s6 =	simm.s32 $0x108;
	_ =	swait.ge @!p0 [sflag:s8], $0x0  }
0x24: {  	s3 =	sadd.s32 $0x88, s3;
	s6 =	simm.s32 @!p1 $0x1082;
	[sflag:s4] =	ssyncset.s32 $0xFFFFF086  }
0x25: {  	[simem:s6], [sflag:s4] =	dma.local [hbm:s3], $0xF7A  }
0x26: {  	[smem:$0x3F97] =	sst s1;
	(tag) =	ssettag s2;
	_ =	strace s9  }
0x27: {  	s1 =	sld [smem:$0x3FA7]  }
0x28: {  	s2 =	sld [smem:$0x3FA8]  }
0x29: {  	s4 =	sld [smem:$0x3FAA]  }
0x2a: {  	p0 =	seq.s32 s5, $0x0;
	s5 =	sld [smem:$0x3FAB]  }
0x2b: {  	s6 =	sld [smem:$0x3FAC]  }
0x2c: {  	s7 =	sld [smem:$0x3FAD]  }
0x2d: {  	s3 =	simm.s32 $0x108;
	s8 =	sld [smem:$0x3FAE]  }
0x2e: {  	s3 =	simm.s32 @!p0 $0x1082;
	s9 =	sld [smem:$0x3FAF]  }
0x2f: {  	lr =	sadd.s32 s0, s3;
	s0 =	sld [smem:$0x3FA6]  }
0x30: {  	s3 =	sld [smem:$0x3FA9]  }
0x31: {  	[smem:$0x3FB2] =	sst s10  }
0x32: {  	s10 =	sld [smem:$0x3FB0];
	_ =	sdelay $0x3  }
0x33: {  	p0 =	seq.s32 s10, $0x1;
	s10 =	sld [smem:$0x3FB2];
	_ =	sdelay $0x3  }
0x34: {  	[smem:$0x3FB2] =	sst s10  }
0x35: {  	s10 =	sld [smem:$0x3FB1];
	_ =	sdelay $0x3  }
0x36: {  	p1 =	seq.s32 s10, $0x1;
	s10 =	sld [smem:$0x3FB2];
	_ =	sdelay $0x3  }
0x37: {  	[smem:$0x3FB2] =	sst s10  }
0x38: {  	s10 =	sld [smem:$0x3FB3]  }
0x39: {  	_ = 	snop;
	(pc) =	sbr.ind lr, $3  }
0x3a: {  	_ = 	snop  }
0x3b: {  	_ = 	snop  }
0x3c: {  	p2 =	seq.s32 s10, $0x1;
	s10 =	sld [smem:$0x3FB2]  }
0x3d: {  	_ =	shalt  }
0x3e: {  	_ =	shalt  }
0x3f: {  	_ =	shalt  }
0x40: {  	_ =	shalt  }
0x41: {  	_ =	shalt  }
0x42: {  	_ =	shalt  }
0x43: {  	_ =	shalt  }
0x44: {  	_ =	shalt  }
0x45: {  	_ =	shalt  }
0x46: {  	_ =	shalt  }
0x47: {  	_ =	shalt  }
0x48: {  	_ =	shalt  }
0x49: {  	_ =	shalt  }
0x4a: {  	_ =	shalt  }
0x4b: {  	_ =	shalt  }
0x4c: {  	_ =	shalt  }
0x4d: {  	_ =	shalt  }
0x4e: {  	_ =	shalt  }
0x4f: {  	_ =	shalt  }
0x50: {  	_ =	shalt  }
0x51: {  	_ =	shalt  }
0x52: {  	_ =	shalt  }
0x53: {  	_ =	shalt  }
0x54: {  	_ =	shalt  }
0x55: {  	_ =	shalt  }
0x56: {  	_ =	shalt  }
0x57: {  	_ =	shalt  }
0x58: {  	_ =	shalt  }
0x59: {  	_ =	shalt  }
0x5a: {  	_ =	shalt  }
0x5b: {  	_ =	shalt  }
0x5c: {  	_ =	shalt  }
0x5d: {  	_ =	shalt  }
0x5e: {  	_ =	shalt  }
0x5f: {  	_ =	shalt  }
0x60: {  	_ =	shalt  }
0x61: {  	_ =	shalt  }
0x62: {  	_ =	shalt  }
0x63: {  	_ =	shalt  }
0x64: {  	_ =	shalt  }
0x65: {  	_ =	shalt  }
0x66: {  	_ =	shalt  }
0x67: {  	_ =	shalt  }
0x68: {  	_ =	shalt  }
0x69: {  	_ =	shalt  }
0x6a: {  	_ =	shalt  }
0x6b: {  	_ =	shalt  }
0x6c: {  	_ =	shalt  }
0x6d: {  	_ =	shalt  }
0x6e: {  	_ =	shalt  }
0x6f: {  	_ =	shalt  }
0x70: {  	_ =	shalt  }
0x71: {  	_ =	shalt  }
0x72: {  	_ =	shalt  }
0x73: {  	_ =	shalt  }
0x74: {  	_ =	shalt  }
0x75: {  	_ =	shalt  }
0x76: {  	_ =	shalt  }
0x77: {  	_ =	shalt  }
0x78: {  	_ =	shalt  }
0x79: {  	_ =	shalt  }
0x7a: {  	_ =	shalt  }
0x7b: {  	_ =	shalt  }
0x7c: {  	_ =	shalt  }
0x7d: {  	_ =	shalt  }
0x7e: {  	_ =	shalt  }
0x7f: {  	_ =	shalt  }
0x80: {  	_ =	shalt  }
0x81: {  	_ =	shalt  }
0x82: {  	_ =	shalt  }
0x83: {  	_ =	shalt  }
0x84: {  	_ =	shalt  }
0x85: {  	_ =	shalt  }
0x86: {  	_ =	shalt  }
0x87: {  	_ =	shalt  }
.Lfunc_end0:
.L_simem_size_0:
called_computation.1_lowered:
.L_overlay_start_0:
0x88: {  	s2 =	sld [smem:$0x3FD9]  }
0x89: {  	s3 =	sld [smem:$0x3FFE];
	_ =	sdelay $0x1  }
0x8a: {  	s1 =	srdreg.scid  }
0x8b: {  	s0 =	sand.u32 $0x1, s1  }
0x8c: {  	s17 =	sshll.u32 s0, $0xA;
	s2 =	sadd.s32 s3, s2  }
0x8d: {  	s2 =	sadd.s32 s2, s17  }
0x8e: {  	[smem:$0x3FBE] =	sst s2  }
0x8f: {  	_ = 	snop  }
0x90: {  	s2 =	sld [smem:$0x3FD0];
	(tm) =	ssettm $0x1  }
0x91: {  	s18 =	sld [smem:$0x3FFB];
	_ =	sdelay $0x3  }
0x92: {  	_ =	strace s18  }
0x93: {  	s3 =	sld [smem:$0x3FFC];
	_ =	sdelay $0x3  }
0x94: {  	_ =	strace s3  }
0x95: {  	s3 =	sld [smem:$0x3FFD];
	_ =	sdelay $0x3  }
0x96: {  	_ =	strace s3  }
0x97: {  	_ =	strace $0x8FFFFFFF  }
0x98: {  	s19 =	sld [smem:$0x3FDB];
	_ =	sdelay $0x1  }
0x99: {  	s4 =	simm.s32 $_scs_section_size  }
0x9a: {  	s5 =	simm.s32 $_size__tile_overlayer_lowered;
	s6 =	simm.s32 $_tile_overlayer_lowered  }
0x9b: {  	s22 =	simm.s32 $0x1BFF;
	s21 =	sshll.u32 s6, $0x1;
	s3 =	sadd.s32 s4, s19  }
0x9c: {  	s7 =	simm.s32 $0x0;
	s20 =	sshll.u32 s5, $0x1;
	s5 =	sadd.s32 s21, s3  }
0x9d: {  	[timem:s7], [sflag:s22] =	dma.local [hbm:s5], s20  }
0x9e: {  	_ =	swait.ge [sflag:s22], s20  }
0x9f: {  	s4 =	ssub.s32 $0x0, s20;
	[sflag:s22] =	ssyncset.done $0x0  }
0xa0: {  	[sflag:s22] =	ssyncadd.s32 s4;
	_ =	sdelay $0x1  }
0xa1: {  	s23 =	simm.s32 $0x1B8B  }
0xa2: {  	_ =	swait.ge [sflag:s23], $0x1  }
0xa3: {  	[sflag:s23] =	ssyncset.done $0x0  }
0xa4: {  	s25 =	simm.s32 $0x1B8E;
	s24 =	sld [smem:$0x3FFE];
	[sflag:s23] =	ssyncadd.s32 $0xFFFFFFFF  }
0xa5: {  	s26 =	simm.s32 $execute0_lowered;
	[smem:$0x3FD2] =	sst s25  }
0xa6: {  	s5 =	sshll.u32 s26, $0x1;
	_ =	strace $0x80000049;
	[dreg:$0x1] =	wrdreg $0xFFFFFFFF  }
0xa7: {  	s28 =	simm.s32 $_size_execute0_lowered;
	s3 =	sadd.s32 s3, s5;
	[dreg:$0x0] =	wrdreg $0x0  }
0xa8: {  	s5 =	sshll.u32 s28, $0x1;
	[dreg:$0x2] =	wrdreg s3  }
0xa9: {  	[dreg:$0x3] =	wrdreg s5  }
0xaa: {  	[dreg:$0x4] =	wrdreg $0xC0  }
0xab: {  	_ =	task [dreg:s7], $0x5FFFF  }
0xac: {  	[dreg:$0x1] =	wrdreg $0xFFFFFFFF  }
0xad: {  	[dreg:$0x0] =	wrdreg $0x60  }
0xae: {  	[dreg:$0x2] =	wrdreg s2  }
0xaf: {  	[dreg:$0x3] =	wrdreg s24  }
0xb0: {  	[dreg:$0x4] =	wrdreg $0x0  }
0xb1: {  	[dreg:$0x5] =	wrdreg $0x9  }
0xb2: {  	_ =	task.clear_ibuf [dreg:s7], $0x6FFFF;
	_ =	strace $0x90000049  }
0xb3: {  	s29 =	simm.s32 $0x9;
	_ =	strace $0x8000004B  }
0xb4: {  	_ =	swait.ge [sflag:s29], $0x1  }
0xb5: {  	[sflag:s29] =	ssyncadd.s32 $0xFFFFFFFF  }
0xb6: {  	_ =	strace $0x9000004B  }
0xb7: {  	_ =	sfence  }
0xb8: {  	s30 =	sld [smem:$0x0];
	_ =	sdelay $0x2  }
0xb9: {  	s31 =	sshll.u32 s1, $0xD;
	s1 =	sshrl.u32 s1, $0x2  }
0xba: {  	s3 =	sand.u32 $0x4000, s31;
	s1 =	sadd.s32 s1, s30  }
0xbb: {  	s0 =	sor.u32 s3, s0;
	s1 =	sshll.u32 s1, $0x11  }
0xbc: {  	s0 =	sor.u32 s1, s0  }
0xbd: {  	s0 =	sadd.s32 $0x8F2B, s0  }
0xbe: {  	[sflag:s0] =	ssyncadd.remote.s32 $0x1  }
0xbf: {  	_ =	sfence.sel $0xFFFF  }
0xc0: {  	[dreg:$0x0] =	wrdreg $0xFFFFFFFF;
	(pc) =	sbr.abs _section_cstart, $3  }
0xc1: {  	[dreg:$0x1] =	wrdreg $0xFFFFFFFF  }
0xc2: {  	_ =	task.clear_ibuf [dreg:s7], $0x2FFFF;
	_ =	strace $0x9FFFFFFF  }
0xc3: {  	(tm) =	ssettm $0x7FFFFFFF  }
tec
execute0_lowered:
.L_overlay_start_1:
0x0: {  	(tag) =	ssettag $0x1  }
0x1: {  	s1 =	rddreg [dreg:$0x0]  }
0x2: {  	s0 =	srdreg.scid;
	s2 =	rddreg [dreg:$0x1]  }
0x3: {  	s8 =	stileid.u32;
	s3 =	rddreg [dreg:$0x2]  }
0x4: {  	s5 =	simm.s32 $0x0;
	s29 =	simm.s32 $0x3;
	s30 =	simm.s32 $0x80  }
0x5: {  	s31 =	simm.s32 $0x13E00;
	s0 =	sand.u32 $0x1, s0;
	s6 =	smul.u32 $0x4E20, s8  }
0x6: {  	[smem:$0x7FF] =	sst s5;
	s7 =	sadd.s32 $0x1800, s2;
	s13 =	smul.u32 $0x14000, s8  }
0x7: {  	s12 =	sadd.s32 $0x1200, s2;
	s20 =	smul.u32 $0x13880, s8;
	s4 =	sshll.u32 s0, $0x4  }
0x8: {  	s11 =	smul.u32 $0x4E200, s0;
	_ =	strace $0x8000004A;
	[dreg:$0x4] =	wrdreg s7  }
0x9: {  	[dreg:$0x5] =	wrdreg s12;
	s0 =	ssub.s32 $0x2, s0;
	s7 =	sshrl.u32 s13, $0x2  }
0xa: {  	s4 =	sor.u32 s8, s4;
	s14 =	sshrl.u32 s0, $0x1;
	s15 =	sadd.s32 s7, s3  }
0xb: {  	s8 =	simm.s32 $0xA000;
	s17 =	sadd.s32 $0x800, s15;
	[dreg:$0x6] =	wrdreg s15  }
0xc: {  	s4 =	smul.u32 $0x9E0, s4;
	s18 =	sadd.s32 $0x1000, s15;
	[dreg:$0x9] =	wrdreg s17  }
0xd: {  	s5 =	sadd.s32 s6, s11;
	s19 =	sadd.s32 $0x1800, s15;
	[dreg:$0xa] =	wrdreg s18  }
0xe: {  	s0 =	ssub.s32 s0, s14;
	s21 =	sadd.s32 $0x2000, s15;
	[dreg:$0xb] =	wrdreg s19  }
0xf: {  	s6 =	simm.s32 $0x15E00;
	s22 =	sadd.s32 $0x2800, s15;
	[dreg:$0xc] =	wrdreg s21  }
0x10: {  	s7 =	simm.s32 $0x0;
	s23 =	sadd.s32 $0x3000, s15;
	[dreg:$0xd] =	wrdreg s22  }
0x11: {  	s5 =	sshrl.u32 s5, $0x3;
	s24 =	sadd.s32 $0x3800, s15;
	[dreg:$0xe] =	wrdreg s23  }
0x12: {  	s25 =	sadd.s32 $0x4000, s15;
	s0 =	smax.u32 s0, $0x1;
	[dreg:$0xf] =	wrdreg s24  }
0x13: {  	s4 =	sadd.s32 s4, s2;
	s2 =	sadd.s32 s5, s2;
	[dreg:$0x10] =	wrdreg s25  }
0x14: {  	s5 =	sadd.s32 $0x4800, s15;
	[dreg:$0x13] =	wrdreg s0;
	s22 =	simm.s32 $0x5  }
0x15: {  	v0 =	vimm.f32 $0.0e+00;
	v1 =	vimm.s32 $0x0;
	s24 =	simm.s32 $0x5000;
	s23 =	simm.s32 $0x1;
	s0 =	simm.s32 $0x14E00  }
0x16: {  	v2 =	vimm.s32 $0x1;
	v3 =	vimm.s32 $0x2;
	v4 =	vimm.s32 $0x3;
	s16 =	sadd.s32 $0x85800, s4;
	s4 =	sadd.s32 $0x71C00, s4;
	[dreg:$0x11] =	wrdreg s5  }
0x17: {  	v5 =	vimm.s32 $0x4;
	v6 =	vimm.s32 $0x5;
	v7 =	vimm.s32 $0x6;
	s21 =	simm.s32 $0x2;
	[dreg:$0x8] =	wrdreg s4;
	s4 =	sshrl.u32 s20, $0x2  }
0x18: {  	v8 =	vimm.s32 $0x7;
	v9 =	vimm.s32 $0x8;
	v10 =	vimm.s32 $0x9;
	s2 =	sadd.s32 $0x1E00, s2;
	[dreg:$0x7] =	wrdreg s16;
	s26 =	sadd.s32 s4, s3  }
0x19: {  	v11 =	vimm.s32 $0xA;
	v12 =	vimm.s32 $0xB;
	v13 =	vimm.s32 $0xC;
	s5 =	simm.s32 $0x4;
	[dreg:$0x12] =	wrdreg s2;
	s28 =	sshrl.u32 s26, $0x3  }
0x1a: {  	v14 =	vimm.s32 $0xD;
	v15 =	vimm.s32 $0xE;
	v16 =	vimm.s32 $0xF;
	s2 =	simm.s32 $0x14600;
	s26 =	simm.s32 $0x7800;
	[dreg:$0x14] =	wrdreg s28  }
.LBB2_1:
0x1b: {  	[dreg:$0x15] =	wrdreg s7  }
0x1c: {  	s4 =	simm.s32 $0x0;
	s19 =	rddreg [dreg:$0x7]  }
0x1d: {  	[tilespmem:s8], [sflag:$0x5] =	stream.linear.gather [hbm4b:s19+s4], $0x4F00, $0x38;
	[tilespmem:$0x17600] =	vst v63  }
0x1e: {  	_ =	swait.ge [sflag:s22], $0x4F00  }
0x1f: {  	[sflag:s22] =	ssyncset.done $0x0  }
0x20: {  	s9 =	simm.s32 $0xEF00;
	s20 =	rddreg [dreg:$0x8];
	[sflag:s22] =	ssyncadd.s32 $0xFFFFB100  }
0x21: {  	[tilespmem:s9], [sflag:$0x5] =	stream.linear.gather [hbm4b:s20+s4], $0x4F00, $0x38;
	[tilespmem:$0x17600] =	vst v63  }
0x22: {  	_ =	swait.ge [sflag:s22], $0x4F00  }
0x23: {  	[sflag:s22] =	ssyncset.done $0x0  }
0x24: {  	s25 =	rddreg [dreg:$0x4];
	[sflag:s22] =	ssyncadd.s32 $0xFFFFB100  }
0x25: {  	[tilespmem:s24], [sflag:$0x5] =	stream.linear.gather [hbm4b:s25+s4], $0x2710, $0x38;
	[tilespmem:$0x17600] =	vst v63  }
0x26: {  	_ =	swait.ge [sflag:s22], $0x2710  }
0x27: {  	[sflag:s22] =	ssyncset.done $0x0  }
0x28: {  	s28 =	rddreg [dreg:$0x5];
	[sflag:s22] =	ssyncadd.s32 $0xFFFFD8F0  }
0x29: {  	[tilespmem:s26], [sflag:$0x5] =	stream.linear.gather [hbm4b:s28+s4], $0x2710, $0x38;
	[tilespmem:$0x17600] =	vst v63  }
0x2a: {  	_ =	swait.ge [sflag:s22], $0x2710  }
0x2b: {  	[sflag:s22] =	ssyncset.done $0x0  }
0x2c: {  	s4 =	simm.s32 $0x16E40;
	[sflag:s22] =	ssyncadd.s32 $0xFFFFD8F0  }
0x2d: {  	[tilespmem:s4+$0xFFFFFFC0] =	vst v0  }
0x2e: {  	[tilespmem:s4+$0x30] =	vst v0  }
0x2f: {  	[tilespmem:s4+$0x20] =	vst v0  }
0x30: {  	[tilespmem:s4+$0x10] =	vst v0  }
0x31: {  	[tilespmem:s4+$0x0] =	vst v0  }
0x32: {  	[tilespmem:s4+$0xFFFFFFF0] =	vst v0  }
0x33: {  	s7 =	simm.s32 $0x0;
	[tilespmem:s4+$0xFFFFFFE0] =	vst v0  }
.LBB2_2:
0x34: {  	s7 =	sadd.s32 $0x4, s7;
	[tilespmem:s4+$0xFFFFFFD0] =	vst v0;
	s4 =	sadd.s32 $0x80, s4  }
0x35: {  	[tilespmem:s4+$0xFFFFFFC0] =	vst v0;
	p0 =	slt.u32 s7, $0x3C  }
0x36: {  	[tilespmem:s4+$0x30] =	vst v0  }
.Ltmp0:
0x37: {  	[tilespmem:s4+$0x20] =	vst v0;
	(pc) =	sbr.rel @p0 .LBB2_2-.Ltmp0, $4  }
0x38: {  	[tilespmem:s4+$0x10] =	vst v0  }
0x39: {  	[tilespmem:s4+$0x0] =	vst v0  }
0x3a: {  	[tilespmem:s4+$0xFFFFFFF0] =	vst v0  }
0x3b: {  	[tilespmem:s4+$0xFFFFFFE0] =	vst v0  }
0x3c: {  	[tilespmem:s4+$0xFFFFFFD0] =	vst v0  }
0x3d: {  	s7 =	simm.s32 $0x16E00;
	s4 =	rddreg [dreg:$0x6]  }
0x3e: {  	[spmem:s4] =	stream.linear.scatter [tilespmem:s7], [sflag:$0x3], $0x800, $0x38;
	[tilespmem:$0x17600] =	vst v63  }
0x3f: {  	s14 =	rddreg [dreg:$0x9]  }
0x40: {  	[spmem:s14] =	stream.linear.scatter [tilespmem:s7], [sflag:$0x3], $0x800, $0x38;
	[tilespmem:$0x17600] =	vst v63  }
0x41: {  	s15 =	rddreg [dreg:$0xa]  }
0x42: {  	[spmem:s15] =	stream.linear.scatter [tilespmem:s7], [sflag:$0x3], $0x800, $0x38;
	[tilespmem:$0x17600] =	vst v63  }
0x43: {  	s16 =	rddreg [dreg:$0xb]  }
0x44: {  	[spmem:s16] =	stream.linear.scatter [tilespmem:s7], [sflag:$0x3], $0x800, $0x38;
	[tilespmem:$0x17600] =	vst v63  }
0x45: {  	s17 =	rddreg [dreg:$0xc]  }
0x46: {  	[spmem:s17] =	stream.linear.scatter [tilespmem:s7], [sflag:$0x3], $0x800, $0x38;
	[tilespmem:$0x17600] =	vst v63  }
0x47: {  	s18 =	rddreg [dreg:$0xd]  }
0x48: {  	[spmem:s18] =	stream.linear.scatter [tilespmem:s7], [sflag:$0x3], $0x800, $0x38;
	[tilespmem:$0x17600] =	vst v63  }
0x49: {  	s19 =	rddreg [dreg:$0xe]  }
0x4a: {  	[spmem:s19] =	stream.linear.scatter [tilespmem:s7], [sflag:$0x3], $0x800, $0x38;
	[tilespmem:$0x17600] =	vst v63  }
0x4b: {  	s20 =	rddreg [dreg:$0xf]  }
0x4c: {  	[spmem:s20] =	stream.linear.scatter [tilespmem:s7], [sflag:$0x3], $0x800, $0x38;
	[tilespmem:$0x17600] =	vst v63  }
0x4d: {  	s25 =	rddreg [dreg:$0x10]  }
0x4e: {  	[spmem:s25] =	stream.linear.scatter [tilespmem:s7], [sflag:$0x3], $0x800, $0x38;
	[tilespmem:$0x17600] =	vst v63  }
0x4f: {  	s28 =	rddreg [dreg:$0x11]  }
0x50: {  	[spmem:s28] =	stream.linear.scatter [tilespmem:s7], [sflag:$0x3], $0x800, $0x38;
	[tilespmem:$0x17600] =	vst v63  }
0x51: {  	_ =	swait.ge [sflag:s29], $0x800  }
0x52: {  	[sflag:s29] =	ssyncset.done $0x0  }
0x53: {  	[sflag:s29] =	ssyncadd.s32 $0xFFFFF800  }
0x54: {  	_ =	swait.ge [sflag:s29], $0x800  }
0x55: {  	[sflag:s29] =	ssyncset.done $0x0  }
0x56: {  	[sflag:s29] =	ssyncadd.s32 $0xFFFFF800  }
0x57: {  	_ =	swait.ge [sflag:s29], $0x800  }
0x58: {  	[sflag:s29] =	ssyncset.done $0x0  }
0x59: {  	[sflag:s29] =	ssyncadd.s32 $0xFFFFF800  }
0x5a: {  	_ =	swait.ge [sflag:s29], $0x800  }
0x5b: {  	[sflag:s29] =	ssyncset.done $0x0  }
0x5c: {  	[sflag:s29] =	ssyncadd.s32 $0xFFFFF800  }
0x5d: {  	_ =	swait.ge [sflag:s29], $0x800  }
0x5e: {  	[sflag:s29] =	ssyncset.done $0x0  }
0x5f: {  	[sflag:s29] =	ssyncadd.s32 $0xFFFFF800  }
0x60: {  	_ =	swait.ge [sflag:s29], $0x800  }
0x61: {  	[sflag:s29] =	ssyncset.done $0x0  }
0x62: {  	[sflag:s29] =	ssyncadd.s32 $0xFFFFF800  }
0x63: {  	_ =	swait.ge [sflag:s29], $0x800  }
0x64: {  	[sflag:s29] =	ssyncset.done $0x0  }
0x65: {  	[sflag:s29] =	ssyncadd.s32 $0xFFFFF800  }
0x66: {  	_ =	swait.ge [sflag:s29], $0x800  }
0x67: {  	[sflag:s29] =	ssyncset.done $0x0  }
0x68: {  	[sflag:s29] =	ssyncadd.s32 $0xFFFFF800  }
0x69: {  	_ =	swait.ge [sflag:s29], $0x800  }
0x6a: {  	[sflag:s29] =	ssyncset.done $0x0  }
0x6b: {  	[sflag:s29] =	ssyncadd.s32 $0xFFFFF800  }
0x6c: {  	_ =	swait.ge [sflag:s29], $0x800  }
0x6d: {  	s9 =	simm.s32 $0x0;
	[sflag:s29] =	ssyncset.done $0x0  }
0x6e: {  	s10 =	simm.s32 $0xA010;
	s11 =	simm.s32 $0xEF10;
	[sflag:s29] =	ssyncadd.s32 $0xFFFFF800  }
0x6f: {  	s12 =	simm.s32 $0xA090;
	s13 =	simm.s32 $0xEF90;
	[bflag:$0x0] =	sbarrier.arrive $0xFFFF  }
0x70: {  	[tilespmem:s31], [sflag:$0x1] =	stream.indirect.gather [hbm4b:s1+s30], $0x10, s8, s30, $0xb8;
	[tilespmem:$0x17600] =	vst v63  }
.LBB2_4:
0x71: {  	s4 =	sshll.u32 s9, $0x8  }
0x72: {  	s7 =	sadd.s32 $0xA080, s4  }
0x73: {  	[tilespmem:s2], [sflag:$0x2] =	stream.indirect.gather [hbm4b:s1+s30], $0x10, s7, s30, $0xb8;
	[tilespmem:$0x17600] =	vst v63  }
0x74: {  	_ =	swait.ge [sflag:s23], $0x800  }
0x75: {  	p0 =	seq.s32 s9, $0x0;
	[sflag:s23] =	ssyncset.done $0x0  }
0x76: {  	s7 =	simm.s32 @!p0 $0x3;
	[sflag:s23] =	ssyncadd.s32 $0xFFFFF800  }
0x77: {  	_ =	swait.ge @!p0 [sflag:s7], $0x1000  }
0x78: {  	[sflag:s7] =	ssyncset.done @!p0 $0x0  }
0x79: {  	[sflag:s7] =	ssyncadd.s32 @!p0 $0xFFFFF000  }
0x7a: {  	v17 =	vld [tilespmem:s11+$0x0]  }
0x7b: {  	v18 =	vld [tilespmem:s10+$0x0];
	_ =	sdelay $0x3  }
0x7c: {  	v19 =	vld [tilespmem:s10+$0xFFFFFFF0]  }
0x7d: {  	v20 =	vld [tilespmem:s11+$0xFFFFFFF0];
	_ =	sdelay $0x1  }
0x7e: {  	v17 =	vld.idx.msk [tilespmem:v17+s26+$0x0], $0xffff  }
0x7f: {  	v18 =	vld.idx.msk [tilespmem:v18+s24+$0x0], $0xffff;
	_ =	sdelay $0x3  }
0x80: {  	v19 =	vld.idx.msk [tilespmem:v19+s24+$0x0], $0xffff  }
0x81: {  	v20 =	vld.idx.msk [tilespmem:v20+s26+$0x0], $0xffff;
	v17 =	vadd.f32 v17, v18;
	_ =	sdelay $0x1  }
0x82: {  	v18 =	vmul.f32 $2.000000030e-01, v17;
	_ =	sdelay $0x1  }
0x83: {  	v17 =	vmax.f32 v17, v18  }
0x84: {  	v18 =	vadd.f32 v20, v19;
	v17 =	vmul.f32 $1.442695020e+00, v17;
	_ =	sdelay $0x1  }
0x85: {  	(erf) = vpow2.f32 v17;
	v17 =	vmul.f32 $2.000000030e-01, v18;
	_ =	sdelay $0x1  }
0x86: {  	v17 =	vmax.f32 v18, v17  }
0x87: {  	v17 =	vmul.f32 $1.442695020e+00, v17;
	_ =	sdelay $0x1  }
0x88: {  	(erf) = vpow2.f32 v17;
	_ =	sdelay $0x1  }
0x89: {  	s18 =	simm.s32 $0x13F00  }
0x8a: {  	v17 =	vld [tilespmem:s18+$0x0];
	_ =	sdelay $0x1  }
0x8b: {  	v20 =	vpop (erf)  }
0x8c: {  	v18 =	vperm.xlane v20, v1  }
0x8d: {  	v21 =	vld [tilespmem:s18+$0xFFFFFF00]  }
0x8e: {  	v17 =	vmul.f32 v17, v18  }
0x8f: {  	s17 =	simm.s32 $0x15000;
	v19 =	vpop (erf)  }
0x90: {  	[tilespmem:s17+$0x0] =	vst v17;
	v17 =	vperm.xlane v19, v1  }
0x91: {  	[tilespmem:s17+$0x10] =	vst v18  }
0x92: {  	v18 =	vld [tilespmem:s18+$0x10];
	v21 =	vmul.f32 v21, v17  }
0x93: {  	[tilespmem:s17+$0xFFFFFE10] =	vst v17  }
0x94: {  	[tilespmem:s17+$0xFFFFFE00] =	vst v21  }
0x95: {  	v17 =	vperm.xlane v20, v2;
	v21 =	vld [tilespmem:s18+$0xFFFFFF10];
	_ =	sdelay $0x1  }
0x96: {  	v18 =	vmul.f32 v18, v17  }
0x97: {  	[tilespmem:s17+$0x30] =	vst v17;
	v17 =	vperm.xlane v19, v2  }
0x98: {  	[tilespmem:s17+$0x20] =	vst v18  }
0x99: {  	v18 =	vld [tilespmem:s18+$0x20];
	v21 =	vmul.f32 v21, v17  }
0x9a: {  	[tilespmem:s17+$0xFFFFFE30] =	vst v17  }
0x9b: {  	[tilespmem:s17+$0xFFFFFE20] =	vst v21  }
0x9c: {  	v17 =	vperm.xlane v20, v3;
	v21 =	vld [tilespmem:s18+$0xFFFFFF20];
	_ =	sdelay $0x1  }
0x9d: {  	s25 =	sadd.s32 $0x20, s11;
	v18 =	vmul.f32 v18, v17  }
0x9e: {  	s14 =	sadd.s32 $0x20, s10;
	v22 =	vld [tilespmem:s25+$0x0];
	[tilespmem:s17+$0x50] =	vst v17;
	v17 =	vperm.xlane v19, v3  }
0x9f: {  	v23 =	vld [tilespmem:s14+$0x0];
	[tilespmem:s17+$0x40] =	vst v18  }
0xa0: {  	v18 =	vld [tilespmem:s18+$0x30];
	v21 =	vmul.f32 v21, v17  }
0xa1: {  	[tilespmem:s17+$0xFFFFFE50] =	vst v17  }
0xa2: {  	v25 =	vld [tilespmem:s25+$0xFFFFFFF0];
	[tilespmem:s17+$0xFFFFFE40] =	vst v21  }
0xa3: {  	v24 =	vperm.xlane v20, v4;
	v21 =	vld [tilespmem:s18+$0xFFFFFF30]  }
0xa4: {  	v17 =	vld [tilespmem:s14+$0xFFFFFFF0]  }
0xa5: {  	v18 =	vmul.f32 v18, v24  }
0xa6: {  	v22 =	vld.idx.msk [tilespmem:v22+s26+$0x0], $0xffff;
	v26 =	vperm.xlane v19, v4;
	[tilespmem:s17+$0x70] =	vst v24  }
0xa7: {  	[tilespmem:s17+$0x60] =	vst v18;
	v18 =	vld.idx.msk [tilespmem:v23+s24+$0x0], $0xffff  }
0xa8: {  	v23 =	vld [tilespmem:s18+$0x40];
	v21 =	vmul.f32 v21, v26  }
0xa9: {  	[tilespmem:s17+$0xFFFFFE70] =	vst v26  }
0xaa: {  	v25 =	vld.idx.msk [tilespmem:v25+s26+$0x0], $0xffff;
	[tilespmem:s17+$0xFFFFFE60] =	vst v21  }
0xab: {  	v21 =	vperm.xlane v20, v5;
	v24 =	vld [tilespmem:s18+$0xFFFFFF40]  }
0xac: {  	s8 =	sadd.s32 $0x20, s25;
	v17 =	vld.idx.msk [tilespmem:v17+s24+$0x0], $0xffff  }
0xad: {  	v26 =	vld [tilespmem:s8+$0x0];
	v18 =	vadd.f32 v22, v18;
	v22 =	vmul.f32 v23, v21  }
0xae: {  	v23 =	vperm.xlane v19, v5;
	[tilespmem:s17+$0x90] =	vst v21  }
0xaf: {  	v21 =	vmul.f32 $2.000000030e-01, v18;
	[tilespmem:s17+$0x80] =	vst v22  }
0xb0: {  	s19 =	sadd.s32 $0x20, s14;
	v22 =	vld [tilespmem:s18+$0x50];
	v24 =	vmul.f32 v24, v23  }
0xb1: {  	v17 =	vadd.f32 v25, v17;
	v18 =	vmax.f32 v18, v21;
	v21 =	vld [tilespmem:s19+$0x0];
	[tilespmem:s17+$0xFFFFFE90] =	vst v23  }
0xb2: {  	v18 =	vmul.f32 $1.442695020e+00, v18;
	[tilespmem:s17+$0xFFFFFE80] =	vst v24  }
0xb3: {  	v23 =	vmul.f32 $2.000000030e-01, v17;
	v24 =	vperm.xlane v20, v6;
	v25 =	vld [tilespmem:s18+$0xFFFFFF50];
	_ =	sdelay $0x1  }
0xb4: {  	v26 =	vld.idx.msk [tilespmem:v26+s26+$0x0], $0xffff;
	(erf) = vpow2.f32 v18;
	v17 =	vmax.f32 v17, v23;
	v22 =	vmul.f32 v22, v24  }
0xb5: {  	v23 =	vld [tilespmem:s8+$0xFFFFFFF0];
	v17 =	vmul.f32 $1.442695020e+00, v17;
	[tilespmem:s17+$0xB0] =	vst v24;
	v24 =	vperm.xlane v19, v6  }
0xb6: {  	v18 =	vld [tilespmem:s19+$0xFFFFFFF0];
	[tilespmem:s17+$0xA0] =	vst v22  }
0xb7: {  	(erf) = vpow2.f32 v17;
	v17 =	vld [tilespmem:s18+$0x60];
	v22 =	vmul.f32 v25, v24  }
0xb8: {  	v21 =	vld.idx.msk [tilespmem:v21+s24+$0x0], $0xffff;
	[tilespmem:s17+$0xFFFFFEB0] =	vst v24  }
0xb9: {  	[tilespmem:s17+$0xFFFFFEA0] =	vst v22  }
0xba: {  	s15 =	simm.s32 $0x14100;
	v22 =	vperm.xlane v20, v7;
	v24 =	vld [tilespmem:s18+$0xFFFFFF60]  }
0xbb: {  	v25 =	vld [tilespmem:s15+$0x0]  }
0xbc: {  	v27 =	vmul.f32 v17, v22  }
0xbd: {  	v23 =	vld.idx.msk [tilespmem:v23+s26+$0x0], $0xffff;
	v21 =	vadd.f32 v26, v21;
	v26 =	vperm.xlane v19, v7;
	v17 =	vpop (erf);
	[tilespmem:s17+$0xD0] =	vst v22  }
0xbe: {  	v22 =	vld.idx.msk [tilespmem:v18+s24+$0x0], $0xffff;
	v28 =	vperm.xlane v17, v1;
	[tilespmem:s17+$0xC0] =	vst v27  }
0xbf: {  	v29 =	vmul.f32 $2.000000030e-01, v21;
	v27 =	vld [tilespmem:s18+$0x70];
	v24 =	vmul.f32 v24, v26  }
0xc0: {  	v30 =	vld [tilespmem:s15+$0xFFFFFF00];
	[tilespmem:s17+$0xFFFFFED0] =	vst v26;
	v18 =	vpop (erf);
	v25 =	vmul.f32 v25, v28  }
0xc1: {  	s16 =	simm.s32 $0x15400;
	v21 =	vmax.f32 v21, v29;
	v26 =	vperm.xlane v18, v1;
	[tilespmem:s17+$0xFFFFFEC0] =	vst v24  }
0xc2: {  	v21 =	vmul.f32 $1.442695020e+00, v21;
	[tilespmem:s16+$0x0] =	vst v25;
	v24 =	vperm.xlane v20, v8;
	v25 =	vld [tilespmem:s18+$0xFFFFFF70]  }
0xc3: {  	[tilespmem:s16+$0x10] =	vst v28  }
0xc4: {  	v22 =	vadd.f32 v23, v22;
	[tilespmem:s16+$0xFFFFFE10] =	vst v26;
	(erf) = vpow2.f32 v21;
	v23 =	vmul.f32 v27, v24  }
0xc5: {  	v21 =	vmul.f32 v30, v26;
	v26 =	vperm.xlane v19, v8;
	[tilespmem:s17+$0xF0] =	vst v24  }
0xc6: {  	v24 =	vld [tilespmem:s15+$0x10];
	[tilespmem:s17+$0xE0] =	vst v23  }
0xc7: {  	[tilespmem:s16+$0xFFFFFE00] =	vst v21;
	v23 =	vld [tilespmem:s18+$0x80];
	v21 =	vmul.f32 v25, v26  }
0xc8: {  	v27 =	vmul.f32 $2.000000030e-01, v22;
	[tilespmem:s17+$0xFFFFFEF0] =	vst v26;
	v25 =	vperm.xlane v17, v2  }
0xc9: {  	v26 =	vperm.xlane v19, v9;
	[tilespmem:s17+$0xFFFFFEE0] =	vst v21  }
0xca: {  	v22 =	vmax.f32 v22, v27;
	v21 =	vperm.xlane v20, v9;
	[tilespmem:s16+$0x30] =	vst v25;
	v27 =	vld [tilespmem:s18+$0xFFFFFF80]  }
0xcb: {  	v28 =	vld [tilespmem:s15+$0xFFFFFF10];
	v22 =	vmul.f32 $1.442695020e+00, v22;
	v24 =	vmul.f32 v24, v25;
	[tilespmem:s17+$0xFFFFFF10] =	vst v26  }
0xcc: {  	s7 =	simm.s32 $0x14300;
	[tilespmem:s17+$0x110] =	vst v21;
	v23 =	vmul.f32 v23, v21  }
0xcd: {  	(erf) = vpow2.f32 v22;
	v22 =	vld [tilespmem:s7+$0x0];
	v25 =	vperm.xlane v17, v3;
	[tilespmem:s16+$0x20] =	vst v24  }
0xce: {  	v24 =	vperm.xlane v18, v2;
	v30 =	vld [tilespmem:s15+$0x20];
	[tilespmem:s17+$0x100] =	vst v23  }
0xcf: {  	[tilespmem:s16+$0x50] =	vst v25;
	v21 =	vpop (erf);
	v23 =	vmul.f32 v27, v26;
	v26 =	vld [tilespmem:s18+$0x90]  }
0xd0: {  	[tilespmem:s16+$0xFFFFFE30] =	vst v24;
	v24 =	vmul.f32 v28, v24;
	v29 =	vperm.xlane v21, v1  }
0xd1: {  	[tilespmem:s17+$0xFFFFFF00] =	vst v23  }
0xd2: {  	s25 =	simm.s32 $0x15800;
	[tilespmem:s16+$0xFFFFFE20] =	vst v24;
	v22 =	vmul.f32 v22, v29;
	v23 =	vperm.xlane v20, v10;
	v27 =	vld [tilespmem:s18+$0xFFFFFF90]  }
0xd3: {  	[tilespmem:s25+$0x10] =	vst v29  }
0xd4: {  	[tilespmem:s25+$0x0] =	vst v22;
	v26 =	vmul.f32 v26, v23  }
0xd5: {  	v31 =	vperm.xlane v19, v10;
	[tilespmem:s17+$0x130] =	vst v23  }
0xd6: {  	v29 =	vld [tilespmem:s7+$0xFFFFFF00];
	v25 =	vmul.f32 v30, v25;
	[tilespmem:s17+$0x120] =	vst v26  }
0xd7: {  	[tilespmem:s17+$0xFFFFFF30] =	vst v31;
	v22 =	vpop (erf);
	v26 =	vmul.f32 v27, v31;
	v27 =	vld [tilespmem:s18+$0xA0]  }
0xd8: {  	[tilespmem:s16+$0x40] =	vst v25;
	v23 =	vperm.xlane v22, v1  }
0xd9: {  	v24 =	vperm.xlane v20, v11;
	v28 =	vld [tilespmem:s15+$0xFFFFFF20];
	[tilespmem:s17+$0xFFFFFF20] =	vst v26  }
0xda: {  	[tilespmem:s25+$0xFFFFFE10] =	vst v23;
	v31 =	vperm.xlane v18, v3;
	v30 =	vld [tilespmem:s18+$0xFFFFFFA0]  }
0xdb: {  	[tilespmem:s17+$0x150] =	vst v24;
	v23 =	vmul.f32 v29, v23  }
0xdc: {  	v25 =	vld [tilespmem:s15+$0x30];
	[tilespmem:s16+$0xFFFFFE50] =	vst v31;
	v24 =	vmul.f32 v27, v24  }
0xdd: {  	v26 =	vperm.xlane v19, v11;
	[tilespmem:s25+$0xFFFFFE00] =	vst v23  }
0xde: {  	v27 =	vmul.f32 v28, v31;
	[tilespmem:s17+$0x140] =	vst v24  }
0xdf: {  	v23 =	vperm.xlane v17, v4;
	[tilespmem:s17+$0xFFFFFF50] =	vst v26;
	v24 =	vmul.f32 v30, v26;
	v26 =	vld [tilespmem:s18+$0xB0]  }
0xe0: {  	v28 =	vld [tilespmem:s7+$0x10];
	[tilespmem:s16+$0xFFFFFE40] =	vst v27  }
0xe1: {  	v32 =	vperm.xlane v19, v12;
	v25 =	vmul.f32 v25, v23;
	v33 =	vld [tilespmem:s15+$0xFFFFFF30];
	[tilespmem:s17+$0xFFFFFF40] =	vst v24  }
0xe2: {  	v29 =	vperm.xlane v21, v2;
	[tilespmem:s16+$0x70] =	vst v23;
	v31 =	vperm.xlane v20, v12;
	v30 =	vld [tilespmem:s18+$0xFFFFFFB0]  }
0xe3: {  	v23 =	vperm.xlane v22, v3;
	[tilespmem:s16+$0x60] =	vst v25;
	v25 =	vperm.xlane v22, v2  }
0xe4: {  	v27 =	vperm.xlane v18, v4;
	[tilespmem:s17+$0x170] =	vst v31;
	v34 =	vmul.f32 v26, v31  }
0xe5: {  	s20 =	simm.s32 $0x14300;
	s28 =	sadd.s32 $0x20, s19;
	s14 =	sor.u32 $0x80, s4;
	v24 =	vperm.xlane v18, v5;
	v28 =	vmul.f32 v28, v29;
	[tilespmem:s17+$0xFFFFFF70] =	vst v32;
	v31 =	vld [tilespmem:s15+$0x40]  }
0xe6: {  	s4 =	simm.s32 $0x4;
	s19 =	simm.s32 $0x15800;
	s8 =	sadd.s32 $0x20, s8;
	v26 =	vperm.xlane v21, v3;
	v33 =	vmul.f32 v33, v27;
	[tilespmem:s17+$0x160] =	vst v34  }
.LBB2_5:
0xe7: {  	s4 =	sadd.s32 $0x2, s4;
	[tilespmem:s16+$0xFFFFFE70] =	vst v27;
	v30 =	vmul.f32 v30, v32;
	v32 =	vld [tilespmem:s18+$0xC0]  }
0xe8: {  	v27 =	vperm.xlane v22, v4;
	p1 =	slt.u32 s4, $0x6;
	[tilespmem:s16+$0xFFFFFE60] =	vst v33;
	v33 =	vperm.xlane v17, v5  }
0xe9: {  	v34 =	vld [tilespmem:s15+$0xFFFFFF40];
	[tilespmem:s17+$0xFFFFFF60] =	vst v30;
	v30 =	vperm.xlane v19, v13  }
0xea: {  	v35 =	vperm.xlane v20, v13;
	v31 =	vmul.f32 v31, v33;
	[tilespmem:s16+$0x90] =	vst v33;
	v33 =	vld [tilespmem:s18+$0xFFFFFFC0]  }
0xeb: {  	v36 =	vld [tilespmem:s8+$0x0];
	[tilespmem:s17+$0xFFFFFF90] =	vst v30  }
0xec: {  	[tilespmem:s16+$0x80] =	vst v31;
	v31 =	vperm.xlane v17, v6;
	v32 =	vmul.f32 v32, v35  }
0xed: {  	v37 =	vld [tilespmem:s15+$0x50];
	[tilespmem:s17+$0x190] =	vst v35  }
0xee: {  	v35 =	vld [tilespmem:s28+$0x0];
	[tilespmem:s16+$0xB0] =	vst v31  }
0xef: {  	v34 =	vmul.f32 v34, v24;
	v38 =	vld [tilespmem:s28+$0xFFFFFFF0];
	[tilespmem:s16+$0xFFFFFE90] =	vst v24;
	v30 =	vmul.f32 v33, v30  }
0xf0: {  	v24 =	vperm.xlane v22, v5;
	v33 =	vld [tilespmem:s8+$0xFFFFFFF0];
	[tilespmem:s17+$0x180] =	vst v32  }
0xf1: {  	v32 =	vperm.xlane v20, v14;
	[tilespmem:s16+$0xFFFFFE80] =	vst v34;
	v34 =	vld [tilespmem:s18+$0xD0]  }
0xf2: {  	v39 =	vld [tilespmem:s15+$0xFFFFFF50];
	v31 =	vmul.f32 v37, v31;
	[tilespmem:s17+$0xFFFFFF80] =	vst v30  }
0xf3: {  	v30 =	vperm.xlane v19, v14;
	v37 =	vld [tilespmem:s18+$0xFFFFFFD0];
	[tilespmem:s17+$0x1B0] =	vst v32  }
0xf4: {  	v36 =	vld.idx.msk [tilespmem:v36+s26+$0x0], $0xffff;
	[tilespmem:s16+$0xA0] =	vst v31  }
0xf5: {  	v31 =	vperm.xlane v18, v6;
	v40 =	vld [tilespmem:s15+$0x60];
	[tilespmem:s17+$0xFFFFFFB0] =	vst v30  }
0xf6: {  	v35 =	vld.idx.msk [tilespmem:v35+s24+$0x0], $0xffff;
	[tilespmem:s25+$0x30] =	vst v29;
	v29 =	vmul.f32 v34, v32  }
0xf7: {  	v32 =	vmul.f32 v39, v31;
	[tilespmem:s16+$0xFFFFFEB0] =	vst v31  }
0xf8: {  	v31 =	vperm.xlane v17, v7;
	v30 =	vmul.f32 v37, v30;
	[tilespmem:s17+$0x1A0] =	vst v29  }
0xf9: {  	[tilespmem:s16+$0xFFFFFEA0] =	vst v32;
	v29 =	vld [tilespmem:s18+$0xE0]  }
0xfa: {  	v32 =	vld [tilespmem:s15+$0xFFFFFF60];
	v34 =	vmul.f32 v40, v31;
	[tilespmem:s17+$0xFFFFFFA0] =	vst v30  }
0xfb: {  	v30 =	vperm.xlane v19, v15;
	[tilespmem:s16+$0xD0] =	vst v31;
	v31 =	vld [tilespmem:s18+$0xFFFFFFE0]  }
0xfc: {  	v37 =	vld.idx.msk [tilespmem:v38+s24+$0x0], $0xffff;
	[tilespmem:s16+$0xC0] =	vst v34;
	v34 =	vperm.xlane v20, v15  }
0xfd: {  	v35 =	vadd.f32 v36, v35;
	v36 =	vperm.xlane v18, v7;
	v33 =	vld.idx.msk [tilespmem:v33+s26+$0x0], $0xffff;
	[tilespmem:s17+$0xFFFFFFD0] =	vst v30  }
0xfe: {  	v38 =	vld [tilespmem:s15+$0x70];
	v29 =	vmul.f32 v29, v34;
	[tilespmem:s17+$0x1D0] =	vst v34  }
0xff: {  	v34 =	vmul.f32 $2.000000030e-01, v35;
	v32 =	vmul.f32 v32, v36;
	[tilespmem:s16+$0xFFFFFED0] =	vst v36  }
0x100: {  	v30 =	vmul.f32 v31, v30;
	[tilespmem:s17+$0x1C0] =	vst v29  }
0x101: {  	v29 =	vmax.f32 v35, v34;
	v31 =	vperm.xlane v17, v8;
	[tilespmem:s16+$0xFFFFFEC0] =	vst v32;
	v32 =	vperm.xlane v20, v16;
	v34 =	vld [tilespmem:s18+$0xF0]  }
0x102: {  	s7 =	sadd.s32 $0x200, s7;
	v29 =	vmul.f32 $1.442695020e+00, v29;
	v20 =	vmovc v17;
	v17 =	vmovc v21;
	v35 =	vld [tilespmem:s15+$0xFFFFFF70];
	[tilespmem:s17+$0xFFFFFFC0] =	vst v30;
	v30 =	vperm.xlane v19, v16;
	v19 =	vmov v18  }
0x103: {  	v21 =	vadd.f32 v33, v37;
	v18 =	vmov v22;
	v33 =	vmul.f32 v38, v31;
	v36 =	vld [tilespmem:s18+$0xFFFFFFF0];
	[tilespmem:s17+$0x1F0] =	vst v32;
	s18 =	smov.u32 s15;
	s15 =	smov.u32 s20;
	s20 =	smov.u32 s7  }
0x104: {  	(erf) = vpow2.f32 v29;
	[tilespmem:s17+$0xFFFFFFF0] =	vst v30  }
0x105: {  	v22 =	vmul.f32 $2.000000030e-01, v21;
	v29 =	vperm.xlane v19, v8;
	[tilespmem:s16+$0xF0] =	vst v31  }
0x106: {  	[tilespmem:s16+$0xE0] =	vst v33;
	v31 =	vmul.f32 v34, v32  }
0x107: {  	s25 =	sadd.s32 $0x400, s25;
	v21 =	vmax.f32 v21, v22;
	v22 =	vmul.f32 v35, v29;
	[tilespmem:s16+$0xFFFFFEF0] =	vst v29;
	v29 =	vld [tilespmem:s18+$0x80]  }
0x108: {  	v21 =	vmul.f32 $1.442695020e+00, v21;
	v30 =	vmul.f32 v36, v30;
	[tilespmem:s17+$0x1E0] =	vst v31  }
0x109: {  	[tilespmem:s16+$0xFFFFFEE0] =	vst v22;
	v22 =	vperm.xlane v20, v9  }
0x10a: {  	v31 =	vperm.xlane v19, v9;
	(erf) = vpow2.f32 v21;
	v32 =	vld [tilespmem:s18+$0xFFFFFF80];
	[tilespmem:s17+$0xFFFFFFE0] =	vst v30;
	s17 =	smov.u32 s16;
	s16 =	smov.u32 s19;
	s19 =	smov.u32 s25  }
0x10b: {  	v30 =	vld [tilespmem:s7+$0x0];
	[tilespmem:s17+$0x110] =	vst v22  }
0x10c: {  	[tilespmem:s17+$0xFFFFFF10] =	vst v31;
	v22 =	vmul.f32 v29, v22  }
0x10d: {  	v21 =	vpop (erf);
	v29 =	vld [tilespmem:s15+$0xFFFFFF10];
	[tilespmem:s16+$0x20] =	vst v28  }
0x10e: {  	v28 =	vperm.xlane v21, v1;
	v33 =	vld [tilespmem:s15+$0x20];
	[tilespmem:s17+$0x100] =	vst v22  }
0x10f: {  	[tilespmem:s16+$0x50] =	vst v26;
	v22 =	vmul.f32 v32, v31;
	v31 =	vld [tilespmem:s18+$0x90]  }
0x110: {  	v30 =	vmul.f32 v30, v28;
	[tilespmem:s16+$0xFFFFFE30] =	vst v25  }
0x111: {  	v34 =	vperm.xlane v20, v10;
	v32 =	vld [tilespmem:s7+$0xFFFFFF00];
	[tilespmem:s17+$0xFFFFFF00] =	vst v22  }
0x112: {  	[tilespmem:s25+$0x0] =	vst v30;
	v30 =	vmul.f32 v29, v25;
	v25 =	vperm.xlane v19, v10;
	v35 =	vld [tilespmem:s18+$0xFFFFFF90]  }
0x113: {  	v29 =	vperm.xlane v21, v2;
	[tilespmem:s25+$0x10] =	vst v28;
	v22 =	vpop (erf);
	v26 =	vmul.f32 v33, v26  }
0x114: {  	v28 =	vperm.xlane v22, v1;
	v33 =	vld [tilespmem:s7+$0x10];
	v31 =	vmul.f32 v31, v34;
	[tilespmem:s17+$0x130] =	vst v34  }
0x115: {  	[tilespmem:s17+$0xFFFFFF30] =	vst v25  }
0x116: {  	v32 =	vmul.f32 v32, v28;
	[tilespmem:s17+$0x120] =	vst v31  }
0x117: {  	[tilespmem:s25+$0xFFFFFE10] =	vst v28;
	v31 =	vmul.f32 v35, v25;
	v34 =	vld [tilespmem:s18+$0xA0]  }
0x118: {  	v25 =	vperm.xlane v22, v2;
	[tilespmem:s16+$0xFFFFFE20] =	vst v30;
	v30 =	vperm.xlane v20, v11  }
0x119: {  	v28 =	vmul.f32 v33, v29;
	v33 =	vld [tilespmem:s15+$0xFFFFFF20];
	[tilespmem:s17+$0xFFFFFF20] =	vst v31  }
0x11a: {  	v31 =	vperm.xlane v19, v11;
	v35 =	vld [tilespmem:s18+$0xFFFFFFA0];
	[tilespmem:s17+$0x150] =	vst v30  }
0x11b: {  	[tilespmem:s16+$0x40] =	vst v26  }
0x11c: {  	v26 =	vperm.xlane v21, v3;
	v36 =	vld [tilespmem:s15+$0x30];
	[tilespmem:s17+$0xFFFFFF50] =	vst v31;
	v30 =	vmul.f32 v34, v30  }
0x11d: {  	[tilespmem:s16+$0xFFFFFE50] =	vst v23  }
0x11e: {  	v33 =	vmul.f32 v33, v23;
	[tilespmem:s17+$0x140] =	vst v30  }
0x11f: {  	v34 =	vperm.xlane v17, v4;
	[tilespmem:s25+$0xFFFFFE00] =	vst v32;
	v30 =	vmul.f32 v35, v31;
	v31 =	vld [tilespmem:s18+$0xB0]  }
0x120: {  	v23 =	vperm.xlane v22, v3;
	[tilespmem:s16+$0xFFFFFE40] =	vst v33;
	v33 =	vperm.xlane v20, v12  }
0x121: {  	v35 =	vld [tilespmem:s15+$0xFFFFFF30];
	v32 =	vmul.f32 v36, v34;
	[tilespmem:s17+$0xFFFFFF40] =	vst v30  }
.Ltmp1:
0x122: {  	v30 =	vld [tilespmem:s18+$0xFFFFFFB0];
	[tilespmem:s17+$0x170] =	vst v33;
	(pc) =	sbr.rel @p1 .LBB2_5-.Ltmp1, $4  }
0x123: {  	[tilespmem:s16+$0x60] =	vst v32;
	v32 =	vperm.xlane v19, v12  }
0x124: {  	[tilespmem:s16+$0x70] =	vst v34;
	v34 =	vmul.f32 v31, v33  }
0x125: {  	v31 =	vld [tilespmem:s15+$0x40];
	[tilespmem:s17+$0xFFFFFF70] =	vst v32  }
0x126: {  	s28 =	sadd.s32 $0x20, s28;
	s8 =	sadd.s32 $0x20, s8;
	v33 =	vmul.f32 v35, v27;
	[tilespmem:s17+$0x160] =	vst v34  }
0x127: {  	[tilespmem:s16+$0xFFFFFE70] =	vst v27  }
0x128: {  	[tilespmem:s25+$0x30] =	vst v29  }
0x129: {  	v38 =	vld [tilespmem:s20+$0xFFFFFF10];
	[tilespmem:s19+$0xFFFFFE30] =	vst v25  }
0x12a: {  	v59 =	vmul.f32 v30, v32;
	[tilespmem:s16+$0xFFFFFE60] =	vst v33  }
0x12b: {  	v60 =	vperm.xlane v17, v5;
	[tilespmem:s19+$0x20] =	vst v28  }
0x12c: {  	v36 =	vperm.xlane v20, v13;
	[tilespmem:s17+$0xFFFFFF60] =	vst v59  }
0x12d: {  	v61 =	vld [tilespmem:s18+$0xC0];
	[tilespmem:s16+$0x90] =	vst v60  }
0x12e: {  	[tilespmem:s17+$0x190] =	vst v36  }
0x12f: {  	v62 =	vperm.xlane v19, v13;
	v34 =	vld [tilespmem:s15+$0xFFFFFF40];
	[tilespmem:s16+$0xFFFFFE90] =	vst v24  }
0x130: {  	v40 =	vld [tilespmem:s20+$0x20];
	[tilespmem:s19+$0x50] =	vst v26;
	v31 =	vmul.f32 v31, v60  }
0x131: {  	v37 =	vperm.xlane v17, v6;
	v63 =	vld [tilespmem:s18+$0xFFFFFFC0];
	[tilespmem:s17+$0xFFFFFF90] =	vst v62  }
0x132: {  	[tilespmem:s16+$0x80] =	vst v31;
	v32 =	vmul.f32 v61, v36  }
0x133: {  	v41 =	vmul.f32 v38, v25;
	v35 =	vld [tilespmem:s15+$0x50];
	[tilespmem:s16+$0xB0] =	vst v37  }
0x134: {  	v42 =	vperm.xlane v20, v14;
	[tilespmem:s17+$0x180] =	vst v32  }
0x135: {  	[tilespmem:s19+$0xFFFFFE20] =	vst v41;
	v43 =	vld [tilespmem:s18+$0xD0]  }
0x136: {  	v39 =	vmul.f32 v34, v24;
	v45 =	vld [tilespmem:s20+$0xFFFFFF20];
	[tilespmem:s17+$0x1B0] =	vst v42  }
0x137: {  	v24 =	vmul.f32 v40, v26;
	[tilespmem:s19+$0xFFFFFE50] =	vst v23  }
0x138: {  	v27 =	vmul.f32 v63, v62;
	[tilespmem:s16+$0xFFFFFE80] =	vst v39  }
0x139: {  	v49 =	vperm.xlane v18, v6;
	[tilespmem:s19+$0x40] =	vst v24  }
0x13a: {  	v52 =	vperm.xlane v21, v4;
	[tilespmem:s17+$0xFFFFFF80] =	vst v27  }
0x13b: {  	v46 =	vld [tilespmem:s15+$0xFFFFFF50];
	[tilespmem:s16+$0xFFFFFEB0] =	vst v49;
	v27 =	vmul.f32 v45, v23  }
0x13c: {  	v47 =	vperm.xlane v19, v14;
	v24 =	vld [tilespmem:s20+$0x30];
	[tilespmem:s19+$0x70] =	vst v52  }
0x13d: {  	v44 =	vmul.f32 v35, v37;
	v48 =	vld [tilespmem:s18+$0xFFFFFFD0];
	[tilespmem:s19+$0xFFFFFE40] =	vst v27  }
0x13e: {  	v56 =	vperm.xlane v17, v7;
	[tilespmem:s17+$0xFFFFFFB0] =	vst v47;
	v53 =	vld [tilespmem:s20+$0xFFFFFF30]  }
0x13f: {  	[tilespmem:s16+$0xA0] =	vst v44;
	v50 =	vmul.f32 v43, v42  }
0x140: {  	v55 =	vperm.xlane v22, v4;
	v54 =	vld [tilespmem:s15+$0x60];
	[tilespmem:s16+$0xD0] =	vst v56  }
0x141: {  	[tilespmem:s17+$0x1A0] =	vst v50;
	v24 =	vmul.f32 v24, v52  }
0x142: {  	v60 =	vperm.xlane v20, v15;
	[tilespmem:s19+$0xFFFFFE70] =	vst v55  }
0x143: {  	v62 =	vld [tilespmem:s18+$0xE0];
	[tilespmem:s19+$0x60] =	vst v24;
	v57 =	vmul.f32 v53, v55  }
0x144: {  	v51 =	vmul.f32 v46, v49;
	[tilespmem:s17+$0x1D0] =	vst v60;
	v27 =	vld [tilespmem:s20+$0x40]  }
0x145: {  	v26 =	vmul.f32 v48, v47;
	[tilespmem:s19+$0xFFFFFE60] =	vst v57  }
0x146: {  	v61 =	vperm.xlane v21, v5;
	[tilespmem:s16+$0xFFFFFEA0] =	vst v51;
	v25 =	vld [tilespmem:s20+$0xFFFFFF40]  }
0x147: {  	v32 =	vperm.xlane v18, v7;
	[tilespmem:s17+$0xFFFFFFA0] =	vst v26  }
0x148: {  	v58 =	vperm.xlane v19, v15;
	[tilespmem:s19+$0x90] =	vst v61  }
0x149: {  	v63 =	vperm.xlane v22, v5;
	v31 =	vld [tilespmem:s15+$0xFFFFFF60];
	[tilespmem:s16+$0xFFFFFED0] =	vst v32;
	v27 =	vmul.f32 v27, v61  }
0x14a: {  	v59 =	vld [tilespmem:s18+$0xFFFFFFE0];
	[tilespmem:s17+$0xFFFFFFD0] =	vst v58  }
0x14b: {  	[tilespmem:s19+$0x80] =	vst v27;
	v25 =	vmul.f32 v25, v63  }
0x14c: {  	v23 =	vmul.f32 v54, v56;
	[tilespmem:s19+$0xFFFFFE90] =	vst v63;
	v28 =	vld [tilespmem:s20+$0x50]  }
0x14d: {  	v43 =	vperm.xlane v17, v8;
	[tilespmem:s19+$0xFFFFFE80] =	vst v25  }
0x14e: {  	[tilespmem:s16+$0xC0] =	vst v23;
	v23 =	vmul.f32 v62, v60;
	v34 =	vld [tilespmem:s20+$0xFFFFFF50]  }
0x14f: {  	v41 =	vperm.xlane v20, v16;
	v35 =	vperm.xlane v21, v6;
	v38 =	vld [tilespmem:s15+$0x70];
	[tilespmem:s16+$0xF0] =	vst v43  }
0x150: {  	[tilespmem:s17+$0x1C0] =	vst v23  }
0x151: {  	v37 =	vperm.xlane v22, v6;
	v39 =	vld [tilespmem:s18+$0xF0];
	[tilespmem:s17+$0x1F0] =	vst v41;
	v36 =	vmul.f32 v28, v35  }
0x152: {  	[tilespmem:s19+$0xB0] =	vst v35  }
0x153: {  	[tilespmem:s19+$0xA0] =	vst v36;
	v40 =	vmul.f32 v34, v37  }
0x154: {  	v24 =	vmul.f32 v59, v58;
	[tilespmem:s19+$0xFFFFFEB0] =	vst v37;
	v42 =	vld [tilespmem:s20+$0x60]  }
0x155: {  	v33 =	vmul.f32 v31, v32;
	[tilespmem:s19+$0xFFFFFEA0] =	vst v40  }
0x156: {  	v49 =	vperm.xlane v18, v8;
	[tilespmem:s17+$0xFFFFFFC0] =	vst v24;
	v24 =	vld [tilespmem:s20+$0xFFFFFF60]  }
0x157: {  	v19 =	vperm.xlane v19, v16;
	v45 =	vperm.xlane v21, v7;
	[tilespmem:s16+$0xFFFFFEC0] =	vst v33  }
0x158: {  	v46 =	vld [tilespmem:s15+$0xFFFFFF70];
	[tilespmem:s16+$0xFFFFFEF0] =	vst v49  }
0x159: {  	v48 =	vperm.xlane v22, v7;
	v44 =	vld [tilespmem:s18+$0xFFFFFFF0];
	[tilespmem:s17+$0xFFFFFFF0] =	vst v19;
	v47 =	vmul.f32 v42, v45  }
0x15a: {  	[tilespmem:s19+$0xD0] =	vst v45  }
0x15b: {  	[tilespmem:s19+$0xC0] =	vst v47;
	v24 =	vmul.f32 v24, v48  }
0x15c: {  	v26 =	vmul.f32 v38, v43;
	[tilespmem:s19+$0xFFFFFED0] =	vst v48;
	v29 =	vld [tilespmem:s20+$0x70]  }
0x15d: {  	v54 =	vperm.xlane v17, v9;
	[tilespmem:s19+$0xFFFFFEC0] =	vst v24  }
0x15e: {  	[tilespmem:s16+$0xE0] =	vst v26;
	v50 =	vmul.f32 v46, v49;
	v24 =	vld [tilespmem:s20+$0xFFFFFF70]  }
0x15f: {  	v51 =	vperm.xlane v21, v8;
	v52 =	vld [tilespmem:s15+$0x80];
	[tilespmem:s16+$0x110] =	vst v54;
	v19 =	vmul.f32 v44, v19  }
0x160: {  	[tilespmem:s16+$0xFFFFFEE0] =	vst v50  }
0x161: {  	v53 =	vperm.xlane v22, v8;
	[tilespmem:s17+$0xFFFFFFE0] =	vst v19;
	v19 =	vmul.f32 v29, v51  }
0x162: {  	v26 =	vld [tilespmem:s15+$0xFFFFFF80];
	[tilespmem:s19+$0xF0] =	vst v51  }
0x163: {  	[tilespmem:s19+$0xE0] =	vst v19;
	v19 =	vmul.f32 v24, v53  }
0x164: {  	v20 =	vmul.f32 v39, v41;
	[tilespmem:s19+$0xFFFFFEF0] =	vst v53  }
0x165: {  	v55 =	vperm.xlane v18, v9;
	v56 =	vld [tilespmem:s20+$0x80];
	[tilespmem:s19+$0xFFFFFEE0] =	vst v19  }
0x166: {  	[tilespmem:s17+$0x1E0] =	vst v20;
	v19 =	vmul.f32 v52, v54;
	v57 =	vld [tilespmem:s20+$0xFFFFFF80]  }
0x167: {  	[tilespmem:s16+$0xFFFFFF10] =	vst v55;
	v58 =	vmul.f32 v26, v55  }
0x168: {  	[tilespmem:s16+$0x100] =	vst v19;
	v19 =	vperm.xlane v21, v9  }
0x169: {  	v60 =	vperm.xlane v22, v9;
	[tilespmem:s16+$0xFFFFFF00] =	vst v58;
	v59 =	vld [tilespmem:s15+$0x90]  }
0x16a: {  	v61 =	vld [tilespmem:s15+$0xFFFFFF90];
	[tilespmem:s19+$0x110] =	vst v19;
	v19 =	vmul.f32 v56, v19  }
0x16b: {  	[tilespmem:s19+$0xFFFFFF10] =	vst v60;
	v20 =	vmul.f32 v57, v60  }
0x16c: {  	v62 =	vperm.xlane v17, v10;
	[tilespmem:s19+$0x100] =	vst v19  }
0x16d: {  	v19 =	vperm.xlane v18, v10;
	v63 =	vld [tilespmem:s20+$0x90];
	[tilespmem:s19+$0xFFFFFF00] =	vst v20  }
0x16e: {  	[tilespmem:s16+$0x130] =	vst v62;
	v28 =	vmul.f32 v59, v62;
	v29 =	vld [tilespmem:s20+$0xFFFFFF90]  }
0x16f: {  	[tilespmem:s16+$0xFFFFFF30] =	vst v19;
	v19 =	vmul.f32 v61, v19  }
0x170: {  	v30 =	vperm.xlane v21, v10;
	[tilespmem:s16+$0x120] =	vst v28  }
0x171: {  	[tilespmem:s16+$0xFFFFFF20] =	vst v19;
	v19 =	vperm.xlane v22, v10;
	v31 =	vld [tilespmem:s15+$0xA0]  }
0x172: {  	[tilespmem:s19+$0x130] =	vst v30;
	v32 =	vld [tilespmem:s15+$0xFFFFFFA0];
	v25 =	vmul.f32 v63, v30  }
0x173: {  	[tilespmem:s19+$0xFFFFFF30] =	vst v19;
	v19 =	vmul.f32 v29, v19  }
0x174: {  	v33 =	vperm.xlane v17, v11;
	[tilespmem:s19+$0x120] =	vst v25  }
0x175: {  	v34 =	vperm.xlane v18, v11;
	v25 =	vld [tilespmem:s20+$0xA0];
	[tilespmem:s19+$0xFFFFFF20] =	vst v19  }
0x176: {  	[tilespmem:s16+$0x150] =	vst v33;
	v19 =	vmul.f32 v31, v33;
	v35 =	vld [tilespmem:s20+$0xFFFFFFA0]  }
0x177: {  	[tilespmem:s16+$0xFFFFFF50] =	vst v34;
	v23 =	vmul.f32 v32, v34  }
0x178: {  	[tilespmem:s16+$0x140] =	vst v19;
	v19 =	vperm.xlane v21, v11  }
0x179: {  	v37 =	vperm.xlane v22, v11;
	[tilespmem:s16+$0xFFFFFF40] =	vst v23;
	v36 =	vld [tilespmem:s15+$0xB0]  }
0x17a: {  	v38 =	vld [tilespmem:s15+$0xFFFFFFB0];
	[tilespmem:s19+$0x150] =	vst v19;
	v19 =	vmul.f32 v25, v19  }
0x17b: {  	[tilespmem:s19+$0xFFFFFF50] =	vst v37;
	v20 =	vmul.f32 v35, v37  }
0x17c: {  	v39 =	vperm.xlane v17, v12;
	[tilespmem:s19+$0x140] =	vst v19  }
0x17d: {  	v19 =	vperm.xlane v18, v12;
	v40 =	vld [tilespmem:s20+$0xB0];
	[tilespmem:s19+$0xFFFFFF40] =	vst v20  }
0x17e: {  	[tilespmem:s16+$0x170] =	vst v39;
	v41 =	vmul.f32 v36, v39;
	v42 =	vld [tilespmem:s20+$0xFFFFFFB0]  }
0x17f: {  	[tilespmem:s16+$0xFFFFFF70] =	vst v19;
	v19 =	vmul.f32 v38, v19  }
0x180: {  	v43 =	vperm.xlane v21, v12;
	[tilespmem:s16+$0x160] =	vst v41  }
0x181: {  	[tilespmem:s16+$0xFFFFFF60] =	vst v19;
	v19 =	vperm.xlane v22, v12;
	v44 =	vld [tilespmem:s15+$0xC0]  }
0x182: {  	[tilespmem:s19+$0x170] =	vst v43;
	v45 =	vld [tilespmem:s15+$0xFFFFFFC0];
	v20 =	vmul.f32 v40, v43  }
0x183: {  	[tilespmem:s19+$0xFFFFFF70] =	vst v19;
	v19 =	vmul.f32 v42, v19  }
0x184: {  	v46 =	vperm.xlane v18, v13;
	v47 =	vperm.xlane v17, v13;
	[tilespmem:s19+$0x160] =	vst v20  }
0x185: {  	v20 =	vld [tilespmem:s20+$0xC0];
	[tilespmem:s19+$0xFFFFFF60] =	vst v19  }
0x186: {  	[tilespmem:s16+$0xFFFFFF90] =	vst v46;
	v19 =	vmul.f32 v44, v47;
	v48 =	vld [tilespmem:s20+$0xFFFFFFC0]  }
0x187: {  	[tilespmem:s16+$0x190] =	vst v47;
	v23 =	vmul.f32 v45, v46  }
0x188: {  	v49 =	vperm.xlane v21, v13;
	[tilespmem:s16+$0x180] =	vst v19  }
0x189: {  	v19 =	vperm.xlane v22, v13;
	[tilespmem:s16+$0xFFFFFF80] =	vst v23;
	v50 =	vld [tilespmem:s15+$0xD0]  }
0x18a: {  	[tilespmem:s19+$0x190] =	vst v49;
	v23 =	vld [tilespmem:s15+$0xFFFFFFD0];
	v20 =	vmul.f32 v20, v49  }
0x18b: {  	[tilespmem:s19+$0xFFFFFF90] =	vst v19;
	v19 =	vmul.f32 v48, v19  }
0x18c: {  	v51 =	vperm.xlane v17, v14;
	[tilespmem:s19+$0x180] =	vst v20  }
0x18d: {  	v52 =	vperm.xlane v18, v14;
	v25 =	vld [tilespmem:s20+$0xD0];
	[tilespmem:s19+$0xFFFFFF80] =	vst v19  }
0x18e: {  	[tilespmem:s16+$0x1B0] =	vst v51;
	v19 =	vmul.f32 v50, v51;
	v53 =	vld [tilespmem:s20+$0xFFFFFFD0]  }
0x18f: {  	[tilespmem:s16+$0xFFFFFFB0] =	vst v52;
	v20 =	vmul.f32 v23, v52  }
0x190: {  	[tilespmem:s16+$0x1A0] =	vst v19;
	v19 =	vperm.xlane v21, v14  }
0x191: {  	v55 =	vperm.xlane v22, v14;
	[tilespmem:s16+$0xFFFFFFA0] =	vst v20;
	v54 =	vld [tilespmem:s15+$0xE0]  }
0x192: {  	v56 =	vld [tilespmem:s15+$0xFFFFFFE0];
	[tilespmem:s19+$0x1B0] =	vst v19;
	v19 =	vmul.f32 v25, v19  }
0x193: {  	[tilespmem:s19+$0xFFFFFFB0] =	vst v55;
	v20 =	vmul.f32 v53, v55  }
0x194: {  	v58 =	vperm.xlane v17, v15;
	v57 =	vperm.xlane v18, v15;
	[tilespmem:s19+$0x1A0] =	vst v19  }
0x195: {  	v19 =	vld [tilespmem:s20+$0xE0];
	[tilespmem:s19+$0xFFFFFFA0] =	vst v20  }
0x196: {  	[tilespmem:s16+$0xFFFFFFD0] =	vst v57;
	v59 =	vmul.f32 v54, v58;
	v60 =	vld [tilespmem:s20+$0xFFFFFFE0]  }
0x197: {  	[tilespmem:s16+$0x1D0] =	vst v58;
	v24 =	vmul.f32 v56, v57  }
0x198: {  	v62 =	vperm.xlane v21, v15;
	[tilespmem:s16+$0x1C0] =	vst v59  }
0x199: {  	v61 =	vperm.xlane v22, v15;
	[tilespmem:s16+$0xFFFFFFC0] =	vst v24;
	v63 =	vld [tilespmem:s15+$0xF0]  }
0x19a: {  	[tilespmem:s19+$0x1D0] =	vst v62;
	v24 =	vld [tilespmem:s15+$0xFFFFFFF0];
	v19 =	vmul.f32 v19, v62  }
0x19b: {  	[tilespmem:s19+$0xFFFFFFD0] =	vst v61;
	v20 =	vmul.f32 v60, v61  }
0x19c: {  	v17 =	vperm.xlane v17, v16;
	[tilespmem:s19+$0x1C0] =	vst v19  }
0x19d: {  	v18 =	vperm.xlane v18, v16;
	v19 =	vld [tilespmem:s20+$0xF0];
	[tilespmem:s19+$0xFFFFFFC0] =	vst v20  }
0x19e: {  	[tilespmem:s16+$0x1F0] =	vst v17;
	v17 =	vmul.f32 v63, v17;
	v20 =	vld [tilespmem:s20+$0xFFFFFFF0]  }
0x19f: {  	[tilespmem:s16+$0xFFFFFFF0] =	vst v18;
	v18 =	vmul.f32 v24, v18  }
0x1a0: {  	[tilespmem:s16+$0x1E0] =	vst v17;
	v17 =	vperm.xlane v21, v16  }
0x1a1: {  	p1 =	sne.s32 s9, $0x4E;
	[tilespmem:s16+$0xFFFFFFE0] =	vst v18;
	v18 =	vperm.xlane v22, v16  }
.Ltmp2:
0x1a2: {  	[tilespmem:s19+$0x1F0] =	vst v17;
	v17 =	vmul.f32 v19, v17;
	(pc) =	sbr.rel @p1 .LBB2_8-.Ltmp2, $4  }
0x1a3: {  	s4 =	sshll.u32 s9, $0xA;
	[tilespmem:s19+$0xFFFFFFF0] =	vst v18;
	v18 =	vmul.f32 v20, v18  }
0x1a4: {  	s4 =	sshrl.u32 s4, $0x2;
	[tilespmem:s19+$0x1E0] =	vst v17  }
0x1a5: {  	s7 =	sadd.s32 $0xEF00, s4;
	[tilespmem:s19+$0xFFFFFFE0] =	vst v18  }
0x1a6: {  	[spmem:s3] =	stream.indirect.scatter.add.f32 [tilespmem:s0], [sflag:$0x3], $0x20, s7, s30, $0xb8;
	[tilespmem:$0x17600] =	vst v63  }
.Ltmp3:
0x1a7: {  	(pc) =	sbr.rel .LBB2_9-.Ltmp3, $4  }
0x1a8: {  	_ = 	snop  }
0x1a9: {  	_ =	swait.ge [sflag:s21], $0x800  }
0x1aa: {  	[sflag:s21] =	ssyncset.done $0x0  }
0x1ab: {  	[sflag:s21] =	ssyncadd.s32 $0xFFFFF800  }
.LBB2_8:
.Ltmp4:
0x1ac: {  	s4 =	sadd.s32 $0xA100, s4;
	(pc) =	sbr.rel @p0 .LBB2_10-.Ltmp4, $4  }
0x1ad: {  	[tilespmem:s31], [sflag:$0x1] =	stream.indirect.gather [hbm4b:s1+s30], $0x10, s4, s30, $0xb8;
	[tilespmem:$0x17600] =	vst v63  }
0x1ae: {  	_ =	swait.ge [sflag:s21], $0x800  }
0x1af: {  	[sflag:s21] =	ssyncset.done $0x0  }
0x1b0: {  	[sflag:s21] =	ssyncadd.s32 $0xFFFFF800  }
.LBB2_9:
0x1b1: {  	_ =	swait.ge [sflag:s5], $0x1000  }
0x1b2: {  	[sflag:s5] =	ssyncset.done $0x0  }
0x1b3: {  	[sflag:s5] =	ssyncadd.s32 $0xFFFFF000  }
.LBB2_10:
0x1b4: {  	v17 =	vld [tilespmem:s13+$0x0]  }
0x1b5: {  	v18 =	vld [tilespmem:s12+$0x0];
	_ =	sdelay $0x3  }
0x1b6: {  	v19 =	vld [tilespmem:s12+$0xFFFFFFF0]  }
0x1b7: {  	v20 =	vld [tilespmem:s13+$0xFFFFFFF0];
	_ =	sdelay $0x1  }
0x1b8: {  	v17 =	vld.idx.msk [tilespmem:v17+s26+$0x0], $0xffff  }
0x1b9: {  	v18 =	vld.idx.msk [tilespmem:v18+s24+$0x0], $0xffff;
	_ =	sdelay $0x3  }
0x1ba: {  	v19 =	vld.idx.msk [tilespmem:v19+s24+$0x0], $0xffff  }
0x1bb: {  	v20 =	vld.idx.msk [tilespmem:v20+s26+$0x0], $0xffff;
	v17 =	vadd.f32 v17, v18;
	_ =	sdelay $0x1  }
0x1bc: {  	v18 =	vmul.f32 $2.000000030e-01, v17;
	_ =	sdelay $0x1  }
0x1bd: {  	v17 =	vmax.f32 v17, v18  }
0x1be: {  	v18 =	vadd.f32 v20, v19;
	v17 =	vmul.f32 $1.442695020e+00, v17;
	_ =	sdelay $0x1  }
0x1bf: {  	(erf) = vpow2.f32 v17;
	v17 =	vmul.f32 $2.000000030e-01, v18;
	_ =	sdelay $0x1  }
0x1c0: {  	v17 =	vmax.f32 v18, v17  }
0x1c1: {  	v17 =	vmul.f32 $1.442695020e+00, v17;
	_ =	sdelay $0x1  }
0x1c2: {  	(erf) = vpow2.f32 v17;
	_ =	sdelay $0x1  }
0x1c3: {  	s18 =	simm.s32 $0x14700  }
0x1c4: {  	v17 =	vld [tilespmem:s18+$0x0];
	_ =	sdelay $0x1  }
0x1c5: {  	v20 =	vpop (erf)  }
0x1c6: {  	v18 =	vperm.xlane v20, v1  }
0x1c7: {  	v21 =	vld [tilespmem:s18+$0xFFFFFF00]  }
0x1c8: {  	v17 =	vmul.f32 v17, v18  }
0x1c9: {  	s17 =	simm.s32 $0x16000;
	v19 =	vpop (erf)  }
0x1ca: {  	[tilespmem:s17+$0x0] =	vst v17;
	v17 =	vperm.xlane v19, v1  }
0x1cb: {  	[tilespmem:s17+$0x10] =	vst v18  }
0x1cc: {  	v18 =	vld [tilespmem:s18+$0x10];
	v21 =	vmul.f32 v21, v17  }
0x1cd: {  	[tilespmem:s17+$0xFFFFFE10] =	vst v17  }
0x1ce: {  	[tilespmem:s17+$0xFFFFFE00] =	vst v21  }
0x1cf: {  	v17 =	vperm.xlane v20, v2;
	v21 =	vld [tilespmem:s18+$0xFFFFFF10];
	_ =	sdelay $0x1  }
0x1d0: {  	v18 =	vmul.f32 v18, v17  }
0x1d1: {  	[tilespmem:s17+$0x30] =	vst v17;
	v17 =	vperm.xlane v19, v2  }
0x1d2: {  	[tilespmem:s17+$0x20] =	vst v18  }
0x1d3: {  	v18 =	vld [tilespmem:s18+$0x20];
	v21 =	vmul.f32 v21, v17  }
0x1d4: {  	[tilespmem:s17+$0xFFFFFE30] =	vst v17  }
0x1d5: {  	[tilespmem:s17+$0xFFFFFE20] =	vst v21  }
0x1d6: {  	v17 =	vperm.xlane v20, v3;
	v21 =	vld [tilespmem:s18+$0xFFFFFF20];
	_ =	sdelay $0x1  }
0x1d7: {  	s4 =	sadd.s32 $0x20, s13;
	v18 =	vmul.f32 v18, v17  }
0x1d8: {  	s7 =	sadd.s32 $0x20, s12;
	v22 =	vld [tilespmem:s4+$0x0];
	[tilespmem:s17+$0x50] =	vst v17;
	v17 =	vperm.xlane v19, v3  }
0x1d9: {  	v23 =	vld [tilespmem:s7+$0x0];
	[tilespmem:s17+$0x40] =	vst v18  }
0x1da: {  	v18 =	vld [tilespmem:s18+$0x30];
	v21 =	vmul.f32 v21, v17  }
0x1db: {  	[tilespmem:s17+$0xFFFFFE50] =	vst v17  }
0x1dc: {  	v25 =	vld [tilespmem:s4+$0xFFFFFFF0];
	[tilespmem:s17+$0xFFFFFE40] =	vst v21  }
0x1dd: {  	v24 =	vperm.xlane v20, v4;
	v21 =	vld [tilespmem:s18+$0xFFFFFF30]  }
0x1de: {  	v17 =	vld [tilespmem:s7+$0xFFFFFFF0]  }
0x1df: {  	v18 =	vmul.f32 v18, v24  }
0x1e0: {  	v22 =	vld.idx.msk [tilespmem:v22+s26+$0x0], $0xffff;
	v26 =	vperm.xlane v19, v4;
	[tilespmem:s17+$0x70] =	vst v24  }
0x1e1: {  	[tilespmem:s17+$0x60] =	vst v18;
	v18 =	vld.idx.msk [tilespmem:v23+s24+$0x0], $0xffff  }
0x1e2: {  	v23 =	vld [tilespmem:s18+$0x40];
	v21 =	vmul.f32 v21, v26  }
0x1e3: {  	[tilespmem:s17+$0xFFFFFE70] =	vst v26  }
0x1e4: {  	v25 =	vld.idx.msk [tilespmem:v25+s26+$0x0], $0xffff;
	[tilespmem:s17+$0xFFFFFE60] =	vst v21  }
0x1e5: {  	v21 =	vperm.xlane v20, v5;
	v24 =	vld [tilespmem:s18+$0xFFFFFF40]  }
0x1e6: {  	s8 =	sadd.s32 $0x20, s4;
	v17 =	vld.idx.msk [tilespmem:v17+s24+$0x0], $0xffff  }
0x1e7: {  	v26 =	vld [tilespmem:s8+$0x0];
	v18 =	vadd.f32 v22, v18;
	v22 =	vmul.f32 v23, v21  }
0x1e8: {  	v23 =	vperm.xlane v19, v5;
	[tilespmem:s17+$0x90] =	vst v21  }
0x1e9: {  	v21 =	vmul.f32 $2.000000030e-01, v18;
	[tilespmem:s17+$0x80] =	vst v22  }
0x1ea: {  	s19 =	sadd.s32 $0x20, s7;
	v22 =	vld [tilespmem:s18+$0x50];
	v24 =	vmul.f32 v24, v23  }
0x1eb: {  	v17 =	vadd.f32 v25, v17;
	v18 =	vmax.f32 v18, v21;
	v21 =	vld [tilespmem:s19+$0x0];
	[tilespmem:s17+$0xFFFFFE90] =	vst v23  }
0x1ec: {  	v18 =	vmul.f32 $1.442695020e+00, v18;
	[tilespmem:s17+$0xFFFFFE80] =	vst v24  }
0x1ed: {  	v23 =	vmul.f32 $2.000000030e-01, v17;
	v24 =	vperm.xlane v20, v6;
	v25 =	vld [tilespmem:s18+$0xFFFFFF50];
	_ =	sdelay $0x1  }
0x1ee: {  	v26 =	vld.idx.msk [tilespmem:v26+s26+$0x0], $0xffff;
	(erf) = vpow2.f32 v18;
	v17 =	vmax.f32 v17, v23;
	v22 =	vmul.f32 v22, v24  }
0x1ef: {  	v23 =	vld [tilespmem:s8+$0xFFFFFFF0];
	v17 =	vmul.f32 $1.442695020e+00, v17;
	[tilespmem:s17+$0xB0] =	vst v24;
	v24 =	vperm.xlane v19, v6  }
0x1f0: {  	v18 =	vld [tilespmem:s19+$0xFFFFFFF0];
	[tilespmem:s17+$0xA0] =	vst v22  }
0x1f1: {  	(erf) = vpow2.f32 v17;
	v17 =	vld [tilespmem:s18+$0x60];
	v22 =	vmul.f32 v25, v24  }
0x1f2: {  	v21 =	vld.idx.msk [tilespmem:v21+s24+$0x0], $0xffff;
	[tilespmem:s17+$0xFFFFFEB0] =	vst v24  }
0x1f3: {  	[tilespmem:s17+$0xFFFFFEA0] =	vst v22  }
0x1f4: {  	s15 =	simm.s32 $0x14900;
	v22 =	vperm.xlane v20, v7;
	v24 =	vld [tilespmem:s18+$0xFFFFFF60]  }
0x1f5: {  	v25 =	vld [tilespmem:s15+$0x0]  }
0x1f6: {  	v27 =	vmul.f32 v17, v22  }
0x1f7: {  	v23 =	vld.idx.msk [tilespmem:v23+s26+$0x0], $0xffff;
	v21 =	vadd.f32 v26, v21;
	v26 =	vperm.xlane v19, v7;
	v17 =	vpop (erf);
	[tilespmem:s17+$0xD0] =	vst v22  }
0x1f8: {  	v22 =	vld.idx.msk [tilespmem:v18+s24+$0x0], $0xffff;
	v28 =	vperm.xlane v17, v1;
	[tilespmem:s17+$0xC0] =	vst v27  }
0x1f9: {  	v29 =	vmul.f32 $2.000000030e-01, v21;
	v27 =	vld [tilespmem:s18+$0x70];
	v24 =	vmul.f32 v24, v26  }
0x1fa: {  	v30 =	vld [tilespmem:s15+$0xFFFFFF00];
	[tilespmem:s17+$0xFFFFFED0] =	vst v26;
	v18 =	vpop (erf);
	v25 =	vmul.f32 v25, v28  }
0x1fb: {  	s16 =	simm.s32 $0x16400;
	v21 =	vmax.f32 v21, v29;
	v26 =	vperm.xlane v18, v1;
	[tilespmem:s17+$0xFFFFFEC0] =	vst v24  }
0x1fc: {  	v21 =	vmul.f32 $1.442695020e+00, v21;
	[tilespmem:s16+$0x0] =	vst v25;
	v24 =	vperm.xlane v20, v8;
	v25 =	vld [tilespmem:s18+$0xFFFFFF70]  }
0x1fd: {  	[tilespmem:s16+$0x10] =	vst v28  }
0x1fe: {  	v22 =	vadd.f32 v23, v22;
	[tilespmem:s16+$0xFFFFFE10] =	vst v26;
	(erf) = vpow2.f32 v21;
	v23 =	vmul.f32 v27, v24  }
0x1ff: {  	v21 =	vmul.f32 v30, v26;
	v26 =	vperm.xlane v19, v8;
	[tilespmem:s17+$0xF0] =	vst v24  }
0x200: {  	v24 =	vld [tilespmem:s15+$0x10];
	[tilespmem:s17+$0xE0] =	vst v23  }
0x201: {  	[tilespmem:s16+$0xFFFFFE00] =	vst v21;
	v23 =	vld [tilespmem:s18+$0x80];
	v21 =	vmul.f32 v25, v26  }
0x202: {  	v27 =	vmul.f32 $2.000000030e-01, v22;
	[tilespmem:s17+$0xFFFFFEF0] =	vst v26;
	v25 =	vperm.xlane v17, v2  }
0x203: {  	v26 =	vperm.xlane v19, v9;
	[tilespmem:s17+$0xFFFFFEE0] =	vst v21  }
0x204: {  	v22 =	vmax.f32 v22, v27;
	v21 =	vperm.xlane v20, v9;
	[tilespmem:s16+$0x30] =	vst v25;
	v27 =	vld [tilespmem:s18+$0xFFFFFF80]  }
0x205: {  	v28 =	vld [tilespmem:s15+$0xFFFFFF10];
	v22 =	vmul.f32 $1.442695020e+00, v22;
	v24 =	vmul.f32 v24, v25;
	[tilespmem:s17+$0xFFFFFF10] =	vst v26  }
0x206: {  	s7 =	simm.s32 $0x14B00;
	[tilespmem:s17+$0x110] =	vst v21;
	v23 =	vmul.f32 v23, v21  }
0x207: {  	(erf) = vpow2.f32 v22;
	v22 =	vld [tilespmem:s7+$0x0];
	v25 =	vperm.xlane v17, v3;
	[tilespmem:s16+$0x20] =	vst v24  }
0x208: {  	v24 =	vperm.xlane v18, v2;
	v30 =	vld [tilespmem:s15+$0x20];
	[tilespmem:s17+$0x100] =	vst v23  }
0x209: {  	[tilespmem:s16+$0x50] =	vst v25;
	v21 =	vpop (erf);
	v23 =	vmul.f32 v27, v26;
	v26 =	vld [tilespmem:s18+$0x90]  }
0x20a: {  	[tilespmem:s16+$0xFFFFFE30] =	vst v24;
	v24 =	vmul.f32 v28, v24;
	v29 =	vperm.xlane v21, v1  }
0x20b: {  	[tilespmem:s17+$0xFFFFFF00] =	vst v23  }
0x20c: {  	s25 =	simm.s32 $0x16800;
	[tilespmem:s16+$0xFFFFFE20] =	vst v24;
	v22 =	vmul.f32 v22, v29;
	v23 =	vperm.xlane v20, v10;
	v27 =	vld [tilespmem:s18+$0xFFFFFF90]  }
0x20d: {  	[tilespmem:s25+$0x10] =	vst v29  }
0x20e: {  	[tilespmem:s25+$0x0] =	vst v22;
	v26 =	vmul.f32 v26, v23  }
0x20f: {  	v31 =	vperm.xlane v19, v10;
	[tilespmem:s17+$0x130] =	vst v23  }
0x210: {  	v29 =	vld [tilespmem:s7+$0xFFFFFF00];
	v25 =	vmul.f32 v30, v25;
	[tilespmem:s17+$0x120] =	vst v26  }
0x211: {  	[tilespmem:s17+$0xFFFFFF30] =	vst v31;
	v22 =	vpop (erf);
	v26 =	vmul.f32 v27, v31;
	v27 =	vld [tilespmem:s18+$0xA0]  }
0x212: {  	[tilespmem:s16+$0x40] =	vst v25;
	v23 =	vperm.xlane v22, v1  }
0x213: {  	v24 =	vperm.xlane v20, v11;
	v28 =	vld [tilespmem:s15+$0xFFFFFF20];
	[tilespmem:s17+$0xFFFFFF20] =	vst v26  }
0x214: {  	[tilespmem:s25+$0xFFFFFE10] =	vst v23;
	v31 =	vperm.xlane v18, v3;
	v30 =	vld [tilespmem:s18+$0xFFFFFFA0]  }
0x215: {  	[tilespmem:s17+$0x150] =	vst v24;
	v23 =	vmul.f32 v29, v23  }
0x216: {  	v25 =	vld [tilespmem:s15+$0x30];
	[tilespmem:s16+$0xFFFFFE50] =	vst v31;
	v24 =	vmul.f32 v27, v24  }
0x217: {  	v26 =	vperm.xlane v19, v11;
	[tilespmem:s25+$0xFFFFFE00] =	vst v23  }
0x218: {  	v27 =	vmul.f32 v28, v31;
	[tilespmem:s17+$0x140] =	vst v24  }
0x219: {  	v23 =	vperm.xlane v17, v4;
	[tilespmem:s17+$0xFFFFFF50] =	vst v26;
	v24 =	vmul.f32 v30, v26;
	v26 =	vld [tilespmem:s18+$0xB0]  }
0x21a: {  	v28 =	vld [tilespmem:s7+$0x10];
	[tilespmem:s16+$0xFFFFFE40] =	vst v27  }
0x21b: {  	v32 =	vperm.xlane v19, v12;
	v25 =	vmul.f32 v25, v23;
	v33 =	vld [tilespmem:s15+$0xFFFFFF30];
	[tilespmem:s17+$0xFFFFFF40] =	vst v24  }
0x21c: {  	v29 =	vperm.xlane v21, v2;
	[tilespmem:s16+$0x70] =	vst v23;
	v31 =	vperm.xlane v20, v12;
	v30 =	vld [tilespmem:s18+$0xFFFFFFB0]  }
0x21d: {  	v23 =	vperm.xlane v22, v3;
	[tilespmem:s16+$0x60] =	vst v25;
	v25 =	vperm.xlane v22, v2  }
0x21e: {  	v27 =	vperm.xlane v18, v4;
	[tilespmem:s17+$0x170] =	vst v31;
	v34 =	vmul.f32 v26, v31  }
0x21f: {  	s20 =	simm.s32 $0x14B00;
	s4 =	simm.s32 $0x4;
	v24 =	vperm.xlane v18, v5;
	v28 =	vmul.f32 v28, v29;
	[tilespmem:s17+$0xFFFFFF70] =	vst v32;
	v31 =	vld [tilespmem:s15+$0x40]  }
0x220: {  	s28 =	sadd.s32 $0x20, s19;
	s19 =	simm.s32 $0x16800;
	s8 =	sadd.s32 $0x20, s8;
	v26 =	vperm.xlane v21, v3;
	v33 =	vmul.f32 v33, v27;
	[tilespmem:s17+$0x160] =	vst v34  }
.LBB2_11:
0x221: {  	s4 =	sadd.s32 $0x2, s4;
	[tilespmem:s16+$0xFFFFFE70] =	vst v27;
	v30 =	vmul.f32 v30, v32;
	v32 =	vld [tilespmem:s18+$0xC0]  }
0x222: {  	v27 =	vperm.xlane v22, v4;
	p0 =	slt.u32 s4, $0x6;
	[tilespmem:s16+$0xFFFFFE60] =	vst v33;
	v33 =	vperm.xlane v17, v5  }
0x223: {  	v34 =	vld [tilespmem:s15+$0xFFFFFF40];
	[tilespmem:s17+$0xFFFFFF60] =	vst v30;
	v30 =	vperm.xlane v19, v13  }
0x224: {  	v35 =	vperm.xlane v20, v13;
	v31 =	vmul.f32 v31, v33;
	[tilespmem:s16+$0x90] =	vst v33;
	v33 =	vld [tilespmem:s18+$0xFFFFFFC0]  }
0x225: {  	v36 =	vld [tilespmem:s8+$0x0];
	[tilespmem:s17+$0xFFFFFF90] =	vst v30  }
0x226: {  	[tilespmem:s16+$0x80] =	vst v31;
	v31 =	vperm.xlane v17, v6;
	v32 =	vmul.f32 v32, v35  }
0x227: {  	v37 =	vld [tilespmem:s15+$0x50];
	[tilespmem:s17+$0x190] =	vst v35  }
0x228: {  	v35 =	vld [tilespmem:s28+$0x0];
	[tilespmem:s16+$0xB0] =	vst v31  }
0x229: {  	v34 =	vmul.f32 v34, v24;
	v38 =	vld [tilespmem:s28+$0xFFFFFFF0];
	[tilespmem:s16+$0xFFFFFE90] =	vst v24;
	v30 =	vmul.f32 v33, v30  }
0x22a: {  	v24 =	vperm.xlane v22, v5;
	v33 =	vld [tilespmem:s8+$0xFFFFFFF0];
	[tilespmem:s17+$0x180] =	vst v32  }
0x22b: {  	v32 =	vperm.xlane v20, v14;
	[tilespmem:s16+$0xFFFFFE80] =	vst v34;
	v34 =	vld [tilespmem:s18+$0xD0]  }
0x22c: {  	v39 =	vld [tilespmem:s15+$0xFFFFFF50];
	v31 =	vmul.f32 v37, v31;
	[tilespmem:s17+$0xFFFFFF80] =	vst v30  }
0x22d: {  	v30 =	vperm.xlane v19, v14;
	v37 =	vld [tilespmem:s18+$0xFFFFFFD0];
	[tilespmem:s17+$0x1B0] =	vst v32  }
0x22e: {  	v36 =	vld.idx.msk [tilespmem:v36+s26+$0x0], $0xffff;
	[tilespmem:s16+$0xA0] =	vst v31  }
0x22f: {  	v31 =	vperm.xlane v18, v6;
	v40 =	vld [tilespmem:s15+$0x60];
	[tilespmem:s17+$0xFFFFFFB0] =	vst v30  }
0x230: {  	v35 =	vld.idx.msk [tilespmem:v35+s24+$0x0], $0xffff;
	[tilespmem:s25+$0x30] =	vst v29;
	v29 =	vmul.f32 v34, v32  }
0x231: {  	v32 =	vmul.f32 v39, v31;
	[tilespmem:s16+$0xFFFFFEB0] =	vst v31  }
0x232: {  	v31 =	vperm.xlane v17, v7;
	v30 =	vmul.f32 v37, v30;
	[tilespmem:s17+$0x1A0] =	vst v29  }
0x233: {  	[tilespmem:s16+$0xFFFFFEA0] =	vst v32;
	v29 =	vld [tilespmem:s18+$0xE0]  }
0x234: {  	v32 =	vld [tilespmem:s15+$0xFFFFFF60];
	v34 =	vmul.f32 v40, v31;
	[tilespmem:s17+$0xFFFFFFA0] =	vst v30  }
0x235: {  	v30 =	vperm.xlane v19, v15;
	[tilespmem:s16+$0xD0] =	vst v31;
	v31 =	vld [tilespmem:s18+$0xFFFFFFE0]  }
0x236: {  	v37 =	vld.idx.msk [tilespmem:v38+s24+$0x0], $0xffff;
	[tilespmem:s16+$0xC0] =	vst v34;
	v34 =	vperm.xlane v20, v15  }
0x237: {  	v35 =	vadd.f32 v36, v35;
	v36 =	vperm.xlane v18, v7;
	v33 =	vld.idx.msk [tilespmem:v33+s26+$0x0], $0xffff;
	[tilespmem:s17+$0xFFFFFFD0] =	vst v30  }
0x238: {  	v38 =	vld [tilespmem:s15+$0x70];
	v29 =	vmul.f32 v29, v34;
	[tilespmem:s17+$0x1D0] =	vst v34  }
0x239: {  	v34 =	vmul.f32 $2.000000030e-01, v35;
	v32 =	vmul.f32 v32, v36;
	[tilespmem:s16+$0xFFFFFED0] =	vst v36  }
0x23a: {  	v30 =	vmul.f32 v31, v30;
	[tilespmem:s17+$0x1C0] =	vst v29  }
0x23b: {  	v29 =	vmax.f32 v35, v34;
	v31 =	vperm.xlane v17, v8;
	[tilespmem:s16+$0xFFFFFEC0] =	vst v32;
	v32 =	vperm.xlane v20, v16;
	v34 =	vld [tilespmem:s18+$0xF0]  }
0x23c: {  	s7 =	sadd.s32 $0x200, s7;
	v29 =	vmul.f32 $1.442695020e+00, v29;
	v20 =	vmovc v17;
	v17 =	vmovc v21;
	v35 =	vld [tilespmem:s15+$0xFFFFFF70];
	[tilespmem:s17+$0xFFFFFFC0] =	vst v30;
	v30 =	vperm.xlane v19, v16;
	v19 =	vmov v18  }
0x23d: {  	v21 =	vadd.f32 v33, v37;
	v18 =	vmov v22;
	v33 =	vmul.f32 v38, v31;
	v36 =	vld [tilespmem:s18+$0xFFFFFFF0];
	[tilespmem:s17+$0x1F0] =	vst v32;
	s18 =	smov.u32 s15;
	s15 =	smov.u32 s20;
	s20 =	smov.u32 s7  }
0x23e: {  	(erf) = vpow2.f32 v29;
	[tilespmem:s17+$0xFFFFFFF0] =	vst v30  }
0x23f: {  	v22 =	vmul.f32 $2.000000030e-01, v21;
	v29 =	vperm.xlane v19, v8;
	[tilespmem:s16+$0xF0] =	vst v31  }
0x240: {  	[tilespmem:s16+$0xE0] =	vst v33;
	v31 =	vmul.f32 v34, v32  }
0x241: {  	s25 =	sadd.s32 $0x400, s25;
	v21 =	vmax.f32 v21, v22;
	v22 =	vmul.f32 v35, v29;
	[tilespmem:s16+$0xFFFFFEF0] =	vst v29;
	v29 =	vld [tilespmem:s18+$0x80]  }
0x242: {  	v21 =	vmul.f32 $1.442695020e+00, v21;
	v30 =	vmul.f32 v36, v30;
	[tilespmem:s17+$0x1E0] =	vst v31  }
0x243: {  	[tilespmem:s16+$0xFFFFFEE0] =	vst v22;
	v22 =	vperm.xlane v20, v9  }
0x244: {  	v31 =	vperm.xlane v19, v9;
	(erf) = vpow2.f32 v21;
	v32 =	vld [tilespmem:s18+$0xFFFFFF80];
	[tilespmem:s17+$0xFFFFFFE0] =	vst v30;
	s17 =	smov.u32 s16;
	s16 =	smov.u32 s19;
	s19 =	smov.u32 s25  }
0x245: {  	v30 =	vld [tilespmem:s7+$0x0];
	[tilespmem:s17+$0x110] =	vst v22  }
0x246: {  	[tilespmem:s17+$0xFFFFFF10] =	vst v31;
	v22 =	vmul.f32 v29, v22  }
0x247: {  	v21 =	vpop (erf);
	v29 =	vld [tilespmem:s15+$0xFFFFFF10];
	[tilespmem:s16+$0x20] =	vst v28  }
0x248: {  	v28 =	vperm.xlane v21, v1;
	v33 =	vld [tilespmem:s15+$0x20];
	[tilespmem:s17+$0x100] =	vst v22  }
0x249: {  	[tilespmem:s16+$0x50] =	vst v26;
	v22 =	vmul.f32 v32, v31;
	v31 =	vld [tilespmem:s18+$0x90]  }
0x24a: {  	v30 =	vmul.f32 v30, v28;
	[tilespmem:s16+$0xFFFFFE30] =	vst v25  }
0x24b: {  	v34 =	vperm.xlane v20, v10;
	v32 =	vld [tilespmem:s7+$0xFFFFFF00];
	[tilespmem:s17+$0xFFFFFF00] =	vst v22  }
0x24c: {  	[tilespmem:s25+$0x0] =	vst v30;
	v30 =	vmul.f32 v29, v25;
	v25 =	vperm.xlane v19, v10;
	v35 =	vld [tilespmem:s18+$0xFFFFFF90]  }
0x24d: {  	v29 =	vperm.xlane v21, v2;
	[tilespmem:s25+$0x10] =	vst v28;
	v22 =	vpop (erf);
	v26 =	vmul.f32 v33, v26  }
0x24e: {  	v28 =	vperm.xlane v22, v1;
	v33 =	vld [tilespmem:s7+$0x10];
	v31 =	vmul.f32 v31, v34;
	[tilespmem:s17+$0x130] =	vst v34  }
0x24f: {  	[tilespmem:s17+$0xFFFFFF30] =	vst v25  }
0x250: {  	v32 =	vmul.f32 v32, v28;
	[tilespmem:s17+$0x120] =	vst v31  }
0x251: {  	[tilespmem:s25+$0xFFFFFE10] =	vst v28;
	v31 =	vmul.f32 v35, v25;
	v34 =	vld [tilespmem:s18+$0xA0]  }
0x252: {  	v25 =	vperm.xlane v22, v2;
	[tilespmem:s16+$0xFFFFFE20] =	vst v30;
	v30 =	vperm.xlane v20, v11  }
0x253: {  	v28 =	vmul.f32 v33, v29;
	v33 =	vld [tilespmem:s15+$0xFFFFFF20];
	[tilespmem:s17+$0xFFFFFF20] =	vst v31  }
0x254: {  	v31 =	vperm.xlane v19, v11;
	v35 =	vld [tilespmem:s18+$0xFFFFFFA0];
	[tilespmem:s17+$0x150] =	vst v30  }
0x255: {  	[tilespmem:s16+$0x40] =	vst v26  }
0x256: {  	v26 =	vperm.xlane v21, v3;
	v36 =	vld [tilespmem:s15+$0x30];
	[tilespmem:s17+$0xFFFFFF50] =	vst v31;
	v30 =	vmul.f32 v34, v30  }
0x257: {  	[tilespmem:s16+$0xFFFFFE50] =	vst v23  }
0x258: {  	v33 =	vmul.f32 v33, v23;
	[tilespmem:s17+$0x140] =	vst v30  }
0x259: {  	v34 =	vperm.xlane v17, v4;
	[tilespmem:s25+$0xFFFFFE00] =	vst v32;
	v30 =	vmul.f32 v35, v31;
	v31 =	vld [tilespmem:s18+$0xB0]  }
0x25a: {  	v23 =	vperm.xlane v22, v3;
	[tilespmem:s16+$0xFFFFFE40] =	vst v33;
	v33 =	vperm.xlane v20, v12  }
0x25b: {  	v35 =	vld [tilespmem:s15+$0xFFFFFF30];
	v32 =	vmul.f32 v36, v34;
	[tilespmem:s17+$0xFFFFFF40] =	vst v30  }
.Ltmp5:
0x25c: {  	v30 =	vld [tilespmem:s18+$0xFFFFFFB0];
	[tilespmem:s17+$0x170] =	vst v33;
	(pc) =	sbr.rel @p0 .LBB2_11-.Ltmp5, $4  }
0x25d: {  	[tilespmem:s16+$0x60] =	vst v32;
	v32 =	vperm.xlane v19, v12  }
0x25e: {  	[tilespmem:s16+$0x70] =	vst v34;
	v34 =	vmul.f32 v31, v33  }
0x25f: {  	v31 =	vld [tilespmem:s15+$0x40];
	[tilespmem:s17+$0xFFFFFF70] =	vst v32  }
0x260: {  	s28 =	sadd.s32 $0x20, s28;
	s8 =	sadd.s32 $0x20, s8;
	v33 =	vmul.f32 v35, v27;
	[tilespmem:s17+$0x160] =	vst v34  }
0x261: {  	[tilespmem:s16+$0xFFFFFE70] =	vst v27  }
0x262: {  	[tilespmem:s25+$0x30] =	vst v29  }
0x263: {  	v38 =	vld [tilespmem:s20+$0xFFFFFF10];
	[tilespmem:s19+$0xFFFFFE30] =	vst v25  }
0x264: {  	v59 =	vmul.f32 v30, v32;
	[tilespmem:s16+$0xFFFFFE60] =	vst v33  }
0x265: {  	v60 =	vperm.xlane v17, v5;
	[tilespmem:s19+$0x20] =	vst v28  }
0x266: {  	v36 =	vperm.xlane v20, v13;
	[tilespmem:s17+$0xFFFFFF60] =	vst v59  }
0x267: {  	v61 =	vld [tilespmem:s18+$0xC0];
	[tilespmem:s16+$0x90] =	vst v60  }
0x268: {  	[tilespmem:s17+$0x190] =	vst v36  }
0x269: {  	v62 =	vperm.xlane v19, v13;
	v34 =	vld [tilespmem:s15+$0xFFFFFF40];
	[tilespmem:s16+$0xFFFFFE90] =	vst v24  }
0x26a: {  	v40 =	vld [tilespmem:s20+$0x20];
	[tilespmem:s19+$0x50] =	vst v26;
	v31 =	vmul.f32 v31, v60  }
0x26b: {  	v37 =	vperm.xlane v17, v6;
	v63 =	vld [tilespmem:s18+$0xFFFFFFC0];
	[tilespmem:s17+$0xFFFFFF90] =	vst v62  }
0x26c: {  	[tilespmem:s16+$0x80] =	vst v31;
	v32 =	vmul.f32 v61, v36  }
0x26d: {  	v41 =	vmul.f32 v38, v25;
	v35 =	vld [tilespmem:s15+$0x50];
	[tilespmem:s16+$0xB0] =	vst v37  }
0x26e: {  	v42 =	vperm.xlane v20, v14;
	[tilespmem:s17+$0x180] =	vst v32  }
0x26f: {  	[tilespmem:s19+$0xFFFFFE20] =	vst v41;
	v43 =	vld [tilespmem:s18+$0xD0]  }
0x270: {  	v39 =	vmul.f32 v34, v24;
	v45 =	vld [tilespmem:s20+$0xFFFFFF20];
	[tilespmem:s17+$0x1B0] =	vst v42  }
0x271: {  	v24 =	vmul.f32 v40, v26;
	[tilespmem:s19+$0xFFFFFE50] =	vst v23  }
0x272: {  	v27 =	vmul.f32 v63, v62;
	[tilespmem:s16+$0xFFFFFE80] =	vst v39  }
0x273: {  	v49 =	vperm.xlane v18, v6;
	[tilespmem:s19+$0x40] =	vst v24  }
0x274: {  	v52 =	vperm.xlane v21, v4;
	[tilespmem:s17+$0xFFFFFF80] =	vst v27  }
0x275: {  	v46 =	vld [tilespmem:s15+$0xFFFFFF50];
	[tilespmem:s16+$0xFFFFFEB0] =	vst v49;
	v27 =	vmul.f32 v45, v23  }
0x276: {  	v47 =	vperm.xlane v19, v14;
	v24 =	vld [tilespmem:s20+$0x30];
	[tilespmem:s19+$0x70] =	vst v52  }
0x277: {  	v44 =	vmul.f32 v35, v37;
	v48 =	vld [tilespmem:s18+$0xFFFFFFD0];
	[tilespmem:s19+$0xFFFFFE40] =	vst v27  }
0x278: {  	v56 =	vperm.xlane v17, v7;
	[tilespmem:s17+$0xFFFFFFB0] =	vst v47;
	v53 =	vld [tilespmem:s20+$0xFFFFFF30]  }
0x279: {  	[tilespmem:s16+$0xA0] =	vst v44;
	v50 =	vmul.f32 v43, v42  }
0x27a: {  	v55 =	vperm.xlane v22, v4;
	v54 =	vld [tilespmem:s15+$0x60];
	[tilespmem:s16+$0xD0] =	vst v56  }
0x27b: {  	[tilespmem:s17+$0x1A0] =	vst v50;
	v24 =	vmul.f32 v24, v52  }
0x27c: {  	v60 =	vperm.xlane v20, v15;
	[tilespmem:s19+$0xFFFFFE70] =	vst v55  }
0x27d: {  	v62 =	vld [tilespmem:s18+$0xE0];
	[tilespmem:s19+$0x60] =	vst v24;
	v57 =	vmul.f32 v53, v55  }
0x27e: {  	v51 =	vmul.f32 v46, v49;
	[tilespmem:s17+$0x1D0] =	vst v60;
	v27 =	vld [tilespmem:s20+$0x40]  }
0x27f: {  	v26 =	vmul.f32 v48, v47;
	[tilespmem:s19+$0xFFFFFE60] =	vst v57  }
0x280: {  	v61 =	vperm.xlane v21, v5;
	[tilespmem:s16+$0xFFFFFEA0] =	vst v51;
	v25 =	vld [tilespmem:s20+$0xFFFFFF40]  }
0x281: {  	v32 =	vperm.xlane v18, v7;
	[tilespmem:s17+$0xFFFFFFA0] =	vst v26  }
0x282: {  	v58 =	vperm.xlane v19, v15;
	[tilespmem:s19+$0x90] =	vst v61  }
0x283: {  	v63 =	vperm.xlane v22, v5;
	v31 =	vld [tilespmem:s15+$0xFFFFFF60];
	[tilespmem:s16+$0xFFFFFED0] =	vst v32;
	v27 =	vmul.f32 v27, v61  }
0x284: {  	v59 =	vld [tilespmem:s18+$0xFFFFFFE0];
	[tilespmem:s17+$0xFFFFFFD0] =	vst v58  }
0x285: {  	[tilespmem:s19+$0x80] =	vst v27;
	v25 =	vmul.f32 v25, v63  }
0x286: {  	v23 =	vmul.f32 v54, v56;
	[tilespmem:s19+$0xFFFFFE90] =	vst v63;
	v28 =	vld [tilespmem:s20+$0x50]  }
0x287: {  	v43 =	vperm.xlane v17, v8;
	[tilespmem:s19+$0xFFFFFE80] =	vst v25  }
0x288: {  	[tilespmem:s16+$0xC0] =	vst v23;
	v23 =	vmul.f32 v62, v60;
	v34 =	vld [tilespmem:s20+$0xFFFFFF50]  }
0x289: {  	v41 =	vperm.xlane v20, v16;
	v35 =	vperm.xlane v21, v6;
	v38 =	vld [tilespmem:s15+$0x70];
	[tilespmem:s16+$0xF0] =	vst v43  }
0x28a: {  	[tilespmem:s17+$0x1C0] =	vst v23  }
0x28b: {  	v37 =	vperm.xlane v22, v6;
	v39 =	vld [tilespmem:s18+$0xF0];
	[tilespmem:s17+$0x1F0] =	vst v41;
	v36 =	vmul.f32 v28, v35  }
0x28c: {  	[tilespmem:s19+$0xB0] =	vst v35  }
0x28d: {  	[tilespmem:s19+$0xA0] =	vst v36;
	v40 =	vmul.f32 v34, v37  }
0x28e: {  	v24 =	vmul.f32 v59, v58;
	[tilespmem:s19+$0xFFFFFEB0] =	vst v37;
	v42 =	vld [tilespmem:s20+$0x60]  }
0x28f: {  	v33 =	vmul.f32 v31, v32;
	[tilespmem:s19+$0xFFFFFEA0] =	vst v40  }
0x290: {  	v49 =	vperm.xlane v18, v8;
	[tilespmem:s17+$0xFFFFFFC0] =	vst v24;
	v24 =	vld [tilespmem:s20+$0xFFFFFF60]  }
0x291: {  	v19 =	vperm.xlane v19, v16;
	v45 =	vperm.xlane v21, v7;
	[tilespmem:s16+$0xFFFFFEC0] =	vst v33  }
0x292: {  	v46 =	vld [tilespmem:s15+$0xFFFFFF70];
	[tilespmem:s16+$0xFFFFFEF0] =	vst v49  }
0x293: {  	v48 =	vperm.xlane v22, v7;
	v44 =	vld [tilespmem:s18+$0xFFFFFFF0];
	[tilespmem:s17+$0xFFFFFFF0] =	vst v19;
	v47 =	vmul.f32 v42, v45  }
0x294: {  	[tilespmem:s19+$0xD0] =	vst v45  }
0x295: {  	[tilespmem:s19+$0xC0] =	vst v47;
	v24 =	vmul.f32 v24, v48  }
0x296: {  	v26 =	vmul.f32 v38, v43;
	[tilespmem:s19+$0xFFFFFED0] =	vst v48;
	v29 =	vld [tilespmem:s20+$0x70]  }
0x297: {  	v54 =	vperm.xlane v17, v9;
	[tilespmem:s19+$0xFFFFFEC0] =	vst v24  }
0x298: {  	[tilespmem:s16+$0xE0] =	vst v26;
	v50 =	vmul.f32 v46, v49;
	v24 =	vld [tilespmem:s20+$0xFFFFFF70]  }
0x299: {  	v51 =	vperm.xlane v21, v8;
	v52 =	vld [tilespmem:s15+$0x80];
	[tilespmem:s16+$0x110] =	vst v54;
	v19 =	vmul.f32 v44, v19  }
0x29a: {  	[tilespmem:s16+$0xFFFFFEE0] =	vst v50  }
0x29b: {  	v53 =	vperm.xlane v22, v8;
	[tilespmem:s17+$0xFFFFFFE0] =	vst v19;
	v19 =	vmul.f32 v29, v51  }
0x29c: {  	v26 =	vld [tilespmem:s15+$0xFFFFFF80];
	[tilespmem:s19+$0xF0] =	vst v51  }
0x29d: {  	[tilespmem:s19+$0xE0] =	vst v19;
	v19 =	vmul.f32 v24, v53  }
0x29e: {  	v20 =	vmul.f32 v39, v41;
	[tilespmem:s19+$0xFFFFFEF0] =	vst v53  }
0x29f: {  	v55 =	vperm.xlane v18, v9;
	v56 =	vld [tilespmem:s20+$0x80];
	[tilespmem:s19+$0xFFFFFEE0] =	vst v19  }
0x2a0: {  	[tilespmem:s17+$0x1E0] =	vst v20;
	v19 =	vmul.f32 v52, v54;
	v57 =	vld [tilespmem:s20+$0xFFFFFF80]  }
0x2a1: {  	[tilespmem:s16+$0xFFFFFF10] =	vst v55;
	v58 =	vmul.f32 v26, v55  }
0x2a2: {  	[tilespmem:s16+$0x100] =	vst v19;
	v19 =	vperm.xlane v21, v9  }
0x2a3: {  	v60 =	vperm.xlane v22, v9;
	[tilespmem:s16+$0xFFFFFF00] =	vst v58;
	v59 =	vld [tilespmem:s15+$0x90]  }
0x2a4: {  	v61 =	vld [tilespmem:s15+$0xFFFFFF90];
	[tilespmem:s19+$0x110] =	vst v19;
	v19 =	vmul.f32 v56, v19  }
0x2a5: {  	[tilespmem:s19+$0xFFFFFF10] =	vst v60;
	v20 =	vmul.f32 v57, v60  }
0x2a6: {  	v62 =	vperm.xlane v17, v10;
	[tilespmem:s19+$0x100] =	vst v19  }
0x2a7: {  	v19 =	vperm.xlane v18, v10;
	v63 =	vld [tilespmem:s20+$0x90];
	[tilespmem:s19+$0xFFFFFF00] =	vst v20  }
0x2a8: {  	[tilespmem:s16+$0x130] =	vst v62;
	v28 =	vmul.f32 v59, v62;
	v29 =	vld [tilespmem:s20+$0xFFFFFF90]  }
0x2a9: {  	[tilespmem:s16+$0xFFFFFF30] =	vst v19;
	v19 =	vmul.f32 v61, v19  }
0x2aa: {  	v30 =	vperm.xlane v21, v10;
	[tilespmem:s16+$0x120] =	vst v28  }
0x2ab: {  	[tilespmem:s16+$0xFFFFFF20] =	vst v19;
	v19 =	vperm.xlane v22, v10;
	v31 =	vld [tilespmem:s15+$0xA0]  }
0x2ac: {  	[tilespmem:s19+$0x130] =	vst v30;
	v32 =	vld [tilespmem:s15+$0xFFFFFFA0];
	v25 =	vmul.f32 v63, v30  }
0x2ad: {  	[tilespmem:s19+$0xFFFFFF30] =	vst v19;
	v19 =	vmul.f32 v29, v19  }
0x2ae: {  	v33 =	vperm.xlane v17, v11;
	[tilespmem:s19+$0x120] =	vst v25  }
0x2af: {  	v34 =	vperm.xlane v18, v11;
	v25 =	vld [tilespmem:s20+$0xA0];
	[tilespmem:s19+$0xFFFFFF20] =	vst v19  }
0x2b0: {  	[tilespmem:s16+$0x150] =	vst v33;
	v19 =	vmul.f32 v31, v33;
	v35 =	vld [tilespmem:s20+$0xFFFFFFA0]  }
0x2b1: {  	[tilespmem:s16+$0xFFFFFF50] =	vst v34;
	v23 =	vmul.f32 v32, v34  }
0x2b2: {  	[tilespmem:s16+$0x140] =	vst v19;
	v19 =	vperm.xlane v21, v11  }
0x2b3: {  	v37 =	vperm.xlane v22, v11;
	[tilespmem:s16+$0xFFFFFF40] =	vst v23;
	v36 =	vld [tilespmem:s15+$0xB0]  }
0x2b4: {  	v38 =	vld [tilespmem:s15+$0xFFFFFFB0];
	[tilespmem:s19+$0x150] =	vst v19;
	v19 =	vmul.f32 v25, v19  }
0x2b5: {  	[tilespmem:s19+$0xFFFFFF50] =	vst v37;
	v20 =	vmul.f32 v35, v37  }
0x2b6: {  	v39 =	vperm.xlane v17, v12;
	[tilespmem:s19+$0x140] =	vst v19  }
0x2b7: {  	v19 =	vperm.xlane v18, v12;
	v40 =	vld [tilespmem:s20+$0xB0];
	[tilespmem:s19+$0xFFFFFF40] =	vst v20  }
0x2b8: {  	[tilespmem:s16+$0x170] =	vst v39;
	v41 =	vmul.f32 v36, v39;
	v42 =	vld [tilespmem:s20+$0xFFFFFFB0]  }
0x2b9: {  	[tilespmem:s16+$0xFFFFFF70] =	vst v19;
	v19 =	vmul.f32 v38, v19  }
0x2ba: {  	v43 =	vperm.xlane v21, v12;
	[tilespmem:s16+$0x160] =	vst v41  }
0x2bb: {  	[tilespmem:s16+$0xFFFFFF60] =	vst v19;
	v19 =	vperm.xlane v22, v12;
	v44 =	vld [tilespmem:s15+$0xC0]  }
0x2bc: {  	[tilespmem:s19+$0x170] =	vst v43;
	v45 =	vld [tilespmem:s15+$0xFFFFFFC0];
	v20 =	vmul.f32 v40, v43  }
0x2bd: {  	[tilespmem:s19+$0xFFFFFF70] =	vst v19;
	v19 =	vmul.f32 v42, v19  }
0x2be: {  	v46 =	vperm.xlane v18, v13;
	v47 =	vperm.xlane v17, v13;
	[tilespmem:s19+$0x160] =	vst v20  }
0x2bf: {  	v20 =	vld [tilespmem:s20+$0xC0];
	[tilespmem:s19+$0xFFFFFF60] =	vst v19  }
0x2c0: {  	[tilespmem:s16+$0xFFFFFF90] =	vst v46;
	v19 =	vmul.f32 v44, v47;
	v48 =	vld [tilespmem:s20+$0xFFFFFFC0]  }
0x2c1: {  	[tilespmem:s16+$0x190] =	vst v47;
	v23 =	vmul.f32 v45, v46  }
0x2c2: {  	v49 =	vperm.xlane v21, v13;
	[tilespmem:s16+$0x180] =	vst v19  }
0x2c3: {  	v19 =	vperm.xlane v22, v13;
	[tilespmem:s16+$0xFFFFFF80] =	vst v23;
	v50 =	vld [tilespmem:s15+$0xD0]  }
0x2c4: {  	[tilespmem:s19+$0x190] =	vst v49;
	v23 =	vld [tilespmem:s15+$0xFFFFFFD0];
	v20 =	vmul.f32 v20, v49  }
0x2c5: {  	[tilespmem:s19+$0xFFFFFF90] =	vst v19;
	v19 =	vmul.f32 v48, v19  }
0x2c6: {  	v51 =	vperm.xlane v17, v14;
	[tilespmem:s19+$0x180] =	vst v20  }
0x2c7: {  	v52 =	vperm.xlane v18, v14;
	v25 =	vld [tilespmem:s20+$0xD0];
	[tilespmem:s19+$0xFFFFFF80] =	vst v19  }
0x2c8: {  	[tilespmem:s16+$0x1B0] =	vst v51;
	v19 =	vmul.f32 v50, v51;
	v53 =	vld [tilespmem:s20+$0xFFFFFFD0]  }
0x2c9: {  	[tilespmem:s16+$0xFFFFFFB0] =	vst v52;
	v20 =	vmul.f32 v23, v52  }
0x2ca: {  	[tilespmem:s16+$0x1A0] =	vst v19;
	v19 =	vperm.xlane v21, v14  }
0x2cb: {  	v55 =	vperm.xlane v22, v14;
	[tilespmem:s16+$0xFFFFFFA0] =	vst v20;
	v54 =	vld [tilespmem:s15+$0xE0]  }
0x2cc: {  	v56 =	vld [tilespmem:s15+$0xFFFFFFE0];
	[tilespmem:s19+$0x1B0] =	vst v19;
	v19 =	vmul.f32 v25, v19  }
0x2cd: {  	[tilespmem:s19+$0xFFFFFFB0] =	vst v55;
	v20 =	vmul.f32 v53, v55  }
0x2ce: {  	v58 =	vperm.xlane v17, v15;
	v57 =	vperm.xlane v18, v15;
	[tilespmem:s19+$0x1A0] =	vst v19  }
0x2cf: {  	v19 =	vld [tilespmem:s20+$0xE0];
	[tilespmem:s19+$0xFFFFFFA0] =	vst v20  }
0x2d0: {  	[tilespmem:s16+$0xFFFFFFD0] =	vst v57;
	v59 =	vmul.f32 v54, v58;
	v60 =	vld [tilespmem:s20+$0xFFFFFFE0]  }
0x2d1: {  	[tilespmem:s16+$0x1D0] =	vst v58;
	v24 =	vmul.f32 v56, v57  }
0x2d2: {  	v62 =	vperm.xlane v21, v15;
	[tilespmem:s16+$0x1C0] =	vst v59  }
0x2d3: {  	v61 =	vperm.xlane v22, v15;
	[tilespmem:s16+$0xFFFFFFC0] =	vst v24;
	v63 =	vld [tilespmem:s15+$0xF0]  }
0x2d4: {  	[tilespmem:s19+$0x1D0] =	vst v62;
	v24 =	vld [tilespmem:s15+$0xFFFFFFF0];
	v19 =	vmul.f32 v19, v62  }
0x2d5: {  	[tilespmem:s19+$0xFFFFFFD0] =	vst v61;
	v20 =	vmul.f32 v60, v61  }
0x2d6: {  	v17 =	vperm.xlane v17, v16;
	[tilespmem:s19+$0x1C0] =	vst v19  }
0x2d7: {  	v18 =	vperm.xlane v18, v16;
	v19 =	vld [tilespmem:s20+$0xF0];
	[tilespmem:s19+$0xFFFFFFC0] =	vst v20  }
0x2d8: {  	[tilespmem:s16+$0x1F0] =	vst v17;
	v17 =	vmul.f32 v63, v17;
	v20 =	vld [tilespmem:s20+$0xFFFFFFF0]  }
0x2d9: {  	[tilespmem:s16+$0xFFFFFFF0] =	vst v18;
	v18 =	vmul.f32 v24, v18  }
0x2da: {  	s9 =	sadd.s32 $0x1, s9;
	[tilespmem:s16+$0x1E0] =	vst v17;
	v17 =	vperm.xlane v21, v16  }
0x2db: {  	p0 =	sne.s32 s9, $0x4F;
	[tilespmem:s16+$0xFFFFFFE0] =	vst v18;
	v18 =	vperm.xlane v22, v16  }
.Ltmp6:
0x2dc: {  	[tilespmem:s19+$0x1F0] =	vst v17;
	v17 =	vmul.f32 v19, v17;
	(pc) =	sbr.rel @p0 .LBB2_4-.Ltmp6, $4  }
0x2dd: {  	[tilespmem:s19+$0xFFFFFFF0] =	vst v18;
	v18 =	vmul.f32 v20, v18  }
0x2de: {  	s4 =	sadd.s32 $0xEF00, s14;
	s10 =	sadd.s32 $0x100, s10;
	[tilespmem:s19+$0x1E0] =	vst v17  }
0x2df: {  	s11 =	sadd.s32 $0x100, s11;
	s12 =	sadd.s32 $0x100, s12;
	s13 =	sadd.s32 $0x100, s13;
	[tilespmem:s19+$0xFFFFFFE0] =	vst v18  }
0x2e0: {  	[spmem:s3] =	stream.indirect.scatter.add.f32 [tilespmem:s6], [sflag:$0x4], $0x20, s4, s30, $0xb8;
	[tilespmem:$0x17600] =	vst v63  }
0x2e1: {  	_ =	swait.ge [sflag:s29], $0x1000  }
0x2e2: {  	[sflag:s29] =	ssyncset.done $0x0  }
0x2e3: {  	[sflag:s29] =	ssyncadd.s32 $0xFFFFF000  }
0x2e4: {  	_ =	swait.ge [sflag:s5], $0x1000  }
0x2e5: {  	[sflag:s5] =	ssyncset.done $0x0  }
0x2e6: {  	[sflag:s5] =	ssyncadd.s32 $0xFFFFF000  }
0x2e7: {  	s4 =	stileid.u32;
	[bflag:$0x0] =	sbarrier.arrive $0xFFFF  }
0x2e8: {  	s4 =	sshll.u32 s4, $0x6;
	s7 =	rddreg [dreg:$0x12]  }
0x2e9: {  	s4 =	sor.u32 $0x1C05, s4;
	s8 =	rddreg [dreg:$0x14]  }
0x2ea: {  	[hbm:s7], [sflag:s4] =	dma.local [spmem:s8], $0x9C4  }
0x2eb: {  	_ =	swait.ge [sflag:s22], $0x9C4  }
0x2ec: {  	s25 =	rddreg [dreg:$0x15]  }
0x2ed: {  	s28 =	rddreg [dreg:$0x13];
	s7 =	sadd.s32 $0x1, s25  }
0x2ee: {  	p0 =	sne.s32 s7, s28  }
.Ltmp7:
0x2ef: {  	_ = 	snop;
	(pc) =	sbr.rel @p0 .LBB2_1-.Ltmp7, $3  }
0x2f0: {  	_ =	sdelay $0x1  }
0x2f1: {  	[sflag:s22] =	ssyncset.done $0x0  }
0x2f2: {  	s8 =	simm.s32 $0xA000;
	[sflag:s22] =	ssyncadd.s32 $0xFFFFF63C  }
0x2f3: {  	_ =	sfence.sel $0x180000  }
0x2f4: {  	[bflag:$0x0] =	sbarrier.arrive $0xFFFF  }
0x2f5: {  	_ =	strace $0x9000004A  }
0x2f6: {  	s0 =	stileid.u32;
	[bflag:$0x2] =	sbarrier.arrive $0xFFFF  }
0x2f7: {  	p0 =	sne.s32 s0, $0x0;
	s0 =	rddreg [dreg:$0x3]  }
0x2f8: {  	s0 =	sadd.s32 @!p0 $0x100000, s0  }
0x2f9: {  	[sflag:s0] =	ssyncadd.tile.s32 @!p0 $0x1;
	_ =	shalt  }
.Lfunc_end2:
_tile_overlayer_lowered:
.L_overlay_start_2:
0x2fa: {  	(tag) =	ssettag $0x2  }
0x2fb: {  	s0 =	rddreg [dreg:$0x0];
	s2 =	stileid.u32  }
0x2fc: {  	s1 =	rddreg [dreg:$0x1];
	p0 =	sne.s32 s2, $0x0  }
0x2fd: {  	s3 =	rddreg [dreg:$0x2];
	[bflag:$0x3] =	sbarrier.arrive $0xFFFF;
	s2 =	simm.s32 @!p0 $0x1C05  }
0x2fe: {  	[timem:s3], [sflag:s2] =	dma.local @!p0 [hbm:s0], s1  }
0x2ff: {  	s0 =	simm.s32 @!p0 $0x5  }
0x300: {  	_ =	swait.ge @!p0 [sflag:s0], s1  }
0x301: {  	s1 =	ssub.s32 @!p0 $0x0, s1;
	[sflag:s0] =	ssyncset.done @!p0 $0x0  }
0x302: {  	[sflag:s0] =	ssyncadd.s32 @!p0 s1  }
0x303: {  	[bflag:$0x3] =	sbarrier.arrive $0xFFFF  }
0x304: {  	_ =	shalt  }

// kernel: kernel.7.cloned.1.call-start
scs
__scs_entry_jumppad:
0x0: {  	(pc) =	sbr.rel $0x88, $3  }
0x1: {  	(tag) =	ssettag $0x0;
	lr =	simm.s32 $0x1  }
0x2: {  	[smem:$0x3F97] =	sst lr;
	_ =	strace $0xD0000000  }
0x3: {  	_ = 	snop  }
0x4: {  	_ = 	snop  }
0x5: {  	_ = 	snop  }
0x6: {  	_ = 	snop  }
0x7: {  	_ = 	snop  }
__scs_overlays_trampoline_lowered:
0x8: {  	[smem:$0x3FA6] =	sst s0  }
0x9: {  	[smem:$0x3FA7] =	sst s1  }
0xa: {  	[smem:$0x3FA8] =	sst s2  }
0xb: {  	[smem:$0x3FA9] =	sst s3  }
0xc: {  	[smem:$0x3FAA] =	sst s4  }
0xd: {  	[smem:$0x3FAB] =	sst s5  }
0xe: {  	[smem:$0x3FAC] =	sst s6  }
0xf: {  	[smem:$0x3FAD] =	sst s7  }
0x10: {  	[smem:$0x3FAE] =	sst s8  }
0x11: {  	[smem:$0x3FAF] =	sst s9;
	s0 =	simm.s32 @!p0 $0x0  }
0x12: {  	s1 =	sld [smem:$0x3F95];
	s0 =	simm.s32 @p0 $0x1  }
0x13: {  	[smem:$0x3FB0] =	sst s0;
	s0 =	simm.s32 @!p1 $0x0  }
0x14: {  	s2 =	sld [smem:$0x3F94];
	s0 =	simm.s32 @p1 $0x1  }
0x15: {  	[smem:$0x3FB1] =	sst s0;
	s0 =	simm.s32 @!p2 $0x0  }
0x16: {  	s3 =	sld [smem:$0x3FDB];
	s0 =	simm.s32 @p2 $0x1  }
0x17: {  	s4 =	simm.s32 $0x1BF5;
	[smem:$0x3FB3] =	sst s0  }
0x18: {  	s0 =	sld [smem:$0x3F96];
	_ =	swait.ge [sflag:s4], $0x0  }
0x19: {  	s7 =	sld [smem:$0x3F97]  }
0x1a: {  	s8 =	sadd.s32 $0xFFFFE003, lr  }
0x1b: {  	s9 =	sadd.s32 $0xFFFFFEF7, lr;
	s5 =	simm.s32 $0xFFFFFFFF;
	p2 =	slt.u32 s8, $0xFFFFF086  }
0x1c: {  	p1 =	slt.u32 s9, $0xF7A;
	s5 =	simm.s32 @!p2 $0x0  }
0x1d: {  	s5 =	simm.s32 @p1 $0x1;
	p0 =	seq.s32 s7, s2  }
0x1e: {  	s7 =	smul.u32 @!p0 $0xF7A, s2;
	p2 =	seq.s32 @!p0 s5, $0x0  }
0x1f: {  	s9 =	smul.u32 $0xF7A, s1;
	s8 =	simm.s32 @!p0 $0x1BF5;
	p2 =	por !p2, p0  }
0x20: {  	[sflag:s8] =	ssyncset.s32 @!p0 $0xFFFFF086;
	s6 =	sadd.s32 @!p0 s3, s7;
	s7 =	simm.s32 @!p0 $0x108  }
0x21: {  	s3 =	sadd.s32 s3, s9;
	s6 =	sadd.s32 @!p0 $0x88, s6;
	s7 =	simm.s32 @p2 $0x1082  }
0x22: {  	[simem:s7], [sflag:s8] =	dma.local @!p0 [hbm:s6], $0xF7A  }
0x23: {  	s9 =	sor.u32 $0xD0000000, s2;
	s6 =	simm.s32 $0x108;
	_ =	swait.ge @!p0 [sflag:s8], $0x0  }
0x24: {  	s3 =	sadd.s32 $0x88, s3;
	s6 =	simm.s32 @!p1 $0x1082;
	[sflag:s4] =	ssyncset.s32 $0xFFFFF086  }
0x25: {  	[simem:s6], [sflag:s4] =	dma.local [hbm:s3], $0xF7A  }
0x26: {  	[smem:$0x3F97] =	sst s1;
	(tag) =	ssettag s2;
	_ =	strace s9  }
0x27: {  	s1 =	sld [smem:$0x3FA7]  }
0x28: {  	s2 =	sld [smem:$0x3FA8]  }
0x29: {  	s4 =	sld [smem:$0x3FAA]  }
0x2a: {  	p0 =	seq.s32 s5, $0x0;
	s5 =	sld [smem:$0x3FAB]  }
0x2b: {  	s6 =	sld [smem:$0x3FAC]  }
0x2c: {  	s7 =	sld [smem:$0x3FAD]  }
0x2d: {  	s3 =	simm.s32 $0x108;
	s8 =	sld [smem:$0x3FAE]  }
0x2e: {  	s3 =	simm.s32 @!p0 $0x1082;
	s9 =	sld [smem:$0x3FAF]  }
0x2f: {  	lr =	sadd.s32 s0, s3;
	s0 =	sld [smem:$0x3FA6]  }
0x30: {  	s3 =	sld [smem:$0x3FA9]  }
0x31: {  	[smem:$0x3FB2] =	sst s10  }
0x32: {  	s10 =	sld [smem:$0x3FB0];
	_ =	sdelay $0x3  }
0x33: {  	p0 =	seq.s32 s10, $0x1;
	s10 =	sld [smem:$0x3FB2];
	_ =	sdelay $0x3  }
0x34: {  	[smem:$0x3FB2] =	sst s10  }
0x35: {  	s10 =	sld [smem:$0x3FB1];
	_ =	sdelay $0x3  }
0x36: {  	p1 =	seq.s32 s10, $0x1;
	s10 =	sld [smem:$0x3FB2];
	_ =	sdelay $0x3  }
0x37: {  	[smem:$0x3FB2] =	sst s10  }
0x38: {  	s10 =	sld [smem:$0x3FB3]  }
0x39: {  	_ = 	snop;
	(pc) =	sbr.ind lr, $3  }
0x3a: {  	_ = 	snop  }
0x3b: {  	_ = 	snop  }
0x3c: {  	p2 =	seq.s32 s10, $0x1;
	s10 =	sld [smem:$0x3FB2]  }
0x3d: {  	_ =	shalt  }
0x3e: {  	_ =	shalt  }
0x3f: {  	_ =	shalt  }
0x40: {  	_ =	shalt  }
0x41: {  	_ =	shalt  }
0x42: {  	_ =	shalt  }
0x43: {  	_ =	shalt  }
0x44: {  	_ =	shalt  }
0x45: {  	_ =	shalt  }
0x46: {  	_ =	shalt  }
0x47: {  	_ =	shalt  }
0x48: {  	_ =	shalt  }
0x49: {  	_ =	shalt  }
0x4a: {  	_ =	shalt  }
0x4b: {  	_ =	shalt  }
0x4c: {  	_ =	shalt  }
0x4d: {  	_ =	shalt  }
0x4e: {  	_ =	shalt  }
0x4f: {  	_ =	shalt  }
0x50: {  	_ =	shalt  }
0x51: {  	_ =	shalt  }
0x52: {  	_ =	shalt  }
0x53: {  	_ =	shalt  }
0x54: {  	_ =	shalt  }
0x55: {  	_ =	shalt  }
0x56: {  	_ =	shalt  }
0x57: {  	_ =	shalt  }
0x58: {  	_ =	shalt  }
0x59: {  	_ =	shalt  }
0x5a: {  	_ =	shalt  }
0x5b: {  	_ =	shalt  }
0x5c: {  	_ =	shalt  }
0x5d: {  	_ =	shalt  }
0x5e: {  	_ =	shalt  }
0x5f: {  	_ =	shalt  }
0x60: {  	_ =	shalt  }
0x61: {  	_ =	shalt  }
0x62: {  	_ =	shalt  }
0x63: {  	_ =	shalt  }
0x64: {  	_ =	shalt  }
0x65: {  	_ =	shalt  }
0x66: {  	_ =	shalt  }
0x67: {  	_ =	shalt  }
0x68: {  	_ =	shalt  }
0x69: {  	_ =	shalt  }
0x6a: {  	_ =	shalt  }
0x6b: {  	_ =	shalt  }
0x6c: {  	_ =	shalt  }
0x6d: {  	_ =	shalt  }
0x6e: {  	_ =	shalt  }
0x6f: {  	_ =	shalt  }
0x70: {  	_ =	shalt  }
0x71: {  	_ =	shalt  }
0x72: {  	_ =	shalt  }
0x73: {  	_ =	shalt  }
0x74: {  	_ =	shalt  }
0x75: {  	_ =	shalt  }
0x76: {  	_ =	shalt  }
0x77: {  	_ =	shalt  }
0x78: {  	_ =	shalt  }
0x79: {  	_ =	shalt  }
0x7a: {  	_ =	shalt  }
0x7b: {  	_ =	shalt  }
0x7c: {  	_ =	shalt  }
0x7d: {  	_ =	shalt  }
0x7e: {  	_ =	shalt  }
0x7f: {  	_ =	shalt  }
0x80: {  	_ =	shalt  }
0x81: {  	_ =	shalt  }
0x82: {  	_ =	shalt  }
0x83: {  	_ =	shalt  }
0x84: {  	_ =	shalt  }
0x85: {  	_ =	shalt  }
0x86: {  	_ =	shalt  }
0x87: {  	_ =	shalt  }
.Lfunc_end0:
.L_simem_size_0:
called_computation_lowered:
.L_overlay_start_0:
0x88: {  	s2 =	sld [smem:$0x3FD9]  }
0x89: {  	s3 =	sld [smem:$0x3FFE];
	_ =	sdelay $0x1  }
0x8a: {  	s1 =	srdreg.scid  }
0x8b: {  	s0 =	sand.u32 $0x1, s1  }
0x8c: {  	s17 =	sshll.u32 s0, $0xA;
	s2 =	sadd.s32 s3, s2  }
0x8d: {  	s2 =	sadd.s32 s2, s17  }
0x8e: {  	[smem:$0x3FBE] =	sst s2  }
0x8f: {  	_ = 	snop  }
0x90: {  	s2 =	sld [smem:$0x3FD0];
	(tm) =	ssettm $0x1  }
0x91: {  	s18 =	sld [smem:$0x3FFB];
	_ =	sdelay $0x3  }
0x92: {  	_ =	strace s18  }
0x93: {  	s3 =	sld [smem:$0x3FFC];
	_ =	sdelay $0x3  }
0x94: {  	_ =	strace s3  }
0x95: {  	s3 =	sld [smem:$0x3FFD];
	_ =	sdelay $0x3  }
0x96: {  	_ =	strace s3  }
0x97: {  	_ =	strace $0x8FFFFFFF  }
0x98: {  	s19 =	sld [smem:$0x3FDB];
	_ =	sdelay $0x1  }
0x99: {  	s4 =	simm.s32 $_scs_section_size  }
0x9a: {  	s5 =	simm.s32 $_size__tile_overlayer_lowered;
	s6 =	simm.s32 $_tile_overlayer_lowered  }
0x9b: {  	s22 =	simm.s32 $0x1BFF;
	s21 =	sshll.u32 s6, $0x1;
	s3 =	sadd.s32 s4, s19  }
0x9c: {  	s7 =	simm.s32 $0x0;
	s20 =	sshll.u32 s5, $0x1;
	s5 =	sadd.s32 s21, s3  }
0x9d: {  	[timem:s7], [sflag:s22] =	dma.local [hbm:s5], s20  }
0x9e: {  	_ =	swait.ge [sflag:s22], s20  }
0x9f: {  	s4 =	ssub.s32 $0x0, s20;
	[sflag:s22] =	ssyncset.done $0x0  }
0xa0: {  	[sflag:s22] =	ssyncadd.s32 s4;
	_ =	sdelay $0x1  }
0xa1: {  	s23 =	simm.s32 $0x1B8B  }
0xa2: {  	_ =	swait.ge [sflag:s23], $0x1  }
0xa3: {  	[sflag:s23] =	ssyncset.done $0x0  }
0xa4: {  	s25 =	simm.s32 $0x1B8E;
	s24 =	sld [smem:$0x3FFE];
	[sflag:s23] =	ssyncadd.s32 $0xFFFFFFFF  }
0xa5: {  	s26 =	simm.s32 $execute0_lowered;
	[smem:$0x3FD2] =	sst s25  }
0xa6: {  	s5 =	sshll.u32 s26, $0x1;
	_ =	strace $0x80000046;
	[dreg:$0x1] =	wrdreg $0xFFFFFFFF  }
0xa7: {  	s28 =	simm.s32 $_size_execute0_lowered;
	s3 =	sadd.s32 s3, s5;
	[dreg:$0x0] =	wrdreg $0x0  }
0xa8: {  	s5 =	sshll.u32 s28, $0x1;
	[dreg:$0x2] =	wrdreg s3  }
0xa9: {  	[dreg:$0x3] =	wrdreg s5  }
0xaa: {  	[dreg:$0x4] =	wrdreg $0xC0  }
0xab: {  	_ =	task [dreg:s7], $0x5FFFF  }
0xac: {  	[dreg:$0x1] =	wrdreg $0xFFFFFFFF  }
0xad: {  	[dreg:$0x0] =	wrdreg $0x60  }
0xae: {  	[dreg:$0x2] =	wrdreg s24  }
0xaf: {  	[dreg:$0x3] =	wrdreg s2  }
0xb0: {  	[dreg:$0x4] =	wrdreg $0x0  }
0xb1: {  	[dreg:$0x5] =	wrdreg $0x9  }
0xb2: {  	_ =	task.clear_ibuf [dreg:s7], $0x6FFFF;
	_ =	strace $0x90000046  }
0xb3: {  	s29 =	simm.s32 $0x9;
	_ =	strace $0x80000048  }
0xb4: {  	_ =	swait.ge [sflag:s29], $0x1  }
0xb5: {  	[sflag:s29] =	ssyncadd.s32 $0xFFFFFFFF  }
0xb6: {  	_ =	strace $0x90000048  }
0xb7: {  	_ =	sfence  }
0xb8: {  	s30 =	sld [smem:$0x0];
	_ =	sdelay $0x2  }
0xb9: {  	s31 =	sshll.u32 s1, $0xD;
	s1 =	sshrl.u32 s1, $0x2  }
0xba: {  	s3 =	sand.u32 $0x4000, s31;
	s1 =	sadd.s32 s1, s30  }
0xbb: {  	s0 =	sor.u32 s3, s0;
	s1 =	sshll.u32 s1, $0x11  }
0xbc: {  	s0 =	sor.u32 s1, s0  }
0xbd: {  	s0 =	sadd.s32 $0x8F2B, s0  }
0xbe: {  	[sflag:s0] =	ssyncadd.remote.s32 $0x1  }
0xbf: {  	_ =	sfence.sel $0xFFFF  }
0xc0: {  	[dreg:$0x0] =	wrdreg $0xFFFFFFFF;
	(pc) =	sbr.abs _section_cstart, $3  }
0xc1: {  	[dreg:$0x1] =	wrdreg $0xFFFFFFFF  }
0xc2: {  	_ =	task.clear_ibuf [dreg:s7], $0x2FFFF;
	_ =	strace $0x9FFFFFFF  }
0xc3: {  	(tm) =	ssettm $0x7FFFFFFF  }
tec
execute0_lowered:
.L_overlay_start_1:
0x0: {  	(tag) =	ssettag $0x1  }
0x1: {  	s0 =	rddreg [dreg:$0x0]  }
0x2: {  	s1 =	rddreg [dreg:$0x1]  }
0x3: {  	s2 =	rddreg [dreg:$0x2];
	s3 =	srdreg.scid  }
0x4: {  	s5 =	simm.s32 $0x0;
	s9 =	stileid.u32;
	s10 =	simm.s32 $0xC800  }
0x5: {  	s11 =	simm.s32 $0x11620;
	s30 =	simm.s32 $0x17D40;
	s31 =	simm.s32 $0x19B40  }
0x6: {  	s28 =	simm.s32 $0x2;
	s29 =	simm.s32 $0x1A040;
	s7 =	smul.u32 $0xC350, s9  }
0x7: {  	s3 =	sand.u32 $0x1, s3;
	[smem:$0x7FF] =	sst s5;
	s14 =	smul.u32 $0x32000, s9  }
0x8: {  	s4 =	sshll.u32 s3, $0x4;
	s6 =	smul.u32 $0xC3500, s3;
	s3 =	ssub.s32 $0x2, s3  }
0x9: {  	s5 =	sadd.s32 $0x1200, s0;
	s8 =	sshrl.u32 s3, $0x1;
	s15 =	sshrl.u32 s14, $0x2  }
0xa: {  	s22 =	smul.u32 $0x30D40, s9;
	s3 =	ssub.s32 s3, s8;
	s8 =	sadd.s32 s15, s2  }
0xb: {  	_ =	strace $0x80000047;
	s4 =	sor.u32 s9, s4;
	s17 =	sadd.s32 $0x1400, s8  }
0xc: {  	s26 =	sshrl.u32 s22, $0x2;
	s18 =	sadd.s32 $0x2800, s8;
	[dreg:$0x6] =	wrdreg s17  }
0xd: {  	s22 =	simm.s32 $0x6;
	s19 =	sadd.s32 $0x3C00, s8;
	[dreg:$0x7] =	wrdreg s18  }
0xe: {  	s4 =	smul.u32 $0x9C4, s4;
	s20 =	sadd.s32 $0x5000, s8;
	[dreg:$0x8] =	wrdreg s19  }
0xf: {  	s6 =	sadd.s32 s7, s6;
	s21 =	sadd.s32 $0x6400, s8;
	[dreg:$0x9] =	wrdreg s20  }
0x10: {  	s6 =	sshrl.u32 s6, $0x3;
	s23 =	sadd.s32 $0x8C00, s8;
	[dreg:$0xa] =	wrdreg s21  }
0x11: {  	s24 =	sadd.s32 $0xA000, s8;
	s25 =	sadd.s32 $0xB400, s8;
	[dreg:$0xc] =	wrdreg s23  }
0x12: {  	s4 =	sadd.s32 s4, s0;
	s0 =	sadd.s32 s6, s0;
	[dreg:$0xd] =	wrdreg s24  }
0x13: {  	s6 =	sadd.s32 $0x7800, s8;
	[dreg:$0xe] =	wrdreg s25;
	s19 =	smax.u32 s3, $0x1  }
0x14: {  	s21 =	simm.s32 $0x7;
	s23 =	simm.s32 $0x1D240;
	s24 =	simm.s32 $0x5  }
0x15: {  	s3 =	simm.s32 $0x3;
	s16 =	sadd.s32 $0x2D400, s4;
	[dreg:$0xb] =	wrdreg s6  }
0x16: {  	s20 =	simm.s32 $0x1B940;
	s4 =	sadd.s32 $0x19A00, s4;
	[dreg:$0x4] =	wrdreg s16  }
0x17: {  	s0 =	sadd.s32 $0x40E00, s0;
	s6 =	simm.s32 $0x0;
	[dreg:$0x5] =	wrdreg s4  }
0x18: {  	[dreg:$0xf] =	wrdreg s0;
	s0 =	sadd.s32 s26, s2;
	s26 =	simm.s32 $0x50  }
0x19: {  	v0 =	vimm.f32 $0.0e+00;
	s4 =	simm.s32 $0x4;
	s25 =	sshrl.u32 s0, $0x3;
	s0 =	simm.s32 $0x1  }
.LBB2_1:
0x1a: {  	s7 =	simm.s32 $0x0;
	s9 =	rddreg [dreg:$0x4]  }
0x1b: {  	[tilespmem:s10], [sflag:$0x7] =	stream.linear.gather [hbm4b:s9+s7], $0x4E20, $0x38;
	[tilespmem:$0x1E640] =	vst v63  }
0x1c: {  	_ =	swait.ge [sflag:s21], $0x4E20  }
0x1d: {  	[sflag:s21] =	ssyncset.done $0x0  }
0x1e: {  	s18 =	rddreg [dreg:$0x5];
	[sflag:s21] =	ssyncadd.s32 $0xFFFFB1E0  }
0x1f: {  	[tilespmem:s11], [sflag:$0x7] =	stream.linear.gather [hbm4b:s18+s7], $0x4E20, $0x38;
	[tilespmem:$0x1E640] =	vst v63  }
0x20: {  	_ =	swait.ge [sflag:s21], $0x4E20  }
0x21: {  	[sflag:s21] =	ssyncset.done $0x0  }
0x22: {  	s7 =	simm.s32 $0x1D2E0;
	[sflag:s21] =	ssyncadd.s32 $0xFFFFB1E0  }
0x23: {  	[tilespmem:s7+$0xFFFFFF60] =	vst v0  }
0x24: {  	[tilespmem:s7+$0x90] =	vst v0  }
0x25: {  	[tilespmem:s7+$0x80] =	vst v0  }
0x26: {  	[tilespmem:s7+$0x70] =	vst v0  }
0x27: {  	[tilespmem:s7+$0x60] =	vst v0  }
0x28: {  	[tilespmem:s7+$0x50] =	vst v0  }
0x29: {  	[tilespmem:s7+$0x40] =	vst v0  }
0x2a: {  	[tilespmem:s7+$0x30] =	vst v0  }
0x2b: {  	[tilespmem:s7+$0x20] =	vst v0  }
0x2c: {  	[tilespmem:s7+$0x10] =	vst v0  }
0x2d: {  	[tilespmem:s7+$0x0] =	vst v0  }
0x2e: {  	[tilespmem:s7+$0xFFFFFFF0] =	vst v0  }
0x2f: {  	[tilespmem:s7+$0xFFFFFFE0] =	vst v0  }
0x30: {  	[tilespmem:s7+$0xFFFFFFD0] =	vst v0  }
0x31: {  	[tilespmem:s7+$0xFFFFFFC0] =	vst v0  }
0x32: {  	[tilespmem:s7+$0xFFFFFFB0] =	vst v0  }
0x33: {  	[tilespmem:s7+$0xFFFFFFA0] =	vst v0  }
0x34: {  	[tilespmem:s7+$0xFFFFFF90] =	vst v0  }
0x35: {  	s9 =	simm.s32 $0x0;
	[tilespmem:s7+$0xFFFFFF80] =	vst v0  }
.LBB2_2:
0x36: {  	s9 =	sadd.s32 $0x4, s9;
	[tilespmem:s7+$0xFFFFFF70] =	vst v0;
	s7 =	sadd.s32 $0x140, s7  }
0x37: {  	[tilespmem:s7+$0xFFFFFF60] =	vst v0;
	p0 =	slt.u32 s9, $0x3C  }
0x38: {  	[tilespmem:s7+$0x90] =	vst v0  }
0x39: {  	[tilespmem:s7+$0x80] =	vst v0  }
0x3a: {  	[tilespmem:s7+$0x70] =	vst v0  }
0x3b: {  	[tilespmem:s7+$0x60] =	vst v0  }
0x3c: {  	[tilespmem:s7+$0x50] =	vst v0  }
0x3d: {  	[tilespmem:s7+$0x40] =	vst v0  }
0x3e: {  	[tilespmem:s7+$0x30] =	vst v0  }
0x3f: {  	[tilespmem:s7+$0x20] =	vst v0  }
0x40: {  	[tilespmem:s7+$0x10] =	vst v0  }
0x41: {  	[tilespmem:s7+$0x0] =	vst v0  }
0x42: {  	[tilespmem:s7+$0xFFFFFFF0] =	vst v0  }
0x43: {  	[tilespmem:s7+$0xFFFFFFE0] =	vst v0  }
0x44: {  	[tilespmem:s7+$0xFFFFFFD0] =	vst v0  }
.Ltmp0:
0x45: {  	[tilespmem:s7+$0xFFFFFFC0] =	vst v0;
	(pc) =	sbr.rel @p0 .LBB2_2-.Ltmp0, $4  }
0x46: {  	[tilespmem:s7+$0xFFFFFFB0] =	vst v0  }
0x47: {  	[tilespmem:s7+$0xFFFFFFA0] =	vst v0  }
0x48: {  	[tilespmem:s7+$0xFFFFFF90] =	vst v0  }
0x49: {  	[tilespmem:s7+$0xFFFFFF80] =	vst v0  }
0x4a: {  	[tilespmem:s7+$0xFFFFFF70] =	vst v0  }
0x4b: {  	[spmem:s8] =	stream.linear.scatter [tilespmem:s23], [sflag:$0x5], $0x1400, $0x38;
	[tilespmem:$0x1E640] =	vst v63  }
0x4c: {  	s7 =	rddreg [dreg:$0x6]  }
0x4d: {  	[spmem:s7] =	stream.linear.scatter [tilespmem:s23], [sflag:$0x5], $0x1400, $0x38;
	[tilespmem:$0x1E640] =	vst v63  }
0x4e: {  	s17 =	rddreg [dreg:$0x7]  }
0x4f: {  	[spmem:s17] =	stream.linear.scatter [tilespmem:s23], [sflag:$0x5], $0x1400, $0x38;
	[tilespmem:$0x1E640] =	vst v63  }
0x50: {  	s18 =	rddreg [dreg:$0x8]  }
0x51: {  	[spmem:s18] =	stream.linear.scatter [tilespmem:s23], [sflag:$0x5], $0x1400, $0x38;
	[tilespmem:$0x1E640] =	vst v63  }
0x52: {  	s9 =	rddreg [dreg:$0x9]  }
0x53: {  	[spmem:s9] =	stream.linear.scatter [tilespmem:s23], [sflag:$0x5], $0x1400, $0x38;
	[tilespmem:$0x1E640] =	vst v63  }
0x54: {  	s12 =	rddreg [dreg:$0xa]  }
0x55: {  	[spmem:s12] =	stream.linear.scatter [tilespmem:s23], [sflag:$0x5], $0x1400, $0x38;
	[tilespmem:$0x1E640] =	vst v63  }
0x56: {  	s13 =	rddreg [dreg:$0xb]  }
0x57: {  	[spmem:s13] =	stream.linear.scatter [tilespmem:s23], [sflag:$0x5], $0x1400, $0x38;
	[tilespmem:$0x1E640] =	vst v63  }
0x58: {  	s14 =	rddreg [dreg:$0xc]  }
0x59: {  	[spmem:s14] =	stream.linear.scatter [tilespmem:s23], [sflag:$0x5], $0x1400, $0x38;
	[tilespmem:$0x1E640] =	vst v63  }
0x5a: {  	s15 =	rddreg [dreg:$0xd]  }
0x5b: {  	[spmem:s15] =	stream.linear.scatter [tilespmem:s23], [sflag:$0x5], $0x1400, $0x38;
	[tilespmem:$0x1E640] =	vst v63  }
0x5c: {  	s16 =	rddreg [dreg:$0xe]  }
0x5d: {  	[spmem:s16] =	stream.linear.scatter [tilespmem:s23], [sflag:$0x5], $0x1400, $0x38;
	[tilespmem:$0x1E640] =	vst v63  }
0x5e: {  	_ =	swait.ge [sflag:s24], $0x1400  }
0x5f: {  	[sflag:s24] =	ssyncset.done $0x0  }
0x60: {  	[sflag:s24] =	ssyncadd.s32 $0xFFFFEC00  }
0x61: {  	_ =	swait.ge [sflag:s24], $0x1400  }
0x62: {  	[sflag:s24] =	ssyncset.done $0x0  }
0x63: {  	[sflag:s24] =	ssyncadd.s32 $0xFFFFEC00  }
0x64: {  	_ =	swait.ge [sflag:s24], $0x1400  }
0x65: {  	[sflag:s24] =	ssyncset.done $0x0  }
0x66: {  	[sflag:s24] =	ssyncadd.s32 $0xFFFFEC00  }
0x67: {  	_ =	swait.ge [sflag:s24], $0x1400  }
0x68: {  	[sflag:s24] =	ssyncset.done $0x0  }
0x69: {  	[sflag:s24] =	ssyncadd.s32 $0xFFFFEC00  }
0x6a: {  	_ =	swait.ge [sflag:s24], $0x1400  }
0x6b: {  	[sflag:s24] =	ssyncset.done $0x0  }
0x6c: {  	[sflag:s24] =	ssyncadd.s32 $0xFFFFEC00  }
0x6d: {  	_ =	swait.ge [sflag:s24], $0x1400  }
0x6e: {  	[sflag:s24] =	ssyncset.done $0x0  }
0x6f: {  	[sflag:s24] =	ssyncadd.s32 $0xFFFFEC00  }
0x70: {  	_ =	swait.ge [sflag:s24], $0x1400  }
0x71: {  	[sflag:s24] =	ssyncset.done $0x0  }
0x72: {  	[sflag:s24] =	ssyncadd.s32 $0xFFFFEC00  }
0x73: {  	_ =	swait.ge [sflag:s24], $0x1400  }
0x74: {  	[sflag:s24] =	ssyncset.done $0x0  }
0x75: {  	[sflag:s24] =	ssyncadd.s32 $0xFFFFEC00  }
0x76: {  	_ =	swait.ge [sflag:s24], $0x1400  }
0x77: {  	[sflag:s24] =	ssyncset.done $0x0  }
0x78: {  	[sflag:s24] =	ssyncadd.s32 $0xFFFFEC00  }
0x79: {  	_ =	swait.ge [sflag:s24], $0x1400  }
0x7a: {  	[sflag:s24] =	ssyncset.done $0x0  }
0x7b: {  	[sflag:s24] =	ssyncadd.s32 $0xFFFFEC00  }
0x7c: {  	s17 =	simm.s32 $0x16440;
	[bflag:$0x0] =	sbarrier.arrive $0xFFFF  }
0x7d: {  	[tilespmem:s17], [sflag:$0x1] =	stream.indirect.gather [hbm4b:s5+s26], $0x50, s10, s26, $0xb8;
	[tilespmem:$0x1E640] =	vst v63  }
0x7e: {  	s7 =	simm.s32 $0x0;
	s18 =	simm.s32 $0x19640  }
0x7f: {  	[tilespmem:s18], [sflag:$0x2] =	stream.indirect.gather [hbm4b:s1+s26], $0x10, s11, s26, $0xb8;
	[tilespmem:$0x1E640] =	vst v63  }
.LBB2_4:
0x80: {  	s10 =	smul.u32 $0xA0, s7;
	_ =	sdelay $0x1  }
0x81: {  	s9 =	sadd.s32 $0xC850, s10  }
0x82: {  	[tilespmem:s30], [sflag:$0x3] =	stream.indirect.gather [hbm4b:s5+s26], $0x50, s9, s26, $0xb8;
	[tilespmem:$0x1E640] =	vst v63  }
0x83: {  	s9 =	sadd.s32 $0x11670, s10  }
0x84: {  	[tilespmem:s31], [sflag:$0x4] =	stream.indirect.gather [hbm4b:s1+s26], $0x10, s9, s26, $0xb8;
	[tilespmem:$0x1E640] =	vst v63  }
0x85: {  	_ =	swait.ge [sflag:s0], $0x1900  }
0x86: {  	[sflag:s0] =	ssyncset.done $0x0  }
0x87: {  	[sflag:s0] =	ssyncadd.s32 $0xFFFFE700  }
0x88: {  	_ =	swait.ge [sflag:s28], $0x500  }
0x89: {  	p0 =	seq.s32 s7, $0x0;
	[sflag:s28] =	ssyncset.done $0x0  }
0x8a: {  	s11 =	simm.s32 @!p0 $0x5;
	[sflag:s28] =	ssyncadd.s32 $0xFFFFFB00  }
0x8b: {  	_ =	swait.ge @!p0 [sflag:s11], $0x1900  }
0x8c: {  	[sflag:s11] =	ssyncset.done @!p0 $0x0  }
0x8d: {  	s17 =	simm.s32 $0x16580;
	[sflag:s11] =	ssyncadd.s32 @!p0 $0xFFFFE700  }
0x8e: {  	s18 =	simm.s32 $0x19680;
	v1 =	vld [tilespmem:s17+$0x130]  }
0x8f: {  	v2 =	vld [tilespmem:s18+$0x30]  }
0x90: {  	v3 =	vld [tilespmem:s18+$0xFFFFFFC0]  }
0x91: {  	v4 =	vld [tilespmem:s17+$0xFFFFFF50]  }
0x92: {  	v5 =	vld [tilespmem:s18+$0xFFFFFFD0]  }
0x93: {  	v6 =	vld [tilespmem:s17+$0xFFFFFFA0]  }
0x94: {  	v7 =	vld [tilespmem:s18+$0xFFFFFFE0]  }
0x95: {  	v8 =	vld [tilespmem:s18+$0xFFFFFFF0]  }
0x96: {  	v10 =	vld [tilespmem:s17+$0x40]  }
0x97: {  	v11 =	vld [tilespmem:s18+$0x0]  }
0x98: {  	s12 =	simm.s32 $0x16800;
	v12 =	vld [tilespmem:s17+$0xE0]  }
0x99: {  	v17 =	vld [tilespmem:s12+$0x130];
	v1 =	vadd.f32 v2, v1  }
0x9a: {  	s13 =	simm.s32 $0x19700;
	v2 =	vld [tilespmem:s17+$0xFFFFFFF0]  }
0x9b: {  	v18 =	vld [tilespmem:s13+$0x30];
	v9 =	vmul.f32 $2.000000030e-01, v1  }
0x9c: {  	v19 =	vld [tilespmem:s13+$0xFFFFFFC0];
	v4 =	vadd.f32 v5, v4  }
0x9d: {  	v5 =	vld [tilespmem:s17+$0x90];
	v1 =	vmax.f32 v1, v9  }
0x9e: {  	v6 =	vadd.f32 v7, v6;
	v7 =	vld [tilespmem:s18+$0x10];
	v9 =	vmul.f32 $2.000000030e-01, v4;
	v1 =	vmul.f32 $1.442695020e+00, v1  }
0x9f: {  	v2 =	vadd.f32 v8, v2;
	v8 =	vld [tilespmem:s18+$0x20]  }
0xa0: {  	v4 =	vmax.f32 v4, v9;
	v9 =	vld [tilespmem:s17+$0xFFFFFF00];
	(erf) = vpow2.f32 v1;
	v1 =	vmul.f32 $2.000000030e-01, v6  }
0xa1: {  	v20 =	vld [tilespmem:s12+$0xFFFFFF50];
	v10 =	vadd.f32 v11, v10  }
0xa2: {  	v21 =	vld [tilespmem:s13+$0xFFFFFFD0];
	v4 =	vmul.f32 $1.442695020e+00, v4;
	v1 =	vmax.f32 v6, v1;
	v6 =	vmul.f32 $2.000000030e-01, v2  }
0xa3: {  	v22 =	vld [tilespmem:s12+$0xFFFFFFA0];
	v5 =	vadd.f32 v7, v5  }
0xa4: {  	v23 =	vld [tilespmem:s13+$0xFFFFFFE0];
	(erf) = vpow2.f32 v4;
	v2 =	vmax.f32 v2, v6;
	v6 =	vmul.f32 $2.000000030e-01, v10  }
0xa5: {  	v24 =	vld [tilespmem:s13+$0xFFFFFFF0];
	v1 =	vmul.f32 $1.442695020e+00, v1;
	v7 =	vadd.f32 v8, v12;
	v3 =	vadd.f32 v3, v9  }
0xa6: {  	v26 =	vld [tilespmem:s12+$0x40];
	v2 =	vmul.f32 $1.442695020e+00, v2;
	v4 =	vmax.f32 v10, v6;
	v6 =	vmul.f32 $2.000000030e-01, v5  }
0xa7: {  	s14 =	simm.s32 $0x16A80;
	v27 =	vld [tilespmem:s13+$0x10];
	v9 =	vmul.f32 $2.000000030e-01, v7;
	(erf) = vpow2.f32 v1  }
0xa8: {  	s15 =	simm.s32 $0x19780;
	v33 =	vld [tilespmem:s14+$0x130];
	v8 =	vmul.f32 $1.442695020e+00, v4;
	v1 =	vmax.f32 v5, v6;
	v5 =	vmul.f32 $2.000000030e-01, v3  }
0xa9: {  	v34 =	vld [tilespmem:s15+$0x30];
	v4 =	vpop (erf);
	(erf) = vpow2.f32 v2;
	v1 =	vmul.f32 $1.442695020e+00, v1;
	v2 =	vmax.f32 v7, v9  }
0xaa: {  	s11 =	simm.s32 $0x1A180;
	v35 =	vld [tilespmem:s15+$0xFFFFFFC0];
	(erf) = vpow2.f32 v8;
	v3 =	vmax.f32 v3, v5;
	v2 =	vmul.f32 $1.442695020e+00, v2  }
0xab: {  	v36 =	vld [tilespmem:s14+$0xFFFFFF50];
	[tilespmem:s11+$0x130] =	vst v4;
	(erf) = vpow2.f32 v1;
	v1 =	vmul.f32 $1.442695020e+00, v3  }
0xac: {  	v6 =	vld [tilespmem:s17+$0xF0];
	(erf) = vpow2.f32 v2  }
0xad: {  	v37 =	vld [tilespmem:s15+$0xFFFFFFD0];
	(erf) = vpow2.f32 v1  }
0xae: {  	v38 =	vld [tilespmem:s14+$0xFFFFFFA0]  }
0xaf: {  	v56 =	vld [tilespmem:s14+$0xFFFFFFF0]  }
0xb0: {  	v57 =	vld [tilespmem:s14+$0x40];
	v5 =	vpop (erf)  }
0xb1: {  	v17 =	vadd.f32 v18, v17;
	v18 =	vld [tilespmem:s12+$0xFFFFFFF0];
	[tilespmem:s11+$0xFFFFFF50] =	vst v5;
	v7 =	vpop (erf);
	v1 =	vmul.f32 v4, v6  }
0xb2: {  	v2 =	vld [tilespmem:s17+$0xFFFFFF10];
	[tilespmem:s11+$0xFFFFFFA0] =	vst v7;
	v6 =	vpop (erf)  }
0xb3: {  	v3 =	vld [tilespmem:s17+$0xFFFFFF60];
	[tilespmem:s11+$0xF0] =	vst v1;
	v12 =	vpop (erf)  }
0xb4: {  	v1 =	vld [tilespmem:s17+$0x100];
	[tilespmem:s11+$0xFFFFFFF0] =	vst v6;
	v11 =	vpop (erf)  }
0xb5: {  	v9 =	vld [tilespmem:s17+$0xFFFFFFB0];
	[tilespmem:s11+$0x40] =	vst v12;
	v10 =	vpop (erf)  }
0xb6: {  	v13 =	vld [tilespmem:s17+$0x0];
	[tilespmem:s11+$0xE0] =	vst v10;
	v8 =	vpop (erf)  }
0xb7: {  	[tilespmem:s11+$0xFFFFFF00] =	vst v8;
	v15 =	vld [tilespmem:s17+$0xA0]  }
0xb8: {  	v2 =	vmul.f32 v5, v2;
	[tilespmem:s11+$0x90] =	vst v11;
	v16 =	vld [tilespmem:s17+$0xFFFFFEC0]  }
0xb9: {  	v14 =	vld [tilespmem:s17+$0x50];
	v1 =	vmul.f32 v4, v1  }
0xba: {  	v20 =	vadd.f32 v21, v20;
	v21 =	vld [tilespmem:s13+$0x0];
	v3 =	vmul.f32 v7, v3;
	[tilespmem:s11+$0xFFFFFF10] =	vst v2  }
0xbb: {  	v22 =	vadd.f32 v23, v22;
	v23 =	vld [tilespmem:s12+$0x90];
	[tilespmem:s11+$0x100] =	vst v1;
	v1 =	vmul.f32 v12, v13  }
0xbc: {  	v25 =	vmul.f32 $2.000000030e-01, v17;
	[tilespmem:s11+$0xFFFFFF60] =	vst v3;
	v2 =	vmul.f32 v6, v9;
	v9 =	vld [tilespmem:s17+$0xFFFFFF20]  }
0xbd: {  	v3 =	vld [tilespmem:s17+$0x110];
	[tilespmem:s11+$0x0] =	vst v1;
	v1 =	vmul.f32 v10, v15;
	v15 =	vmul.f32 v8, v16  }
0xbe: {  	v13 =	vmul.f32 v11, v14;
	v14 =	vld [tilespmem:s17+$0xFFFFFF70]  }
0xbf: {  	v17 =	vmax.f32 v17, v25;
	v16 =	vld [tilespmem:s17+$0x10];
	[tilespmem:s11+$0xFFFFFEC0] =	vst v15  }
0xc0: {  	v25 =	vmul.f32 $2.000000030e-01, v20;
	v17 =	vmul.f32 $1.442695020e+00, v17;
	[tilespmem:s11+$0xFFFFFFB0] =	vst v2;
	v15 =	vld [tilespmem:s17+$0xFFFFFED0]  }
0xc1: {  	v28 =	vmul.f32 $2.000000030e-01, v22;
	v18 =	vadd.f32 v24, v18;
	v24 =	vld [tilespmem:s12+$0xE0];
	[tilespmem:s11+$0x50] =	vst v13;
	v9 =	vmul.f32 v5, v9  }
0xc2: {  	(erf) = vpow2.f32 v17;
	v17 =	vmax.f32 v20, v25;
	v20 =	vld [tilespmem:s13+$0x20];
	[tilespmem:s11+$0xA0] =	vst v1;
	v3 =	vmul.f32 v3, v4  }
0xc3: {  	v2 =	vld [tilespmem:s17+$0xFFFFFFC0];
	v14 =	vmul.f32 v7, v14;
	[tilespmem:s11+$0xFFFFFF20] =	vst v9  }
0xc4: {  	v22 =	vmax.f32 v22, v28;
	v28 =	vmul.f32 $2.000000030e-01, v18;
	v25 =	vld [tilespmem:s12+$0xFFFFFF00];
	v16 =	vmul.f32 v12, v16;
	[tilespmem:s11+$0x110] =	vst v3  }
0xc5: {  	v21 =	vadd.f32 v21, v26;
	v13 =	vld [tilespmem:s17+$0x60];
	v9 =	vmul.f32 $1.442695020e+00, v17;
	[tilespmem:s11+$0xFFFFFF70] =	vst v14;
	v15 =	vmul.f32 v8, v15  }
0xc6: {  	v1 =	vld [tilespmem:s17+$0xB0];
	v17 =	vmul.f32 $1.442695020e+00, v22;
	v22 =	vadd.f32 v27, v23;
	[tilespmem:s11+$0x10] =	vst v16  }
0xc7: {  	(erf) = vpow2.f32 v9;
	v14 =	vld [tilespmem:s17+$0x120];
	[tilespmem:s11+$0xFFFFFED0] =	vst v15;
	v15 =	vmax.f32 v18, v28;
	v18 =	vmul.f32 $2.000000030e-01, v21  }
0xc8: {  	v20 =	vadd.f32 v20, v24;
	v2 =	vmul.f32 v6, v2;
	v23 =	vld [tilespmem:s17+$0x20];
	v15 =	vmul.f32 $1.442695020e+00, v15  }
0xc9: {  	v58 =	vld [tilespmem:s14+$0xFFFFFF00];
	(erf) = vpow2.f32 v17;
	v9 =	vmax.f32 v21, v18;
	v18 =	vmul.f32 $2.000000030e-01, v22  }
0xca: {  	v19 =	vadd.f32 v19, v25;
	v13 =	vmul.f32 v11, v13;
	[tilespmem:s11+$0xFFFFFFC0] =	vst v2;
	v2 =	vld [tilespmem:s17+$0xFFFFFF30];
	(erf) = vpow2.f32 v15  }
0xcb: {  	v17 =	vmul.f32 $2.000000030e-01, v20;
	v3 =	vld [tilespmem:s17+$0xFFFFFEE0];
	v21 =	vmul.f32 $1.442695020e+00, v9;
	v9 =	vmax.f32 v22, v18  }
0xcc: {  	v1 =	vmul.f32 v10, v1;
	v16 =	vld [tilespmem:s17+$0xFFFFFF80];
	[tilespmem:s11+$0x60] =	vst v13;
	v15 =	vmul.f32 $2.000000030e-01, v19  }
0xcd: {  	v17 =	vmax.f32 v20, v17;
	v20 =	vld [tilespmem:s17+$0x70];
	v4 =	vmul.f32 v14, v4;
	v14 =	vmul.f32 v23, v12  }
0xce: {  	s13 =	simm.s32 $0x1A400;
	v23 =	vld [tilespmem:s15+$0xFFFFFFE0];
	v22 =	vmul.f32 $1.442695020e+00, v9;
	v13 =	vmax.f32 v19, v15;
	v15 =	vmul.f32 $1.442695020e+00, v17;
	v9 =	vpop (erf)  }
0xcf: {  	v2 =	vmul.f32 v2, v5;
	v18 =	vld [tilespmem:s17+$0xFFFFFFD0];
	[tilespmem:s13+$0x130] =	vst v9  }
0xd0: {  	[tilespmem:s11+$0xB0] =	vst v1;
	(erf) = vpow2.f32 v21;
	v3 =	vmul.f32 v3, v8;
	v17 =	vpop (erf);
	v19 =	vld [tilespmem:s12+$0xF0]  }
0xd1: {  	v1 =	vmul.f32 $1.442695020e+00, v13;
	v13 =	vld [tilespmem:s17+$0xC0];
	(erf) = vpow2.f32 v22;
	[tilespmem:s13+$0xFFFFFF50] =	vst v17  }
0xd2: {  	[tilespmem:s11+$0xFFFFFF30] =	vst v2;
	(erf) = vpow2.f32 v15;
	v15 =	vpop (erf);
	v24 =	vld [tilespmem:s12+$0xFFFFFF10]  }
0xd3: {  	v22 =	vld [tilespmem:s17+$0xFFFFFF40];
	[tilespmem:s11+$0xFFFFFEE0] =	vst v3;
	v3 =	vmul.f32 v16, v7;
	(erf) = vpow2.f32 v1;
	v16 =	vpop (erf)  }
0xd4: {  	v21 =	vld [tilespmem:s17+$0xFFFFFEF0];
	v18 =	vmul.f32 v18, v6;
	[tilespmem:s13+$0xFFFFFFF0] =	vst v16  }
0xd5: {  	[tilespmem:s13+$0xFFFFFFA0] =	vst v15;
	v1 =	vmul.f32 v9, v19;
	v27 =	vld [tilespmem:s12+$0xFFFFFFB0]  }
0xd6: {  	v25 =	vld [tilespmem:s12+$0xFFFFFF60];
	[tilespmem:s11+$0xFFFFFFD0] =	vst v18  }
0xd7: {  	v30 =	vld [tilespmem:s17+$0xFFFFFFE0];
	v24 =	vmul.f32 v17, v24;
	[tilespmem:s13+$0xF0] =	vst v1  }
0xd8: {  	[tilespmem:s11+$0xFFFFFF80] =	vst v3;
	v26 =	vld [tilespmem:s12+$0x100]  }
0xd9: {  	v19 =	vld [tilespmem:s17+$0xFFFFFF90];
	[tilespmem:s13+$0xFFFFFF10] =	vst v24;
	v1 =	vpop (erf)  }
0xda: {  	[tilespmem:s13+$0x40] =	vst v1;
	v3 =	vpop (erf);
	v24 =	vmul.f32 v16, v27;
	v27 =	vld [tilespmem:s12+$0xFFFFFF20]  }
0xdb: {  	v28 =	vld [tilespmem:s12+$0x0];
	[tilespmem:s13+$0x90] =	vst v3;
	v2 =	vpop (erf)  }
0xdc: {  	v25 =	vmul.f32 v15, v25;
	v29 =	vld [tilespmem:s12+$0x50];
	[tilespmem:s13+$0xE0] =	vst v2;
	v18 =	vpop (erf)  }
0xdd: {  	[tilespmem:s13+$0xFFFFFF00] =	vst v18;
	v31 =	vld [tilespmem:s12+$0xA0];
	v26 =	vmul.f32 v9, v26  }
0xde: {  	[tilespmem:s13+$0xFFFFFF60] =	vst v25;
	v32 =	vld [tilespmem:s12+$0xFFFFFEC0]  }
0xdf: {  	v7 =	vmul.f32 v19, v7;
	v19 =	vld [tilespmem:s15+$0xFFFFFFF0];
	[tilespmem:s13+$0x100] =	vst v26  }
0xe0: {  	[tilespmem:s13+$0xFFFFFFB0] =	vst v24;
	v26 =	vmul.f32 v1, v28;
	v25 =	vld [tilespmem:s12+$0x110]  }
0xe1: {  	v24 =	vld [tilespmem:s12+$0xFFFFFFC0];
	v28 =	vmul.f32 v3, v29  }
0xe2: {  	v29 =	vld [tilespmem:s12+$0xFFFFFF70];
	[tilespmem:s13+$0x0] =	vst v26;
	v26 =	vmul.f32 v2, v31  }
0xe3: {  	v8 =	vmul.f32 v21, v8;
	v21 =	vadd.f32 v34, v33;
	v31 =	vmul.f32 v18, v32;
	v55 =	vld [tilespmem:s12+$0x10];
	[tilespmem:s13+$0x50] =	vst v28  }
0xe4: {  	v5 =	vmul.f32 v22, v5;
	v22 =	vmul.f32 v17, v27;
	v28 =	vld [tilespmem:s12+$0x60];
	[tilespmem:s13+$0xA0] =	vst v26  }
0xe5: {  	v27 =	vmul.f32 $2.000000030e-01, v21;
	[tilespmem:s13+$0xFFFFFEC0] =	vst v31;
	v26 =	vld [tilespmem:s12+$0xB0];
	v25 =	vmul.f32 v25, v9  }
0xe6: {  	[tilespmem:s11+$0x120] =	vst v4;
	v20 =	vmul.f32 v20, v11;
	v31 =	vld [tilespmem:s12+$0xFFFFFED0]  }
0xe7: {  	v4 =	vmul.f32 v30, v6;
	v21 =	vmax.f32 v21, v27;
	v6 =	vmul.f32 v15, v29;
	v29 =	vld [tilespmem:s15+$0x0];
	[tilespmem:s13+$0x110] =	vst v25  }
0xe8: {  	[tilespmem:s13+$0xFFFFFF20] =	vst v22;
	v22 =	vmul.f32 v16, v24;
	v21 =	vmul.f32 $1.442695020e+00, v21;
	v25 =	vld [tilespmem:s12+$0x120]  }
0xe9: {  	v13 =	vmul.f32 v13, v10;
	v30 =	vld [tilespmem:s15+$0x10];
	v27 =	vadd.f32 v37, v36;
	[tilespmem:s13+$0xFFFFFF70] =	vst v6;
	v6 =	vmul.f32 v1, v55  }
0xea: {  	v23 =	vadd.f32 v23, v38;
	v24 =	vld [tilespmem:s14+$0x90];
	[tilespmem:s13+$0xFFFFFFC0] =	vst v22;
	(erf) = vpow2.f32 v21;
	v22 =	vmul.f32 v3, v28  }
0xeb: {  	v19 =	vadd.f32 v19, v56;
	v21 =	vld [tilespmem:s15+$0x20];
	[tilespmem:s13+$0x10] =	vst v6;
	v6 =	vmul.f32 $2.000000030e-01, v27;
	v26 =	vmul.f32 v2, v26  }
0xec: {  	v28 =	vmul.f32 v18, v31;
	v31 =	vld [tilespmem:s14+$0xE0];
	[tilespmem:s13+$0x60] =	vst v22;
	v22 =	vmul.f32 $2.000000030e-01, v23;
	v29 =	vadd.f32 v29, v57  }
0xed: {  	[tilespmem:s11+$0x20] =	vst v14;
	v6 =	vmax.f32 v27, v6;
	v9 =	vmul.f32 v25, v9;
	v25 =	vmul.f32 $2.000000030e-01, v19  }
0xee: {  	[tilespmem:s13+$0xB0] =	vst v26;
	v27 =	vld [tilespmem:s12+$0x20];
	v22 =	vmax.f32 v23, v22;
	v6 =	vmul.f32 $1.442695020e+00, v6;
	v26 =	vmul.f32 $2.000000030e-01, v29  }
0xef: {  	[tilespmem:s13+$0xFFFFFED0] =	vst v28;
	v28 =	vld [tilespmem:s12+$0x70];
	v14 =	vmul.f32 $1.442695020e+00, v22;
	v22 =	vadd.f32 v30, v24;
	v19 =	vmax.f32 v19, v25  }
0xf0: {  	v23 =	vld [tilespmem:s12+$0xFFFFFEE0];
	[tilespmem:s13+$0x120] =	vst v9;
	(erf) = vpow2.f32 v6;
	v9 =	vmul.f32 $1.442695020e+00, v19;
	v19 =	vmax.f32 v29, v26  }
0xf1: {  	[tilespmem:s11+$0x70] =	vst v20;
	v24 =	vld [tilespmem:s12+$0xFFFFFF30];
	v20 =	vmul.f32 $2.000000030e-01, v22;
	v21 =	vadd.f32 v21, v31;
	v26 =	vadd.f32 v35, v58  }
0xf2: {  	[tilespmem:s11+$0xC0] =	vst v13;
	v6 =	vld [tilespmem:s12+$0xFFFFFF80];
	(erf) = vpow2.f32 v14;
	v13 =	vmul.f32 $1.442695020e+00, v19  }
0xf3: {  	[tilespmem:s11+$0xFFFFFEF0] =	vst v8;
	v25 =	vld [tilespmem:s12+$0xFFFFFFD0];
	v8 =	vmax.f32 v22, v20;
	v19 =	vmul.f32 $2.000000030e-01, v21;
	v20 =	vmul.f32 $2.000000030e-01, v26  }
0xf4: {  	s16 =	simm.s32 $0x1A680;
	[tilespmem:s11+$0xFFFFFF40] =	vst v5;
	v29 =	vld [tilespmem:s12+$0xC0];
	(erf) = vpow2.f32 v9;
	v14 =	vpop (erf);
	v5 =	vmul.f32 $1.442695020e+00, v8  }
0xf5: {  	v22 =	vld [tilespmem:s17+$0xD0];
	[tilespmem:s16+$0x130] =	vst v14;
	(erf) = vpow2.f32 v13;
	v9 =	vmul.f32 v23, v18;
	v8 =	vmax.f32 v21, v19  }
0xf6: {  	[tilespmem:s11+$0xFFFFFF90] =	vst v7;
	v7 =	vmax.f32 v26, v20;
	v13 =	vld [tilespmem:s14+$0xF0];
	v8 =	vmul.f32 $1.442695020e+00, v8;
	(erf) = vpow2.f32 v5  }
0xf7: {  	[tilespmem:s11+$0xFFFFFFE0] =	vst v4;
	v19 =	vld [tilespmem:s17+$0x30];
	v5 =	vmul.f32 $1.442695020e+00, v7;
	v7 =	vmul.f32 v24, v17  }
0xf8: {  	v20 =	vld [tilespmem:s17+$0x80];
	[tilespmem:s13+$0xFFFFFEE0] =	vst v9;
	(erf) = vpow2.f32 v8  }
0xf9: {  	v21 =	vld [tilespmem:s12+$0xFFFFFEF0];
	v8 =	vmul.f32 v6, v15;
	[tilespmem:s13+$0xFFFFFF30] =	vst v7;
	(erf) = vpow2.f32 v5;
	v4 =	vpop (erf)  }
0xfa: {  	v23 =	vld [tilespmem:s12+$0xFFFFFF40];
	[tilespmem:s16+$0xFFFFFF50] =	vst v4  }
0xfb: {  	v7 =	vmul.f32 v14, v13;
	v6 =	vpop (erf);
	[tilespmem:s13+$0xFFFFFF80] =	vst v8;
	v24 =	vld [tilespmem:s14+$0xFFFFFF10]  }
0xfc: {  	v13 =	vmul.f32 v25, v16;
	[tilespmem:s16+$0xFFFFFFA0] =	vst v6;
	v26 =	vld [tilespmem:s12+$0xFFFFFF90]  }
0xfd: {  	v30 =	vld [tilespmem:s14+$0xFFFFFF60];
	[tilespmem:s16+$0xF0] =	vst v7  }
0xfe: {  	v5 =	vpop (erf);
	[tilespmem:s13+$0xFFFFFFD0] =	vst v13;
	v31 =	vld [tilespmem:s14+$0x100]  }
0xff: {  	[tilespmem:s16+$0xFFFFFFF0] =	vst v5;
	v61 =	vld [tilespmem:s12+$0xFFFFFFE0];
	v7 =	vpop (erf)  }
0x100: {  	v25 =	vld [tilespmem:s14+$0xFFFFFFB0];
	[tilespmem:s16+$0x40] =	vst v7;
	v8 =	vpop (erf)  }
0x101: {  	v59 =	vld [tilespmem:s14+$0x0];
	[tilespmem:s16+$0x90] =	vst v8;
	v9 =	vpop (erf)  }
0x102: {  	v24 =	vmul.f32 v4, v24;
	v60 =	vld [tilespmem:s14+$0x50];
	[tilespmem:s16+$0xE0] =	vst v9;
	v13 =	vpop (erf)  }
0x103: {  	v12 =	vmul.f32 v19, v12;
	v19 =	vmul.f32 v14, v31;
	[tilespmem:s16+$0xFFFFFF00] =	vst v13;
	v62 =	vld [tilespmem:s14+$0xA0]  }
0x104: {  	v11 =	vmul.f32 v20, v11;
	v20 =	vmul.f32 v6, v30;
	[tilespmem:s16+$0xFFFFFF10] =	vst v24;
	v24 =	vld [tilespmem:s14+$0xFFFFFEC0]  }
0x105: {  	v18 =	vmul.f32 v21, v18;
	v21 =	vmul.f32 v5, v25;
	v30 =	vld [tilespmem:s14+$0xFFFFFF20];
	[tilespmem:s16+$0x100] =	vst v19  }
0x106: {  	v10 =	vmul.f32 v22, v10;
	[tilespmem:s16+$0xFFFFFF60] =	vst v20;
	v22 =	vmul.f32 v7, v59;
	v31 =	vld [tilespmem:s14+$0x110]  }
0x107: {  	v19 =	vmul.f32 v23, v17;
	v63 =	vld [tilespmem:s14+$0xFFFFFF70];
	[tilespmem:s16+$0xFFFFFFB0] =	vst v21;
	v23 =	vmul.f32 v8, v60  }
0x108: {  	v20 =	vmul.f32 v27, v1;
	[tilespmem:s16+$0x0] =	vst v22;
	v22 =	vld [tilespmem:s14+$0xFFFFFFC0];
	v27 =	vmul.f32 v9, v62  }
0x109: {  	v15 =	vmul.f32 v26, v15;
	[tilespmem:s16+$0x50] =	vst v23;
	v25 =	vld [tilespmem:s14+$0x10];
	v24 =	vmul.f32 v13, v24  }
0x10a: {  	v17 =	vmul.f32 v28, v3;
	v28 =	vmul.f32 v4, v30;
	v23 =	vld [tilespmem:s14+$0x60];
	[tilespmem:s16+$0xA0] =	vst v27  }
0x10b: {  	v16 =	vmul.f32 v61, v16;
	v27 =	vmul.f32 v31, v14;
	[tilespmem:s16+$0xFFFFFEC0] =	vst v24;
	v24 =	vld [tilespmem:s14+$0xB0]  }
0x10c: {  	s18 =	simm.s32 $0x16D00;
	s17 =	simm.s32 $0x10;
	v21 =	vmul.f32 v29, v2;
	[tilespmem:s16+$0xFFFFFF20] =	vst v28;
	v28 =	vmul.f32 v6, v63;
	v26 =	vld [tilespmem:s14+$0xFFFFFED0]  }
.LBB2_5:
0x10d: {  	v29 =	vld [tilespmem:s18+$0x130];
	v22 =	vmul.f32 v5, v22;
	[tilespmem:s16+$0x110] =	vst v27  }
0x10e: {  	s15 =	sadd.s32 $0x80, s15;
	[tilespmem:s16+$0xFFFFFF70] =	vst v28;
	v25 =	vmul.f32 v7, v25;
	v27 =	vld [tilespmem:s14+$0x120]  }
0x10f: {  	s17 =	sadd.s32 $0x8, s17;
	v28 =	vld [tilespmem:s15+$0x30];
	[tilespmem:s16+$0xFFFFFFC0] =	vst v22;
	v22 =	vmul.f32 v8, v23  }
0x110: {  	p1 =	slt.u32 s17, $0x48;
	v23 =	vld [tilespmem:s15+$0xFFFFFFC0];
	[tilespmem:s16+$0x10] =	vst v25;
	v24 =	vmul.f32 v9, v24  }
0x111: {  	v25 =	vld [tilespmem:s18+$0xFFFFFF50];
	v26 =	vmul.f32 v13, v26;
	[tilespmem:s16+$0x60] =	vst v22  }
0x112: {  	v22 =	vld [tilespmem:s15+$0xFFFFFFD0];
	[tilespmem:s16+$0xB0] =	vst v24  }
0x113: {  	v24 =	vld [tilespmem:s18+$0xFFFFFFA0];
	[tilespmem:s16+$0xFFFFFED0] =	vst v26;
	v14 =	vmul.f32 v27, v14  }
0x114: {  	v26 =	vld [tilespmem:s15+$0xFFFFFFE0];
	v27 =	vadd.f32 v28, v29;
	[tilespmem:s13+$0x20] =	vst v20  }
0x115: {  	v20 =	vld [tilespmem:s18+$0xFFFFFFF0];
	[tilespmem:s16+$0x120] =	vst v14  }
0x116: {  	v14 =	vld [tilespmem:s15+$0xFFFFFFF0];
	v28 =	vmul.f32 $2.000000030e-01, v27;
	[tilespmem:s13+$0x70] =	vst v17  }
0x117: {  	v17 =	vadd.f32 v22, v25;
	v22 =	vld [tilespmem:s18+$0x40];
	[tilespmem:s13+$0xC0] =	vst v21  }
0x118: {  	v21 =	vld [tilespmem:s15+$0x0];
	v25 =	vmax.f32 v27, v28;
	[tilespmem:s13+$0xFFFFFEF0] =	vst v18  }
0x119: {  	v18 =	vmul.f32 $2.000000030e-01, v17;
	v24 =	vadd.f32 v26, v24;
	v26 =	vld [tilespmem:s18+$0x90];
	v25 =	vmul.f32 $1.442695020e+00, v25;
	[tilespmem:s13+$0xFFFFFF40] =	vst v19  }
0x11a: {  	v19 =	vld [tilespmem:s15+$0x10];
	[tilespmem:s13+$0xFFFFFF90] =	vst v15  }
0x11b: {  	v15 =	vmul.f32 $2.000000030e-01, v24;
	v14 =	vadd.f32 v14, v20;
	v20 =	vld [tilespmem:s18+$0xE0];
	(erf) = vpow2.f32 v25;
	[tilespmem:s13+$0xFFFFFFE0] =	vst v16  }
0x11c: {  	v16 =	vmax.f32 v17, v18;
	v17 =	vld [tilespmem:s15+$0x20];
	[tilespmem:s11+$0x30] =	vst v12  }
0x11d: {  	v12 =	vld [tilespmem:s18+$0xFFFFFF00];
	v15 =	vmax.f32 v24, v15;
	v18 =	vmul.f32 $2.000000030e-01, v14;
	v21 =	vadd.f32 v21, v22;
	[tilespmem:s11+$0x80] =	vst v11  }
0x11e: {  	v11 =	vmul.f32 $1.442695020e+00, v16;
	v15 =	vmul.f32 $1.442695020e+00, v15;
	v16 =	vld [tilespmem:s14+$0xFFFFFEE0];
	[tilespmem:s11+$0xD0] =	vst v10;
	s11 =	smov.u32 s13;
	s13 =	smov.u32 s16  }
0x11f: {  	v10 =	vmax.f32 v14, v18;
	v14 =	vmul.f32 $2.000000030e-01, v21;
	v18 =	vadd.f32 v19, v26;
	v19 =	vld [tilespmem:s14+$0xFFFFFF30]  }
0x120: {  	v10 =	vmul.f32 $1.442695020e+00, v10;
	(erf) = vpow2.f32 v11;
	v11 =	vld [tilespmem:s14+$0xFFFFFF80]  }
0x121: {  	v14 =	vmax.f32 v21, v14;
	v21 =	vmul.f32 $2.000000030e-01, v18;
	v17 =	vadd.f32 v17, v20;
	v20 =	vld [tilespmem:s14+$0xFFFFFFD0]  }
0x122: {  	v12 =	vadd.f32 v23, v12;
	v22 =	vmul.f32 $1.442695020e+00, v14;
	(erf) = vpow2.f32 v15;
	v15 =	vld [tilespmem:s14+$0x20]  }
0x123: {  	s16 =	sadd.s32 $0x280, s16;
	v24 =	vmax.f32 v18, v21;
	v18 =	vmul.f32 $2.000000030e-01, v17;
	(erf) = vpow2.f32 v10;
	v10 =	vld [tilespmem:s14+$0x70]  }
0x124: {  	v21 =	vmul.f32 $2.000000030e-01, v12;
	v23 =	vmul.f32 $1.442695020e+00, v24;
	v14 =	vpop (erf);
	v24 =	vld [tilespmem:s14+$0xC0]  }
0x125: {  	v16 =	vmul.f32 v16, v13;
	v17 =	vmax.f32 v17, v18;
	[tilespmem:s16+$0x130] =	vst v14;
	(erf) = vpow2.f32 v22;
	v18 =	vld [tilespmem:s12+$0x30]  }
0x126: {  	v12 =	vmax.f32 v12, v21;
	v17 =	vmul.f32 $1.442695020e+00, v17;
	v21 =	vld [tilespmem:s18+$0xF0];
	(erf) = vpow2.f32 v23  }
0x127: {  	v12 =	vmul.f32 $1.442695020e+00, v12;
	[tilespmem:s13+$0xFFFFFEE0] =	vst v16;
	v16 =	vmul.f32 v19, v4;
	v19 =	vld [tilespmem:s12+$0x80]  }
0x128: {  	v11 =	vmul.f32 v11, v6;
	(erf) = vpow2.f32 v17;
	v22 =	vld [tilespmem:s14+$0xFFFFFEF0]  }
0x129: {  	(erf) = vpow2.f32 v12;
	v23 =	vpop (erf);
	[tilespmem:s13+$0xFFFFFF30] =	vst v16;
	v16 =	vmul.f32 v20, v5;
	v25 =	vld [tilespmem:s12+$0xD0];
	s12 =	smov.u32 s14;
	s14 =	smov.u32 s18  }
0x12a: {  	v17 =	vmul.f32 v10, v8;
	v20 =	vmul.f32 v15, v7;
	[tilespmem:s16+$0xFFFFFF50] =	vst v23;
	v26 =	vld [tilespmem:s12+$0xFFFFFF40]  }
0x12b: {  	v15 =	vld [tilespmem:s18+$0xFFFFFF10];
	v10 =	vmul.f32 v14, v21;
	v27 =	vpop (erf);
	[tilespmem:s13+$0xFFFFFF80] =	vst v11;
	v21 =	vmul.f32 v24, v9  }
0x12c: {  	v12 =	vmul.f32 v18, v1;
	v1 =	vmov v7;
	[tilespmem:s16+$0xFFFFFFA0] =	vst v27;
	v24 =	vpop (erf);
	v28 =	vld [tilespmem:s12+$0xFFFFFF90];
	v11 =	vmul.f32 v19, v3  }
0x12d: {  	v3 =	vmov v8;
	v29 =	vld [tilespmem:s18+$0xFFFFFF60];
	[tilespmem:s16+$0xF0] =	vst v10;
	v18 =	vmul.f32 v22, v13  }
0x12e: {  	[tilespmem:s16+$0xFFFFFFF0] =	vst v24;
	v22 =	vld [tilespmem:s18+$0x100];
	v7 =	vpop (erf);
	v10 =	vmul.f32 v25, v2;
	v2 =	vmov v9  }
0x12f: {  	v25 =	vld [tilespmem:s18+$0xFFFFFFB0];
	[tilespmem:s16+$0x40] =	vst v7;
	v8 =	vpop (erf);
	v19 =	vmul.f32 v26, v4;
	v4 =	vmov v23  }
0x130: {  	v23 =	vmul.f32 v4, v15;
	v26 =	vld [tilespmem:s18+$0x0];
	[tilespmem:s16+$0x90] =	vst v8  }
0x131: {  	v30 =	vld [tilespmem:s18+$0x50];
	v9 =	vpop (erf);
	v15 =	vmul.f32 v28, v6;
	[tilespmem:s13+$0xFFFFFFD0] =	vst v16;
	v6 =	vmov v27  }
0x132: {  	v16 =	vmul.f32 v6, v29;
	[tilespmem:s16+$0xE0] =	vst v9;
	v13 =	vpop (erf);
	v27 =	vld [tilespmem:s12+$0xFFFFFFE0]  }
0x133: {  	[tilespmem:s16+$0xFFFFFF00] =	vst v13;
	v28 =	vld [tilespmem:s18+$0xA0];
	v22 =	vmul.f32 v14, v22  }
0x134: {  	v29 =	vld [tilespmem:s18+$0xFFFFFEC0];
	[tilespmem:s16+$0xFFFFFF10] =	vst v23;
	v23 =	vmul.f32 v24, v25  }
0x135: {  	v31 =	vld [tilespmem:s18+$0xFFFFFF20];
	v25 =	vmul.f32 v7, v26;
	[tilespmem:s16+$0x100] =	vst v22  }
0x136: {  	[tilespmem:s16+$0xFFFFFF60] =	vst v16;
	v26 =	vmul.f32 v8, v30;
	v30 =	vld [tilespmem:s18+$0x110]  }
0x137: {  	v32 =	vld [tilespmem:s18+$0xFFFFFF70];
	[tilespmem:s16+$0xFFFFFFB0] =	vst v23;
	v16 =	vmul.f32 v27, v5;
	v5 =	vmov v24  }
.Ltmp1:
0x138: {  	v22 =	vld [tilespmem:s18+$0xFFFFFFC0];
	[tilespmem:s16+$0x0] =	vst v25;
	v24 =	vmul.f32 v9, v28;
	(pc) =	sbr.rel @p1 .LBB2_5-.Ltmp1, $4  }
0x139: {  	v27 =	vmul.f32 v13, v29;
	v25 =	vld [tilespmem:s18+$0x10];
	[tilespmem:s16+$0x50] =	vst v26  }
0x13a: {  	v28 =	vmul.f32 v4, v31;
	v23 =	vld [tilespmem:s18+$0x60];
	[tilespmem:s16+$0xA0] =	vst v24  }
0x13b: {  	[tilespmem:s16+$0xFFFFFEC0] =	vst v27;
	v24 =	vld [tilespmem:s18+$0xB0];
	v27 =	vmul.f32 v30, v14  }
0x13c: {  	s18 =	sadd.s32 $0x280, s18;
	v26 =	vld [tilespmem:s14+$0xFFFFFED0];
	[tilespmem:s16+$0xFFFFFF20] =	vst v28;
	v28 =	vmul.f32 v6, v32  }
0x13d: {  	[tilespmem:s16+$0x110] =	vst v27  }
0x13e: {  	[tilespmem:s13+$0x20] =	vst v20  }
0x13f: {  	[tilespmem:s13+$0x70] =	vst v17  }
0x140: {  	[tilespmem:s13+$0xC0] =	vst v21;
	v27 =	vld [tilespmem:s14+$0x120]  }
0x141: {  	v22 =	vmul.f32 v5, v22;
	[tilespmem:s13+$0xFFFFFEF0] =	vst v18  }
0x142: {  	[tilespmem:s13+$0xFFFFFF90] =	vst v15  }
0x143: {  	[tilespmem:s16+$0xFFFFFFC0] =	vst v22;
	v22 =	vmul.f32 v8, v23  }
0x144: {  	[tilespmem:s13+$0xFFFFFFE0] =	vst v16;
	v23 =	vmul.f32 v9, v24;
	v24 =	vmul.f32 v13, v26  }
0x145: {  	[tilespmem:s11+$0x30] =	vst v12;
	v14 =	vmul.f32 v27, v14  }
0x146: {  	v17 =	vld [tilespmem:s14+$0xFFFFFF30];
	[tilespmem:s16+$0xFFFFFED0] =	vst v24  }
0x147: {  	[tilespmem:s16+$0x120] =	vst v14;
	v14 =	vld [tilespmem:s14+$0xFFFFFEE0]  }
0x148: {  	[tilespmem:s16+$0xFFFFFF70] =	vst v28;
	v25 =	vmul.f32 v7, v25  }
0x149: {  	[tilespmem:s11+$0x80] =	vst v11;
	v18 =	vld [tilespmem:s14+$0xFFFFFF80]  }
0x14a: {  	[tilespmem:s16+$0x10] =	vst v25  }
0x14b: {  	v15 =	vld [tilespmem:s14+$0xFFFFFFD0];
	[tilespmem:s16+$0x60] =	vst v22;
	v16 =	vmul.f32 v17, v4  }
0x14c: {  	v12 =	vld [tilespmem:s14+$0x20];
	[tilespmem:s16+$0xB0] =	vst v23;
	v14 =	vmul.f32 v14, v13  }
0x14d: {  	v11 =	vld [tilespmem:s14+$0x70];
	[tilespmem:s16+$0xFFFFFF30] =	vst v16  }
0x14e: {  	v17 =	vld [tilespmem:s14+$0xC0];
	[tilespmem:s16+$0xFFFFFEE0] =	vst v14;
	v14 =	vmul.f32 v18, v6  }
0x14f: {  	[tilespmem:s13+$0xFFFFFF40] =	vst v19;
	v16 =	vld [tilespmem:s14+$0xFFFFFF40]  }
0x150: {  	v15 =	vmul.f32 v15, v5;
	v18 =	vld [tilespmem:s14+$0xFFFFFEF0];
	[tilespmem:s16+$0xFFFFFF80] =	vst v14  }
0x151: {  	[tilespmem:s11+$0xD0] =	vst v10;
	v12 =	vmul.f32 v12, v7;
	v14 =	vld [tilespmem:s14+$0xFFFFFF90]  }
0x152: {  	[tilespmem:s16+$0xFFFFFFD0] =	vst v15;
	v10 =	vmul.f32 v11, v8;
	v15 =	vld [tilespmem:s12+$0x30]  }
0x153: {  	v11 =	vld [tilespmem:s14+$0xFFFFFFE0];
	v17 =	vmul.f32 v17, v9;
	[tilespmem:s16+$0x20] =	vst v12  }
0x154: {  	[tilespmem:s16+$0x70] =	vst v10;
	v10 =	vld [tilespmem:s12+$0xD0];
	v4 =	vmul.f32 v16, v4  }
0x155: {  	v12 =	vld [tilespmem:s12+$0x80];
	[tilespmem:s16+$0xC0] =	vst v17;
	v13 =	vmul.f32 v18, v13  }
0x156: {  	[tilespmem:s16+$0xFFFFFF40] =	vst v4;
	v4 =	vld [tilespmem:s14+$0x80];
	v6 =	vmul.f32 v14, v6  }
0x157: {  	v1 =	vmul.f32 v15, v1;
	[tilespmem:s16+$0xFFFFFEF0] =	vst v13;
	v13 =	vld [tilespmem:s14+$0x30]  }
0x158: {  	v5 =	vmul.f32 v11, v5;
	[tilespmem:s16+$0xFFFFFF90] =	vst v6;
	v6 =	vld [tilespmem:s14+$0xD0]  }
0x159: {  	v2 =	vmul.f32 v10, v2;
	[tilespmem:s13+$0x30] =	vst v1  }
0x15a: {  	v3 =	vmul.f32 v12, v3;
	[tilespmem:s16+$0xFFFFFFE0] =	vst v5  }
0x15b: {  	[tilespmem:s13+$0xD0] =	vst v2;
	v2 =	vmul.f32 v4, v8  }
0x15c: {  	s15 =	smul.u32 $0x280, s7;
	[tilespmem:s13+$0x80] =	vst v3;
	v1 =	vmul.f32 v13, v7  }
0x15d: {  	[tilespmem:s16+$0x80] =	vst v2;
	v3 =	vmul.f32 v6, v9  }
0x15e: {  	s11 =	sshra.s32 s15, $0x2;
	[tilespmem:s16+$0x30] =	vst v1  }
0x15f: {  	p1 =	seq.s32 s7, $0x7C;
	s11 =	sadd.s32 $0x11620, s11;
	[tilespmem:s16+$0xD0] =	vst v3  }
0x160: {  	[spmem:s2] =	stream.indirect.scatter.add.f32 [tilespmem:s29], [sflag:$0x5], $0x50, s11, s26, $0xb8;
	[tilespmem:$0x1E640] =	vst v63  }
0x161: {  	s12 =	simm.s32 @!p1 $0x50;
	s13 =	simm.s32 @!p1 $0x16440;
	s11 =	sadd.s32 @!p1 $0xC8A0, s10  }
0x162: {  	[tilespmem:s13], [sflag:$0x1] =	stream.indirect.gather @!p1 [hbm4b:s5+s12], $0x50, s11, s12, $0xb8;
	[tilespmem:$0x1E640] =	vst v63  }
0x163: {  	s10 =	sadd.s32 @!p1 $0x116C0, s10;
	s11 =	simm.s32 @!p1 $0x19640  }
0x164: {  	[tilespmem:s11], [sflag:$0x2] =	stream.indirect.gather @!p1 [hbm4b:s1+s12], $0x10, s10, s12, $0xb8;
	[tilespmem:$0x1E640] =	vst v63  }
0x165: {  	_ =	swait.ge [sflag:s3], $0x1900  }
0x166: {  	[sflag:s3] =	ssyncset.done $0x0  }
0x167: {  	[sflag:s3] =	ssyncadd.s32 $0xFFFFE700  }
0x168: {  	_ =	swait.ge [sflag:s4], $0x500  }
0x169: {  	[sflag:s4] =	ssyncset.done $0x0  }
0x16a: {  	s10 =	simm.s32 @!p0 $0x6;
	[sflag:s4] =	ssyncadd.s32 $0xFFFFFB00  }
0x16b: {  	_ =	swait.ge @!p0 [sflag:s10], $0x1900  }
0x16c: {  	[sflag:s10] =	ssyncset.done @!p0 $0x0  }
0x16d: {  	s16 =	simm.s32 $0x17E80;
	[sflag:s10] =	ssyncadd.s32 @!p0 $0xFFFFE700  }
0x16e: {  	s17 =	simm.s32 $0x19B80;
	v1 =	vld [tilespmem:s16+$0x130]  }
0x16f: {  	v2 =	vld [tilespmem:s17+$0x30]  }
0x170: {  	v3 =	vld [tilespmem:s17+$0xFFFFFFC0]  }
0x171: {  	v4 =	vld [tilespmem:s16+$0xFFFFFF50]  }
0x172: {  	v5 =	vld [tilespmem:s17+$0xFFFFFFD0]  }
0x173: {  	v6 =	vld [tilespmem:s16+$0xFFFFFFA0]  }
0x174: {  	v7 =	vld [tilespmem:s17+$0xFFFFFFE0]  }
0x175: {  	v8 =	vld [tilespmem:s17+$0xFFFFFFF0]  }
0x176: {  	v10 =	vld [tilespmem:s16+$0x40]  }
0x177: {  	v11 =	vld [tilespmem:s17+$0x0]  }
0x178: {  	s11 =	simm.s32 $0x18100;
	v12 =	vld [tilespmem:s16+$0xE0]  }
0x179: {  	v17 =	vld [tilespmem:s11+$0x130];
	v1 =	vadd.f32 v2, v1  }
0x17a: {  	s18 =	simm.s32 $0x19C00;
	v2 =	vld [tilespmem:s16+$0xFFFFFFF0]  }
0x17b: {  	v18 =	vld [tilespmem:s18+$0x30];
	v9 =	vmul.f32 $2.000000030e-01, v1  }
0x17c: {  	v19 =	vld [tilespmem:s18+$0xFFFFFFC0];
	v4 =	vadd.f32 v5, v4  }
0x17d: {  	v5 =	vld [tilespmem:s16+$0x90];
	v1 =	vmax.f32 v1, v9  }
0x17e: {  	v6 =	vadd.f32 v7, v6;
	v7 =	vld [tilespmem:s17+$0x10];
	v9 =	vmul.f32 $2.000000030e-01, v4;
	v1 =	vmul.f32 $1.442695020e+00, v1  }
0x17f: {  	v2 =	vadd.f32 v8, v2;
	v8 =	vld [tilespmem:s17+$0x20]  }
0x180: {  	v4 =	vmax.f32 v4, v9;
	v9 =	vld [tilespmem:s16+$0xFFFFFF00];
	(erf) = vpow2.f32 v1;
	v1 =	vmul.f32 $2.000000030e-01, v6  }
0x181: {  	v20 =	vld [tilespmem:s11+$0xFFFFFF50];
	v10 =	vadd.f32 v11, v10  }
0x182: {  	v21 =	vld [tilespmem:s18+$0xFFFFFFD0];
	v4 =	vmul.f32 $1.442695020e+00, v4;
	v1 =	vmax.f32 v6, v1;
	v6 =	vmul.f32 $2.000000030e-01, v2  }
0x183: {  	v22 =	vld [tilespmem:s11+$0xFFFFFFA0];
	v5 =	vadd.f32 v7, v5  }
0x184: {  	v23 =	vld [tilespmem:s18+$0xFFFFFFE0];
	(erf) = vpow2.f32 v4;
	v2 =	vmax.f32 v2, v6;
	v6 =	vmul.f32 $2.000000030e-01, v10  }
0x185: {  	v24 =	vld [tilespmem:s18+$0xFFFFFFF0];
	v1 =	vmul.f32 $1.442695020e+00, v1;
	v7 =	vadd.f32 v8, v12;
	v3 =	vadd.f32 v3, v9  }
0x186: {  	v26 =	vld [tilespmem:s11+$0x40];
	v2 =	vmul.f32 $1.442695020e+00, v2;
	v4 =	vmax.f32 v10, v6;
	v6 =	vmul.f32 $2.000000030e-01, v5  }
0x187: {  	s13 =	simm.s32 $0x18380;
	v27 =	vld [tilespmem:s18+$0x10];
	v9 =	vmul.f32 $2.000000030e-01, v7;
	(erf) = vpow2.f32 v1  }
0x188: {  	s14 =	simm.s32 $0x19C80;
	v33 =	vld [tilespmem:s13+$0x130];
	v8 =	vmul.f32 $1.442695020e+00, v4;
	v1 =	vmax.f32 v5, v6;
	v5 =	vmul.f32 $2.000000030e-01, v3  }
0x189: {  	v34 =	vld [tilespmem:s14+$0x30];
	v4 =	vpop (erf);
	(erf) = vpow2.f32 v2;
	v1 =	vmul.f32 $1.442695020e+00, v1;
	v2 =	vmax.f32 v7, v9  }
0x18a: {  	s10 =	simm.s32 $0x1BA80;
	v35 =	vld [tilespmem:s14+$0xFFFFFFC0];
	(erf) = vpow2.f32 v8;
	v3 =	vmax.f32 v3, v5;
	v2 =	vmul.f32 $1.442695020e+00, v2  }
0x18b: {  	v36 =	vld [tilespmem:s13+$0xFFFFFF50];
	[tilespmem:s10+$0x130] =	vst v4;
	(erf) = vpow2.f32 v1;
	v1 =	vmul.f32 $1.442695020e+00, v3  }
0x18c: {  	v6 =	vld [tilespmem:s16+$0xF0];
	(erf) = vpow2.f32 v2  }
0x18d: {  	v37 =	vld [tilespmem:s14+$0xFFFFFFD0];
	(erf) = vpow2.f32 v1  }
0x18e: {  	v38 =	vld [tilespmem:s13+$0xFFFFFFA0]  }
0x18f: {  	v56 =	vld [tilespmem:s13+$0xFFFFFFF0]  }
0x190: {  	v57 =	vld [tilespmem:s13+$0x40];
	v5 =	vpop (erf)  }
0x191: {  	v17 =	vadd.f32 v18, v17;
	v18 =	vld [tilespmem:s11+$0xFFFFFFF0];
	[tilespmem:s10+$0xFFFFFF50] =	vst v5;
	v7 =	vpop (erf);
	v1 =	vmul.f32 v4, v6  }
0x192: {  	v2 =	vld [tilespmem:s16+$0xFFFFFF10];
	[tilespmem:s10+$0xFFFFFFA0] =	vst v7;
	v6 =	vpop (erf)  }
0x193: {  	v3 =	vld [tilespmem:s16+$0xFFFFFF60];
	[tilespmem:s10+$0xF0] =	vst v1;
	v12 =	vpop (erf)  }
0x194: {  	v1 =	vld [tilespmem:s16+$0x100];
	[tilespmem:s10+$0xFFFFFFF0] =	vst v6;
	v11 =	vpop (erf)  }
0x195: {  	v9 =	vld [tilespmem:s16+$0xFFFFFFB0];
	[tilespmem:s10+$0x40] =	vst v12;
	v10 =	vpop (erf)  }
0x196: {  	v13 =	vld [tilespmem:s16+$0x0];
	[tilespmem:s10+$0xE0] =	vst v10;
	v8 =	vpop (erf)  }
0x197: {  	[tilespmem:s10+$0xFFFFFF00] =	vst v8;
	v15 =	vld [tilespmem:s16+$0xA0]  }
0x198: {  	v2 =	vmul.f32 v5, v2;
	[tilespmem:s10+$0x90] =	vst v11;
	v16 =	vld [tilespmem:s16+$0xFFFFFEC0]  }
0x199: {  	v14 =	vld [tilespmem:s16+$0x50];
	v1 =	vmul.f32 v4, v1  }
0x19a: {  	v20 =	vadd.f32 v21, v20;
	v21 =	vld [tilespmem:s18+$0x0];
	v3 =	vmul.f32 v7, v3;
	[tilespmem:s10+$0xFFFFFF10] =	vst v2  }
0x19b: {  	v22 =	vadd.f32 v23, v22;
	v23 =	vld [tilespmem:s11+$0x90];
	[tilespmem:s10+$0x100] =	vst v1;
	v1 =	vmul.f32 v12, v13  }
0x19c: {  	v25 =	vmul.f32 $2.000000030e-01, v17;
	[tilespmem:s10+$0xFFFFFF60] =	vst v3;
	v2 =	vmul.f32 v6, v9;
	v9 =	vld [tilespmem:s16+$0xFFFFFF20]  }
0x19d: {  	v3 =	vld [tilespmem:s16+$0x110];
	[tilespmem:s10+$0x0] =	vst v1;
	v1 =	vmul.f32 v10, v15;
	v15 =	vmul.f32 v8, v16  }
0x19e: {  	v13 =	vmul.f32 v11, v14;
	v14 =	vld [tilespmem:s16+$0xFFFFFF70]  }
0x19f: {  	v17 =	vmax.f32 v17, v25;
	v16 =	vld [tilespmem:s16+$0x10];
	[tilespmem:s10+$0xFFFFFEC0] =	vst v15  }
0x1a0: {  	v25 =	vmul.f32 $2.000000030e-01, v20;
	v17 =	vmul.f32 $1.442695020e+00, v17;
	[tilespmem:s10+$0xFFFFFFB0] =	vst v2;
	v15 =	vld [tilespmem:s16+$0xFFFFFED0]  }
0x1a1: {  	v28 =	vmul.f32 $2.000000030e-01, v22;
	v18 =	vadd.f32 v24, v18;
	v24 =	vld [tilespmem:s11+$0xE0];
	[tilespmem:s10+$0x50] =	vst v13;
	v9 =	vmul.f32 v5, v9  }
0x1a2: {  	(erf) = vpow2.f32 v17;
	v17 =	vmax.f32 v20, v25;
	v20 =	vld [tilespmem:s18+$0x20];
	[tilespmem:s10+$0xA0] =	vst v1;
	v3 =	vmul.f32 v3, v4  }
0x1a3: {  	v2 =	vld [tilespmem:s16+$0xFFFFFFC0];
	v14 =	vmul.f32 v7, v14;
	[tilespmem:s10+$0xFFFFFF20] =	vst v9  }
0x1a4: {  	v22 =	vmax.f32 v22, v28;
	v28 =	vmul.f32 $2.000000030e-01, v18;
	v25 =	vld [tilespmem:s11+$0xFFFFFF00];
	v16 =	vmul.f32 v12, v16;
	[tilespmem:s10+$0x110] =	vst v3  }
0x1a5: {  	v21 =	vadd.f32 v21, v26;
	v13 =	vld [tilespmem:s16+$0x60];
	v9 =	vmul.f32 $1.442695020e+00, v17;
	[tilespmem:s10+$0xFFFFFF70] =	vst v14;
	v15 =	vmul.f32 v8, v15  }
0x1a6: {  	v1 =	vld [tilespmem:s16+$0xB0];
	v17 =	vmul.f32 $1.442695020e+00, v22;
	v22 =	vadd.f32 v27, v23;
	[tilespmem:s10+$0x10] =	vst v16  }
0x1a7: {  	(erf) = vpow2.f32 v9;
	v14 =	vld [tilespmem:s16+$0x120];
	[tilespmem:s10+$0xFFFFFED0] =	vst v15;
	v15 =	vmax.f32 v18, v28;
	v18 =	vmul.f32 $2.000000030e-01, v21  }
0x1a8: {  	v20 =	vadd.f32 v20, v24;
	v2 =	vmul.f32 v6, v2;
	v23 =	vld [tilespmem:s16+$0x20];
	v15 =	vmul.f32 $1.442695020e+00, v15  }
0x1a9: {  	v58 =	vld [tilespmem:s13+$0xFFFFFF00];
	(erf) = vpow2.f32 v17;
	v9 =	vmax.f32 v21, v18;
	v18 =	vmul.f32 $2.000000030e-01, v22  }
0x1aa: {  	v19 =	vadd.f32 v19, v25;
	v13 =	vmul.f32 v11, v13;
	[tilespmem:s10+$0xFFFFFFC0] =	vst v2;
	v2 =	vld [tilespmem:s16+$0xFFFFFF30];
	(erf) = vpow2.f32 v15  }
0x1ab: {  	v17 =	vmul.f32 $2.000000030e-01, v20;
	v3 =	vld [tilespmem:s16+$0xFFFFFEE0];
	v21 =	vmul.f32 $1.442695020e+00, v9;
	v9 =	vmax.f32 v22, v18  }
0x1ac: {  	v1 =	vmul.f32 v10, v1;
	v16 =	vld [tilespmem:s16+$0xFFFFFF80];
	[tilespmem:s10+$0x60] =	vst v13;
	v15 =	vmul.f32 $2.000000030e-01, v19  }
0x1ad: {  	v17 =	vmax.f32 v20, v17;
	v20 =	vld [tilespmem:s16+$0x70];
	v4 =	vmul.f32 v14, v4;
	v14 =	vmul.f32 v23, v12  }
0x1ae: {  	s12 =	simm.s32 $0x1BD00;
	v23 =	vld [tilespmem:s14+$0xFFFFFFE0];
	v22 =	vmul.f32 $1.442695020e+00, v9;
	v13 =	vmax.f32 v19, v15;
	v15 =	vmul.f32 $1.442695020e+00, v17;
	v9 =	vpop (erf)  }
0x1af: {  	v2 =	vmul.f32 v2, v5;
	v18 =	vld [tilespmem:s16+$0xFFFFFFD0];
	[tilespmem:s12+$0x130] =	vst v9  }
0x1b0: {  	[tilespmem:s10+$0xB0] =	vst v1;
	(erf) = vpow2.f32 v21;
	v3 =	vmul.f32 v3, v8;
	v17 =	vpop (erf);
	v19 =	vld [tilespmem:s11+$0xF0]  }
0x1b1: {  	v1 =	vmul.f32 $1.442695020e+00, v13;
	v13 =	vld [tilespmem:s16+$0xC0];
	(erf) = vpow2.f32 v22;
	[tilespmem:s12+$0xFFFFFF50] =	vst v17  }
0x1b2: {  	[tilespmem:s10+$0xFFFFFF30] =	vst v2;
	(erf) = vpow2.f32 v15;
	v15 =	vpop (erf);
	v24 =	vld [tilespmem:s11+$0xFFFFFF10]  }
0x1b3: {  	v22 =	vld [tilespmem:s16+$0xFFFFFF40];
	[tilespmem:s10+$0xFFFFFEE0] =	vst v3;
	v3 =	vmul.f32 v16, v7;
	(erf) = vpow2.f32 v1;
	v16 =	vpop (erf)  }
0x1b4: {  	v21 =	vld [tilespmem:s16+$0xFFFFFEF0];
	v18 =	vmul.f32 v18, v6;
	[tilespmem:s12+$0xFFFFFFF0] =	vst v16  }
0x1b5: {  	[tilespmem:s12+$0xFFFFFFA0] =	vst v15;
	v1 =	vmul.f32 v9, v19;
	v27 =	vld [tilespmem:s11+$0xFFFFFFB0]  }
0x1b6: {  	v25 =	vld [tilespmem:s11+$0xFFFFFF60];
	[tilespmem:s10+$0xFFFFFFD0] =	vst v18  }
0x1b7: {  	v30 =	vld [tilespmem:s16+$0xFFFFFFE0];
	v24 =	vmul.f32 v17, v24;
	[tilespmem:s12+$0xF0] =	vst v1  }
0x1b8: {  	[tilespmem:s10+$0xFFFFFF80] =	vst v3;
	v26 =	vld [tilespmem:s11+$0x100]  }
0x1b9: {  	v19 =	vld [tilespmem:s16+$0xFFFFFF90];
	[tilespmem:s12+$0xFFFFFF10] =	vst v24;
	v1 =	vpop (erf)  }
0x1ba: {  	[tilespmem:s12+$0x40] =	vst v1;
	v3 =	vpop (erf);
	v24 =	vmul.f32 v16, v27;
	v27 =	vld [tilespmem:s11+$0xFFFFFF20]  }
0x1bb: {  	v28 =	vld [tilespmem:s11+$0x0];
	[tilespmem:s12+$0x90] =	vst v3;
	v2 =	vpop (erf)  }
0x1bc: {  	v25 =	vmul.f32 v15, v25;
	v29 =	vld [tilespmem:s11+$0x50];
	[tilespmem:s12+$0xE0] =	vst v2;
	v18 =	vpop (erf)  }
0x1bd: {  	[tilespmem:s12+$0xFFFFFF00] =	vst v18;
	v31 =	vld [tilespmem:s11+$0xA0];
	v26 =	vmul.f32 v9, v26  }
0x1be: {  	[tilespmem:s12+$0xFFFFFF60] =	vst v25;
	v32 =	vld [tilespmem:s11+$0xFFFFFEC0]  }
0x1bf: {  	v7 =	vmul.f32 v19, v7;
	v19 =	vld [tilespmem:s14+$0xFFFFFFF0];
	[tilespmem:s12+$0x100] =	vst v26  }
0x1c0: {  	[tilespmem:s12+$0xFFFFFFB0] =	vst v24;
	v26 =	vmul.f32 v1, v28;
	v25 =	vld [tilespmem:s11+$0x110]  }
0x1c1: {  	v24 =	vld [tilespmem:s11+$0xFFFFFFC0];
	v28 =	vmul.f32 v3, v29  }
0x1c2: {  	v29 =	vld [tilespmem:s11+$0xFFFFFF70];
	[tilespmem:s12+$0x0] =	vst v26;
	v26 =	vmul.f32 v2, v31  }
0x1c3: {  	v8 =	vmul.f32 v21, v8;
	v21 =	vadd.f32 v34, v33;
	v31 =	vmul.f32 v18, v32;
	v55 =	vld [tilespmem:s11+$0x10];
	[tilespmem:s12+$0x50] =	vst v28  }
0x1c4: {  	v5 =	vmul.f32 v22, v5;
	v22 =	vmul.f32 v17, v27;
	v28 =	vld [tilespmem:s11+$0x60];
	[tilespmem:s12+$0xA0] =	vst v26  }
0x1c5: {  	v27 =	vmul.f32 $2.000000030e-01, v21;
	[tilespmem:s12+$0xFFFFFEC0] =	vst v31;
	v26 =	vld [tilespmem:s11+$0xB0];
	v25 =	vmul.f32 v25, v9  }
0x1c6: {  	[tilespmem:s10+$0x120] =	vst v4;
	v20 =	vmul.f32 v20, v11;
	v31 =	vld [tilespmem:s11+$0xFFFFFED0]  }
0x1c7: {  	v4 =	vmul.f32 v30, v6;
	v21 =	vmax.f32 v21, v27;
	v6 =	vmul.f32 v15, v29;
	v29 =	vld [tilespmem:s14+$0x0];
	[tilespmem:s12+$0x110] =	vst v25  }
0x1c8: {  	[tilespmem:s12+$0xFFFFFF20] =	vst v22;
	v22 =	vmul.f32 v16, v24;
	v21 =	vmul.f32 $1.442695020e+00, v21;
	v25 =	vld [tilespmem:s11+$0x120]  }
0x1c9: {  	v13 =	vmul.f32 v13, v10;
	v30 =	vld [tilespmem:s14+$0x10];
	v27 =	vadd.f32 v37, v36;
	[tilespmem:s12+$0xFFFFFF70] =	vst v6;
	v6 =	vmul.f32 v1, v55  }
0x1ca: {  	v23 =	vadd.f32 v23, v38;
	v24 =	vld [tilespmem:s13+$0x90];
	[tilespmem:s12+$0xFFFFFFC0] =	vst v22;
	(erf) = vpow2.f32 v21;
	v22 =	vmul.f32 v3, v28  }
0x1cb: {  	v19 =	vadd.f32 v19, v56;
	v21 =	vld [tilespmem:s14+$0x20];
	[tilespmem:s12+$0x10] =	vst v6;
	v6 =	vmul.f32 $2.000000030e-01, v27;
	v26 =	vmul.f32 v2, v26  }
0x1cc: {  	v28 =	vmul.f32 v18, v31;
	v31 =	vld [tilespmem:s13+$0xE0];
	[tilespmem:s12+$0x60] =	vst v22;
	v22 =	vmul.f32 $2.000000030e-01, v23;
	v29 =	vadd.f32 v29, v57  }
0x1cd: {  	[tilespmem:s10+$0x20] =	vst v14;
	v6 =	vmax.f32 v27, v6;
	v9 =	vmul.f32 v25, v9;
	v25 =	vmul.f32 $2.000000030e-01, v19  }
0x1ce: {  	[tilespmem:s12+$0xB0] =	vst v26;
	v27 =	vld [tilespmem:s11+$0x20];
	v22 =	vmax.f32 v23, v22;
	v6 =	vmul.f32 $1.442695020e+00, v6;
	v26 =	vmul.f32 $2.000000030e-01, v29  }
0x1cf: {  	[tilespmem:s12+$0xFFFFFED0] =	vst v28;
	v28 =	vld [tilespmem:s11+$0x70];
	v14 =	vmul.f32 $1.442695020e+00, v22;
	v22 =	vadd.f32 v30, v24;
	v19 =	vmax.f32 v19, v25  }
0x1d0: {  	v23 =	vld [tilespmem:s11+$0xFFFFFEE0];
	[tilespmem:s12+$0x120] =	vst v9;
	(erf) = vpow2.f32 v6;
	v9 =	vmul.f32 $1.442695020e+00, v19;
	v19 =	vmax.f32 v29, v26  }
0x1d1: {  	[tilespmem:s10+$0x70] =	vst v20;
	v24 =	vld [tilespmem:s11+$0xFFFFFF30];
	v20 =	vmul.f32 $2.000000030e-01, v22;
	v21 =	vadd.f32 v21, v31;
	v26 =	vadd.f32 v35, v58  }
0x1d2: {  	[tilespmem:s10+$0xC0] =	vst v13;
	v6 =	vld [tilespmem:s11+$0xFFFFFF80];
	(erf) = vpow2.f32 v14;
	v13 =	vmul.f32 $1.442695020e+00, v19  }
0x1d3: {  	[tilespmem:s10+$0xFFFFFEF0] =	vst v8;
	v25 =	vld [tilespmem:s11+$0xFFFFFFD0];
	v8 =	vmax.f32 v22, v20;
	v19 =	vmul.f32 $2.000000030e-01, v21;
	v20 =	vmul.f32 $2.000000030e-01, v26  }
0x1d4: {  	s15 =	simm.s32 $0x1BF80;
	[tilespmem:s10+$0xFFFFFF40] =	vst v5;
	v29 =	vld [tilespmem:s11+$0xC0];
	(erf) = vpow2.f32 v9;
	v14 =	vpop (erf);
	v5 =	vmul.f32 $1.442695020e+00, v8  }
0x1d5: {  	v22 =	vld [tilespmem:s16+$0xD0];
	[tilespmem:s15+$0x130] =	vst v14;
	(erf) = vpow2.f32 v13;
	v9 =	vmul.f32 v23, v18;
	v8 =	vmax.f32 v21, v19  }
0x1d6: {  	[tilespmem:s10+$0xFFFFFF90] =	vst v7;
	v7 =	vmax.f32 v26, v20;
	v13 =	vld [tilespmem:s13+$0xF0];
	v8 =	vmul.f32 $1.442695020e+00, v8;
	(erf) = vpow2.f32 v5  }
0x1d7: {  	[tilespmem:s10+$0xFFFFFFE0] =	vst v4;
	v19 =	vld [tilespmem:s16+$0x30];
	v5 =	vmul.f32 $1.442695020e+00, v7;
	v7 =	vmul.f32 v24, v17  }
0x1d8: {  	v20 =	vld [tilespmem:s16+$0x80];
	[tilespmem:s12+$0xFFFFFEE0] =	vst v9;
	(erf) = vpow2.f32 v8  }
0x1d9: {  	v21 =	vld [tilespmem:s11+$0xFFFFFEF0];
	v8 =	vmul.f32 v6, v15;
	[tilespmem:s12+$0xFFFFFF30] =	vst v7;
	(erf) = vpow2.f32 v5;
	v4 =	vpop (erf)  }
0x1da: {  	v23 =	vld [tilespmem:s11+$0xFFFFFF40];
	[tilespmem:s15+$0xFFFFFF50] =	vst v4  }
0x1db: {  	v7 =	vmul.f32 v14, v13;
	v6 =	vpop (erf);
	[tilespmem:s12+$0xFFFFFF80] =	vst v8;
	v24 =	vld [tilespmem:s13+$0xFFFFFF10]  }
0x1dc: {  	v13 =	vmul.f32 v25, v16;
	[tilespmem:s15+$0xFFFFFFA0] =	vst v6;
	v26 =	vld [tilespmem:s11+$0xFFFFFF90]  }
0x1dd: {  	v30 =	vld [tilespmem:s13+$0xFFFFFF60];
	[tilespmem:s15+$0xF0] =	vst v7  }
0x1de: {  	v5 =	vpop (erf);
	[tilespmem:s12+$0xFFFFFFD0] =	vst v13;
	v31 =	vld [tilespmem:s13+$0x100]  }
0x1df: {  	[tilespmem:s15+$0xFFFFFFF0] =	vst v5;
	v61 =	vld [tilespmem:s11+$0xFFFFFFE0];
	v7 =	vpop (erf)  }
0x1e0: {  	v25 =	vld [tilespmem:s13+$0xFFFFFFB0];
	[tilespmem:s15+$0x40] =	vst v7;
	v8 =	vpop (erf)  }
0x1e1: {  	v59 =	vld [tilespmem:s13+$0x0];
	[tilespmem:s15+$0x90] =	vst v8;
	v9 =	vpop (erf)  }
0x1e2: {  	v24 =	vmul.f32 v4, v24;
	v60 =	vld [tilespmem:s13+$0x50];
	[tilespmem:s15+$0xE0] =	vst v9;
	v13 =	vpop (erf)  }
0x1e3: {  	v12 =	vmul.f32 v19, v12;
	v19 =	vmul.f32 v14, v31;
	[tilespmem:s15+$0xFFFFFF00] =	vst v13;
	v62 =	vld [tilespmem:s13+$0xA0]  }
0x1e4: {  	v11 =	vmul.f32 v20, v11;
	v20 =	vmul.f32 v6, v30;
	[tilespmem:s15+$0xFFFFFF10] =	vst v24;
	v24 =	vld [tilespmem:s13+$0xFFFFFEC0]  }
0x1e5: {  	v18 =	vmul.f32 v21, v18;
	v21 =	vmul.f32 v5, v25;
	v30 =	vld [tilespmem:s13+$0xFFFFFF20];
	[tilespmem:s15+$0x100] =	vst v19  }
0x1e6: {  	v10 =	vmul.f32 v22, v10;
	[tilespmem:s15+$0xFFFFFF60] =	vst v20;
	v22 =	vmul.f32 v7, v59;
	v31 =	vld [tilespmem:s13+$0x110]  }
0x1e7: {  	v19 =	vmul.f32 v23, v17;
	v63 =	vld [tilespmem:s13+$0xFFFFFF70];
	[tilespmem:s15+$0xFFFFFFB0] =	vst v21;
	v23 =	vmul.f32 v8, v60  }
0x1e8: {  	v20 =	vmul.f32 v27, v1;
	[tilespmem:s15+$0x0] =	vst v22;
	v22 =	vld [tilespmem:s13+$0xFFFFFFC0];
	v27 =	vmul.f32 v9, v62  }
0x1e9: {  	v15 =	vmul.f32 v26, v15;
	[tilespmem:s15+$0x50] =	vst v23;
	v25 =	vld [tilespmem:s13+$0x10];
	v24 =	vmul.f32 v13, v24  }
0x1ea: {  	v17 =	vmul.f32 v28, v3;
	v28 =	vmul.f32 v4, v30;
	v23 =	vld [tilespmem:s13+$0x60];
	[tilespmem:s15+$0xA0] =	vst v27  }
0x1eb: {  	v16 =	vmul.f32 v61, v16;
	v27 =	vmul.f32 v31, v14;
	[tilespmem:s15+$0xFFFFFEC0] =	vst v24;
	v24 =	vld [tilespmem:s13+$0xB0]  }
0x1ec: {  	s17 =	simm.s32 $0x18600;
	s16 =	simm.s32 $0x10;
	v21 =	vmul.f32 v29, v2;
	[tilespmem:s15+$0xFFFFFF20] =	vst v28;
	v28 =	vmul.f32 v6, v63;
	v26 =	vld [tilespmem:s13+$0xFFFFFED0]  }
.LBB2_7:
0x1ed: {  	v29 =	vld [tilespmem:s17+$0x130];
	v22 =	vmul.f32 v5, v22;
	[tilespmem:s15+$0x110] =	vst v27  }
0x1ee: {  	s14 =	sadd.s32 $0x80, s14;
	[tilespmem:s15+$0xFFFFFF70] =	vst v28;
	v25 =	vmul.f32 v7, v25;
	v27 =	vld [tilespmem:s13+$0x120]  }
0x1ef: {  	s16 =	sadd.s32 $0x8, s16;
	v28 =	vld [tilespmem:s14+$0x30];
	[tilespmem:s15+$0xFFFFFFC0] =	vst v22;
	v22 =	vmul.f32 v8, v23  }
0x1f0: {  	p0 =	slt.u32 s16, $0x48;
	v23 =	vld [tilespmem:s14+$0xFFFFFFC0];
	[tilespmem:s15+$0x10] =	vst v25;
	v24 =	vmul.f32 v9, v24  }
0x1f1: {  	v25 =	vld [tilespmem:s17+$0xFFFFFF50];
	v26 =	vmul.f32 v13, v26;
	[tilespmem:s15+$0x60] =	vst v22  }
0x1f2: {  	v22 =	vld [tilespmem:s14+$0xFFFFFFD0];
	[tilespmem:s15+$0xB0] =	vst v24  }
0x1f3: {  	v24 =	vld [tilespmem:s17+$0xFFFFFFA0];
	[tilespmem:s15+$0xFFFFFED0] =	vst v26;
	v14 =	vmul.f32 v27, v14  }
0x1f4: {  	v26 =	vld [tilespmem:s14+$0xFFFFFFE0];
	v27 =	vadd.f32 v28, v29;
	[tilespmem:s12+$0x20] =	vst v20  }
0x1f5: {  	v20 =	vld [tilespmem:s17+$0xFFFFFFF0];
	[tilespmem:s15+$0x120] =	vst v14  }
0x1f6: {  	v14 =	vld [tilespmem:s14+$0xFFFFFFF0];
	v28 =	vmul.f32 $2.000000030e-01, v27;
	[tilespmem:s12+$0x70] =	vst v17  }
0x1f7: {  	v17 =	vadd.f32 v22, v25;
	v22 =	vld [tilespmem:s17+$0x40];
	[tilespmem:s12+$0xC0] =	vst v21  }
0x1f8: {  	v21 =	vld [tilespmem:s14+$0x0];
	v25 =	vmax.f32 v27, v28;
	[tilespmem:s12+$0xFFFFFEF0] =	vst v18  }
0x1f9: {  	v18 =	vmul.f32 $2.000000030e-01, v17;
	v24 =	vadd.f32 v26, v24;
	v26 =	vld [tilespmem:s17+$0x90];
	v25 =	vmul.f32 $1.442695020e+00, v25;
	[tilespmem:s12+$0xFFFFFF40] =	vst v19  }
0x1fa: {  	v19 =	vld [tilespmem:s14+$0x10];
	[tilespmem:s12+$0xFFFFFF90] =	vst v15  }
0x1fb: {  	v15 =	vmul.f32 $2.000000030e-01, v24;
	v14 =	vadd.f32 v14, v20;
	v20 =	vld [tilespmem:s17+$0xE0];
	(erf) = vpow2.f32 v25;
	[tilespmem:s12+$0xFFFFFFE0] =	vst v16  }
0x1fc: {  	v16 =	vmax.f32 v17, v18;
	v17 =	vld [tilespmem:s14+$0x20];
	[tilespmem:s10+$0x30] =	vst v12  }
0x1fd: {  	v12 =	vld [tilespmem:s17+$0xFFFFFF00];
	v15 =	vmax.f32 v24, v15;
	v18 =	vmul.f32 $2.000000030e-01, v14;
	v21 =	vadd.f32 v21, v22;
	[tilespmem:s10+$0x80] =	vst v11  }
0x1fe: {  	v11 =	vmul.f32 $1.442695020e+00, v16;
	v15 =	vmul.f32 $1.442695020e+00, v15;
	v16 =	vld [tilespmem:s13+$0xFFFFFEE0];
	[tilespmem:s10+$0xD0] =	vst v10;
	s10 =	smov.u32 s12;
	s12 =	smov.u32 s15  }
0x1ff: {  	v10 =	vmax.f32 v14, v18;
	v14 =	vmul.f32 $2.000000030e-01, v21;
	v18 =	vadd.f32 v19, v26;
	v19 =	vld [tilespmem:s13+$0xFFFFFF30]  }
0x200: {  	v10 =	vmul.f32 $1.442695020e+00, v10;
	(erf) = vpow2.f32 v11;
	v11 =	vld [tilespmem:s13+$0xFFFFFF80]  }
0x201: {  	v14 =	vmax.f32 v21, v14;
	v21 =	vmul.f32 $2.000000030e-01, v18;
	v17 =	vadd.f32 v17, v20;
	v20 =	vld [tilespmem:s13+$0xFFFFFFD0]  }
0x202: {  	v12 =	vadd.f32 v23, v12;
	v22 =	vmul.f32 $1.442695020e+00, v14;
	(erf) = vpow2.f32 v15;
	v15 =	vld [tilespmem:s13+$0x20]  }
0x203: {  	s15 =	sadd.s32 $0x280, s15;
	v24 =	vmax.f32 v18, v21;
	v18 =	vmul.f32 $2.000000030e-01, v17;
	(erf) = vpow2.f32 v10;
	v10 =	vld [tilespmem:s13+$0x70]  }
0x204: {  	v21 =	vmul.f32 $2.000000030e-01, v12;
	v23 =	vmul.f32 $1.442695020e+00, v24;
	v14 =	vpop (erf);
	v24 =	vld [tilespmem:s13+$0xC0]  }
0x205: {  	v16 =	vmul.f32 v16, v13;
	v17 =	vmax.f32 v17, v18;
	[tilespmem:s15+$0x130] =	vst v14;
	(erf) = vpow2.f32 v22;
	v18 =	vld [tilespmem:s11+$0x30]  }
0x206: {  	v12 =	vmax.f32 v12, v21;
	v17 =	vmul.f32 $1.442695020e+00, v17;
	v21 =	vld [tilespmem:s17+$0xF0];
	(erf) = vpow2.f32 v23  }
0x207: {  	v12 =	vmul.f32 $1.442695020e+00, v12;
	[tilespmem:s12+$0xFFFFFEE0] =	vst v16;
	v16 =	vmul.f32 v19, v4;
	v19 =	vld [tilespmem:s11+$0x80]  }
0x208: {  	v11 =	vmul.f32 v11, v6;
	(erf) = vpow2.f32 v17;
	v22 =	vld [tilespmem:s13+$0xFFFFFEF0]  }
0x209: {  	(erf) = vpow2.f32 v12;
	v23 =	vpop (erf);
	[tilespmem:s12+$0xFFFFFF30] =	vst v16;
	v16 =	vmul.f32 v20, v5;
	v25 =	vld [tilespmem:s11+$0xD0];
	s11 =	smov.u32 s13;
	s13 =	smov.u32 s17  }
0x20a: {  	v17 =	vmul.f32 v10, v8;
	v20 =	vmul.f32 v15, v7;
	[tilespmem:s15+$0xFFFFFF50] =	vst v23;
	v26 =	vld [tilespmem:s11+$0xFFFFFF40]  }
0x20b: {  	v15 =	vld [tilespmem:s17+$0xFFFFFF10];
	v10 =	vmul.f32 v14, v21;
	v27 =	vpop (erf);
	[tilespmem:s12+$0xFFFFFF80] =	vst v11;
	v21 =	vmul.f32 v24, v9  }
0x20c: {  	v12 =	vmul.f32 v18, v1;
	v1 =	vmov v7;
	[tilespmem:s15+$0xFFFFFFA0] =	vst v27;
	v24 =	vpop (erf);
	v28 =	vld [tilespmem:s11+$0xFFFFFF90];
	v11 =	vmul.f32 v19, v3  }
0x20d: {  	v3 =	vmov v8;
	v29 =	vld [tilespmem:s17+$0xFFFFFF60];
	[tilespmem:s15+$0xF0] =	vst v10;
	v18 =	vmul.f32 v22, v13  }
0x20e: {  	[tilespmem:s15+$0xFFFFFFF0] =	vst v24;
	v22 =	vld [tilespmem:s17+$0x100];
	v7 =	vpop (erf);
	v10 =	vmul.f32 v25, v2;
	v2 =	vmov v9  }
0x20f: {  	v25 =	vld [tilespmem:s17+$0xFFFFFFB0];
	[tilespmem:s15+$0x40] =	vst v7;
	v8 =	vpop (erf);
	v19 =	vmul.f32 v26, v4;
	v4 =	vmov v23  }
0x210: {  	v23 =	vmul.f32 v4, v15;
	v26 =	vld [tilespmem:s17+$0x0];
	[tilespmem:s15+$0x90] =	vst v8  }
0x211: {  	v30 =	vld [tilespmem:s17+$0x50];
	v9 =	vpop (erf);
	v15 =	vmul.f32 v28, v6;
	[tilespmem:s12+$0xFFFFFFD0] =	vst v16;
	v6 =	vmov v27  }
0x212: {  	v16 =	vmul.f32 v6, v29;
	[tilespmem:s15+$0xE0] =	vst v9;
	v13 =	vpop (erf);
	v27 =	vld [tilespmem:s11+$0xFFFFFFE0]  }
0x213: {  	[tilespmem:s15+$0xFFFFFF00] =	vst v13;
	v28 =	vld [tilespmem:s17+$0xA0];
	v22 =	vmul.f32 v14, v22  }
0x214: {  	v29 =	vld [tilespmem:s17+$0xFFFFFEC0];
	[tilespmem:s15+$0xFFFFFF10] =	vst v23;
	v23 =	vmul.f32 v24, v25  }
0x215: {  	v31 =	vld [tilespmem:s17+$0xFFFFFF20];
	v25 =	vmul.f32 v7, v26;
	[tilespmem:s15+$0x100] =	vst v22  }
0x216: {  	[tilespmem:s15+$0xFFFFFF60] =	vst v16;
	v26 =	vmul.f32 v8, v30;
	v30 =	vld [tilespmem:s17+$0x110]  }
0x217: {  	v32 =	vld [tilespmem:s17+$0xFFFFFF70];
	[tilespmem:s15+$0xFFFFFFB0] =	vst v23;
	v16 =	vmul.f32 v27, v5;
	v5 =	vmov v24  }
.Ltmp2:
0x218: {  	v22 =	vld [tilespmem:s17+$0xFFFFFFC0];
	[tilespmem:s15+$0x0] =	vst v25;
	v24 =	vmul.f32 v9, v28;
	(pc) =	sbr.rel @p0 .LBB2_7-.Ltmp2, $4  }
0x219: {  	v27 =	vmul.f32 v13, v29;
	v25 =	vld [tilespmem:s17+$0x10];
	[tilespmem:s15+$0x50] =	vst v26  }
0x21a: {  	v28 =	vmul.f32 v4, v31;
	v23 =	vld [tilespmem:s17+$0x60];
	[tilespmem:s15+$0xA0] =	vst v24  }
0x21b: {  	[tilespmem:s15+$0xFFFFFEC0] =	vst v27;
	v24 =	vld [tilespmem:s17+$0xB0];
	v27 =	vmul.f32 v30, v14  }
0x21c: {  	s17 =	sadd.s32 $0x280, s17;
	v26 =	vld [tilespmem:s13+$0xFFFFFED0];
	[tilespmem:s15+$0xFFFFFF20] =	vst v28;
	v28 =	vmul.f32 v6, v32  }
0x21d: {  	[tilespmem:s15+$0x110] =	vst v27  }
0x21e: {  	[tilespmem:s12+$0x20] =	vst v20  }
0x21f: {  	[tilespmem:s12+$0x70] =	vst v17  }
0x220: {  	[tilespmem:s12+$0xC0] =	vst v21  }
0x221: {  	[tilespmem:s12+$0xFFFFFEF0] =	vst v18  }
0x222: {  	[tilespmem:s12+$0xFFFFFF40] =	vst v19  }
0x223: {  	[tilespmem:s12+$0xFFFFFF90] =	vst v15  }
0x224: {  	[tilespmem:s12+$0xFFFFFFE0] =	vst v16  }
0x225: {  	[tilespmem:s10+$0x30] =	vst v12  }
0x226: {  	[tilespmem:s10+$0x80] =	vst v11  }
0x227: {  	v22 =	vmul.f32 v5, v22;
	v43 =	vld [tilespmem:s13+$0xFFFFFF30];
	[tilespmem:s10+$0xD0] =	vst v10  }
0x228: {  	[tilespmem:s15+$0xFFFFFF70] =	vst v28;
	v25 =	vmul.f32 v7, v25;
	v27 =	vld [tilespmem:s13+$0x120]  }
0x229: {  	v54 =	vld [tilespmem:s11+$0x30];
	[tilespmem:s15+$0xFFFFFFC0] =	vst v22;
	v39 =	vmul.f32 v8, v23  }
0x22a: {  	v44 =	vld [tilespmem:s13+$0xFFFFFF80];
	[tilespmem:s15+$0x10] =	vst v25;
	v40 =	vmul.f32 v9, v24  }
0x22b: {  	v45 =	vld [tilespmem:s13+$0xFFFFFFD0];
	v41 =	vmul.f32 v13, v26;
	[tilespmem:s15+$0x60] =	vst v39  }
0x22c: {  	v46 =	vld [tilespmem:s13+$0x20];
	[tilespmem:s15+$0xB0] =	vst v40;
	v48 =	vmul.f32 v43, v4  }
0x22d: {  	v47 =	vld [tilespmem:s13+$0x70];
	[tilespmem:s15+$0xFFFFFED0] =	vst v41;
	v14 =	vmul.f32 v27, v14  }
0x22e: {  	v49 =	vld [tilespmem:s13+$0xC0];
	v1 =	vmul.f32 v54, v1;
	[tilespmem:s15+$0xFFFFFF30] =	vst v48  }
0x22f: {  	v42 =	vld [tilespmem:s13+$0xFFFFFEE0];
	v50 =	vmul.f32 v44, v6;
	[tilespmem:s15+$0x120] =	vst v14  }
0x230: {  	v55 =	vld [tilespmem:s11+$0x80];
	v15 =	vmul.f32 v45, v5;
	[tilespmem:s12+$0x30] =	vst v1  }
0x231: {  	v57 =	vld [tilespmem:s11+$0xD0];
	[tilespmem:s15+$0xFFFFFF80] =	vst v50;
	v12 =	vmul.f32 v46, v7  }
0x232: {  	v16 =	vld [tilespmem:s13+$0xFFFFFF40];
	[tilespmem:s15+$0xFFFFFFD0] =	vst v15;
	v52 =	vmul.f32 v47, v8  }
0x233: {  	v53 =	vld [tilespmem:s13+$0xFFFFFFE0];
	v17 =	vmul.f32 v49, v9;
	[tilespmem:s15+$0x20] =	vst v12  }
0x234: {  	v14 =	vmul.f32 v42, v13;
	[tilespmem:s15+$0x70] =	vst v52;
	v60 =	vld [tilespmem:s13+$0x30]  }
0x235: {  	v3 =	vmul.f32 v55, v3;
	[tilespmem:s15+$0xC0] =	vst v17;
	v62 =	vld [tilespmem:s13+$0x80]  }
0x236: {  	v2 =	vmul.f32 v57, v2;
	[tilespmem:s15+$0xFFFFFEE0] =	vst v14;
	v14 =	vld [tilespmem:s13+$0xFFFFFF90]  }
0x237: {  	[tilespmem:s12+$0x80] =	vst v3;
	v58 =	vmul.f32 v16, v4;
	v63 =	vld [tilespmem:s13+$0xD0]  }
0x238: {  	[tilespmem:s12+$0xD0] =	vst v2;
	v51 =	vld [tilespmem:s13+$0xFFFFFEF0];
	v61 =	vmul.f32 v53, v5  }
0x239: {  	[tilespmem:s15+$0xFFFFFF40] =	vst v58;
	v1 =	vmul.f32 v60, v7  }
0x23a: {  	s7 =	sadd.s32 $0x1, s7;
	[tilespmem:s15+$0xFFFFFFE0] =	vst v61;
	v2 =	vmul.f32 v62, v8  }
0x23b: {  	p0 =	sne.s32 s7, $0x7D;
	v59 =	vmul.f32 v14, v6;
	[tilespmem:s15+$0x30] =	vst v1  }
.Ltmp3:
0x23c: {  	v3 =	vmul.f32 v63, v9;
	[tilespmem:s15+$0x80] =	vst v2;
	(pc) =	sbr.rel @p0 .LBB2_4-.Ltmp3, $4  }
0x23d: {  	v56 =	vmul.f32 v51, v13;
	[tilespmem:s15+$0xFFFFFF90] =	vst v59  }
0x23e: {  	[tilespmem:s15+$0xD0] =	vst v3  }
0x23f: {  	[tilespmem:s15+$0xFFFFFEF0] =	vst v56  }
0x240: {  	[spmem:s2] =	stream.indirect.scatter.add.f32 [tilespmem:s20], [sflag:$0x6], $0x50, s9, s26, $0xb8;
	[tilespmem:$0x1E640] =	vst v63  }
0x241: {  	_ =	swait.ge [sflag:s24], $0x1900  }
0x242: {  	[sflag:s24] =	ssyncset.done $0x0  }
0x243: {  	[sflag:s24] =	ssyncadd.s32 $0xFFFFE700  }
0x244: {  	_ =	swait.ge [sflag:s22], $0x1900  }
0x245: {  	[sflag:s22] =	ssyncset.done $0x0  }
0x246: {  	s7 =	stileid.u32;
	s6 =	sadd.s32 $0x1, s6;
	[sflag:s22] =	ssyncadd.s32 $0xFFFFE700  }
0x247: {  	s7 =	sshll.u32 s7, $0x6;
	p0 =	sne.s32 s6, s19;
	[bflag:$0x0] =	sbarrier.arrive $0xFFFF  }
.Ltmp4:
0x248: {  	s7 =	sor.u32 $0x1C07, s7;
	s9 =	rddreg [dreg:$0xf];
	(pc) =	sbr.rel @p0 .LBB2_1-.Ltmp4, $4  }
0x249: {  	[hbm:s9], [sflag:s7] =	dma.local [spmem:s25], $0x186A  }
0x24a: {  	_ =	swait.ge [sflag:s21], $0x186A  }
0x24b: {  	[sflag:s21] =	ssyncset.done $0x0  }
0x24c: {  	s10 =	simm.s32 $0xC800;
	s11 =	simm.s32 $0x11620;
	[sflag:s21] =	ssyncadd.s32 $0xFFFFE796  }
0x24d: {  	_ =	sfence.sel $0x180000  }
0x24e: {  	[bflag:$0x0] =	sbarrier.arrive $0xFFFF  }
0x24f: {  	_ =	strace $0x90000047  }
0x250: {  	s0 =	stileid.u32;
	[bflag:$0x2] =	sbarrier.arrive $0xFFFF  }
0x251: {  	p0 =	sne.s32 s0, $0x0;
	s0 =	rddreg [dreg:$0x3]  }
0x252: {  	s0 =	sadd.s32 @!p0 $0x100000, s0  }
0x253: {  	[sflag:s0] =	ssyncadd.tile.s32 @!p0 $0x1;
	_ =	shalt  }
.Lfunc_end2:
_tile_overlayer_lowered:
.L_overlay_start_2:
0x254: {  	(tag) =	ssettag $0x2  }
0x255: {  	s0 =	rddreg [dreg:$0x0];
	s2 =	stileid.u32  }
0x256: {  	s1 =	rddreg [dreg:$0x1];
	p0 =	sne.s32 s2, $0x0  }
0x257: {  	s3 =	rddreg [dreg:$0x2];
	[bflag:$0x3] =	sbarrier.arrive $0xFFFF;
	s2 =	simm.s32 @!p0 $0x1C07  }
0x258: {  	[timem:s3], [sflag:s2] =	dma.local @!p0 [hbm:s0], s1  }
0x259: {  	s0 =	simm.s32 @!p0 $0x7  }
0x25a: {  	_ =	swait.ge @!p0 [sflag:s0], s1  }
0x25b: {  	s1 =	ssub.s32 @!p0 $0x0, s1;
	[sflag:s0] =	ssyncset.done @!p0 $0x0  }
0x25c: {  	[sflag:s0] =	ssyncadd.s32 @!p0 s1  }
0x25d: {  	[bflag:$0x3] =	sbarrier.arrive $0xFFFF  }
0x25e: {  	_ =	shalt  }

</sc_bundles>
